<compile_context>
chip_gen: v7x
topology: tpu7x:2x2x1
jax: 0.10.2.dev20260603
libtpu: 0.0.44.dev20260713+nightly
codegen_flags: <defaults>
</compile_context>

<pallas_src>
import functools

import jax
import jax.numpy as jnp
from jax import lax
from jax.experimental import pallas as pl
from jax.experimental.pallas import tpu as pltpu
from jax.experimental.pallas import tpu_sc as plsc

NN = 10000
EE = 320000
DD = 128
NC = 2
NS = 16
NW = NC * NS
EPT = EE // NW
CK = 80
NCH = EPT // CK
NROW = EE // CK
NPAD = 10240
RPT = NPAD // NS
RPT2 = NN // NS

_mesh = plsc.VectorSubcoreMesh(
    core_axis_name="c", subcore_axis_name="s", num_cores=NC, num_subcores=NS
)
_sc_params = pltpu.CompilerParams(
    use_tc_tiling_on_sc=False, needs_layout_passes=False
)


@functools.partial(
    pl.kernel,
    out_type=jax.ShapeDtypeStruct((NC, NPAD), jnp.float32),
    mesh=_mesh,
    compiler_params=_sc_params,
    scratch_types=[
        pltpu.VMEM((NCH, CK), jnp.int32),
        pltpu.VMEM((NCH, CK), jnp.float32),
        pltpu.VMEM((RPT,), jnp.float32),
        pltpu.VMEM_SHARED((NPAD,), jnp.float32),
    ],
)
def _deg_kernel(dst_hbm, w_hbm, out_hbm, dst_v, w_v, zer_v, acc_sh):
  cid = lax.axis_index("c")
  sid = lax.axis_index("s")
  wid = cid * NS + sid
  zvec = jnp.zeros((16,), jnp.float32)

  def _zero(i, carry):
    zer_v[pl.ds(i * 16, 16)] = zvec
    return carry

  lax.fori_loop(0, RPT // 16, _zero, 0)
  pltpu.sync_copy(zer_v, acc_sh.at[pl.ds(sid * RPT, RPT)])
  plsc.subcore_barrier()

  r0 = wid * NCH
  pltpu.sync_copy(dst_hbm.at[pl.ds(r0, NCH)], dst_v)
  pltpu.sync_copy(w_hbm.at[pl.ds(r0, NCH)], w_v)

  def _scatter(g, carry):
    pltpu.sync_copy(w_v.at[g], acc_sh.at[dst_v.at[g]], add=True)
    return carry

  lax.fori_loop(0, NCH, _scatter, 0)
  plsc.subcore_barrier()
  pltpu.sync_copy(
      acc_sh.at[pl.ds(sid * RPT, RPT)], out_hbm.at[cid, pl.ds(sid * RPT, RPT)]
  )


def _tc1_body(x_ref, w1_ref, degp2_ref, hs_ref, dinv_ref):
  h = jnp.dot(x_ref[...], w1_ref[...], preferred_element_type=jnp.float32)
  deg = degp2_ref[0] + degp2_ref[1] + 1.0
  dinv = jnp.where(deg > 0, lax.rsqrt(deg), 0.0)
  dinv_ref[...] = dinv
  hs_ref[...] = h * dinv


_TCB = 2000
def _tc1(x, w1, degp2):
  return pl.pallas_call(
      _tc1_body,
      grid=(NN // _TCB,),
      in_specs=[
          pl.BlockSpec((_TCB, DD), lambda i: (i, 0)),
          pl.BlockSpec((DD, DD), lambda i: (0, 0)),
          pl.BlockSpec((NC, _TCB, 1), lambda i: (0, i, 0)),
      ],
      out_specs=[
          pl.BlockSpec((_TCB, DD), lambda i: (i, 0)),
          pl.BlockSpec((_TCB, 1), lambda i: (i, 0)),
      ],
      out_shape=[
          jax.ShapeDtypeStruct((NN, DD), jnp.float32),
          jax.ShapeDtypeStruct((NN, 1), jnp.float32),
      ],
  )(x, w1, degp2)


GR = DD // 32


@functools.partial(
    pl.kernel,
    out_type=jax.ShapeDtypeStruct((NC, NN, DD), jnp.float32),
    mesh=_mesh,
    compiler_params=_sc_params,
    scratch_types=[
        pltpu.VMEM((NCH, CK), jnp.int32),
        pltpu.VMEM((NCH, CK), jnp.float32),
        pltpu.VMEM((CK, DD), jnp.bfloat16),
        pltpu.VMEM((CK, DD), jnp.bfloat16),
        pltpu.VMEM((CK, DD), jnp.bfloat16),
        pltpu.VMEM((CK, DD), jnp.float32),
        pltpu.VMEM((CK,), jnp.int32),
        pltpu.VMEM((CK,), jnp.int32),
        pltpu.VMEM((CK,), jnp.int32),
        pltpu.VMEM((CK,), jnp.int32),
        pltpu.VMEM_SHARED((NN, DD), jnp.float32),
        pltpu.SemaphoreType.DMA,
        pltpu.SemaphoreType.DMA,
        pltpu.SemaphoreType.DMA,
        pltpu.SemaphoreType.DMA,
    ],
)
def _conv_kernel(
    pk_hbm, w_hbm, hsb_hbm, out_hbm,
    pk_v, w_v, rb0, rb1, rb2, stg, si0, si1, si2, didx, acc_sh,
    gs0, gs1, gs2, ssem,
):
  cid = lax.axis_index("c")
  sid = lax.axis_index("s")
  wid = cid * NS + sid
  zvec = jnp.zeros((16,), jnp.float32)
  zivec = jnp.zeros((16,), jnp.int32)

  rbufs = (rb0, rb1, rb2)
  sibufs = (si0, si1, si2)
  gsems = (gs0, gs1, gs2)

  def _zero_rows(i, carry):
    for j in range(DD // 16):
      stg[i, pl.ds(j * 16, 16)] = zvec
    return carry

  lax.fori_loop(0, CK, _zero_rows, 0)

  def _zero_acc(k, carry):
    pltpu.sync_copy(stg, acc_sh.at[pl.ds(sid * RPT2 + k * CK, CK)])
    return carry

  lax.fori_loop(0, RPT2 // CK, _zero_acc, 0)
  pltpu.sync_copy(
      stg.at[pl.ds(0, RPT2 % CK)],
      acc_sh.at[pl.ds(sid * RPT2 + (RPT2 // CK) * CK, RPT2 % CK)],
  )
  plsc.subcore_barrier()

  r0 = wid * NCH
  pltpu.sync_copy(pk_hbm.at[pl.ds(r0, NCH)], pk_v)
  pltpu.sync_copy(w_hbm.at[pl.ds(r0, NCH)], w_v)

  def _unpack_src(g, sib):
    for i in range(CK // 16):
      sl = pl.ds(i * 16, 16)
      sib[sl] = pk_v[g, sl] & 16383

  def _gather(sib, rb, sem):
    pltpu.async_copy(hsb_hbm.at[sib], rb, sem)

  def _wait_gather(rb, sem):
    pltpu.make_async_copy(hsb_hbm.at[si0], rb, sem).wait()

  def _process(g, rb):
    for i in range(CK // 16):
      sl = pl.ds(i * 16, 16)
      didx[sl] = pk_v[g, sl] >> 14

    g16 = jnp.full((16,), g, jnp.int32)

    @plsc.parallel_loop(0, CK, step=1, unroll=2)
    def _scale(e):
      cs = plsc.load_gather(w_v, [g16, jnp.full((16,), e, jnp.int32)])
      for j in range(GR):
        v = plsc.bitcast(rb[e, pl.ds(32 * j, 32)], jnp.int32)
        lo = plsc.bitcast(v << 16, jnp.float32)
        hi = plsc.bitcast(v & jnp.int32(-65536), jnp.float32)
        stg[e, pl.ds(32 * j, 16)] = lo * cs
        stg[e, pl.ds(32 * j + 16, 16)] = hi * cs

  def _wait_scatter():
    pltpu.make_async_copy(stg, acc_sh.at[didx], ssem).wait()

  for i in range(CK // 16):
    didx[pl.ds(i * 16, 16)] = zivec
  pltpu.async_copy(stg, acc_sh.at[didx], ssem, add=True)

  for b in range(3):
    _unpack_src(b, sibufs[b])
    _gather(sibufs[b], rbufs[b], gsems[b])

  def _step(c, b):
    _wait_gather(rbufs[b], gsems[b])
    _wait_scatter()
    _process(c, rbufs[b])
    pltpu.async_copy(stg, acc_sh.at[didx], ssem, add=True)
    cn = jnp.minimum(c + 3, NCH - 1)
    _unpack_src(cn, sibufs[b])
    _gather(sibufs[b], rbufs[b], gsems[b])

  def _loop(it, carry):
    c = 3 * it
    _step(c, 0)
    _step(c + 1, 1)
    _step(c + 2, 2)
    return carry

  lax.fori_loop(0, NCH // 3, _loop, 0)

  def _tail(c, b):
    _wait_gather(rbufs[b], gsems[b])
    _wait_scatter()
    _process(c, rbufs[b])
    pltpu.async_copy(stg, acc_sh.at[didx], ssem, add=True)

  _tail(NCH - 2, 0)
  _tail(NCH - 1, 1)
  _wait_gather(rbufs[2], gsems[2])
  _wait_scatter()

  plsc.subcore_barrier()
  pltpu.sync_copy(
      acc_sh.at[pl.ds(sid * RPT2, RPT2)],
      out_hbm.at[cid, pl.ds(sid * RPT2, RPT2)],
  )


def _tc2_body(p_ref, hs_ref, dinv_ref, b1_ref, w2_ref, emb_ref, ts_ref):
  dinv = dinv_ref[...]
  out1 = dinv * (p_ref[0] + p_ref[1] + hs_ref[...]) + b1_ref[...]
  emb = jnp.where(out1 > 0, out1, jnp.exp(out1) - 1.0)
  emb_ref[...] = emb
  t = jnp.dot(emb, w2_ref[...], preferred_element_type=jnp.float32)
  ts_ref[...] = dinv * t


def _tc2(p, hs, dinv2d, b1, w2):
  return pl.pallas_call(
      _tc2_body,
      grid=(NN // _TCB,),
      in_specs=[
          pl.BlockSpec((NC, _TCB, DD), lambda i: (0, i, 0)),
          pl.BlockSpec((_TCB, DD), lambda i: (i, 0)),
          pl.BlockSpec((_TCB, 1), lambda i: (i, 0)),
          pl.BlockSpec((DD,), lambda i: (0,)),
          pl.BlockSpec((DD, 1), lambda i: (0, 0)),
      ],
      out_specs=[
          pl.BlockSpec((_TCB, DD), lambda i: (i, 0)),
          pl.BlockSpec((_TCB, 1), lambda i: (i, 0)),
      ],
      out_shape=[
          jax.ShapeDtypeStruct((NN, DD), jnp.float32),
          jax.ShapeDtypeStruct((NN, 1), jnp.float32),
      ],
  )(p, hs, dinv2d, b1, w2)


@functools.partial(
    pl.kernel,
    out_type=jax.ShapeDtypeStruct((NC, NPAD), jnp.float32),
    mesh=_mesh,
    compiler_params=_sc_params,
    scratch_types=[
        pltpu.VMEM((NCH, CK), jnp.int32),
        pltpu.VMEM((NCH, CK), jnp.int32),
        pltpu.VMEM((NCH, CK), jnp.float32),
        pltpu.VMEM((NN,), jnp.float32),
        pltpu.VMEM((CK,), jnp.float32),
        pltpu.VMEM((CK,), jnp.float32),
        pltpu.VMEM((RPT,), jnp.float32),
        pltpu.VMEM_SHARED((NPAD,), jnp.float32),
        pltpu.SemaphoreType.DMA,
        pltpu.SemaphoreType.DMA,
    ],
)
def _l2_kernel(
    src_hbm, dst_hbm, w_hbm, ts_hbm, out_hbm,
    src_v, dst_v, w_v, ts_v, vals_a, vals_b, zer_v, acc_sh, ssa, ssb,
):
  cid = lax.axis_index("c")
  sid = lax.axis_index("s")
  wid = cid * NS + sid
  zvec = jnp.zeros((16,), jnp.float32)

  def _zero(i, carry):
    zer_v[pl.ds(i * 16, 16)] = zvec
    return carry

  lax.fori_loop(0, RPT // 16, _zero, 0)
  pltpu.sync_copy(zer_v, acc_sh.at[pl.ds(sid * RPT, RPT)])
  plsc.subcore_barrier()

  r0 = wid * NCH
  pltpu.sync_copy(src_hbm.at[pl.ds(r0, NCH)], src_v)
  pltpu.sync_copy(dst_hbm.at[pl.ds(r0, NCH)], dst_v)
  pltpu.sync_copy(w_hbm.at[pl.ds(r0, NCH)], w_v)
  pltpu.sync_copy(ts_hbm, ts_v)

  def _vals(g, vv):
    for i in range(CK // 16):
      sl = pl.ds(i * 16, 16)
      s16 = src_v[g, sl]
      ts = plsc.load_gather(ts_v, [s16])
      vv[sl] = w_v[g, sl] * ts

  def _fire(g, vv, sem):
    pltpu.async_copy(vv, acc_sh.at[dst_v.at[g]], sem, add=True)

  def _drain(vv, sem):
    pltpu.make_async_copy(vv, acc_sh.at[dst_v.at[0]], sem).wait()

  _vals(0, vals_a)
  _fire(0, vals_a, ssa)
  _vals(1, vals_b)
  _fire(1, vals_b, ssb)

  def _chunk(it, carry):
    g0 = 2 * it
    _drain(vals_a, ssa)
    _vals(g0, vals_a)
    _fire(g0, vals_a, ssa)
    _drain(vals_b, ssb)
    _vals(g0 + 1, vals_b)
    _fire(g0 + 1, vals_b, ssb)
    return carry

  lax.fori_loop(1, NCH // 2, _chunk, 0)

  _drain(vals_a, ssa)
  _vals(NCH - 1, vals_a)
  _fire(NCH - 1, vals_a, ssa)
  _drain(vals_a, ssa)
  _drain(vals_b, ssb)
  plsc.subcore_barrier()
  pltpu.sync_copy(
      acc_sh.at[pl.ds(sid * RPT, RPT)], out_hbm.at[cid, pl.ds(sid * RPT, RPT)]
  )


def _tc3_body(q_ref, ts1_ref, dinv1_ref, b2_ref, out_ref):
  d = dinv1_ref[...]
  z = d * (q_ref[0, 0:NN] + q_ref[1, 0:NN] + ts1_ref[...]) + b2_ref[...]
  out_ref[...] = 1.0 / (1.0 + jnp.exp(-z))


def _tc3(q, ts1, dinv1, b2):
  return pl.pallas_call(
      _tc3_body,
      out_shape=jax.ShapeDtypeStruct((NN,), jnp.float32),
  )(q, ts1, dinv1, b2)



_COLPERM = []
for _g in range(DD // 32):
  for _m in range(16):
    _COLPERM.append(32 * _g + _m)
    _COLPERM.append(32 * _g + 16 + _m)
_COLPERM = tuple(_COLPERM)


def kernel(x, edge_index, edge_attr, W1, b1, W2, b2):
  src2 = edge_index[0].reshape(NROW, CK)
  dst2 = edge_index[1].reshape(NROW, CK)
  w2d = edge_attr.reshape(NROW, CK)
  pk2 = src2 | (dst2 << 14)

  degp = _deg_kernel(dst2, w2d)
  degp2 = degp[:, :NN].reshape(NC, NN, 1)
  hs, dinv2d = _tc1(x, W1, degp2)
  hsb = hs[:, _COLPERM].astype(jnp.bfloat16)
  p = _conv_kernel(pk2, w2d, hsb)
  emb, ts = _tc2(p, hs, dinv2d, b1, W2)
  q = _l2_kernel(src2, dst2, w2d, ts.reshape(NN))
  out1 = _tc3(q, ts.reshape(NN), dinv2d.reshape(NN), b2)
  return (out1.reshape(NN, 1), emb)

# --- scband reference (transcript-rebuilt; emitter-appended) ---
"""Pipeline reference for scband-net-1786706395262 (READ-ONLY COPY).

The authoritative reference and input builder live on the scoring server;
editing this copy changes nothing except your own understanding.
"""

import jax, jax.numpy as jnp
import numpy as np

N = 10000
E = 320000
D = 128

def setup_inputs(seed: int = 0) -> dict:
    key = jax.random.key(seed)
    ks = jax.random.split(key, 8)
    x = jax.random.normal(ks[0], (N, D), dtype=jnp.float32)
    edge_index = jax.random.randint(ks[1], (2, E), 0, N, dtype=jnp.int32)
    edge_attr = jax.random.uniform(ks[2], (E,), dtype=jnp.float32)
    W1 = jax.random.normal(ks[3], (D, D), dtype=jnp.float32) * (1.0 / np.sqrt(D))
    b1 = jnp.zeros((D,), dtype=jnp.float32)
    W2 = jax.random.normal(ks[4], (D, 1), dtype=jnp.float32) * (1.0 / np.sqrt(D))
    b2 = jnp.zeros((1,), dtype=jnp.float32)
    return {"x": x, "edge_index": edge_index, "edge_attr": edge_attr,
            "W1": W1, "b1": b1, "W2": W2, "b2": b2}


def gcn_conv(x, edge_index, edge_weight, W, b):
    # GCN-style conv with symmetric normalization and added self-loops (weight 1)
    n = x.shape[0]
    src = edge_index[0]
    dst = edge_index[1]
    loop = jnp.arange(n, dtype=src.dtype)
    src_f = jnp.concatenate([src, loop])
    dst_f = jnp.concatenate([dst, loop])
    w_f = jnp.concatenate([edge_weight, jnp.ones((n,), dtype=edge_weight.dtype)])
    deg = jax.ops.segment_sum(w_f, dst_f, num_segments=n)
    deg_inv_sqrt = jnp.where(deg > 0, 1.0 / jnp.sqrt(deg), 0.0)
    norm = deg_inv_sqrt[src_f] * w_f * deg_inv_sqrt[dst_f]
    h = x @ W
    msg = h[src_f] * norm[:, None]
    out = jax.ops.segment_sum(msg, dst_f, num_segments=n)
    return out + b


def reference(x, edge_index, edge_attr, W1, b1, W2, b2):
    # layer == 2 branch; eval mode so dropout(p=0.1) is identity
    h = jax.nn.elu(gcn_conv(x, edge_index, edge_attr, W1, b1))
    emb = h
    out = jax.nn.sigmoid(gcn_conv(h, edge_index, edge_attr, W2, b2))
    return (out, emb)

if __name__ == "__main__":
    import jax
    _d = setup_inputs()
    print(jax.jit(kernel)(*tuple(_d.values())))

</pallas_src>

<mosaic_0001>
#map = affine_map<(d0, d1) -> (0, 0)>
module attributes {stable_mosaic.version = 14 : i64} {
  func.func @_deg_kernel(%arg0: i32, %arg1: i32, %arg2: memref<4000x80xi32, #tpu.memory_space<hbm>>, %arg3: memref<4000x80xf32, #tpu.memory_space<hbm>>, %arg4: memref<2x10240xf32, #tpu.memory_space<hbm>>, %arg5: memref<125x80xi32, #tpu.memory_space<vmem>>, %arg6: memref<125x80xf32, #tpu.memory_space<vmem>>, %arg7: memref<640xf32, #tpu.memory_space<vmem>>, %arg8: memref<10240xf32, #tpu.memory_space<vmem_shared>>) attributes {dimension_semantics = [#tpu.dimension_semantics<core_parallel>, #tpu.dimension_semantics<subcore_parallel>], iteration_bounds = array<i64: 2, 16>, scalar_prefetch = 0 : i64, scratch_operands = 4 : i64, tpu.core_type = #tpu.core_type<sc_vector_subcore>, window_params = [{transform_indices = #map}, {transform_indices = #map}, {transform_indices = #map}]} {
    %mul3A = arith.constant 16 : i32
    %mul3A_0 = arith.muli %arg0, %mul3A : i32
    %add3A = arith.addi %mul3A_0, %arg1 : i32
    %broadcast_in_dim3A = arith.constant 0.000000e+00 : f32
    %broadcast_in_dim3A_1 = vector.broadcast %broadcast_in_dim3A : f32 to vector<16xf32>
    %scan3A = arith.constant 0 : i32
    %scan3A_2 = arith.constant 0 : i32
    %scan3A_3 = arith.constant 40 : i32
    %scan3A_4 = arith.addi %scan3A_2, %scan3A_3 : i32
    %scan3A_5 = arith.constant 1 : i32
    scf.for %scan3A_22 = %scan3A_2 to %scan3A_4 step %scan3A_5  : i32 {
      %mul3A_23 = arith.constant 16 : i32
      %mul3A_24 = arith.muli %scan3A_22, %mul3A_23 : i32
      %swap3A = arith.index_cast %mul3A_24 : i32 to index
      %swap3A_25 = tpu.vector_load %arg7[%swap3A] {strides = array<i32>} : memref<640xf32, #tpu.memory_space<vmem>>, vector<16xf32>,
      tpu.vector_store %arg7[%swap3A], %broadcast_in_dim3A_1 {strides = array<i32>} : memref<640xf32, #tpu.memory_space<vmem>>, vector<16xf32>,
    }
    %scan3A_6 = arith.constant 40 : i32
    %mul3A_7 = arith.constant 640 : i32
    %mul3A_8 = arith.muli %arg1, %mul3A_7 : i32
    "tpu.region"() ({
      %run_scoped3A = tpu.sem_alloc : memref<!tpu.dma_semaphore, #tpu.memory_space<semaphore_mem>>
      %dma_start3A = tpu.memref_slice %arg8[%mul3A_8] : memref<10240xf32, #tpu.memory_space<vmem_shared>> -> memref<640xf32, #tpu.memory_space<vmem_shared>>
      %dma_start3A_22 = tpu.memref_slice %arg8[%mul3A_8] : memref<10240xf32, #tpu.memory_space<vmem_shared>> -> memref<640xf32, #tpu.memory_space<vmem_shared>>
      tpu.enqueue_dma source(%arg7 : memref<640xf32, #tpu.memory_space<vmem>>) target(%dma_start3A_22 : memref<640xf32, #tpu.memory_space<vmem_shared>>) target_semaphore(%run_scoped3A : memref<!tpu.dma_semaphore, #tpu.memory_space<semaphore_mem>>)
      %dma_wait3A = tpu.memref_slice %arg8[%mul3A_8] : memref<10240xf32, #tpu.memory_space<vmem_shared>> -> memref<640xf32, #tpu.memory_space<vmem_shared>>
      %dma_wait3A_23 = tpu.memref_slice %arg8[%mul3A_8] : memref<10240xf32, #tpu.memory_space<vmem_shared>> -> memref<640xf32, #tpu.memory_space<vmem_shared>>
      tpu.wait_dma2 semaphore(%run_scoped3A : memref<!tpu.dma_semaphore, #tpu.memory_space<semaphore_mem>>) src(%arg7 : memref<640xf32, #tpu.memory_space<vmem>>) dst(%dma_wait3A_23 : memref<640xf32, #tpu.memory_space<vmem_shared>>)
      tpu.yield
    }) : () -> ()
    %barrier3A = arith.constant 0 : index
    tpu.barrier barrier_id(%barrier3A)
    %mul3A_9 = arith.constant 125 : i32
    %mul3A_10 = arith.muli %add3A, %mul3A_9 : i32
    "tpu.region"() ({
      %run_scoped3A = tpu.sem_alloc : memref<!tpu.dma_semaphore, #tpu.memory_space<semaphore_mem>>
      %dma_start3A = arith.constant 0 : i32
      %dma_start3A_22 = tpu.memref_slice %arg2[%mul3A_10, %dma_start3A] : memref<4000x80xi32, #tpu.memory_space<hbm>> -> memref<125x80xi32, #tpu.memory_space<hbm>>
      %dma_start3A_23 = arith.constant 0 : i32
      %dma_start3A_24 = tpu.memref_slice %arg2[%mul3A_10, %dma_start3A_23] : memref<4000x80xi32, #tpu.memory_space<hbm>> -> memref<125x80xi32, #tpu.memory_space<hbm>>
      tpu.enqueue_dma source(%dma_start3A_24 : memref<125x80xi32, #tpu.memory_space<hbm>>) target(%arg5 : memref<125x80xi32, #tpu.memory_space<vmem>>) target_semaphore(%run_scoped3A : memref<!tpu.dma_semaphore, #tpu.memory_space<semaphore_mem>>)
      %dma_wait3A = arith.constant 0 : i32
      %dma_wait3A_25 = tpu.memref_slice %arg2[%mul3A_10, %dma_wait3A] : memref<4000x80xi32, #tpu.memory_space<hbm>> -> memref<125x80xi32, #tpu.memory_space<hbm>>
      %dma_wait3A_26 = arith.constant 0 : i32
      %dma_wait3A_27 = tpu.memref_slice %arg2[%mul3A_10, %dma_wait3A_26] : memref<4000x80xi32, #tpu.memory_space<hbm>> -> memref<125x80xi32, #tpu.memory_space<hbm>>
      tpu.wait_dma2 semaphore(%run_scoped3A : memref<!tpu.dma_semaphore, #tpu.memory_space<semaphore_mem>>) src(%dma_wait3A_27 : memref<125x80xi32, #tpu.memory_space<hbm>>) dst(%arg5 : memref<125x80xi32, #tpu.memory_space<vmem>>)
      tpu.yield
    }) : () -> ()
    "tpu.region"() ({
      %run_scoped3A = tpu.sem_alloc : memref<!tpu.dma_semaphore, #tpu.memory_space<semaphore_mem>>
      %dma_start3A = arith.constant 0 : i32
      %dma_start3A_22 = tpu.memref_slice %arg3[%mul3A_10, %dma_start3A] : memref<4000x80xf32, #tpu.memory_space<hbm>> -> memref<125x80xf32, #tpu.memory_space<hbm>>
      %dma_start3A_23 = arith.constant 0 : i32
      %dma_start3A_24 = tpu.memref_slice %arg3[%mul3A_10, %dma_start3A_23] : memref<4000x80xf32, #tpu.memory_space<hbm>> -> memref<125x80xf32, #tpu.memory_space<hbm>>
      tpu.enqueue_dma source(%dma_start3A_24 : memref<125x80xf32, #tpu.memory_space<hbm>>) target(%arg6 : memref<125x80xf32, #tpu.memory_space<vmem>>) target_semaphore(%run_scoped3A : memref<!tpu.dma_semaphore, #tpu.memory_space<semaphore_mem>>)
      %dma_wait3A = arith.constant 0 : i32
      %dma_wait3A_25 = tpu.memref_slice %arg3[%mul3A_10, %dma_wait3A] : memref<4000x80xf32, #tpu.memory_space<hbm>> -> memref<125x80xf32, #tpu.memory_space<hbm>>
      %dma_wait3A_26 = arith.constant 0 : i32
      %dma_wait3A_27 = tpu.memref_slice %arg3[%mul3A_10, %dma_wait3A_26] : memref<4000x80xf32, #tpu.memory_space<hbm>> -> memref<125x80xf32, #tpu.memory_space<hbm>>
      tpu.wait_dma2 semaphore(%run_scoped3A : memref<!tpu.dma_semaphore, #tpu.memory_space<semaphore_mem>>) src(%dma_wait3A_27 : memref<125x80xf32, #tpu.memory_space<hbm>>) dst(%arg6 : memref<125x80xf32, #tpu.memory_space<vmem>>)
      tpu.yield
    }) : () -> ()
    %scan3A_11 = arith.constant 0 : i32
    %scan3A_12 = arith.constant 0 : i32
    %scan3A_13 = arith.constant 125 : i32
    %scan3A_14 = arith.addi %scan3A_12, %scan3A_13 : i32
    %scan3A_15 = arith.constant 1 : i32
    scf.for %scan3A_22 = %scan3A_12 to %scan3A_14 step %scan3A_15  : i32 {
      "tpu.region"() ({
        %run_scoped3A = tpu.sem_alloc : memref<!tpu.dma_semaphore, #tpu.memory_space<semaphore_mem>>
        %dma_start3A = arith.constant 0 : i32
        %dma_start3A_23 = tpu.memref_slice %arg6[%scan3A_22, %dma_start3A] : memref<125x80xf32, #tpu.memory_space<vmem>> -> memref<1x80xf32, #tpu.memory_space<vmem>>
        %dma_start3A_24 = tpu.memref_squeeze %dma_start3A_23 : memref<1x80xf32, #tpu.memory_space<vmem>> -> memref<80xf32, #tpu.memory_space<vmem>>
        %dma_start3A_25 = arith.constant 0 : i32
        %dma_start3A_26 = tpu.memref_slice %arg5[%scan3A_22, %dma_start3A_25] : memref<125x80xi32, #tpu.memory_space<vmem>> -> memref<1x80xi32, #tpu.memory_space<vmem>>
        %dma_start3A_27 = tpu.memref_squeeze %dma_start3A_26 : memref<1x80xi32, #tpu.memory_space<vmem>> -> memref<80xi32, #tpu.memory_space<vmem>>
        %dma_start3A_28 = arith.constant 0 : i32
        %dma_start3A_29 = tpu.memref_slice %arg8[%dma_start3A_28] : memref<10240xf32, #tpu.memory_space<vmem_shared>> -> memref<10240xf32, #tpu.memory_space<vmem_shared>>
        tpu.enqueue_indirect_dma source(%dma_start3A_24 : memref<80xf32, #tpu.memory_space<vmem>>) target(%dma_start3A_29 : memref<10240xf32, #tpu.memory_space<vmem_shared>>) offsets(%dma_start3A_27 : memref<80xi32, #tpu.memory_space<vmem>>) semaphore(%run_scoped3A : memref<!tpu.dma_semaphore, #tpu.memory_space<semaphore_mem>>) {add = true}
        %dma_wait3A = arith.constant 0 : i32
        %dma_wait3A_30 = tpu.memref_slice %arg6[%scan3A_22, %dma_wait3A] : memref<125x80xf32, #tpu.memory_space<vmem>> -> memref<1x80xf32, #tpu.memory_space<vmem>>
        %dma_wait3A_31 = tpu.memref_squeeze %dma_wait3A_30 : memref<1x80xf32, #tpu.memory_space<vmem>> -> memref<80xf32, #tpu.memory_space<vmem>>
        %dma_wait3A_32 = arith.constant 0 : i32
        %dma_wait3A_33 = tpu.memref_slice %arg5[%scan3A_22, %dma_wait3A_32] : memref<125x80xi32, #tpu.memory_space<vmem>> -> memref<1x80xi32, #tpu.memory_space<vmem>>
        %dma_wait3A_34 = tpu.memref_squeeze %dma_wait3A_33 : memref<1x80xi32, #tpu.memory_space<vmem>> -> memref<80xi32, #tpu.memory_space<vmem>>
        %dma_wait3A_35 = arith.constant 0 : i32
        %dma_wait3A_36 = tpu.memref_slice %arg8[%dma_wait3A_35] : memref<10240xf32, #tpu.memory_space<vmem_shared>> -> memref<10240xf32, #tpu.memory_space<vmem_shared>>
        tpu.wait_indirect_dma semaphore(%run_scoped3A : memref<!tpu.dma_semaphore, #tpu.memory_space<semaphore_mem>>) src(%dma_wait3A_31 : memref<80xf32, #tpu.memory_space<vmem>>) dst(%dma_wait3A_36 : memref<10240xf32, #tpu.memory_space<vmem_shared>>)
        tpu.yield
      }) : () -> ()
    }
    %scan3A_16 = arith.constant 125 : i32
    %barrier3A_17 = arith.constant 0 : index
    tpu.barrier barrier_id(%barrier3A_17)
    %mul3A_18 = arith.constant 640 : i32
    %mul3A_19 = arith.muli %arg1, %mul3A_18 : i32
    %mul3A_20 = arith.constant 640 : i32
    %mul3A_21 = arith.muli %arg1, %mul3A_20 : i32
    "tpu.region"() ({
      %run_scoped3A = tpu.sem_alloc : memref<!tpu.dma_semaphore, #tpu.memory_space<semaphore_mem>>
      %dma_start3A = tpu.memref_slice %arg4[%arg0, %mul3A_21] : memref<2x10240xf32, #tpu.memory_space<hbm>> -> memref<1x640xf32, #tpu.memory_space<hbm>>
      %dma_start3A_22 = tpu.memref_squeeze %dma_start3A : memref<1x640xf32, #tpu.memory_space<hbm>> -> memref<640xf32, #tpu.memory_space<hbm>>
      %dma_start3A_23 = tpu.memref_slice %arg8[%mul3A_19] : memref<10240xf32, #tpu.memory_space<vmem_shared>> -> memref<640xf32, #tpu.memory_space<vmem_shared>>
      tpu.enqueue_dma source(%dma_start3A_23 : memref<640xf32, #tpu.memory_space<vmem_shared>>) target(%dma_start3A_22 : memref<640xf32, #tpu.memory_space<hbm>>) target_semaphore(%run_scoped3A : memref<!tpu.dma_semaphore, #tpu.memory_space<semaphore_mem>>)
      %dma_wait3A = tpu.memref_slice %arg4[%arg0, %mul3A_21] : memref<2x10240xf32, #tpu.memory_space<hbm>> -> memref<1x640xf32, #tpu.memory_space<hbm>>
      %dma_wait3A_24 = tpu.memref_squeeze %dma_wait3A : memref<1x640xf32, #tpu.memory_space<hbm>> -> memref<640xf32, #tpu.memory_space<hbm>>
      %dma_wait3A_25 = tpu.memref_slice %arg8[%mul3A_19] : memref<10240xf32, #tpu.memory_space<vmem_shared>> -> memref<640xf32, #tpu.memory_space<vmem_shared>>
      tpu.wait_dma2 semaphore(%run_scoped3A : memref<!tpu.dma_semaphore, #tpu.memory_space<semaphore_mem>>) src(%dma_wait3A_25 : memref<640xf32, #tpu.memory_space<vmem_shared>>) dst(%dma_wait3A_24 : memref<640xf32, #tpu.memory_space<hbm>>)
      tpu.yield
    }) : () -> ()
    return
  }
}

#map = affine_map<(d0, d1) -> (0, 0)>
#map1 = affine_map<(d0, d1) -> (0)>
module attributes {stable_mosaic.version = 14 : i64} {
  func.func @_l2_kernel(%arg0: i32, %arg1: i32, %arg2: memref<4000x80xi32, #tpu.memory_space<hbm>>, %arg3: memref<4000x80xi32, #tpu.memory_space<hbm>>, %arg4: memref<4000x80xf32, #tpu.memory_space<hbm>>, %arg5: memref<10000xf32, #tpu.memory_space<hbm>>, %arg6: memref<2x10240xf32, #tpu.memory_space<hbm>>, %arg7: memref<125x80xi32, #tpu.memory_space<vmem>>, %arg8: memref<125x80xi32, #tpu.memory_space<vmem>>, %arg9: memref<125x80xf32, #tpu.memory_space<vmem>>, %arg10: memref<10000xf32, #tpu.memory_space<vmem>>, %arg11: memref<80xf32, #tpu.memory_space<vmem>>, %arg12: memref<80xf32, #tpu.memory_space<vmem>>, %arg13: memref<640xf32, #tpu.memory_space<vmem>>, %arg14: memref<10240xf32, #tpu.memory_space<vmem_shared>>, %arg15: memref<!tpu.dma_semaphore, #tpu.memory_space<semaphore_mem>>, %arg16: memref<!tpu.dma_semaphore, #tpu.memory_space<semaphore_mem>>) attributes {dimension_semantics = [#tpu.dimension_semantics<core_parallel>, #tpu.dimension_semantics<subcore_parallel>], iteration_bounds = array<i64: 2, 16>, scalar_prefetch = 0 : i64, scratch_operands = 10 : i64, tpu.core_type = #tpu.core_type<sc_vector_subcore>, window_params = [{transform_indices = #map}, {transform_indices = #map}, {transform_indices = #map}, {transform_indices = #map1}, {transform_indices = #map}]} {
    %mul3A = arith.constant 16 : i32
    %mul3A_0 = arith.muli %arg0, %mul3A : i32
    %add3A = arith.addi %mul3A_0, %arg1 : i32
    %broadcast_in_dim3A = arith.constant 0.000000e+00 : f32
    %broadcast_in_dim3A_1 = vector.broadcast %broadcast_in_dim3A : f32 to vector<16xf32>
    %scan3A = arith.constant 0 : i32
    %scan3A_2 = arith.constant 0 : i32
    %scan3A_3 = arith.constant 40 : i32
    %scan3A_4 = arith.addi %scan3A_2, %scan3A_3 : i32
    %scan3A_5 = arith.constant 1 : i32
    scf.for %scan3A_233 = %scan3A_2 to %scan3A_4 step %scan3A_5  : i32 {
      %mul3A_234 = arith.constant 16 : i32
      %mul3A_235 = arith.muli %scan3A_233, %mul3A_234 : i32
      %swap3A_236 = arith.index_cast %mul3A_235 : i32 to index
      %swap3A_237 = tpu.vector_load %arg13[%swap3A_236] {strides = array<i32>} : memref<640xf32, #tpu.memory_space<vmem>>, vector<16xf32>,
      tpu.vector_store %arg13[%swap3A_236], %broadcast_in_dim3A_1 {strides = array<i32>} : memref<640xf32, #tpu.memory_space<vmem>>, vector<16xf32>,
    }
    %scan3A_6 = arith.constant 40 : i32
    %mul3A_7 = arith.constant 640 : i32
    %mul3A_8 = arith.muli %arg1, %mul3A_7 : i32
    "tpu.region"() ({
      %run_scoped3A = tpu.sem_alloc : memref<!tpu.dma_semaphore, #tpu.memory_space<semaphore_mem>>
      %dma_start3A_233 = tpu.memref_slice %arg14[%mul3A_8] : memref<10240xf32, #tpu.memory_space<vmem_shared>> -> memref<640xf32, #tpu.memory_space<vmem_shared>>
      %dma_start3A_234 = tpu.memref_slice %arg14[%mul3A_8] : memref<10240xf32, #tpu.memory_space<vmem_shared>> -> memref<640xf32, #tpu.memory_space<vmem_shared>>
      tpu.enqueue_dma source(%arg13 : memref<640xf32, #tpu.memory_space<vmem>>) target(%dma_start3A_234 : memref<640xf32, #tpu.memory_space<vmem_shared>>) target_semaphore(%run_scoped3A : memref<!tpu.dma_semaphore, #tpu.memory_space<semaphore_mem>>)
      %dma_wait3A_235 = tpu.memref_slice %arg14[%mul3A_8] : memref<10240xf32, #tpu.memory_space<vmem_shared>> -> memref<640xf32, #tpu.memory_space<vmem_shared>>
      %dma_wait3A_236 = tpu.memref_slice %arg14[%mul3A_8] : memref<10240xf32, #tpu.memory_space<vmem_shared>> -> memref<640xf32, #tpu.memory_space<vmem_shared>>
      tpu.wait_dma2 semaphore(%run_scoped3A : memref<!tpu.dma_semaphore, #tpu.memory_space<semaphore_mem>>) src(%arg13 : memref<640xf32, #tpu.memory_space<vmem>>) dst(%dma_wait3A_236 : memref<640xf32, #tpu.memory_space<vmem_shared>>)
      tpu.yield
    }) : () -> ()
    %barrier3A = arith.constant 0 : index
    tpu.barrier barrier_id(%barrier3A)
    %mul3A_9 = arith.constant 125 : i32
    %mul3A_10 = arith.muli %add3A, %mul3A_9 : i32
    "tpu.region"() ({
      %run_scoped3A = tpu.sem_alloc : memref<!tpu.dma_semaphore, #tpu.memory_space<semaphore_mem>>
      %dma_start3A_233 = arith.constant 0 : i32
      %dma_start3A_234 = tpu.memref_slice %arg2[%mul3A_10, %dma_start3A_233] : memref<4000x80xi32, #tpu.memory_space<hbm>> -> memref<125x80xi32, #tpu.memory_space<hbm>>
      %dma_start3A_235 = arith.constant 0 : i32
      %dma_start3A_236 = tpu.memref_slice %arg2[%mul3A_10, %dma_start3A_235] : memref<4000x80xi32, #tpu.memory_space<hbm>> -> memref<125x80xi32, #tpu.memory_space<hbm>>
      tpu.enqueue_dma source(%dma_start3A_236 : memref<125x80xi32, #tpu.memory_space<hbm>>) target(%arg7 : memref<125x80xi32, #tpu.memory_space<vmem>>) target_semaphore(%run_scoped3A : memref<!tpu.dma_semaphore, #tpu.memory_space<semaphore_mem>>)
      %dma_wait3A_237 = arith.constant 0 : i32
      %dma_wait3A_238 = tpu.memref_slice %arg2[%mul3A_10, %dma_wait3A_237] : memref<4000x80xi32, #tpu.memory_space<hbm>> -> memref<125x80xi32, #tpu.memory_space<hbm>>
      %dma_wait3A_239 = arith.constant 0 : i32
      %dma_wait3A_240 = tpu.memref_slice %arg2[%mul3A_10, %dma_wait3A_239] : memref<4000x80xi32, #tpu.memory_space<hbm>> -> memref<125x80xi32, #tpu.memory_space<hbm>>
      tpu.wait_dma2 semaphore(%run_scoped3A : memref<!tpu.dma_semaphore, #tpu.memory_space<semaphore_mem>>) src(%dma_wait3A_240 : memref<125x80xi32, #tpu.memory_space<hbm>>) dst(%arg7 : memref<125x80xi32, #tpu.memory_space<vmem>>)
      tpu.yield
    }) : () -> ()
    "tpu.region"() ({
      %run_scoped3A = tpu.sem_alloc : memref<!tpu.dma_semaphore, #tpu.memory_space<semaphore_mem>>
      %dma_start3A_233 = arith.constant 0 : i32
      %dma_start3A_234 = tpu.memref_slice %arg3[%mul3A_10, %dma_start3A_233] : memref<4000x80xi32, #tpu.memory_space<hbm>> -> memref<125x80xi32, #tpu.memory_space<hbm>>
      %dma_start3A_235 = arith.constant 0 : i32
      %dma_start3A_236 = tpu.memref_slice %arg3[%mul3A_10, %dma_start3A_235] : memref<4000x80xi32, #tpu.memory_space<hbm>> -> memref<125x80xi32, #tpu.memory_space<hbm>>
      tpu.enqueue_dma source(%dma_start3A_236 : memref<125x80xi32, #tpu.memory_space<hbm>>) target(%arg8 : memref<125x80xi32, #tpu.memory_space<vmem>>) target_semaphore(%run_scoped3A : memref<!tpu.dma_semaphore, #tpu.memory_space<semaphore_mem>>)
      %dma_wait3A_237 = arith.constant 0 : i32
      %dma_wait3A_238 = tpu.memref_slice %arg3[%mul3A_10, %dma_wait3A_237] : memref<4000x80xi32, #tpu.memory_space<hbm>> -> memref<125x80xi32, #tpu.memory_space<hbm>>
      %dma_wait3A_239 = arith.constant 0 : i32
      %dma_wait3A_240 = tpu.memref_slice %arg3[%mul3A_10, %dma_wait3A_239] : memref<4000x80xi32, #tpu.memory_space<hbm>> -> memref<125x80xi32, #tpu.memory_space<hbm>>
      tpu.wait_dma2 semaphore(%run_scoped3A : memref<!tpu.dma_semaphore, #tpu.memory_space<semaphore_mem>>) src(%dma_wait3A_240 : memref<125x80xi32, #tpu.memory_space<hbm>>) dst(%arg8 : memref<125x80xi32, #tpu.memory_space<vmem>>)
      tpu.yield
    }) : () -> ()
    "tpu.region"() ({
      %run_scoped3A = tpu.sem_alloc : memref<!tpu.dma_semaphore, #tpu.memory_space<semaphore_mem>>
      %dma_start3A_233 = arith.constant 0 : i32
      %dma_start3A_234 = tpu.memref_slice %arg4[%mul3A_10, %dma_start3A_233] : memref<4000x80xf32, #tpu.memory_space<hbm>> -> memref<125x80xf32, #tpu.memory_space<hbm>>
      %dma_start3A_235 = arith.constant 0 : i32
      %dma_start3A_236 = tpu.memref_slice %arg4[%mul3A_10, %dma_start3A_235] : memref<4000x80xf32, #tpu.memory_space<hbm>> -> memref<125x80xf32, #tpu.memory_space<hbm>>
      tpu.enqueue_dma source(%dma_start3A_236 : memref<125x80xf32, #tpu.memory_space<hbm>>) target(%arg9 : memref<125x80xf32, #tpu.memory_space<vmem>>) target_semaphore(%run_scoped3A : memref<!tpu.dma_semaphore, #tpu.memory_space<semaphore_mem>>)
      %dma_wait3A_237 = arith.constant 0 : i32
      %dma_wait3A_238 = tpu.memref_slice %arg4[%mul3A_10, %dma_wait3A_237] : memref<4000x80xf32, #tpu.memory_space<hbm>> -> memref<125x80xf32, #tpu.memory_space<hbm>>
      %dma_wait3A_239 = arith.constant 0 : i32
      %dma_wait3A_240 = tpu.memref_slice %arg4[%mul3A_10, %dma_wait3A_239] : memref<4000x80xf32, #tpu.memory_space<hbm>> -> memref<125x80xf32, #tpu.memory_space<hbm>>
      tpu.wait_dma2 semaphore(%run_scoped3A : memref<!tpu.dma_semaphore, #tpu.memory_space<semaphore_mem>>) src(%dma_wait3A_240 : memref<125x80xf32, #tpu.memory_space<hbm>>) dst(%arg9 : memref<125x80xf32, #tpu.memory_space<vmem>>)
      tpu.yield
    }) : () -> ()
    "tpu.region"() ({
      %run_scoped3A = tpu.sem_alloc : memref<!tpu.dma_semaphore, #tpu.memory_space<semaphore_mem>>
      tpu.enqueue_dma source(%arg5 : memref<10000xf32, #tpu.memory_space<hbm>>) target(%arg10 : memref<10000xf32, #tpu.memory_space<vmem>>) target_semaphore(%run_scoped3A : memref<!tpu.dma_semaphore, #tpu.memory_space<semaphore_mem>>)
      tpu.wait_dma2 semaphore(%run_scoped3A : memref<!tpu.dma_semaphore, #tpu.memory_space<semaphore_mem>>) src(%arg5 : memref<10000xf32, #tpu.memory_space<hbm>>) dst(%arg10 : memref<10000xf32, #tpu.memory_space<vmem>>)
      tpu.yield
    }) : () -> ()
    %get3A = arith.constant 0 : i32
    %get3A_11 = arith.index_cast %get3A : i32 to index
    %get3A_12 = arith.constant 0 : index
    %get3A_13 = tpu.vector_load %arg7[%get3A_11, %get3A_12] {strides = array<i32>} : memref<125x80xi32, #tpu.memory_space<vmem>>, vector<16xi32>,
    %gather3A = tpu.vector_load_idx %arg10[%get3A_13] : memref<10000xf32, #tpu.memory_space<vmem>>[vector<16xi32>], vector<16xf32>,
    %get3A_14 = arith.constant 0 : i32
    %get3A_15 = arith.index_cast %get3A_14 : i32 to index
    %get3A_16 = arith.constant 0 : index
    %get3A_17 = tpu.vector_load %arg9[%get3A_15, %get3A_16] {strides = array<i32>} : memref<125x80xf32, #tpu.memory_space<vmem>>, vector<16xf32>,
    %mul3A_18 = arith.mulf %get3A_17, %gather3A : vector<16xf32>
    %swap3A = arith.constant 0 : index
    %swap3A_19 = tpu.vector_load %arg11[%swap3A] {strides = array<i32>} : memref<80xf32, #tpu.memory_space<vmem>>, vector<16xf32>,
    tpu.vector_store %arg11[%swap3A], %mul3A_18 {strides = array<i32>} : memref<80xf32, #tpu.memory_space<vmem>>, vector<16xf32>,
    %get3A_20 = arith.constant 0 : i32
    %get3A_21 = arith.index_cast %get3A_20 : i32 to index
    %get3A_22 = arith.constant 16 : index
    %get3A_23 = tpu.vector_load %arg7[%get3A_21, %get3A_22] {strides = array<i32>} : memref<125x80xi32, #tpu.memory_space<vmem>>, vector<16xi32>,
    %gather3A_24 = tpu.vector_load_idx %arg10[%get3A_23] : memref<10000xf32, #tpu.memory_space<vmem>>[vector<16xi32>], vector<16xf32>,
    %get3A_25 = arith.constant 0 : i32
    %get3A_26 = arith.index_cast %get3A_25 : i32 to index
    %get3A_27 = arith.constant 16 : index
    %get3A_28 = tpu.vector_load %arg9[%get3A_26, %get3A_27] {strides = array<i32>} : memref<125x80xf32, #tpu.memory_space<vmem>>, vector<16xf32>,
    %mul3A_29 = arith.mulf %get3A_28, %gather3A_24 : vector<16xf32>
    %swap3A_30 = arith.constant 16 : index
    %swap3A_31 = tpu.vector_load %arg11[%swap3A_30] {strides = array<i32>} : memref<80xf32, #tpu.memory_space<vmem>>, vector<16xf32>,
    tpu.vector_store %arg11[%swap3A_30], %mul3A_29 {strides = array<i32>} : memref<80xf32, #tpu.memory_space<vmem>>, vector<16xf32>,
    %get3A_32 = arith.constant 0 : i32
    %get3A_33 = arith.index_cast %get3A_32 : i32 to index
    %get3A_34 = arith.constant 32 : index
    %get3A_35 = tpu.vector_load %arg7[%get3A_33, %get3A_34] {strides = array<i32>} : memref<125x80xi32, #tpu.memory_space<vmem>>, vector<16xi32>,
    %gather3A_36 = tpu.vector_load_idx %arg10[%get3A_35] : memref<10000xf32, #tpu.memory_space<vmem>>[vector<16xi32>], vector<16xf32>,
    %get3A_37 = arith.constant 0 : i32
    %get3A_38 = arith.index_cast %get3A_37 : i32 to index
    %get3A_39 = arith.constant 32 : index
    %get3A_40 = tpu.vector_load %arg9[%get3A_38, %get3A_39] {strides = array<i32>} : memref<125x80xf32, #tpu.memory_space<vmem>>, vector<16xf32>,
    %mul3A_41 = arith.mulf %get3A_40, %gather3A_36 : vector<16xf32>
    %swap3A_42 = arith.constant 32 : index
    %swap3A_43 = tpu.vector_load %arg11[%swap3A_42] {strides = array<i32>} : memref<80xf32, #tpu.memory_space<vmem>>, vector<16xf32>,
    tpu.vector_store %arg11[%swap3A_42], %mul3A_41 {strides = array<i32>} : memref<80xf32, #tpu.memory_space<vmem>>, vector<16xf32>,
    %get3A_44 = arith.constant 0 : i32
    %get3A_45 = arith.index_cast %get3A_44 : i32 to index
    %get3A_46 = arith.constant 48 : index
    %get3A_47 = tpu.vector_load %arg7[%get3A_45, %get3A_46] {strides = array<i32>} : memref<125x80xi32, #tpu.memory_space<vmem>>, vector<16xi32>,
    %gather3A_48 = tpu.vector_load_idx %arg10[%get3A_47] : memref<10000xf32, #tpu.memory_space<vmem>>[vector<16xi32>], vector<16xf32>,
    %get3A_49 = arith.constant 0 : i32
    %get3A_50 = arith.index_cast %get3A_49 : i32 to index
    %get3A_51 = arith.constant 48 : index
    %get3A_52 = tpu.vector_load %arg9[%get3A_50, %get3A_51] {strides = array<i32>} : memref<125x80xf32, #tpu.memory_space<vmem>>, vector<16xf32>,
    %mul3A_53 = arith.mulf %get3A_52, %gather3A_48 : vector<16xf32>
    %swap3A_54 = arith.constant 48 : index
    %swap3A_55 = tpu.vector_load %arg11[%swap3A_54] {strides = array<i32>} : memref<80xf32, #tpu.memory_space<vmem>>, vector<16xf32>,
    tpu.vector_store %arg11[%swap3A_54], %mul3A_53 {strides = array<i32>} : memref<80xf32, #tpu.memory_space<vmem>>, vector<16xf32>,
    %get3A_56 = arith.constant 0 : i32
    %get3A_57 = arith.index_cast %get3A_56 : i32 to index
    %get3A_58 = arith.constant 64 : index
    %get3A_59 = tpu.vector_load %arg7[%get3A_57, %get3A_58] {strides = array<i32>} : memref<125x80xi32, #tpu.memory_space<vmem>>, vector<16xi32>,
    %gather3A_60 = tpu.vector_load_idx %arg10[%get3A_59] : memref<10000xf32, #tpu.memory_space<vmem>>[vector<16xi32>], vector<16xf32>,
    %get3A_61 = arith.constant 0 : i32
    %get3A_62 = arith.index_cast %get3A_61 : i32 to index
    %get3A_63 = arith.constant 64 : index
    %get3A_64 = tpu.vector_load %arg9[%get3A_62, %get3A_63] {strides = array<i32>} : memref<125x80xf32, #tpu.memory_space<vmem>>, vector<16xf32>,
    %mul3A_65 = arith.mulf %get3A_64, %gather3A_60 : vector<16xf32>
    %swap3A_66 = arith.constant 64 : index
    %swap3A_67 = tpu.vector_load %arg11[%swap3A_66] {strides = array<i32>} : memref<80xf32, #tpu.memory_space<vmem>>, vector<16xf32>,
    tpu.vector_store %arg11[%swap3A_66], %mul3A_65 {strides = array<i32>} : memref<80xf32, #tpu.memory_space<vmem>>, vector<16xf32>,
    %dma_start3A = arith.constant 0 : i32
    %dma_start3A_68 = arith.constant 0 : i32
    %dma_start3A_69 = tpu.memref_slice %arg8[%dma_start3A, %dma_start3A_68] : memref<125x80xi32, #tpu.memory_space<vmem>> -> memref<1x80xi32, #tpu.memory_space<vmem>>
    %dma_start3A_70 = tpu.memref_squeeze %dma_start3A_69 : memref<1x80xi32, #tpu.memory_space<vmem>> -> memref<80xi32, #tpu.memory_space<vmem>>
    %dma_start3A_71 = arith.constant 0 : i32
    %dma_start3A_72 = tpu.memref_slice %arg14[%dma_start3A_71] : memref<10240xf32, #tpu.memory_space<vmem_shared>> -> memref<10240xf32, #tpu.memory_space<vmem_shared>>
    tpu.enqueue_indirect_dma source(%arg11 : memref<80xf32, #tpu.memory_space<vmem>>) target(%dma_start3A_72 : memref<10240xf32, #tpu.memory_space<vmem_shared>>) offsets(%dma_start3A_70 : memref<80xi32, #tpu.memory_space<vmem>>) semaphore(%arg15 : memref<!tpu.dma_semaphore, #tpu.memory_space<semaphore_mem>>) {add = true}
    %get3A_73 = arith.constant 1 : i32
    %get3A_74 = arith.index_cast %get3A_73 : i32 to index
    %get3A_75 = arith.constant 0 : index
    %get3A_76 = tpu.vector_load %arg7[%get3A_74, %get3A_75] {strides = array<i32>} : memref<125x80xi32, #tpu.memory_space<vmem>>, vector<16xi32>,
    %gather3A_77 = tpu.vector_load_idx %arg10[%get3A_76] : memref<10000xf32, #tpu.memory_space<vmem>>[vector<16xi32>], vector<16xf32>,
    %get3A_78 = arith.constant 1 : i32
    %get3A_79 = arith.index_cast %get3A_78 : i32 to index
    %get3A_80 = arith.constant 0 : index
    %get3A_81 = tpu.vector_load %arg9[%get3A_79, %get3A_80] {strides = array<i32>} : memref<125x80xf32, #tpu.memory_space<vmem>>, vector<16xf32>,
    %mul3A_82 = arith.mulf %get3A_81, %gather3A_77 : vector<16xf32>
    %swap3A_83 = arith.constant 0 : index
    %swap3A_84 = tpu.vector_load %arg12[%swap3A_83] {strides = array<i32>} : memref<80xf32, #tpu.memory_space<vmem>>, vector<16xf32>,
    tpu.vector_store %arg12[%swap3A_83], %mul3A_82 {strides = array<i32>} : memref<80xf32, #tpu.memory_space<vmem>>, vector<16xf32>,
    %get3A_85 = arith.constant 1 : i32
    %get3A_86 = arith.index_cast %get3A_85 : i32 to index
    %get3A_87 = arith.constant 16 : index
    %get3A_88 = tpu.vector_load %arg7[%get3A_86, %get3A_87] {strides = array<i32>} : memref<125x80xi32, #tpu.memory_space<vmem>>, vector<16xi32>,
    %gather3A_89 = tpu.vector_load_idx %arg10[%get3A_88] : memref<10000xf32, #tpu.memory_space<vmem>>[vector<16xi32>], vector<16xf32>,
    %get3A_90 = arith.constant 1 : i32
    %get3A_91 = arith.index_cast %get3A_90 : i32 to index
    %get3A_92 = arith.constant 16 : index
    %get3A_93 = tpu.vector_load %arg9[%get3A_91, %get3A_92] {strides = array<i32>} : memref<125x80xf32, #tpu.memory_space<vmem>>, vector<16xf32>,
    %mul3A_94 = arith.mulf %get3A_93, %gather3A_89 : vector<16xf32>
    %swap3A_95 = arith.constant 16 : index
    %swap3A_96 = tpu.vector_load %arg12[%swap3A_95] {strides = array<i32>} : memref<80xf32, #tpu.memory_space<vmem>>, vector<16xf32>,
    tpu.vector_store %arg12[%swap3A_95], %mul3A_94 {strides = array<i32>} : memref<80xf32, #tpu.memory_space<vmem>>, vector<16xf32>,
    %get3A_97 = arith.constant 1 : i32
    %get3A_98 = arith.index_cast %get3A_97 : i32 to index
    %get3A_99 = arith.constant 32 : index
    %get3A_100 = tpu.vector_load %arg7[%get3A_98, %get3A_99] {strides = array<i32>} : memref<125x80xi32, #tpu.memory_space<vmem>>, vector<16xi32>,
    %gather3A_101 = tpu.vector_load_idx %arg10[%get3A_100] : memref<10000xf32, #tpu.memory_space<vmem>>[vector<16xi32>], vector<16xf32>,
    %get3A_102 = arith.constant 1 : i32
    %get3A_103 = arith.index_cast %get3A_102 : i32 to index
    %get3A_104 = arith.constant 32 : index
    %get3A_105 = tpu.vector_load %arg9[%get3A_103, %get3A_104] {strides = array<i32>} : memref<125x80xf32, #tpu.memory_space<vmem>>, vector<16xf32>,
    %mul3A_106 = arith.mulf %get3A_105, %gather3A_101 : vector<16xf32>
    %swap3A_107 = arith.constant 32 : index
    %swap3A_108 = tpu.vector_load %arg12[%swap3A_107] {strides = array<i32>} : memref<80xf32, #tpu.memory_space<vmem>>, vector<16xf32>,
    tpu.vector_store %arg12[%swap3A_107], %mul3A_106 {strides = array<i32>} : memref<80xf32, #tpu.memory_space<vmem>>, vector<16xf32>,
    %get3A_109 = arith.constant 1 : i32
    %get3A_110 = arith.index_cast %get3A_109 : i32 to index
    %get3A_111 = arith.constant 48 : index
    %get3A_112 = tpu.vector_load %arg7[%get3A_110, %get3A_111] {strides = array<i32>} : memref<125x80xi32, #tpu.memory_space<vmem>>, vector<16xi32>,
    %gather3A_113 = tpu.vector_load_idx %arg10[%get3A_112] : memref<10000xf32, #tpu.memory_space<vmem>>[vector<16xi32>], vector<16xf32>,
    %get3A_114 = arith.constant 1 : i32
    %get3A_115 = arith.index_cast %get3A_114 : i32 to index
    %get3A_116 = arith.constant 48 : index
    %get3A_117 = tpu.vector_load %arg9[%get3A_115, %get3A_116] {strides = array<i32>} : memref<125x80xf32, #tpu.memory_space<vmem>>, vector<16xf32>,
    %mul3A_118 = arith.mulf %get3A_117, %gather3A_113 : vector<16xf32>
    %swap3A_119 = arith.constant 48 : index
    %swap3A_120 = tpu.vector_load %arg12[%swap3A_119] {strides = array<i32>} : memref<80xf32, #tpu.memory_space<vmem>>, vector<16xf32>,
    tpu.vector_store %arg12[%swap3A_119], %mul3A_118 {strides = array<i32>} : memref<80xf32, #tpu.memory_space<vmem>>, vector<16xf32>,
    %get3A_121 = arith.constant 1 : i32
    %get3A_122 = arith.index_cast %get3A_121 : i32 to index
    %get3A_123 = arith.constant 64 : index
    %get3A_124 = tpu.vector_load %arg7[%get3A_122, %get3A_123] {strides = array<i32>} : memref<125x80xi32, #tpu.memory_space<vmem>>, vector<16xi32>,
    %gather3A_125 = tpu.vector_load_idx %arg10[%get3A_124] : memref<10000xf32, #tpu.memory_space<vmem>>[vector<16xi32>], vector<16xf32>,
    %get3A_126 = arith.constant 1 : i32
    %get3A_127 = arith.index_cast %get3A_126 : i32 to index
    %get3A_128 = arith.constant 64 : index
    %get3A_129 = tpu.vector_load %arg9[%get3A_127, %get3A_128] {strides = array<i32>} : memref<125x80xf32, #tpu.memory_space<vmem>>, vector<16xf32>,
    %mul3A_130 = arith.mulf %get3A_129, %gather3A_125 : vector<16xf32>
    %swap3A_131 = arith.constant 64 : index
    %swap3A_132 = tpu.vector_load %arg12[%swap3A_131] {strides = array<i32>} : memref<80xf32, #tpu.memory_space<vmem>>, vector<16xf32>,
    tpu.vector_store %arg12[%swap3A_131], %mul3A_130 {strides = array<i32>} : memref<80xf32, #tpu.memory_space<vmem>>, vector<16xf32>,
    %dma_start3A_133 = arith.constant 1 : i32
    %dma_start3A_134 = arith.constant 0 : i32
    %dma_start3A_135 = tpu.memref_slice %arg8[%dma_start3A_133, %dma_start3A_134] : memref<125x80xi32, #tpu.memory_space<vmem>> -> memref<1x80xi32, #tpu.memory_space<vmem>>
    %dma_start3A_136 = tpu.memref_squeeze %dma_start3A_135 : memref<1x80xi32, #tpu.memory_space<vmem>> -> memref<80xi32, #tpu.memory_space<vmem>>
    %dma_start3A_137 = arith.constant 0 : i32
    %dma_start3A_138 = tpu.memref_slice %arg14[%dma_start3A_137] : memref<10240xf32, #tpu.memory_space<vmem_shared>> -> memref<10240xf32, #tpu.memory_space<vmem_shared>>
    tpu.enqueue_indirect_dma source(%arg12 : memref<80xf32, #tpu.memory_space<vmem>>) target(%dma_start3A_138 : memref<10240xf32, #tpu.memory_space<vmem_shared>>) offsets(%dma_start3A_136 : memref<80xi32, #tpu.memory_space<vmem>>) semaphore(%arg16 : memref<!tpu.dma_semaphore, #tpu.memory_space<semaphore_mem>>) {add = true}
    %scan3A_139 = arith.constant 0 : i32
    %scan3A_140 = arith.constant 1 : i32
    %scan3A_141 = arith.constant 61 : i32
    %scan3A_142 = arith.addi %scan3A_140, %scan3A_141 : i32
    %scan3A_143 = arith.constant 1 : i32
    scf.for %scan3A_233 = %scan3A_140 to %scan3A_142 step %scan3A_143  : i32 {
      %mul3A_234 = arith.constant 2 : i32
      %mul3A_235 = arith.muli %mul3A_234, %scan3A_233 : i32
      %dma_wait3A_236 = arith.constant 0 : i32
      %dma_wait3A_237 = arith.constant 0 : i32
      %dma_wait3A_238 = tpu.memref_slice %arg8[%dma_wait3A_236, %dma_wait3A_237] : memref<125x80xi32, #tpu.memory_space<vmem>> -> memref<1x80xi32, #tpu.memory_space<vmem>>
      %dma_wait3A_239 = tpu.memref_squeeze %dma_wait3A_238 : memref<1x80xi32, #tpu.memory_space<vmem>> -> memref<80xi32, #tpu.memory_space<vmem>>
      %dma_wait3A_240 = arith.constant 0 : i32
      %dma_wait3A_241 = tpu.memref_slice %arg14[%dma_wait3A_240] : memref<10240xf32, #tpu.memory_space<vmem_shared>> -> memref<10240xf32, #tpu.memory_space<vmem_shared>>
      tpu.wait_indirect_dma semaphore(%arg15 : memref<!tpu.dma_semaphore, #tpu.memory_space<semaphore_mem>>) src(%arg11 : memref<80xf32, #tpu.memory_space<vmem>>) dst(%dma_wait3A_241 : memref<10240xf32, #tpu.memory_space<vmem_shared>>)
      %get3A_242 = arith.index_cast %mul3A_235 : i32 to index
      %get3A_243 = arith.constant 0 : index
      %get3A_244 = tpu.vector_load %arg7[%get3A_242, %get3A_243] {strides = array<i32>} : memref<125x80xi32, #tpu.memory_space<vmem>>, vector<16xi32>,
      %gather3A_245 = tpu.vector_load_idx %arg10[%get3A_244] : memref<10000xf32, #tpu.memory_space<vmem>>[vector<16xi32>], vector<16xf32>,
      %get3A_246 = arith.index_cast %mul3A_235 : i32 to index
      %get3A_247 = arith.constant 0 : index
      %get3A_248 = tpu.vector_load %arg9[%get3A_246, %get3A_247] {strides = array<i32>} : memref<125x80xf32, #tpu.memory_space<vmem>>, vector<16xf32>,
      %mul3A_249 = arith.mulf %get3A_248, %gather3A_245 : vector<16xf32>
      %swap3A_250 = arith.constant 0 : index
      %swap3A_251 = tpu.vector_load %arg11[%swap3A_250] {strides = array<i32>} : memref<80xf32, #tpu.memory_space<vmem>>, vector<16xf32>,
      tpu.vector_store %arg11[%swap3A_250], %mul3A_249 {strides = array<i32>} : memref<80xf32, #tpu.memory_space<vmem>>, vector<16xf32>,
      %get3A_252 = arith.index_cast %mul3A_235 : i32 to index
      %get3A_253 = arith.constant 16 : index
      %get3A_254 = tpu.vector_load %arg7[%get3A_252, %get3A_253] {strides = array<i32>} : memref<125x80xi32, #tpu.memory_space<vmem>>, vector<16xi32>,
      %gather3A_255 = tpu.vector_load_idx %arg10[%get3A_254] : memref<10000xf32, #tpu.memory_space<vmem>>[vector<16xi32>], vector<16xf32>,
      %get3A_256 = arith.index_cast %mul3A_235 : i32 to index
      %get3A_257 = arith.constant 16 : index
      %get3A_258 = tpu.vector_load %arg9[%get3A_256, %get3A_257] {strides = array<i32>} : memref<125x80xf32, #tpu.memory_space<vmem>>, vector<16xf32>,
      %mul3A_259 = arith.mulf %get3A_258, %gather3A_255 : vector<16xf32>
      %swap3A_260 = arith.constant 16 : index
      %swap3A_261 = tpu.vector_load %arg11[%swap3A_260] {strides = array<i32>} : memref<80xf32, #tpu.memory_space<vmem>>, vector<16xf32>,
      tpu.vector_store %arg11[%swap3A_260], %mul3A_259 {strides = array<i32>} : memref<80xf32, #tpu.memory_space<vmem>>, vector<16xf32>,
      %get3A_262 = arith.index_cast %mul3A_235 : i32 to index
      %get3A_263 = arith.constant 32 : index
      %get3A_264 = tpu.vector_load %arg7[%get3A_262, %get3A_263] {strides = array<i32>} : memref<125x80xi32, #tpu.memory_space<vmem>>, vector<16xi32>,
      %gather3A_265 = tpu.vector_load_idx %arg10[%get3A_264] : memref<10000xf32, #tpu.memory_space<vmem>>[vector<16xi32>], vector<16xf32>,
      %get3A_266 = arith.index_cast %mul3A_235 : i32 to index
      %get3A_267 = arith.constant 32 : index
      %get3A_268 = tpu.vector_load %arg9[%get3A_266, %get3A_267] {strides = array<i32>} : memref<125x80xf32, #tpu.memory_space<vmem>>, vector<16xf32>,
      %mul3A_269 = arith.mulf %get3A_268, %gather3A_265 : vector<16xf32>
      %swap3A_270 = arith.constant 32 : index
      %swap3A_271 = tpu.vector_load %arg11[%swap3A_270] {strides = array<i32>} : memref<80xf32, #tpu.memory_space<vmem>>, vector<16xf32>,
      tpu.vector_store %arg11[%swap3A_270], %mul3A_269 {strides = array<i32>} : memref<80xf32, #tpu.memory_space<vmem>>, vector<16xf32>,
      %get3A_272 = arith.index_cast %mul3A_235 : i32 to index
      %get3A_273 = arith.constant 48 : index
      %get3A_274 = tpu.vector_load %arg7[%get3A_272, %get3A_273] {strides = array<i32>} : memref<125x80xi32, #tpu.memory_space<vmem>>, vector<16xi32>,
      %gather3A_275 = tpu.vector_load_idx %arg10[%get3A_274] : memref<10000xf32, #tpu.memory_space<vmem>>[vector<16xi32>], vector<16xf32>,
      %get3A_276 = arith.index_cast %mul3A_235 : i32 to index
      %get3A_277 = arith.constant 48 : index
      %get3A_278 = tpu.vector_load %arg9[%get3A_276, %get3A_277] {strides = array<i32>} : memref<125x80xf32, #tpu.memory_space<vmem>>, vector<16xf32>,
      %mul3A_279 = arith.mulf %get3A_278, %gather3A_275 : vector<16xf32>
      %swap3A_280 = arith.constant 48 : index
      %swap3A_281 = tpu.vector_load %arg11[%swap3A_280] {strides = array<i32>} : memref<80xf32, #tpu.memory_space<vmem>>, vector<16xf32>,
      tpu.vector_store %arg11[%swap3A_280], %mul3A_279 {strides = array<i32>} : memref<80xf32, #tpu.memory_space<vmem>>, vector<16xf32>,
      %get3A_282 = arith.index_cast %mul3A_235 : i32 to index
      %get3A_283 = arith.constant 64 : index
      %get3A_284 = tpu.vector_load %arg7[%get3A_282, %get3A_283] {strides = array<i32>} : memref<125x80xi32, #tpu.memory_space<vmem>>, vector<16xi32>,
      %gather3A_285 = tpu.vector_load_idx %arg10[%get3A_284] : memref<10000xf32, #tpu.memory_space<vmem>>[vector<16xi32>], vector<16xf32>,
      %get3A_286 = arith.index_cast %mul3A_235 : i32 to index
      %get3A_287 = arith.constant 64 : index
      %get3A_288 = tpu.vector_load %arg9[%get3A_286, %get3A_287] {strides = array<i32>} : memref<125x80xf32, #tpu.memory_space<vmem>>, vector<16xf32>,
      %mul3A_289 = arith.mulf %get3A_288, %gather3A_285 : vector<16xf32>
      %swap3A_290 = arith.constant 64 : index
      %swap3A_291 = tpu.vector_load %arg11[%swap3A_290] {strides = array<i32>} : memref<80xf32, #tpu.memory_space<vmem>>, vector<16xf32>,
      tpu.vector_store %arg11[%swap3A_290], %mul3A_289 {strides = array<i32>} : memref<80xf32, #tpu.memory_space<vmem>>, vector<16xf32>,
      %dma_start3A_292 = arith.constant 0 : i32
      %dma_start3A_293 = tpu.memref_slice %arg8[%mul3A_235, %dma_start3A_292] : memref<125x80xi32, #tpu.memory_space<vmem>> -> memref<1x80xi32, #tpu.memory_space<vmem>>
      %dma_start3A_294 = tpu.memref_squeeze %dma_start3A_293 : memref<1x80xi32, #tpu.memory_space<vmem>> -> memref<80xi32, #tpu.memory_space<vmem>>
      %dma_start3A_295 = arith.constant 0 : i32
      %dma_start3A_296 = tpu.memref_slice %arg14[%dma_start3A_295] : memref<10240xf32, #tpu.memory_space<vmem_shared>> -> memref<10240xf32, #tpu.memory_space<vmem_shared>>
      tpu.enqueue_indirect_dma source(%arg11 : memref<80xf32, #tpu.memory_space<vmem>>) target(%dma_start3A_296 : memref<10240xf32, #tpu.memory_space<vmem_shared>>) offsets(%dma_start3A_294 : memref<80xi32, #tpu.memory_space<vmem>>) semaphore(%arg15 : memref<!tpu.dma_semaphore, #tpu.memory_space<semaphore_mem>>) {add = true}
      %dma_wait3A_297 = arith.constant 0 : i32
      %dma_wait3A_298 = arith.constant 0 : i32
      %dma_wait3A_299 = tpu.memref_slice %arg8[%dma_wait3A_297, %dma_wait3A_298] : memref<125x80xi32, #tpu.memory_space<vmem>> -> memref<1x80xi32, #tpu.memory_space<vmem>>
      %dma_wait3A_300 = tpu.memref_squeeze %dma_wait3A_299 : memref<1x80xi32, #tpu.memory_space<vmem>> -> memref<80xi32, #tpu.memory_space<vmem>>
      %dma_wait3A_301 = arith.constant 0 : i32
      %dma_wait3A_302 = tpu.memref_slice %arg14[%dma_wait3A_301] : memref<10240xf32, #tpu.memory_space<vmem_shared>> -> memref<10240xf32, #tpu.memory_space<vmem_shared>>
      tpu.wait_indirect_dma semaphore(%arg16 : memref<!tpu.dma_semaphore, #tpu.memory_space<semaphore_mem>>) src(%arg12 : memref<80xf32, #tpu.memory_space<vmem>>) dst(%dma_wait3A_302 : memref<10240xf32, #tpu.memory_space<vmem_shared>>)
      %add3A_303 = arith.constant 1 : i32
      %add3A_304 = arith.addi %mul3A_235, %add3A_303 : i32
      %get3A_305 = arith.index_cast %add3A_304 : i32 to index
      %get3A_306 = arith.constant 0 : index
      %get3A_307 = tpu.vector_load %arg7[%get3A_305, %get3A_306] {strides = array<i32>} : memref<125x80xi32, #tpu.memory_space<vmem>>, vector<16xi32>,
      %gather3A_308 = tpu.vector_load_idx %arg10[%get3A_307] : memref<10000xf32, #tpu.memory_space<vmem>>[vector<16xi32>], vector<16xf32>,
      %get3A_309 = arith.index_cast %add3A_304 : i32 to index
      %get3A_310 = arith.constant 0 : index
      %get3A_311 = tpu.vector_load %arg9[%get3A_309, %get3A_310] {strides = array<i32>} : memref<125x80xf32, #tpu.memory_space<vmem>>, vector<16xf32>,
      %mul3A_312 = arith.mulf %get3A_311, %gather3A_308 : vector<16xf32>
      %swap3A_313 = arith.constant 0 : index
      %swap3A_314 = tpu.vector_load %arg12[%swap3A_313] {strides = array<i32>} : memref<80xf32, #tpu.memory_space<vmem>>, vector<16xf32>,
      tpu.vector_store %arg12[%swap3A_313], %mul3A_312 {strides = array<i32>} : memref<80xf32, #tpu.memory_space<vmem>>, vector<16xf32>,
      %get3A_315 = arith.index_cast %add3A_304 : i32 to index
      %get3A_316 = arith.constant 16 : index
      %get3A_317 = tpu.vector_load %arg7[%get3A_315, %get3A_316] {strides = array<i32>} : memref<125x80xi32, #tpu.memory_space<vmem>>, vector<16xi32>,
      %gather3A_318 = tpu.vector_load_idx %arg10[%get3A_317] : memref<10000xf32, #tpu.memory_space<vmem>>[vector<16xi32>], vector<16xf32>,
      %get3A_319 = arith.index_cast %add3A_304 : i32 to index
      %get3A_320 = arith.constant 16 : index
      %get3A_321 = tpu.vector_load %arg9[%get3A_319, %get3A_320] {strides = array<i32>} : memref<125x80xf32, #tpu.memory_space<vmem>>, vector<16xf32>,
      %mul3A_322 = arith.mulf %get3A_321, %gather3A_318 : vector<16xf32>
      %swap3A_323 = arith.constant 16 : index
      %swap3A_324 = tpu.vector_load %arg12[%swap3A_323] {strides = array<i32>} : memref<80xf32, #tpu.memory_space<vmem>>, vector<16xf32>,
      tpu.vector_store %arg12[%swap3A_323], %mul3A_322 {strides = array<i32>} : memref<80xf32, #tpu.memory_space<vmem>>, vector<16xf32>,
      %get3A_325 = arith.index_cast %add3A_304 : i32 to index
      %get3A_326 = arith.constant 32 : index
      %get3A_327 = tpu.vector_load %arg7[%get3A_325, %get3A_326] {strides = array<i32>} : memref<125x80xi32, #tpu.memory_space<vmem>>, vector<16xi32>,
      %gather3A_328 = tpu.vector_load_idx %arg10[%get3A_327] : memref<10000xf32, #tpu.memory_space<vmem>>[vector<16xi32>], vector<16xf32>,
      %get3A_329 = arith.index_cast %add3A_304 : i32 to index
      %get3A_330 = arith.constant 32 : index
      %get3A_331 = tpu.vector_load %arg9[%get3A_329, %get3A_330] {strides = array<i32>} : memref<125x80xf32, #tpu.memory_space<vmem>>, vector<16xf32>,
      %mul3A_332 = arith.mulf %get3A_331, %gather3A_328 : vector<16xf32>
      %swap3A_333 = arith.constant 32 : index
      %swap3A_334 = tpu.vector_load %arg12[%swap3A_333] {strides = array<i32>} : memref<80xf32, #tpu.memory_space<vmem>>, vector<16xf32>,
      tpu.vector_store %arg12[%swap3A_333], %mul3A_332 {strides = array<i32>} : memref<80xf32, #tpu.memory_space<vmem>>, vector<16xf32>,
      %get3A_335 = arith.index_cast %add3A_304 : i32 to index
      %get3A_336 = arith.constant 48 : index
      %get3A_337 = tpu.vector_load %arg7[%get3A_335, %get3A_336] {strides = array<i32>} : memref<125x80xi32, #tpu.memory_space<vmem>>, vector<16xi32>,
      %gather3A_338 = tpu.vector_load_idx %arg10[%get3A_337] : memref<10000xf32, #tpu.memory_space<vmem>>[vector<16xi32>], vector<16xf32>,
      %get3A_339 = arith.index_cast %add3A_304 : i32 to index
      %get3A_340 = arith.constant 48 : index
      %get3A_341 = tpu.vector_load %arg9[%get3A_339, %get3A_340] {strides = array<i32>} : memref<125x80xf32, #tpu.memory_space<vmem>>, vector<16xf32>,
      %mul3A_342 = arith.mulf %get3A_341, %gather3A_338 : vector<16xf32>
      %swap3A_343 = arith.constant 48 : index
      %swap3A_344 = tpu.vector_load %arg12[%swap3A_343] {strides = array<i32>} : memref<80xf32, #tpu.memory_space<vmem>>, vector<16xf32>,
      tpu.vector_store %arg12[%swap3A_343], %mul3A_342 {strides = array<i32>} : memref<80xf32, #tpu.memory_space<vmem>>, vector<16xf32>,
      %get3A_345 = arith.index_cast %add3A_304 : i32 to index
      %get3A_346 = arith.constant 64 : index
      %get3A_347 = tpu.vector_load %arg7[%get3A_345, %get3A_346] {strides = array<i32>} : memref<125x80xi32, #tpu.memory_space<vmem>>, vector<16xi32>,
      %gather3A_348 = tpu.vector_load_idx %arg10[%get3A_347] : memref<10000xf32, #tpu.memory_space<vmem>>[vector<16xi32>], vector<16xf32>,
      %get3A_349 = arith.index_cast %add3A_304 : i32 to index
      %get3A_350 = arith.constant 64 : index
      %get3A_351 = tpu.vector_load %arg9[%get3A_349, %get3A_350] {strides = array<i32>} : memref<125x80xf32, #tpu.memory_space<vmem>>, vector<16xf32>,
      %mul3A_352 = arith.mulf %get3A_351, %gather3A_348 : vector<16xf32>
      %swap3A_353 = arith.constant 64 : index
      %swap3A_354 = tpu.vector_load %arg12[%swap3A_353] {strides = array<i32>} : memref<80xf32, #tpu.memory_space<vmem>>, vector<16xf32>,
      tpu.vector_store %arg12[%swap3A_353], %mul3A_352 {strides = array<i32>} : memref<80xf32, #tpu.memory_space<vmem>>, vector<16xf32>,
      %add3A_355 = arith.constant 1 : i32
      %add3A_356 = arith.addi %mul3A_235, %add3A_355 : i32
      %dma_start3A_357 = arith.constant 0 : i32
      %dma_start3A_358 = tpu.memref_slice %arg8[%add3A_356, %dma_start3A_357] : memref<125x80xi32, #tpu.memory_space<vmem>> -> memref<1x80xi32, #tpu.memory_space<vmem>>
      %dma_start3A_359 = tpu.memref_squeeze %dma_start3A_358 : memref<1x80xi32, #tpu.memory_space<vmem>> -> memref<80xi32, #tpu.memory_space<vmem>>
      %dma_start3A_360 = arith.constant 0 : i32
      %dma_start3A_361 = tpu.memref_slice %arg14[%dma_start3A_360] : memref<10240xf32, #tpu.memory_space<vmem_shared>> -> memref<10240xf32, #tpu.memory_space<vmem_shared>>
      tpu.enqueue_indirect_dma source(%arg12 : memref<80xf32, #tpu.memory_space<vmem>>) target(%dma_start3A_361 : memref<10240xf32, #tpu.memory_space<vmem_shared>>) offsets(%dma_start3A_359 : memref<80xi32, #tpu.memory_space<vmem>>) semaphore(%arg16 : memref<!tpu.dma_semaphore, #tpu.memory_space<semaphore_mem>>) {add = true}
    }
    %scan3A_144 = arith.constant 61 : i32
    %dma_wait3A = arith.constant 0 : i32
    %dma_wait3A_145 = arith.constant 0 : i32
    %dma_wait3A_146 = tpu.memref_slice %arg8[%dma_wait3A, %dma_wait3A_145] : memref<125x80xi32, #tpu.memory_space<vmem>> -> memref<1x80xi32, #tpu.memory_space<vmem>>
    %dma_wait3A_147 = tpu.memref_squeeze %dma_wait3A_146 : memref<1x80xi32, #tpu.memory_space<vmem>> -> memref<80xi32, #tpu.memory_space<vmem>>
    %dma_wait3A_148 = arith.constant 0 : i32
    %dma_wait3A_149 = tpu.memref_slice %arg14[%dma_wait3A_148] : memref<10240xf32, #tpu.memory_space<vmem_shared>> -> memref<10240xf32, #tpu.memory_space<vmem_shared>>
    tpu.wait_indirect_dma semaphore(%arg15 : memref<!tpu.dma_semaphore, #tpu.memory_space<semaphore_mem>>) src(%arg11 : memref<80xf32, #tpu.memory_space<vmem>>) dst(%dma_wait3A_149 : memref<10240xf32, #tpu.memory_space<vmem_shared>>)
    %get3A_150 = arith.constant 124 : i32
    %get3A_151 = arith.index_cast %get3A_150 : i32 to index
    %get3A_152 = arith.constant 0 : index
    %get3A_153 = tpu.vector_load %arg7[%get3A_151, %get3A_152] {strides = array<i32>} : memref<125x80xi32, #tpu.memory_space<vmem>>, vector<16xi32>,
    %gather3A_154 = tpu.vector_load_idx %arg10[%get3A_153] : memref<10000xf32, #tpu.memory_space<vmem>>[vector<16xi32>], vector<16xf32>,
    %get3A_155 = arith.constant 124 : i32
    %get3A_156 = arith.index_cast %get3A_155 : i32 to index
    %get3A_157 = arith.constant 0 : index
    %get3A_158 = tpu.vector_load %arg9[%get3A_156, %get3A_157] {strides = array<i32>} : memref<125x80xf32, #tpu.memory_space<vmem>>, vector<16xf32>,
    %mul3A_159 = arith.mulf %get3A_158, %gather3A_154 : vector<16xf32>
    %swap3A_160 = arith.constant 0 : index
    %swap3A_161 = tpu.vector_load %arg11[%swap3A_160] {strides = array<i32>} : memref<80xf32, #tpu.memory_space<vmem>>, vector<16xf32>,
    tpu.vector_store %arg11[%swap3A_160], %mul3A_159 {strides = array<i32>} : memref<80xf32, #tpu.memory_space<vmem>>, vector<16xf32>,
    %get3A_162 = arith.constant 124 : i32
    %get3A_163 = arith.index_cast %get3A_162 : i32 to index
    %get3A_164 = arith.constant 16 : index
    %get3A_165 = tpu.vector_load %arg7[%get3A_163, %get3A_164] {strides = array<i32>} : memref<125x80xi32, #tpu.memory_space<vmem>>, vector<16xi32>,
    %gather3A_166 = tpu.vector_load_idx %arg10[%get3A_165] : memref<10000xf32, #tpu.memory_space<vmem>>[vector<16xi32>], vector<16xf32>,
    %get3A_167 = arith.constant 124 : i32
    %get3A_168 = arith.index_cast %get3A_167 : i32 to index
    %get3A_169 = arith.constant 16 : index
    %get3A_170 = tpu.vector_load %arg9[%get3A_168, %get3A_169] {strides = array<i32>} : memref<125x80xf32, #tpu.memory_space<vmem>>, vector<16xf32>,
    %mul3A_171 = arith.mulf %get3A_170, %gather3A_166 : vector<16xf32>
    %swap3A_172 = arith.constant 16 : index
    %swap3A_173 = tpu.vector_load %arg11[%swap3A_172] {strides = array<i32>} : memref<80xf32, #tpu.memory_space<vmem>>, vector<16xf32>,
    tpu.vector_store %arg11[%swap3A_172], %mul3A_171 {strides = array<i32>} : memref<80xf32, #tpu.memory_space<vmem>>, vector<16xf32>,
    %get3A_174 = arith.constant 124 : i32
    %get3A_175 = arith.index_cast %get3A_174 : i32 to index
    %get3A_176 = arith.constant 32 : index
    %get3A_177 = tpu.vector_load %arg7[%get3A_175, %get3A_176] {strides = array<i32>} : memref<125x80xi32, #tpu.memory_space<vmem>>, vector<16xi32>,
    %gather3A_178 = tpu.vector_load_idx %arg10[%get3A_177] : memref<10000xf32, #tpu.memory_space<vmem>>[vector<16xi32>], vector<16xf32>,
    %get3A_179 = arith.constant 124 : i32
    %get3A_180 = arith.index_cast %get3A_179 : i32 to index
    %get3A_181 = arith.constant 32 : index
    %get3A_182 = tpu.vector_load %arg9[%get3A_180, %get3A_181] {strides = array<i32>} : memref<125x80xf32, #tpu.memory_space<vmem>>, vector<16xf32>,
    %mul3A_183 = arith.mulf %get3A_182, %gather3A_178 : vector<16xf32>
    %swap3A_184 = arith.constant 32 : index
    %swap3A_185 = tpu.vector_load %arg11[%swap3A_184] {strides = array<i32>} : memref<80xf32, #tpu.memory_space<vmem>>, vector<16xf32>,
    tpu.vector_store %arg11[%swap3A_184], %mul3A_183 {strides = array<i32>} : memref<80xf32, #tpu.memory_space<vmem>>, vector<16xf32>,
    %get3A_186 = arith.constant 124 : i32
    %get3A_187 = arith.index_cast %get3A_186 : i32 to index
    %get3A_188 = arith.constant 48 : index
    %get3A_189 = tpu.vector_load %arg7[%get3A_187, %get3A_188] {strides = array<i32>} : memref<125x80xi32, #tpu.memory_space<vmem>>, vector<16xi32>,
    %gather3A_190 = tpu.vector_load_idx %arg10[%get3A_189] : memref<10000xf32, #tpu.memory_space<vmem>>[vector<16xi32>], vector<16xf32>,
    %get3A_191 = arith.constant 124 : i32
    %get3A_192 = arith.index_cast %get3A_191 : i32 to index
    %get3A_193 = arith.constant 48 : index
    %get3A_194 = tpu.vector_load %arg9[%get3A_192, %get3A_193] {strides = array<i32>} : memref<125x80xf32, #tpu.memory_space<vmem>>, vector<16xf32>,
    %mul3A_195 = arith.mulf %get3A_194, %gather3A_190 : vector<16xf32>
    %swap3A_196 = arith.constant 48 : index
    %swap3A_197 = tpu.vector_load %arg11[%swap3A_196] {strides = array<i32>} : memref<80xf32, #tpu.memory_space<vmem>>, vector<16xf32>,
    tpu.vector_store %arg11[%swap3A_196], %mul3A_195 {strides = array<i32>} : memref<80xf32, #tpu.memory_space<vmem>>, vector<16xf32>,
    %get3A_198 = arith.constant 124 : i32
    %get3A_199 = arith.index_cast %get3A_198 : i32 to index
    %get3A_200 = arith.constant 64 : index
    %get3A_201 = tpu.vector_load %arg7[%get3A_199, %get3A_200] {strides = array<i32>} : memref<125x80xi32, #tpu.memory_space<vmem>>, vector<16xi32>,
    %gather3A_202 = tpu.vector_load_idx %arg10[%get3A_201] : memref<10000xf32, #tpu.memory_space<vmem>>[vector<16xi32>], vector<16xf32>,
    %get3A_203 = arith.constant 124 : i32
    %get3A_204 = arith.index_cast %get3A_203 : i32 to index
    %get3A_205 = arith.constant 64 : index
    %get3A_206 = tpu.vector_load %arg9[%get3A_204, %get3A_205] {strides = array<i32>} : memref<125x80xf32, #tpu.memory_space<vmem>>, vector<16xf32>,
    %mul3A_207 = arith.mulf %get3A_206, %gather3A_202 : vector<16xf32>
    %swap3A_208 = arith.constant 64 : index
    %swap3A_209 = tpu.vector_load %arg11[%swap3A_208] {strides = array<i32>} : memref<80xf32, #tpu.memory_space<vmem>>, vector<16xf32>,
    tpu.vector_store %arg11[%swap3A_208], %mul3A_207 {strides = array<i32>} : memref<80xf32, #tpu.memory_space<vmem>>, vector<16xf32>,
    %dma_start3A_210 = arith.constant 124 : i32
    %dma_start3A_211 = arith.constant 0 : i32
    %dma_start3A_212 = tpu.memref_slice %arg8[%dma_start3A_210, %dma_start3A_211] : memref<125x80xi32, #tpu.memory_space<vmem>> -> memref<1x80xi32, #tpu.memory_space<vmem>>
    %dma_start3A_213 = tpu.memref_squeeze %dma_start3A_212 : memref<1x80xi32, #tpu.memory_space<vmem>> -> memref<80xi32, #tpu.memory_space<vmem>>
    %dma_start3A_214 = arith.constant 0 : i32
    %dma_start3A_215 = tpu.memref_slice %arg14[%dma_start3A_214] : memref<10240xf32, #tpu.memory_space<vmem_shared>> -> memref<10240xf32, #tpu.memory_space<vmem_shared>>
    tpu.enqueue_indirect_dma source(%arg11 : memref<80xf32, #tpu.memory_space<vmem>>) target(%dma_start3A_215 : memref<10240xf32, #tpu.memory_space<vmem_shared>>) offsets(%dma_start3A_213 : memref<80xi32, #tpu.memory_space<vmem>>) semaphore(%arg15 : memref<!tpu.dma_semaphore, #tpu.memory_space<semaphore_mem>>) {add = true}
    %dma_wait3A_216 = arith.constant 0 : i32
    %dma_wait3A_217 = arith.constant 0 : i32
    %dma_wait3A_218 = tpu.memref_slice %arg8[%dma_wait3A_216, %dma_wait3A_217] : memref<125x80xi32, #tpu.memory_space<vmem>> -> memref<1x80xi32, #tpu.memory_space<vmem>>
    %dma_wait3A_219 = tpu.memref_squeeze %dma_wait3A_218 : memref<1x80xi32, #tpu.memory_space<vmem>> -> memref<80xi32, #tpu.memory_space<vmem>>
    %dma_wait3A_220 = arith.constant 0 : i32
    %dma_wait3A_221 = tpu.memref_slice %arg14[%dma_wait3A_220] : memref<10240xf32, #tpu.memory_space<vmem_shared>> -> memref<10240xf32, #tpu.memory_space<vmem_shared>>
    tpu.wait_indirect_dma semaphore(%arg15 : memref<!tpu.dma_semaphore, #tpu.memory_space<semaphore_mem>>) src(%arg11 : memref<80xf32, #tpu.memory_space<vmem>>) dst(%dma_wait3A_221 : memref<10240xf32, #tpu.memory_space<vmem_shared>>)
    %dma_wait3A_222 = arith.constant 0 : i32
    %dma_wait3A_223 = arith.constant 0 : i32
    %dma_wait3A_224 = tpu.memref_slice %arg8[%dma_wait3A_222, %dma_wait3A_223] : memref<125x80xi32, #tpu.memory_space<vmem>> -> memref<1x80xi32, #tpu.memory_space<vmem>>
    %dma_wait3A_225 = tpu.memref_squeeze %dma_wait3A_224 : memref<1x80xi32, #tpu.memory_space<vmem>> -> memref<80xi32, #tpu.memory_space<vmem>>
    %dma_wait3A_226 = arith.constant 0 : i32
    %dma_wait3A_227 = tpu.memref_slice %arg14[%dma_wait3A_226] : memref<10240xf32, #tpu.memory_space<vmem_shared>> -> memref<10240xf32, #tpu.memory_space<vmem_shared>>
    tpu.wait_indirect_dma semaphore(%arg16 : memref<!tpu.dma_semaphore, #tpu.memory_space<semaphore_mem>>) src(%arg12 : memref<80xf32, #tpu.memory_space<vmem>>) dst(%dma_wait3A_227 : memref<10240xf32, #tpu.memory_space<vmem_shared>>)
    %barrier3A_228 = arith.constant 0 : index
    tpu.barrier barrier_id(%barrier3A_228)
    %mul3A_229 = arith.constant 640 : i32
    %mul3A_230 = arith.muli %arg1, %mul3A_229 : i32
    %mul3A_231 = arith.constant 640 : i32
    %mul3A_232 = arith.muli %arg1, %mul3A_231 : i32
    "tpu.region"() ({
      %run_scoped3A = tpu.sem_alloc : memref<!tpu.dma_semaphore, #tpu.memory_space<semaphore_mem>>
      %dma_start3A_233 = tpu.memref_slice %arg6[%arg0, %mul3A_232] : memref<2x10240xf32, #tpu.memory_space<hbm>> -> memref<1x640xf32, #tpu.memory_space<hbm>>
      %dma_start3A_234 = tpu.memref_squeeze %dma_start3A_233 : memref<1x640xf32, #tpu.memory_space<hbm>> -> memref<640xf32, #tpu.memory_space<hbm>>
      %dma_start3A_235 = tpu.memref_slice %arg14[%mul3A_230] : memref<10240xf32, #tpu.memory_space<vmem_shared>> -> memref<640xf32, #tpu.memory_space<vmem_shared>>
      tpu.enqueue_dma source(%dma_start3A_235 : memref<640xf32, #tpu.memory_space<vmem_shared>>) target(%dma_start3A_234 : memref<640xf32, #tpu.memory_space<hbm>>) target_semaphore(%run_scoped3A : memref<!tpu.dma_semaphore, #tpu.memory_space<semaphore_mem>>)
      %dma_wait3A_236 = tpu.memref_slice %arg6[%arg0, %mul3A_232] : memref<2x10240xf32, #tpu.memory_space<hbm>> -> memref<1x640xf32, #tpu.memory_space<hbm>>
      %dma_wait3A_237 = tpu.memref_squeeze %dma_wait3A_236 : memref<1x640xf32, #tpu.memory_space<hbm>> -> memref<640xf32, #tpu.memory_space<hbm>>
      %dma_wait3A_238 = tpu.memref_slice %arg14[%mul3A_230] : memref<10240xf32, #tpu.memory_space<vmem_shared>> -> memref<640xf32, #tpu.memory_space<vmem_shared>>
      tpu.wait_dma2 semaphore(%run_scoped3A : memref<!tpu.dma_semaphore, #tpu.memory_space<semaphore_mem>>) src(%dma_wait3A_238 : memref<640xf32, #tpu.memory_space<vmem_shared>>) dst(%dma_wait3A_237 : memref<640xf32, #tpu.memory_space<hbm>>)
      tpu.yield
    }) : () -> ()
    return
  }
}

#map = affine_map<(d0, d1) -> (0, 0)>
#map1 = affine_map<(d0, d1) -> (0, 0, 0)>
module attributes {stable_mosaic.version = 14 : i64} {
  func.func @_conv_kernel(%arg0: i32, %arg1: i32, %arg2: memref<4000x80xi32, #tpu.memory_space<hbm>>, %arg3: memref<4000x80xf32, #tpu.memory_space<hbm>>, %arg4: memref<10000x128xbf16, #tpu.memory_space<hbm>>, %arg5: memref<2x10000x128xf32, #tpu.memory_space<hbm>>, %arg6: memref<125x80xi32, #tpu.memory_space<vmem>>, %arg7: memref<125x80xf32, #tpu.memory_space<vmem>>, %arg8: memref<80x128xbf16, #tpu.memory_space<vmem>>, %arg9: memref<80x128xbf16, #tpu.memory_space<vmem>>, %arg10: memref<80x128xbf16, #tpu.memory_space<vmem>>, %arg11: memref<80x128xf32, #tpu.memory_space<vmem>>, %arg12: memref<80xi32, #tpu.memory_space<vmem>>, %arg13: memref<80xi32, #tpu.memory_space<vmem>>, %arg14: memref<80xi32, #tpu.memory_space<vmem>>, %arg15: memref<80xi32, #tpu.memory_space<vmem>>, %arg16: memref<10000x128xf32, #tpu.memory_space<vmem_shared>>, %arg17: memref<!tpu.dma_semaphore, #tpu.memory_space<semaphore_mem>>, %arg18: memref<!tpu.dma_semaphore, #tpu.memory_space<semaphore_mem>>, %arg19: memref<!tpu.dma_semaphore, #tpu.memory_space<semaphore_mem>>, %arg20: memref<!tpu.dma_semaphore, #tpu.memory_space<semaphore_mem>>) attributes {dimension_semantics = [#tpu.dimension_semantics<core_parallel>, #tpu.dimension_semantics<subcore_parallel>], iteration_bounds = array<i64: 2, 16>, scalar_prefetch = 0 : i64, scratch_operands = 15 : i64, tpu.core_type = #tpu.core_type<sc_vector_subcore>, window_params = [{transform_indices = #map}, {transform_indices = #map}, {transform_indices = #map}, {transform_indices = #map1}]} {
    %mul3A = arith.constant 16 : i32
    %mul3A_0 = arith.muli %arg0, %mul3A : i32
    %add3A = arith.addi %mul3A_0, %arg1 : i32
    %broadcast_in_dim3A = arith.constant 0.000000e+00 : f32
    %broadcast_in_dim3A_1 = vector.broadcast %broadcast_in_dim3A : f32 to vector<16xf32>
    %broadcast_in_dim3A_2 = arith.constant 0 : i32
    %broadcast_in_dim3A_3 = vector.broadcast %broadcast_in_dim3A_2 : i32 to vector<16xi32>
    %scan3A = arith.constant 0 : i32
    %scan3A_4 = arith.constant 0 : i32
    %scan3A_5 = arith.constant 80 : i32
    %scan3A_6 = arith.addi %scan3A_4, %scan3A_5 : i32
    %scan3A_7 = arith.constant 1 : i32
    scf.for %scan3A_306 = %scan3A_4 to %scan3A_6 step %scan3A_7  : i32 {
      %swap3A_307 = arith.index_cast %scan3A_306 : i32 to index
      %swap3A_308 = arith.constant 0 : index
      %swap3A_309 = tpu.vector_load %arg11[%swap3A_307, %swap3A_308] {strides = array<i32>} : memref<80x128xf32, #tpu.memory_space<vmem>>, vector<16xf32>,
      tpu.vector_store %arg11[%swap3A_307, %swap3A_308], %broadcast_in_dim3A_1 {strides = array<i32>} : memref<80x128xf32, #tpu.memory_space<vmem>>, vector<16xf32>,
      %swap3A_310 = arith.index_cast %scan3A_306 : i32 to index
      %swap3A_311 = arith.constant 16 : index
      %swap3A_312 = tpu.vector_load %arg11[%swap3A_310, %swap3A_311] {strides = array<i32>} : memref<80x128xf32, #tpu.memory_space<vmem>>, vector<16xf32>,
      tpu.vector_store %arg11[%swap3A_310, %swap3A_311], %broadcast_in_dim3A_1 {strides = array<i32>} : memref<80x128xf32, #tpu.memory_space<vmem>>, vector<16xf32>,
      %swap3A_313 = arith.index_cast %scan3A_306 : i32 to index
      %swap3A_314 = arith.constant 32 : index
      %swap3A_315 = tpu.vector_load %arg11[%swap3A_313, %swap3A_314] {strides = array<i32>} : memref<80x128xf32, #tpu.memory_space<vmem>>, vector<16xf32>,
      tpu.vector_store %arg11[%swap3A_313, %swap3A_314], %broadcast_in_dim3A_1 {strides = array<i32>} : memref<80x128xf32, #tpu.memory_space<vmem>>, vector<16xf32>,
      %swap3A_316 = arith.index_cast %scan3A_306 : i32 to index
      %swap3A_317 = arith.constant 48 : index
      %swap3A_318 = tpu.vector_load %arg11[%swap3A_316, %swap3A_317] {strides = array<i32>} : memref<80x128xf32, #tpu.memory_space<vmem>>, vector<16xf32>,
      tpu.vector_store %arg11[%swap3A_316, %swap3A_317], %broadcast_in_dim3A_1 {strides = array<i32>} : memref<80x128xf32, #tpu.memory_space<vmem>>, vector<16xf32>,
      %swap3A_319 = arith.index_cast %scan3A_306 : i32 to index
      %swap3A_320 = arith.constant 64 : index
      %swap3A_321 = tpu.vector_load %arg11[%swap3A_319, %swap3A_320] {strides = array<i32>} : memref<80x128xf32, #tpu.memory_space<vmem>>, vector<16xf32>,
      tpu.vector_store %arg11[%swap3A_319, %swap3A_320], %broadcast_in_dim3A_1 {strides = array<i32>} : memref<80x128xf32, #tpu.memory_space<vmem>>, vector<16xf32>,
      %swap3A_322 = arith.index_cast %scan3A_306 : i32 to index
      %swap3A_323 = arith.constant 80 : index
      %swap3A_324 = tpu.vector_load %arg11[%swap3A_322, %swap3A_323] {strides = array<i32>} : memref<80x128xf32, #tpu.memory_space<vmem>>, vector<16xf32>,
      tpu.vector_store %arg11[%swap3A_322, %swap3A_323], %broadcast_in_dim3A_1 {strides = array<i32>} : memref<80x128xf32, #tpu.memory_space<vmem>>, vector<16xf32>,
      %swap3A_325 = arith.index_cast %scan3A_306 : i32 to index
      %swap3A_326 = arith.constant 96 : index
      %swap3A_327 = tpu.vector_load %arg11[%swap3A_325, %swap3A_326] {strides = array<i32>} : memref<80x128xf32, #tpu.memory_space<vmem>>, vector<16xf32>,
      tpu.vector_store %arg11[%swap3A_325, %swap3A_326], %broadcast_in_dim3A_1 {strides = array<i32>} : memref<80x128xf32, #tpu.memory_space<vmem>>, vector<16xf32>,
      %swap3A_328 = arith.index_cast %scan3A_306 : i32 to index
      %swap3A_329 = arith.constant 112 : index
      %swap3A_330 = tpu.vector_load %arg11[%swap3A_328, %swap3A_329] {strides = array<i32>} : memref<80x128xf32, #tpu.memory_space<vmem>>, vector<16xf32>,
      tpu.vector_store %arg11[%swap3A_328, %swap3A_329], %broadcast_in_dim3A_1 {strides = array<i32>} : memref<80x128xf32, #tpu.memory_space<vmem>>, vector<16xf32>,
    }
    %scan3A_8 = arith.constant 80 : i32
    %scan3A_9 = arith.constant 0 : i32
    %scan3A_10 = arith.constant 0 : i32
    %scan3A_11 = arith.constant 7 : i32
    %scan3A_12 = arith.addi %scan3A_10, %scan3A_11 : i32
    %scan3A_13 = arith.constant 1 : i32
    scf.for %scan3A_306 = %scan3A_10 to %scan3A_12 step %scan3A_13  : i32 {
      %mul3A_307 = arith.constant 625 : i32
      %mul3A_308 = arith.muli %arg1, %mul3A_307 : i32
      %mul3A_309 = arith.constant 80 : i32
      %mul3A_310 = arith.muli %scan3A_306, %mul3A_309 : i32
      %add3A_311 = arith.addi %mul3A_308, %mul3A_310 : i32
      "tpu.region"() ({
        %run_scoped3A = tpu.sem_alloc : memref<!tpu.dma_semaphore, #tpu.memory_space<semaphore_mem>>
        %dma_start3A_312 = arith.constant 0 : i32
        %dma_start3A_313 = tpu.memref_slice %arg16[%add3A_311, %dma_start3A_312] : memref<10000x128xf32, #tpu.memory_space<vmem_shared>> -> memref<80x128xf32, #tpu.memory_space<vmem_shared>>
        %dma_start3A_314 = arith.constant 0 : i32
        %dma_start3A_315 = tpu.memref_slice %arg16[%add3A_311, %dma_start3A_314] : memref<10000x128xf32, #tpu.memory_space<vmem_shared>> -> memref<80x128xf32, #tpu.memory_space<vmem_shared>>
        tpu.enqueue_dma source(%arg11 : memref<80x128xf32, #tpu.memory_space<vmem>>) target(%dma_start3A_315 : memref<80x128xf32, #tpu.memory_space<vmem_shared>>) target_semaphore(%run_scoped3A : memref<!tpu.dma_semaphore, #tpu.memory_space<semaphore_mem>>)
        %dma_wait3A_316 = arith.constant 0 : i32
        %dma_wait3A_317 = tpu.memref_slice %arg16[%add3A_311, %dma_wait3A_316] : memref<10000x128xf32, #tpu.memory_space<vmem_shared>> -> memref<80x128xf32, #tpu.memory_space<vmem_shared>>
        %dma_wait3A_318 = arith.constant 0 : i32
        %dma_wait3A_319 = tpu.memref_slice %arg16[%add3A_311, %dma_wait3A_318] : memref<10000x128xf32, #tpu.memory_space<vmem_shared>> -> memref<80x128xf32, #tpu.memory_space<vmem_shared>>
        tpu.wait_dma2 semaphore(%run_scoped3A : memref<!tpu.dma_semaphore, #tpu.memory_space<semaphore_mem>>) src(%arg11 : memref<80x128xf32, #tpu.memory_space<vmem>>) dst(%dma_wait3A_319 : memref<80x128xf32, #tpu.memory_space<vmem_shared>>)
        tpu.yield
      }) : () -> ()
    }
    %scan3A_14 = arith.constant 7 : i32
    %mul3A_15 = arith.constant 625 : i32
    %mul3A_16 = arith.muli %arg1, %mul3A_15 : i32
    %add3A_17 = arith.constant 560 : i32
    %add3A_18 = arith.addi %mul3A_16, %add3A_17 : i32
    "tpu.region"() ({
      %run_scoped3A = tpu.sem_alloc : memref<!tpu.dma_semaphore, #tpu.memory_space<semaphore_mem>>
      %dma_start3A_306 = arith.constant 0 : i32
      %dma_start3A_307 = arith.constant 0 : i32
      %dma_start3A_308 = tpu.memref_slice %arg11[%dma_start3A_306, %dma_start3A_307] : memref<80x128xf32, #tpu.memory_space<vmem>> -> memref<65x128xf32, #tpu.memory_space<vmem>>
      %dma_start3A_309 = arith.constant 0 : i32
      %dma_start3A_310 = tpu.memref_slice %arg16[%add3A_18, %dma_start3A_309] : memref<10000x128xf32, #tpu.memory_space<vmem_shared>> -> memref<65x128xf32, #tpu.memory_space<vmem_shared>>
      %dma_start3A_311 = arith.constant 0 : i32
      %dma_start3A_312 = tpu.memref_slice %arg16[%add3A_18, %dma_start3A_311] : memref<10000x128xf32, #tpu.memory_space<vmem_shared>> -> memref<65x128xf32, #tpu.memory_space<vmem_shared>>
      %dma_start3A_313 = arith.constant 0 : i32
      %dma_start3A_314 = arith.constant 0 : i32
      %dma_start3A_315 = tpu.memref_slice %arg11[%dma_start3A_313, %dma_start3A_314] : memref<80x128xf32, #tpu.memory_space<vmem>> -> memref<65x128xf32, #tpu.memory_space<vmem>>
      tpu.enqueue_dma source(%dma_start3A_315 : memref<65x128xf32, #tpu.memory_space<vmem>>) target(%dma_start3A_312 : memref<65x128xf32, #tpu.memory_space<vmem_shared>>) target_semaphore(%run_scoped3A : memref<!tpu.dma_semaphore, #tpu.memory_space<semaphore_mem>>)
      %dma_wait3A_316 = arith.constant 0 : i32
      %dma_wait3A_317 = arith.constant 0 : i32
      %dma_wait3A_318 = tpu.memref_slice %arg11[%dma_wait3A_316, %dma_wait3A_317] : memref<80x128xf32, #tpu.memory_space<vmem>> -> memref<65x128xf32, #tpu.memory_space<vmem>>
      %dma_wait3A_319 = arith.constant 0 : i32
      %dma_wait3A_320 = tpu.memref_slice %arg16[%add3A_18, %dma_wait3A_319] : memref<10000x128xf32, #tpu.memory_space<vmem_shared>> -> memref<65x128xf32, #tpu.memory_space<vmem_shared>>
      %dma_wait3A_321 = arith.constant 0 : i32
      %dma_wait3A_322 = tpu.memref_slice %arg16[%add3A_18, %dma_wait3A_321] : memref<10000x128xf32, #tpu.memory_space<vmem_shared>> -> memref<65x128xf32, #tpu.memory_space<vmem_shared>>
      %dma_wait3A_323 = arith.constant 0 : i32
      %dma_wait3A_324 = arith.constant 0 : i32
      %dma_wait3A_325 = tpu.memref_slice %arg11[%dma_wait3A_323, %dma_wait3A_324] : memref<80x128xf32, #tpu.memory_space<vmem>> -> memref<65x128xf32, #tpu.memory_space<vmem>>
      tpu.wait_dma2 semaphore(%run_scoped3A : memref<!tpu.dma_semaphore, #tpu.memory_space<semaphore_mem>>) src(%dma_wait3A_325 : memref<65x128xf32, #tpu.memory_space<vmem>>) dst(%dma_wait3A_322 : memref<65x128xf32, #tpu.memory_space<vmem_shared>>)
      tpu.yield
    }) : () -> ()
    %barrier3A = arith.constant 0 : index
    tpu.barrier barrier_id(%barrier3A)
    %mul3A_19 = arith.constant 125 : i32
    %mul3A_20 = arith.muli %add3A, %mul3A_19 : i32
    "tpu.region"() ({
      %run_scoped3A = tpu.sem_alloc : memref<!tpu.dma_semaphore, #tpu.memory_space<semaphore_mem>>
      %dma_start3A_306 = arith.constant 0 : i32
      %dma_start3A_307 = tpu.memref_slice %arg2[%mul3A_20, %dma_start3A_306] : memref<4000x80xi32, #tpu.memory_space<hbm>> -> memref<125x80xi32, #tpu.memory_space<hbm>>
      %dma_start3A_308 = arith.constant 0 : i32
      %dma_start3A_309 = tpu.memref_slice %arg2[%mul3A_20, %dma_start3A_308] : memref<4000x80xi32, #tpu.memory_space<hbm>> -> memref<125x80xi32, #tpu.memory_space<hbm>>
      tpu.enqueue_dma source(%dma_start3A_309 : memref<125x80xi32, #tpu.memory_space<hbm>>) target(%arg6 : memref<125x80xi32, #tpu.memory_space<vmem>>) target_semaphore(%run_scoped3A : memref<!tpu.dma_semaphore, #tpu.memory_space<semaphore_mem>>)
      %dma_wait3A_310 = arith.constant 0 : i32
      %dma_wait3A_311 = tpu.memref_slice %arg2[%mul3A_20, %dma_wait3A_310] : memref<4000x80xi32, #tpu.memory_space<hbm>> -> memref<125x80xi32, #tpu.memory_space<hbm>>
      %dma_wait3A_312 = arith.constant 0 : i32
      %dma_wait3A_313 = tpu.memref_slice %arg2[%mul3A_20, %dma_wait3A_312] : memref<4000x80xi32, #tpu.memory_space<hbm>> -> memref<125x80xi32, #tpu.memory_space<hbm>>
      tpu.wait_dma2 semaphore(%run_scoped3A : memref<!tpu.dma_semaphore, #tpu.memory_space<semaphore_mem>>) src(%dma_wait3A_313 : memref<125x80xi32, #tpu.memory_space<hbm>>) dst(%arg6 : memref<125x80xi32, #tpu.memory_space<vmem>>)
      tpu.yield
    }) : () -> ()
    "tpu.region"() ({
      %run_scoped3A = tpu.sem_alloc : memref<!tpu.dma_semaphore, #tpu.memory_space<semaphore_mem>>
      %dma_start3A_306 = arith.constant 0 : i32
      %dma_start3A_307 = tpu.memref_slice %arg3[%mul3A_20, %dma_start3A_306] : memref<4000x80xf32, #tpu.memory_space<hbm>> -> memref<125x80xf32, #tpu.memory_space<hbm>>
      %dma_start3A_308 = arith.constant 0 : i32
      %dma_start3A_309 = tpu.memref_slice %arg3[%mul3A_20, %dma_start3A_308] : memref<4000x80xf32, #tpu.memory_space<hbm>> -> memref<125x80xf32, #tpu.memory_space<hbm>>
      tpu.enqueue_dma source(%dma_start3A_309 : memref<125x80xf32, #tpu.memory_space<hbm>>) target(%arg7 : memref<125x80xf32, #tpu.memory_space<vmem>>) target_semaphore(%run_scoped3A : memref<!tpu.dma_semaphore, #tpu.memory_space<semaphore_mem>>)
      %dma_wait3A_310 = arith.constant 0 : i32
      %dma_wait3A_311 = tpu.memref_slice %arg3[%mul3A_20, %dma_wait3A_310] : memref<4000x80xf32, #tpu.memory_space<hbm>> -> memref<125x80xf32, #tpu.memory_space<hbm>>
      %dma_wait3A_312 = arith.constant 0 : i32
      %dma_wait3A_313 = tpu.memref_slice %arg3[%mul3A_20, %dma_wait3A_312] : memref<4000x80xf32, #tpu.memory_space<hbm>> -> memref<125x80xf32, #tpu.memory_space<hbm>>
      tpu.wait_dma2 semaphore(%run_scoped3A : memref<!tpu.dma_semaphore, #tpu.memory_space<semaphore_mem>>) src(%dma_wait3A_313 : memref<125x80xf32, #tpu.memory_space<hbm>>) dst(%arg7 : memref<125x80xf32, #tpu.memory_space<vmem>>)
      tpu.yield
    }) : () -> ()
    %swap3A = arith.constant 0 : index
    %swap3A_21 = tpu.vector_load %arg15[%swap3A] {strides = array<i32>} : memref<80xi32, #tpu.memory_space<vmem>>, vector<16xi32>,
    tpu.vector_store %arg15[%swap3A], %broadcast_in_dim3A_3 {strides = array<i32>} : memref<80xi32, #tpu.memory_space<vmem>>, vector<16xi32>,
    %swap3A_22 = arith.constant 16 : index
    %swap3A_23 = tpu.vector_load %arg15[%swap3A_22] {strides = array<i32>} : memref<80xi32, #tpu.memory_space<vmem>>, vector<16xi32>,
    tpu.vector_store %arg15[%swap3A_22], %broadcast_in_dim3A_3 {strides = array<i32>} : memref<80xi32, #tpu.memory_space<vmem>>, vector<16xi32>,
    %swap3A_24 = arith.constant 32 : index
    %swap3A_25 = tpu.vector_load %arg15[%swap3A_24] {strides = array<i32>} : memref<80xi32, #tpu.memory_space<vmem>>, vector<16xi32>,
    tpu.vector_store %arg15[%swap3A_24], %broadcast_in_dim3A_3 {strides = array<i32>} : memref<80xi32, #tpu.memory_space<vmem>>, vector<16xi32>,
    %swap3A_26 = arith.constant 48 : index
    %swap3A_27 = tpu.vector_load %arg15[%swap3A_26] {strides = array<i32>} : memref<80xi32, #tpu.memory_space<vmem>>, vector<16xi32>,
    tpu.vector_store %arg15[%swap3A_26], %broadcast_in_dim3A_3 {strides = array<i32>} : memref<80xi32, #tpu.memory_space<vmem>>, vector<16xi32>,
    %swap3A_28 = arith.constant 64 : index
    %swap3A_29 = tpu.vector_load %arg15[%swap3A_28] {strides = array<i32>} : memref<80xi32, #tpu.memory_space<vmem>>, vector<16xi32>,
    tpu.vector_store %arg15[%swap3A_28], %broadcast_in_dim3A_3 {strides = array<i32>} : memref<80xi32, #tpu.memory_space<vmem>>, vector<16xi32>,
    %dma_start3A = arith.constant 0 : i32
    %dma_start3A_30 = arith.constant 0 : i32
    %dma_start3A_31 = tpu.memref_slice %arg16[%dma_start3A, %dma_start3A_30] : memref<10000x128xf32, #tpu.memory_space<vmem_shared>> -> memref<10000x128xf32, #tpu.memory_space<vmem_shared>>
    tpu.enqueue_indirect_dma source(%arg11 : memref<80x128xf32, #tpu.memory_space<vmem>>) target(%dma_start3A_31 : memref<10000x128xf32, #tpu.memory_space<vmem_shared>>) offsets(%arg15 : memref<80xi32, #tpu.memory_space<vmem>>) semaphore(%arg20 : memref<!tpu.dma_semaphore, #tpu.memory_space<semaphore_mem>>) {add = true}
    %get3A = arith.constant 0 : i32
    %get3A_32 = arith.index_cast %get3A : i32 to index
    %get3A_33 = arith.constant 0 : index
    %get3A_34 = tpu.vector_load %arg6[%get3A_32, %get3A_33] {strides = array<i32>} : memref<125x80xi32, #tpu.memory_space<vmem>>, vector<16xi32>,
    %and3A = arith.constant 16383 : i32
    %and3A_35 = vector.broadcast %and3A : i32 to vector<16xi32>
    %and3A_36 = arith.andi %get3A_34, %and3A_35 : vector<16xi32>
    %swap3A_37 = arith.constant 0 : index
    %swap3A_38 = tpu.vector_load %arg12[%swap3A_37] {strides = array<i32>} : memref<80xi32, #tpu.memory_space<vmem>>, vector<16xi32>,
    tpu.vector_store %arg12[%swap3A_37], %and3A_36 {strides = array<i32>} : memref<80xi32, #tpu.memory_space<vmem>>, vector<16xi32>,
    %get3A_39 = arith.constant 0 : i32
    %get3A_40 = arith.index_cast %get3A_39 : i32 to index
    %get3A_41 = arith.constant 16 : index
    %get3A_42 = tpu.vector_load %arg6[%get3A_40, %get3A_41] {strides = array<i32>} : memref<125x80xi32, #tpu.memory_space<vmem>>, vector<16xi32>,
    %and3A_43 = arith.constant 16383 : i32
    %and3A_44 = vector.broadcast %and3A_43 : i32 to vector<16xi32>
    %and3A_45 = arith.andi %get3A_42, %and3A_44 : vector<16xi32>
    %swap3A_46 = arith.constant 16 : index
    %swap3A_47 = tpu.vector_load %arg12[%swap3A_46] {strides = array<i32>} : memref<80xi32, #tpu.memory_space<vmem>>, vector<16xi32>,
    tpu.vector_store %arg12[%swap3A_46], %and3A_45 {strides = array<i32>} : memref<80xi32, #tpu.memory_space<vmem>>, vector<16xi32>,
    %get3A_48 = arith.constant 0 : i32
    %get3A_49 = arith.index_cast %get3A_48 : i32 to index
    %get3A_50 = arith.constant 32 : index
    %get3A_51 = tpu.vector_load %arg6[%get3A_49, %get3A_50] {strides = array<i32>} : memref<125x80xi32, #tpu.memory_space<vmem>>, vector<16xi32>,
    %and3A_52 = arith.constant 16383 : i32
    %and3A_53 = vector.broadcast %and3A_52 : i32 to vector<16xi32>
    %and3A_54 = arith.andi %get3A_51, %and3A_53 : vector<16xi32>
    %swap3A_55 = arith.constant 32 : index
    %swap3A_56 = tpu.vector_load %arg12[%swap3A_55] {strides = array<i32>} : memref<80xi32, #tpu.memory_space<vmem>>, vector<16xi32>,
    tpu.vector_store %arg12[%swap3A_55], %and3A_54 {strides = array<i32>} : memref<80xi32, #tpu.memory_space<vmem>>, vector<16xi32>,
    %get3A_57 = arith.constant 0 : i32
    %get3A_58 = arith.index_cast %get3A_57 : i32 to index
    %get3A_59 = arith.constant 48 : index
    %get3A_60 = tpu.vector_load %arg6[%get3A_58, %get3A_59] {strides = array<i32>} : memref<125x80xi32, #tpu.memory_space<vmem>>, vector<16xi32>,
    %and3A_61 = arith.constant 16383 : i32
    %and3A_62 = vector.broadcast %and3A_61 : i32 to vector<16xi32>
    %and3A_63 = arith.andi %get3A_60, %and3A_62 : vector<16xi32>
    %swap3A_64 = arith.constant 48 : index
    %swap3A_65 = tpu.vector_load %arg12[%swap3A_64] {strides = array<i32>} : memref<80xi32, #tpu.memory_space<vmem>>, vector<16xi32>,
    tpu.vector_store %arg12[%swap3A_64], %and3A_63 {strides = array<i32>} : memref<80xi32, #tpu.memory_space<vmem>>, vector<16xi32>,
    %get3A_66 = arith.constant 0 : i32
    %get3A_67 = arith.index_cast %get3A_66 : i32 to index
    %get3A_68 = arith.constant 64 : index
    %get3A_69 = tpu.vector_load %arg6[%get3A_67, %get3A_68] {strides = array<i32>} : memref<125x80xi32, #tpu.memory_space<vmem>>, vector<16xi32>,
    %and3A_70 = arith.constant 16383 : i32
    %and3A_71 = vector.broadcast %and3A_70 : i32 to vector<16xi32>
    %and3A_72 = arith.andi %get3A_69, %and3A_71 : vector<16xi32>
    %swap3A_73 = arith.constant 64 : index
    %swap3A_74 = tpu.vector_load %arg12[%swap3A_73] {strides = array<i32>} : memref<80xi32, #tpu.memory_space<vmem>>, vector<16xi32>,
    tpu.vector_store %arg12[%swap3A_73], %and3A_72 {strides = array<i32>} : memref<80xi32, #tpu.memory_space<vmem>>, vector<16xi32>,
    %dma_start3A_75 = arith.constant 0 : i32
    %dma_start3A_76 = arith.constant 0 : i32
    %dma_start3A_77 = tpu.memref_slice %arg4[%dma_start3A_75, %dma_start3A_76] : memref<10000x128xbf16, #tpu.memory_space<hbm>> -> memref<10000x128xbf16, #tpu.memory_space<hbm>>
    tpu.enqueue_indirect_dma source(%dma_start3A_77 : memref<10000x128xbf16, #tpu.memory_space<hbm>>) target(%arg8 : memref<80x128xbf16, #tpu.memory_space<vmem>>) offsets(%arg12 : memref<80xi32, #tpu.memory_space<vmem>>) semaphore(%arg17 : memref<!tpu.dma_semaphore, #tpu.memory_space<semaphore_mem>>)
    %get3A_78 = arith.constant 1 : i32
    %get3A_79 = arith.index_cast %get3A_78 : i32 to index
    %get3A_80 = arith.constant 0 : index
    %get3A_81 = tpu.vector_load %arg6[%get3A_79, %get3A_80] {strides = array<i32>} : memref<125x80xi32, #tpu.memory_space<vmem>>, vector<16xi32>,
    %and3A_82 = arith.constant 16383 : i32
    %and3A_83 = vector.broadcast %and3A_82 : i32 to vector<16xi32>
    %and3A_84 = arith.andi %get3A_81, %and3A_83 : vector<16xi32>
    %swap3A_85 = arith.constant 0 : index
    %swap3A_86 = tpu.vector_load %arg13[%swap3A_85] {strides = array<i32>} : memref<80xi32, #tpu.memory_space<vmem>>, vector<16xi32>,
    tpu.vector_store %arg13[%swap3A_85], %and3A_84 {strides = array<i32>} : memref<80xi32, #tpu.memory_space<vmem>>, vector<16xi32>,
    %get3A_87 = arith.constant 1 : i32
    %get3A_88 = arith.index_cast %get3A_87 : i32 to index
    %get3A_89 = arith.constant 16 : index
    %get3A_90 = tpu.vector_load %arg6[%get3A_88, %get3A_89] {strides = array<i32>} : memref<125x80xi32, #tpu.memory_space<vmem>>, vector<16xi32>,
    %and3A_91 = arith.constant 16383 : i32
    %and3A_92 = vector.broadcast %and3A_91 : i32 to vector<16xi32>
    %and3A_93 = arith.andi %get3A_90, %and3A_92 : vector<16xi32>
    %swap3A_94 = arith.constant 16 : index
    %swap3A_95 = tpu.vector_load %arg13[%swap3A_94] {strides = array<i32>} : memref<80xi32, #tpu.memory_space<vmem>>, vector<16xi32>,
    tpu.vector_store %arg13[%swap3A_94], %and3A_93 {strides = array<i32>} : memref<80xi32, #tpu.memory_space<vmem>>, vector<16xi32>,
    %get3A_96 = arith.constant 1 : i32
    %get3A_97 = arith.index_cast %get3A_96 : i32 to index
    %get3A_98 = arith.constant 32 : index
    %get3A_99 = tpu.vector_load %arg6[%get3A_97, %get3A_98] {strides = array<i32>} : memref<125x80xi32, #tpu.memory_space<vmem>>, vector<16xi32>,
    %and3A_100 = arith.constant 16383 : i32
    %and3A_101 = vector.broadcast %and3A_100 : i32 to vector<16xi32>
    %and3A_102 = arith.andi %get3A_99, %and3A_101 : vector<16xi32>
    %swap3A_103 = arith.constant 32 : index
    %swap3A_104 = tpu.vector_load %arg13[%swap3A_103] {strides = array<i32>} : memref<80xi32, #tpu.memory_space<vmem>>, vector<16xi32>,
    tpu.vector_store %arg13[%swap3A_103], %and3A_102 {strides = array<i32>} : memref<80xi32, #tpu.memory_space<vmem>>, vector<16xi32>,
    %get3A_105 = arith.constant 1 : i32
    %get3A_106 = arith.index_cast %get3A_105 : i32 to index
    %get3A_107 = arith.constant 48 : index
    %get3A_108 = tpu.vector_load %arg6[%get3A_106, %get3A_107] {strides = array<i32>} : memref<125x80xi32, #tpu.memory_space<vmem>>, vector<16xi32>,
    %and3A_109 = arith.constant 16383 : i32
    %and3A_110 = vector.broadcast %and3A_109 : i32 to vector<16xi32>
    %and3A_111 = arith.andi %get3A_108, %and3A_110 : vector<16xi32>
    %swap3A_112 = arith.constant 48 : index
    %swap3A_113 = tpu.vector_load %arg13[%swap3A_112] {strides = array<i32>} : memref<80xi32, #tpu.memory_space<vmem>>, vector<16xi32>,
    tpu.vector_store %arg13[%swap3A_112], %and3A_111 {strides = array<i32>} : memref<80xi32, #tpu.memory_space<vmem>>, vector<16xi32>,
    %get3A_114 = arith.constant 1 : i32
    %get3A_115 = arith.index_cast %get3A_114 : i32 to index
    %get3A_116 = arith.constant 64 : index
    %get3A_117 = tpu.vector_load %arg6[%get3A_115, %get3A_116] {strides = array<i32>} : memref<125x80xi32, #tpu.memory_space<vmem>>, vector<16xi32>,
    %and3A_118 = arith.constant 16383 : i32
    %and3A_119 = vector.broadcast %and3A_118 : i32 to vector<16xi32>
    %and3A_120 = arith.andi %get3A_117, %and3A_119 : vector<16xi32>
    %swap3A_121 = arith.constant 64 : index
    %swap3A_122 = tpu.vector_load %arg13[%swap3A_121] {strides = array<i32>} : memref<80xi32, #tpu.memory_space<vmem>>, vector<16xi32>,
    tpu.vector_store %arg13[%swap3A_121], %and3A_120 {strides = array<i32>} : memref<80xi32, #tpu.memory_space<vmem>>, vector<16xi32>,
    %dma_start3A_123 = arith.constant 0 : i32
    %dma_start3A_124 = arith.constant 0 : i32
    %dma_start3A_125 = tpu.memref_slice %arg4[%dma_start3A_123, %dma_start3A_124] : memref<10000x128xbf16, #tpu.memory_space<hbm>> -> memref<10000x128xbf16, #tpu.memory_space<hbm>>
    tpu.enqueue_indirect_dma source(%dma_start3A_125 : memref<10000x128xbf16, #tpu.memory_space<hbm>>) target(%arg9 : memref<80x128xbf16, #tpu.memory_space<vmem>>) offsets(%arg13 : memref<80xi32, #tpu.memory_space<vmem>>) semaphore(%arg18 : memref<!tpu.dma_semaphore, #tpu.memory_space<semaphore_mem>>)
    %get3A_126 = arith.constant 2 : i32
    %get3A_127 = arith.index_cast %get3A_126 : i32 to index
    %get3A_128 = arith.constant 0 : index
    %get3A_129 = tpu.vector_load %arg6[%get3A_127, %get3A_128] {strides = array<i32>} : memref<125x80xi32, #tpu.memory_space<vmem>>, vector<16xi32>,
    %and3A_130 = arith.constant 16383 : i32
    %and3A_131 = vector.broadcast %and3A_130 : i32 to vector<16xi32>
    %and3A_132 = arith.andi %get3A_129, %and3A_131 : vector<16xi32>
    %swap3A_133 = arith.constant 0 : index
    %swap3A_134 = tpu.vector_load %arg14[%swap3A_133] {strides = array<i32>} : memref<80xi32, #tpu.memory_space<vmem>>, vector<16xi32>,
    tpu.vector_store %arg14[%swap3A_133], %and3A_132 {strides = array<i32>} : memref<80xi32, #tpu.memory_space<vmem>>, vector<16xi32>,
    %get3A_135 = arith.constant 2 : i32
    %get3A_136 = arith.index_cast %get3A_135 : i32 to index
    %get3A_137 = arith.constant 16 : index
    %get3A_138 = tpu.vector_load %arg6[%get3A_136, %get3A_137] {strides = array<i32>} : memref<125x80xi32, #tpu.memory_space<vmem>>, vector<16xi32>,
    %and3A_139 = arith.constant 16383 : i32
    %and3A_140 = vector.broadcast %and3A_139 : i32 to vector<16xi32>
    %and3A_141 = arith.andi %get3A_138, %and3A_140 : vector<16xi32>
    %swap3A_142 = arith.constant 16 : index
    %swap3A_143 = tpu.vector_load %arg14[%swap3A_142] {strides = array<i32>} : memref<80xi32, #tpu.memory_space<vmem>>, vector<16xi32>,
    tpu.vector_store %arg14[%swap3A_142], %and3A_141 {strides = array<i32>} : memref<80xi32, #tpu.memory_space<vmem>>, vector<16xi32>,
    %get3A_144 = arith.constant 2 : i32
    %get3A_145 = arith.index_cast %get3A_144 : i32 to index
    %get3A_146 = arith.constant 32 : index
    %get3A_147 = tpu.vector_load %arg6[%get3A_145, %get3A_146] {strides = array<i32>} : memref<125x80xi32, #tpu.memory_space<vmem>>, vector<16xi32>,
    %and3A_148 = arith.constant 16383 : i32
    %and3A_149 = vector.broadcast %and3A_148 : i32 to vector<16xi32>
    %and3A_150 = arith.andi %get3A_147, %and3A_149 : vector<16xi32>
    %swap3A_151 = arith.constant 32 : index
    %swap3A_152 = tpu.vector_load %arg14[%swap3A_151] {strides = array<i32>} : memref<80xi32, #tpu.memory_space<vmem>>, vector<16xi32>,
    tpu.vector_store %arg14[%swap3A_151], %and3A_150 {strides = array<i32>} : memref<80xi32, #tpu.memory_space<vmem>>, vector<16xi32>,
    %get3A_153 = arith.constant 2 : i32
    %get3A_154 = arith.index_cast %get3A_153 : i32 to index
    %get3A_155 = arith.constant 48 : index
    %get3A_156 = tpu.vector_load %arg6[%get3A_154, %get3A_155] {strides = array<i32>} : memref<125x80xi32, #tpu.memory_space<vmem>>, vector<16xi32>,
    %and3A_157 = arith.constant 16383 : i32
    %and3A_158 = vector.broadcast %and3A_157 : i32 to vector<16xi32>
    %and3A_159 = arith.andi %get3A_156, %and3A_158 : vector<16xi32>
    %swap3A_160 = arith.constant 48 : index
    %swap3A_161 = tpu.vector_load %arg14[%swap3A_160] {strides = array<i32>} : memref<80xi32, #tpu.memory_space<vmem>>, vector<16xi32>,
    tpu.vector_store %arg14[%swap3A_160], %and3A_159 {strides = array<i32>} : memref<80xi32, #tpu.memory_space<vmem>>, vector<16xi32>,
    %get3A_162 = arith.constant 2 : i32
    %get3A_163 = arith.index_cast %get3A_162 : i32 to index
    %get3A_164 = arith.constant 64 : index
    %get3A_165 = tpu.vector_load %arg6[%get3A_163, %get3A_164] {strides = array<i32>} : memref<125x80xi32, #tpu.memory_space<vmem>>, vector<16xi32>,
    %and3A_166 = arith.constant 16383 : i32
    %and3A_167 = vector.broadcast %and3A_166 : i32 to vector<16xi32>
    %and3A_168 = arith.andi %get3A_165, %and3A_167 : vector<16xi32>
    %swap3A_169 = arith.constant 64 : index
    %swap3A_170 = tpu.vector_load %arg14[%swap3A_169] {strides = array<i32>} : memref<80xi32, #tpu.memory_space<vmem>>, vector<16xi32>,
    tpu.vector_store %arg14[%swap3A_169], %and3A_168 {strides = array<i32>} : memref<80xi32, #tpu.memory_space<vmem>>, vector<16xi32>,
    %dma_start3A_171 = arith.constant 0 : i32
    %dma_start3A_172 = arith.constant 0 : i32
    %dma_start3A_173 = tpu.memref_slice %arg4[%dma_start3A_171, %dma_start3A_172] : memref<10000x128xbf16, #tpu.memory_space<hbm>> -> memref<10000x128xbf16, #tpu.memory_space<hbm>>
    tpu.enqueue_indirect_dma source(%dma_start3A_173 : memref<10000x128xbf16, #tpu.memory_space<hbm>>) target(%arg10 : memref<80x128xbf16, #tpu.memory_space<vmem>>) offsets(%arg14 : memref<80xi32, #tpu.memory_space<vmem>>) semaphore(%arg19 : memref<!tpu.dma_semaphore, #tpu.memory_space<semaphore_mem>>)
    %scan3A_174 = arith.constant 0 : i32
    %scan3A_175 = arith.constant 0 : i32
    %scan3A_176 = arith.constant 41 : i32
    %scan3A_177 = arith.addi %scan3A_175, %scan3A_176 : i32
    %scan3A_178 = arith.constant 1 : i32
    scf.for %scan3A_306 = %scan3A_175 to %scan3A_177 step %scan3A_178  : i32 {
      %mul3A_307 = arith.constant 3 : i32
      %mul3A_308 = arith.muli %mul3A_307, %scan3A_306 : i32
      %dma_wait3A_309 = arith.constant 0 : i32
      %dma_wait3A_310 = arith.constant 0 : i32
      %dma_wait3A_311 = tpu.memref_slice %arg4[%dma_wait3A_309, %dma_wait3A_310] : memref<10000x128xbf16, #tpu.memory_space<hbm>> -> memref<10000x128xbf16, #tpu.memory_space<hbm>>
      tpu.wait_indirect_dma semaphore(%arg17 : memref<!tpu.dma_semaphore, #tpu.memory_space<semaphore_mem>>) src(%dma_wait3A_311 : memref<10000x128xbf16, #tpu.memory_space<hbm>>) dst(%arg8 : memref<80x128xbf16, #tpu.memory_space<vmem>>)
      %dma_wait3A_312 = arith.constant 0 : i32
      %dma_wait3A_313 = arith.constant 0 : i32
      %dma_wait3A_314 = tpu.memref_slice %arg16[%dma_wait3A_312, %dma_wait3A_313] : memref<10000x128xf32, #tpu.memory_space<vmem_shared>> -> memref<10000x128xf32, #tpu.memory_space<vmem_shared>>
      tpu.wait_indirect_dma semaphore(%arg20 : memref<!tpu.dma_semaphore, #tpu.memory_space<semaphore_mem>>) src(%arg11 : memref<80x128xf32, #tpu.memory_space<vmem>>) dst(%dma_wait3A_314 : memref<10000x128xf32, #tpu.memory_space<vmem_shared>>)
      %get3A_315 = arith.index_cast %mul3A_308 : i32 to index
      %get3A_316 = arith.constant 0 : index
      %get3A_317 = tpu.vector_load %arg6[%get3A_315, %get3A_316] {strides = array<i32>} : memref<125x80xi32, #tpu.memory_space<vmem>>, vector<16xi32>,
      %shift_right_arithmetic3A_318 = arith.constant 14 : i32
      %shift_right_arithmetic3A_319 = vector.broadcast %shift_right_arithmetic3A_318 : i32 to vector<16xi32>
      %shift_right_arithmetic3A_320 = arith.shrsi %get3A_317, %shift_right_arithmetic3A_319 : vector<16xi32>
      %swap3A_321 = arith.constant 0 : index
      %swap3A_322 = tpu.vector_load %arg15[%swap3A_321] {strides = array<i32>} : memref<80xi32, #tpu.memory_space<vmem>>, vector<16xi32>,
      tpu.vector_store %arg15[%swap3A_321], %shift_right_arithmetic3A_320 {strides = array<i32>} : memref<80xi32, #tpu.memory_space<vmem>>, vector<16xi32>,
      %get3A_323 = arith.index_cast %mul3A_308 : i32 to index
      %get3A_324 = arith.constant 16 : index
      %get3A_325 = tpu.vector_load %arg6[%get3A_323, %get3A_324] {strides = array<i32>} : memref<125x80xi32, #tpu.memory_space<vmem>>, vector<16xi32>,
      %shift_right_arithmetic3A_326 = arith.constant 14 : i32
      %shift_right_arithmetic3A_327 = vector.broadcast %shift_right_arithmetic3A_326 : i32 to vector<16xi32>
      %shift_right_arithmetic3A_328 = arith.shrsi %get3A_325, %shift_right_arithmetic3A_327 : vector<16xi32>
      %swap3A_329 = arith.constant 16 : index
      %swap3A_330 = tpu.vector_load %arg15[%swap3A_329] {strides = array<i32>} : memref<80xi32, #tpu.memory_space<vmem>>, vector<16xi32>,
      tpu.vector_store %arg15[%swap3A_329], %shift_right_arithmetic3A_328 {strides = array<i32>} : memref<80xi32, #tpu.memory_space<vmem>>, vector<16xi32>,
      %get3A_331 = arith.index_cast %mul3A_308 : i32 to index
      %get3A_332 = arith.constant 32 : index
      %get3A_333 = tpu.vector_load %arg6[%get3A_331, %get3A_332] {strides = array<i32>} : memref<125x80xi32, #tpu.memory_space<vmem>>, vector<16xi32>,
      %shift_right_arithmetic3A_334 = arith.constant 14 : i32
      %shift_right_arithmetic3A_335 = vector.broadcast %shift_right_arithmetic3A_334 : i32 to vector<16xi32>
      %shift_right_arithmetic3A_336 = arith.shrsi %get3A_333, %shift_right_arithmetic3A_335 : vector<16xi32>
      %swap3A_337 = arith.constant 32 : index
      %swap3A_338 = tpu.vector_load %arg15[%swap3A_337] {strides = array<i32>} : memref<80xi32, #tpu.memory_space<vmem>>, vector<16xi32>,
      tpu.vector_store %arg15[%swap3A_337], %shift_right_arithmetic3A_336 {strides = array<i32>} : memref<80xi32, #tpu.memory_space<vmem>>, vector<16xi32>,
      %get3A_339 = arith.index_cast %mul3A_308 : i32 to index
      %get3A_340 = arith.constant 48 : index
      %get3A_341 = tpu.vector_load %arg6[%get3A_339, %get3A_340] {strides = array<i32>} : memref<125x80xi32, #tpu.memory_space<vmem>>, vector<16xi32>,
      %shift_right_arithmetic3A_342 = arith.constant 14 : i32
      %shift_right_arithmetic3A_343 = vector.broadcast %shift_right_arithmetic3A_342 : i32 to vector<16xi32>
      %shift_right_arithmetic3A_344 = arith.shrsi %get3A_341, %shift_right_arithmetic3A_343 : vector<16xi32>
      %swap3A_345 = arith.constant 48 : index
      %swap3A_346 = tpu.vector_load %arg15[%swap3A_345] {strides = array<i32>} : memref<80xi32, #tpu.memory_space<vmem>>, vector<16xi32>,
      tpu.vector_store %arg15[%swap3A_345], %shift_right_arithmetic3A_344 {strides = array<i32>} : memref<80xi32, #tpu.memory_space<vmem>>, vector<16xi32>,
      %get3A_347 = arith.index_cast %mul3A_308 : i32 to index
      %get3A_348 = arith.constant 64 : index
      %get3A_349 = tpu.vector_load %arg6[%get3A_347, %get3A_348] {strides = array<i32>} : memref<125x80xi32, #tpu.memory_space<vmem>>, vector<16xi32>,
      %shift_right_arithmetic3A_350 = arith.constant 14 : i32
      %shift_right_arithmetic3A_351 = vector.broadcast %shift_right_arithmetic3A_350 : i32 to vector<16xi32>
      %shift_right_arithmetic3A_352 = arith.shrsi %get3A_349, %shift_right_arithmetic3A_351 : vector<16xi32>
      %swap3A_353 = arith.constant 64 : index
      %swap3A_354 = tpu.vector_load %arg15[%swap3A_353] {strides = array<i32>} : memref<80xi32, #tpu.memory_space<vmem>>, vector<16xi32>,
      tpu.vector_store %arg15[%swap3A_353], %shift_right_arithmetic3A_352 {strides = array<i32>} : memref<80xi32, #tpu.memory_space<vmem>>, vector<16xi32>,
      %broadcast_in_dim3A_355 = vector.broadcast %mul3A_308 : i32 to vector<16xi32>
      %parallel_loop3A_356 = arith.constant 0 : i32
      %parallel_loop3A_357 = arith.constant 80 : i32
      %parallel_loop3A_358 = arith.constant 1 : i32
      scf.for %parallel_loop3A_612 = %parallel_loop3A_356 to %parallel_loop3A_357 step %parallel_loop3A_358  : i32 {
        %parallel_loop3A_613 = vector.broadcast %parallel_loop3A_612 : i32 to vector<16xi32>
        %parallel_loop3A_614 = tpu.vector_load_idx %arg7[%broadcast_in_dim3A_355, %parallel_loop3A_613] : memref<125x80xf32, #tpu.memory_space<vmem>>[vector<16xi32>, vector<16xi32>], vector<16xf32>,
        %parallel_loop3A_615 = arith.index_cast %parallel_loop3A_612 : i32 to index
        %parallel_loop3A_616 = arith.constant 0 : index
        %parallel_loop3A_617 = tpu.vector_load %arg8[%parallel_loop3A_615, %parallel_loop3A_616] {strides = array<i32>} : memref<80x128xbf16, #tpu.memory_space<vmem>>, vector<32xbf16>,
        %parallel_loop3A_618 = vector.bitcast %parallel_loop3A_617 : vector<32xbf16> to vector<16xi32>
        %parallel_loop3A_619 = arith.constant 16 : i32
        %parallel_loop3A_620 = vector.broadcast %parallel_loop3A_619 : i32 to vector<16xi32>
        %parallel_loop3A_621 = arith.shli %parallel_loop3A_618, %parallel_loop3A_620 : vector<16xi32>
        %parallel_loop3A_622 = vector.bitcast %parallel_loop3A_621 : vector<16xi32> to vector<16xf32>
        %parallel_loop3A_623 = arith.constant -65536 : i32
        %parallel_loop3A_624 = vector.broadcast %parallel_loop3A_623 : i32 to vector<16xi32>
        %parallel_loop3A_625 = arith.andi %parallel_loop3A_618, %parallel_loop3A_624 : vector<16xi32>
        %parallel_loop3A_626 = vector.bitcast %parallel_loop3A_625 : vector<16xi32> to vector<16xf32>
        %parallel_loop3A_627 = arith.mulf %parallel_loop3A_622, %parallel_loop3A_614 : vector<16xf32>
        %parallel_loop3A_628 = arith.index_cast %parallel_loop3A_612 : i32 to index
        %parallel_loop3A_629 = arith.constant 0 : index
        %parallel_loop3A_630 = tpu.vector_load %arg11[%parallel_loop3A_628, %parallel_loop3A_629] {strides = array<i32>} : memref<80x128xf32, #tpu.memory_space<vmem>>, vector<16xf32>,
        tpu.vector_store %arg11[%parallel_loop3A_628, %parallel_loop3A_629], %parallel_loop3A_627 {strides = array<i32>} : memref<80x128xf32, #tpu.memory_space<vmem>>, vector<16xf32>,
        %parallel_loop3A_631 = arith.mulf %parallel_loop3A_626, %parallel_loop3A_614 : vector<16xf32>
        %parallel_loop3A_632 = arith.index_cast %parallel_loop3A_612 : i32 to index
        %parallel_loop3A_633 = arith.constant 16 : index
        %parallel_loop3A_634 = tpu.vector_load %arg11[%parallel_loop3A_632, %parallel_loop3A_633] {strides = array<i32>} : memref<80x128xf32, #tpu.memory_space<vmem>>, vector<16xf32>,
        tpu.vector_store %arg11[%parallel_loop3A_632, %parallel_loop3A_633], %parallel_loop3A_631 {strides = array<i32>} : memref<80x128xf32, #tpu.memory_space<vmem>>, vector<16xf32>,
        %parallel_loop3A_635 = arith.index_cast %parallel_loop3A_612 : i32 to index
        %parallel_loop3A_636 = arith.constant 32 : index
        %parallel_loop3A_637 = tpu.vector_load %arg8[%parallel_loop3A_635, %parallel_loop3A_636] {strides = array<i32>} : memref<80x128xbf16, #tpu.memory_space<vmem>>, vector<32xbf16>,
        %parallel_loop3A_638 = vector.bitcast %parallel_loop3A_637 : vector<32xbf16> to vector<16xi32>
        %parallel_loop3A_639 = arith.constant 16 : i32
        %parallel_loop3A_640 = vector.broadcast %parallel_loop3A_639 : i32 to vector<16xi32>
        %parallel_loop3A_641 = arith.shli %parallel_loop3A_638, %parallel_loop3A_640 : vector<16xi32>
        %parallel_loop3A_642 = vector.bitcast %parallel_loop3A_641 : vector<16xi32> to vector<16xf32>
        %parallel_loop3A_643 = arith.constant -65536 : i32
        %parallel_loop3A_644 = vector.broadcast %parallel_loop3A_643 : i32 to vector<16xi32>
        %parallel_loop3A_645 = arith.andi %parallel_loop3A_638, %parallel_loop3A_644 : vector<16xi32>
        %parallel_loop3A_646 = vector.bitcast %parallel_loop3A_645 : vector<16xi32> to vector<16xf32>
        %parallel_loop3A_647 = arith.mulf %parallel_loop3A_642, %parallel_loop3A_614 : vector<16xf32>
        %parallel_loop3A_648 = arith.index_cast %parallel_loop3A_612 : i32 to index
        %parallel_loop3A_649 = arith.constant 32 : index
        %parallel_loop3A_650 = tpu.vector_load %arg11[%parallel_loop3A_648, %parallel_loop3A_649] {strides = array<i32>} : memref<80x128xf32, #tpu.memory_space<vmem>>, vector<16xf32>,
        tpu.vector_store %arg11[%parallel_loop3A_648, %parallel_loop3A_649], %parallel_loop3A_647 {strides = array<i32>} : memref<80x128xf32, #tpu.memory_space<vmem>>, vector<16xf32>,
        %parallel_loop3A_651 = arith.mulf %parallel_loop3A_646, %parallel_loop3A_614 : vector<16xf32>
        %parallel_loop3A_652 = arith.index_cast %parallel_loop3A_612 : i32 to index
        %parallel_loop3A_653 = arith.constant 48 : index
        %parallel_loop3A_654 = tpu.vector_load %arg11[%parallel_loop3A_652, %parallel_loop3A_653] {strides = array<i32>} : memref<80x128xf32, #tpu.memory_space<vmem>>, vector<16xf32>,
        tpu.vector_store %arg11[%parallel_loop3A_652, %parallel_loop3A_653], %parallel_loop3A_651 {strides = array<i32>} : memref<80x128xf32, #tpu.memory_space<vmem>>, vector<16xf32>,
        %parallel_loop3A_655 = arith.index_cast %parallel_loop3A_612 : i32 to index
        %parallel_loop3A_656 = arith.constant 64 : index
        %parallel_loop3A_657 = tpu.vector_load %arg8[%parallel_loop3A_655, %parallel_loop3A_656] {strides = array<i32>} : memref<80x128xbf16, #tpu.memory_space<vmem>>, vector<32xbf16>,
        %parallel_loop3A_658 = vector.bitcast %parallel_loop3A_657 : vector<32xbf16> to vector<16xi32>
        %parallel_loop3A_659 = arith.constant 16 : i32
        %parallel_loop3A_660 = vector.broadcast %parallel_loop3A_659 : i32 to vector<16xi32>
        %parallel_loop3A_661 = arith.shli %parallel_loop3A_658, %parallel_loop3A_660 : vector<16xi32>
        %parallel_loop3A_662 = vector.bitcast %parallel_loop3A_661 : vector<16xi32> to vector<16xf32>
        %parallel_loop3A_663 = arith.constant -65536 : i32
        %parallel_loop3A_664 = vector.broadcast %parallel_loop3A_663 : i32 to vector<16xi32>
        %parallel_loop3A_665 = arith.andi %parallel_loop3A_658, %parallel_loop3A_664 : vector<16xi32>
        %parallel_loop3A_666 = vector.bitcast %parallel_loop3A_665 : vector<16xi32> to vector<16xf32>
        %parallel_loop3A_667 = arith.mulf %parallel_loop3A_662, %parallel_loop3A_614 : vector<16xf32>
        %parallel_loop3A_668 = arith.index_cast %parallel_loop3A_612 : i32 to index
        %parallel_loop3A_669 = arith.constant 64 : index
        %parallel_loop3A_670 = tpu.vector_load %arg11[%parallel_loop3A_668, %parallel_loop3A_669] {strides = array<i32>} : memref<80x128xf32, #tpu.memory_space<vmem>>, vector<16xf32>,
        tpu.vector_store %arg11[%parallel_loop3A_668, %parallel_loop3A_669], %parallel_loop3A_667 {strides = array<i32>} : memref<80x128xf32, #tpu.memory_space<vmem>>, vector<16xf32>,
        %parallel_loop3A_671 = arith.mulf %parallel_loop3A_666, %parallel_loop3A_614 : vector<16xf32>
        %parallel_loop3A_672 = arith.index_cast %parallel_loop3A_612 : i32 to index
        %parallel_loop3A_673 = arith.constant 80 : index
        %parallel_loop3A_674 = tpu.vector_load %arg11[%parallel_loop3A_672, %parallel_loop3A_673] {strides = array<i32>} : memref<80x128xf32, #tpu.memory_space<vmem>>, vector<16xf32>,
        tpu.vector_store %arg11[%parallel_loop3A_672, %parallel_loop3A_673], %parallel_loop3A_671 {strides = array<i32>} : memref<80x128xf32, #tpu.memory_space<vmem>>, vector<16xf32>,
        %parallel_loop3A_675 = arith.index_cast %parallel_loop3A_612 : i32 to index
        %parallel_loop3A_676 = arith.constant 96 : index
        %parallel_loop3A_677 = tpu.vector_load %arg8[%parallel_loop3A_675, %parallel_loop3A_676] {strides = array<i32>} : memref<80x128xbf16, #tpu.memory_space<vmem>>, vector<32xbf16>,
        %parallel_loop3A_678 = vector.bitcast %parallel_loop3A_677 : vector<32xbf16> to vector<16xi32>
        %parallel_loop3A_679 = arith.constant 16 : i32
        %parallel_loop3A_680 = vector.broadcast %parallel_loop3A_679 : i32 to vector<16xi32>
        %parallel_loop3A_681 = arith.shli %parallel_loop3A_678, %parallel_loop3A_680 : vector<16xi32>
        %parallel_loop3A_682 = vector.bitcast %parallel_loop3A_681 : vector<16xi32> to vector<16xf32>
        %parallel_loop3A_683 = arith.constant -65536 : i32
        %parallel_loop3A_684 = vector.broadcast %parallel_loop3A_683 : i32 to vector<16xi32>
        %parallel_loop3A_685 = arith.andi %parallel_loop3A_678, %parallel_loop3A_684 : vector<16xi32>
        %parallel_loop3A_686 = vector.bitcast %parallel_loop3A_685 : vector<16xi32> to vector<16xf32>
        %parallel_loop3A_687 = arith.mulf %parallel_loop3A_682, %parallel_loop3A_614 : vector<16xf32>
        %parallel_loop3A_688 = arith.index_cast %parallel_loop3A_612 : i32 to index
        %parallel_loop3A_689 = arith.constant 96 : index
        %parallel_loop3A_690 = tpu.vector_load %arg11[%parallel_loop3A_688, %parallel_loop3A_689] {strides = array<i32>} : memref<80x128xf32, #tpu.memory_space<vmem>>, vector<16xf32>,
        tpu.vector_store %arg11[%parallel_loop3A_688, %parallel_loop3A_689], %parallel_loop3A_687 {strides = array<i32>} : memref<80x128xf32, #tpu.memory_space<vmem>>, vector<16xf32>,
        %parallel_loop3A_691 = arith.mulf %parallel_loop3A_686, %parallel_loop3A_614 : vector<16xf32>
        %parallel_loop3A_692 = arith.index_cast %parallel_loop3A_612 : i32 to index
        %parallel_loop3A_693 = arith.constant 112 : index
        %parallel_loop3A_694 = tpu.vector_load %arg11[%parallel_loop3A_692, %parallel_loop3A_693] {strides = array<i32>} : memref<80x128xf32, #tpu.memory_space<vmem>>, vector<16xf32>,
        tpu.vector_store %arg11[%parallel_loop3A_692, %parallel_loop3A_693], %parallel_loop3A_691 {strides = array<i32>} : memref<80x128xf32, #tpu.memory_space<vmem>>, vector<16xf32>,
      } {sc.loop_unroll_factor = 2 : i64, sc.parallel_access}
      %dma_start3A_359 = arith.constant 0 : i32
      %dma_start3A_360 = arith.constant 0 : i32
      %dma_start3A_361 = tpu.memref_slice %arg16[%dma_start3A_359, %dma_start3A_360] : memref<10000x128xf32, #tpu.memory_space<vmem_shared>> -> memref<10000x128xf32, #tpu.memory_space<vmem_shared>>
      tpu.enqueue_indirect_dma source(%arg11 : memref<80x128xf32, #tpu.memory_space<vmem>>) target(%dma_start3A_361 : memref<10000x128xf32, #tpu.memory_space<vmem_shared>>) offsets(%arg15 : memref<80xi32, #tpu.memory_space<vmem>>) semaphore(%arg20 : memref<!tpu.dma_semaphore, #tpu.memory_space<semaphore_mem>>) {add = true}
      %add3A_362 = arith.constant 3 : i32
      %add3A_363 = arith.addi %mul3A_308, %add3A_362 : i32
      %min3A = arith.constant 124 : i32
      %min3A_364 = arith.minsi %add3A_363, %min3A : i32
      %get3A_365 = arith.index_cast %min3A_364 : i32 to index
      %get3A_366 = arith.constant 0 : index
      %get3A_367 = tpu.vector_load %arg6[%get3A_365, %get3A_366] {strides = array<i32>} : memref<125x80xi32, #tpu.memory_space<vmem>>, vector<16xi32>,
      %and3A_368 = arith.constant 16383 : i32
      %and3A_369 = vector.broadcast %and3A_368 : i32 to vector<16xi32>
      %and3A_370 = arith.andi %get3A_367, %and3A_369 : vector<16xi32>
      %swap3A_371 = arith.constant 0 : index
      %swap3A_372 = tpu.vector_load %arg12[%swap3A_371] {strides = array<i32>} : memref<80xi32, #tpu.memory_space<vmem>>, vector<16xi32>,
      tpu.vector_store %arg12[%swap3A_371], %and3A_370 {strides = array<i32>} : memref<80xi32, #tpu.memory_space<vmem>>, vector<16xi32>,
      %get3A_373 = arith.index_cast %min3A_364 : i32 to index
      %get3A_374 = arith.constant 16 : index
      %get3A_375 = tpu.vector_load %arg6[%get3A_373, %get3A_374] {strides = array<i32>} : memref<125x80xi32, #tpu.memory_space<vmem>>, vector<16xi32>,
      %and3A_376 = arith.constant 16383 : i32
      %and3A_377 = vector.broadcast %and3A_376 : i32 to vector<16xi32>
      %and3A_378 = arith.andi %get3A_375, %and3A_377 : vector<16xi32>
      %swap3A_379 = arith.constant 16 : index
      %swap3A_380 = tpu.vector_load %arg12[%swap3A_379] {strides = array<i32>} : memref<80xi32, #tpu.memory_space<vmem>>, vector<16xi32>,
      tpu.vector_store %arg12[%swap3A_379], %and3A_378 {strides = array<i32>} : memref<80xi32, #tpu.memory_space<vmem>>, vector<16xi32>,
      %get3A_381 = arith.index_cast %min3A_364 : i32 to index
      %get3A_382 = arith.constant 32 : index
      %get3A_383 = tpu.vector_load %arg6[%get3A_381, %get3A_382] {strides = array<i32>} : memref<125x80xi32, #tpu.memory_space<vmem>>, vector<16xi32>,
      %and3A_384 = arith.constant 16383 : i32
      %and3A_385 = vector.broadcast %and3A_384 : i32 to vector<16xi32>
      %and3A_386 = arith.andi %get3A_383, %and3A_385 : vector<16xi32>
      %swap3A_387 = arith.constant 32 : index
      %swap3A_388 = tpu.vector_load %arg12[%swap3A_387] {strides = array<i32>} : memref<80xi32, #tpu.memory_space<vmem>>, vector<16xi32>,
      tpu.vector_store %arg12[%swap3A_387], %and3A_386 {strides = array<i32>} : memref<80xi32, #tpu.memory_space<vmem>>, vector<16xi32>,
      %get3A_389 = arith.index_cast %min3A_364 : i32 to index
      %get3A_390 = arith.constant 48 : index
      %get3A_391 = tpu.vector_load %arg6[%get3A_389, %get3A_390] {strides = array<i32>} : memref<125x80xi32, #tpu.memory_space<vmem>>, vector<16xi32>,
      %and3A_392 = arith.constant 16383 : i32
      %and3A_393 = vector.broadcast %and3A_392 : i32 to vector<16xi32>
      %and3A_394 = arith.andi %get3A_391, %and3A_393 : vector<16xi32>
      %swap3A_395 = arith.constant 48 : index
      %swap3A_396 = tpu.vector_load %arg12[%swap3A_395] {strides = array<i32>} : memref<80xi32, #tpu.memory_space<vmem>>, vector<16xi32>,
      tpu.vector_store %arg12[%swap3A_395], %and3A_394 {strides = array<i32>} : memref<80xi32, #tpu.memory_space<vmem>>, vector<16xi32>,
      %get3A_397 = arith.index_cast %min3A_364 : i32 to index
      %get3A_398 = arith.constant 64 : index
      %get3A_399 = tpu.vector_load %arg6[%get3A_397, %get3A_398] {strides = array<i32>} : memref<125x80xi32, #tpu.memory_space<vmem>>, vector<16xi32>,
      %and3A_400 = arith.constant 16383 : i32
      %and3A_401 = vector.broadcast %and3A_400 : i32 to vector<16xi32>
      %and3A_402 = arith.andi %get3A_399, %and3A_401 : vector<16xi32>
      %swap3A_403 = arith.constant 64 : index
      %swap3A_404 = tpu.vector_load %arg12[%swap3A_403] {strides = array<i32>} : memref<80xi32, #tpu.memory_space<vmem>>, vector<16xi32>,
      tpu.vector_store %arg12[%swap3A_403], %and3A_402 {strides = array<i32>} : memref<80xi32, #tpu.memory_space<vmem>>, vector<16xi32>,
      %dma_start3A_405 = arith.constant 0 : i32
      %dma_start3A_406 = arith.constant 0 : i32
      %dma_start3A_407 = tpu.memref_slice %arg4[%dma_start3A_405, %dma_start3A_406] : memref<10000x128xbf16, #tpu.memory_space<hbm>> -> memref<10000x128xbf16, #tpu.memory_space<hbm>>
      tpu.enqueue_indirect_dma source(%dma_start3A_407 : memref<10000x128xbf16, #tpu.memory_space<hbm>>) target(%arg8 : memref<80x128xbf16, #tpu.memory_space<vmem>>) offsets(%arg12 : memref<80xi32, #tpu.memory_space<vmem>>) semaphore(%arg17 : memref<!tpu.dma_semaphore, #tpu.memory_space<semaphore_mem>>)
      %add3A_408 = arith.constant 1 : i32
      %add3A_409 = arith.addi %mul3A_308, %add3A_408 : i32
      %dma_wait3A_410 = arith.constant 0 : i32
      %dma_wait3A_411 = arith.constant 0 : i32
      %dma_wait3A_412 = tpu.memref_slice %arg4[%dma_wait3A_410, %dma_wait3A_411] : memref<10000x128xbf16, #tpu.memory_space<hbm>> -> memref<10000x128xbf16, #tpu.memory_space<hbm>>
      tpu.wait_indirect_dma semaphore(%arg18 : memref<!tpu.dma_semaphore, #tpu.memory_space<semaphore_mem>>) src(%dma_wait3A_412 : memref<10000x128xbf16, #tpu.memory_space<hbm>>) dst(%arg9 : memref<80x128xbf16, #tpu.memory_space<vmem>>)
      %dma_wait3A_413 = arith.constant 0 : i32
      %dma_wait3A_414 = arith.constant 0 : i32
      %dma_wait3A_415 = tpu.memref_slice %arg16[%dma_wait3A_413, %dma_wait3A_414] : memref<10000x128xf32, #tpu.memory_space<vmem_shared>> -> memref<10000x128xf32, #tpu.memory_space<vmem_shared>>
      tpu.wait_indirect_dma semaphore(%arg20 : memref<!tpu.dma_semaphore, #tpu.memory_space<semaphore_mem>>) src(%arg11 : memref<80x128xf32, #tpu.memory_space<vmem>>) dst(%dma_wait3A_415 : memref<10000x128xf32, #tpu.memory_space<vmem_shared>>)
      %get3A_416 = arith.index_cast %add3A_409 : i32 to index
      %get3A_417 = arith.constant 0 : index
      %get3A_418 = tpu.vector_load %arg6[%get3A_416, %get3A_417] {strides = array<i32>} : memref<125x80xi32, #tpu.memory_space<vmem>>, vector<16xi32>,
      %shift_right_arithmetic3A_419 = arith.constant 14 : i32
      %shift_right_arithmetic3A_420 = vector.broadcast %shift_right_arithmetic3A_419 : i32 to vector<16xi32>
      %shift_right_arithmetic3A_421 = arith.shrsi %get3A_418, %shift_right_arithmetic3A_420 : vector<16xi32>
      %swap3A_422 = arith.constant 0 : index
      %swap3A_423 = tpu.vector_load %arg15[%swap3A_422] {strides = array<i32>} : memref<80xi32, #tpu.memory_space<vmem>>, vector<16xi32>,
      tpu.vector_store %arg15[%swap3A_422], %shift_right_arithmetic3A_421 {strides = array<i32>} : memref<80xi32, #tpu.memory_space<vmem>>, vector<16xi32>,
      %get3A_424 = arith.index_cast %add3A_409 : i32 to index
      %get3A_425 = arith.constant 16 : index
      %get3A_426 = tpu.vector_load %arg6[%get3A_424, %get3A_425] {strides = array<i32>} : memref<125x80xi32, #tpu.memory_space<vmem>>, vector<16xi32>,
      %shift_right_arithmetic3A_427 = arith.constant 14 : i32
      %shift_right_arithmetic3A_428 = vector.broadcast %shift_right_arithmetic3A_427 : i32 to vector<16xi32>
      %shift_right_arithmetic3A_429 = arith.shrsi %get3A_426, %shift_right_arithmetic3A_428 : vector<16xi32>
      %swap3A_430 = arith.constant 16 : index
      %swap3A_431 = tpu.vector_load %arg15[%swap3A_430] {strides = array<i32>} : memref<80xi32, #tpu.memory_space<vmem>>, vector<16xi32>,
      tpu.vector_store %arg15[%swap3A_430], %shift_right_arithmetic3A_429 {strides = array<i32>} : memref<80xi32, #tpu.memory_space<vmem>>, vector<16xi32>,
      %get3A_432 = arith.index_cast %add3A_409 : i32 to index
      %get3A_433 = arith.constant 32 : index
      %get3A_434 = tpu.vector_load %arg6[%get3A_432, %get3A_433] {strides = array<i32>} : memref<125x80xi32, #tpu.memory_space<vmem>>, vector<16xi32>,
      %shift_right_arithmetic3A_435 = arith.constant 14 : i32
      %shift_right_arithmetic3A_436 = vector.broadcast %shift_right_arithmetic3A_435 : i32 to vector<16xi32>
      %shift_right_arithmetic3A_437 = arith.shrsi %get3A_434, %shift_right_arithmetic3A_436 : vector<16xi32>
      %swap3A_438 = arith.constant 32 : index
      %swap3A_439 = tpu.vector_load %arg15[%swap3A_438] {strides = array<i32>} : memref<80xi32, #tpu.memory_space<vmem>>, vector<16xi32>,
      tpu.vector_store %arg15[%swap3A_438], %shift_right_arithmetic3A_437 {strides = array<i32>} : memref<80xi32, #tpu.memory_space<vmem>>, vector<16xi32>,
      %get3A_440 = arith.index_cast %add3A_409 : i32 to index
      %get3A_441 = arith.constant 48 : index
      %get3A_442 = tpu.vector_load %arg6[%get3A_440, %get3A_441] {strides = array<i32>} : memref<125x80xi32, #tpu.memory_space<vmem>>, vector<16xi32>,
      %shift_right_arithmetic3A_443 = arith.constant 14 : i32
      %shift_right_arithmetic3A_444 = vector.broadcast %shift_right_arithmetic3A_443 : i32 to vector<16xi32>
      %shift_right_arithmetic3A_445 = arith.shrsi %get3A_442, %shift_right_arithmetic3A_444 : vector<16xi32>
      %swap3A_446 = arith.constant 48 : index
      %swap3A_447 = tpu.vector_load %arg15[%swap3A_446] {strides = array<i32>} : memref<80xi32, #tpu.memory_space<vmem>>, vector<16xi32>,
      tpu.vector_store %arg15[%swap3A_446], %shift_right_arithmetic3A_445 {strides = array<i32>} : memref<80xi32, #tpu.memory_space<vmem>>, vector<16xi32>,
      %get3A_448 = arith.index_cast %add3A_409 : i32 to index
      %get3A_449 = arith.constant 64 : index
      %get3A_450 = tpu.vector_load %arg6[%get3A_448, %get3A_449] {strides = array<i32>} : memref<125x80xi32, #tpu.memory_space<vmem>>, vector<16xi32>,
      %shift_right_arithmetic3A_451 = arith.constant 14 : i32
      %shift_right_arithmetic3A_452 = vector.broadcast %shift_right_arithmetic3A_451 : i32 to vector<16xi32>
      %shift_right_arithmetic3A_453 = arith.shrsi %get3A_450, %shift_right_arithmetic3A_452 : vector<16xi32>
      %swap3A_454 = arith.constant 64 : index
      %swap3A_455 = tpu.vector_load %arg15[%swap3A_454] {strides = array<i32>} : memref<80xi32, #tpu.memory_space<vmem>>, vector<16xi32>,
      tpu.vector_store %arg15[%swap3A_454], %shift_right_arithmetic3A_453 {strides = array<i32>} : memref<80xi32, #tpu.memory_space<vmem>>, vector<16xi32>,
      %broadcast_in_dim3A_456 = vector.broadcast %add3A_409 : i32 to vector<16xi32>
      %parallel_loop3A_457 = arith.constant 0 : i32
      %parallel_loop3A_458 = arith.constant 80 : i32
      %parallel_loop3A_459 = arith.constant 1 : i32
      scf.for %parallel_loop3A_612 = %parallel_loop3A_457 to %parallel_loop3A_458 step %parallel_loop3A_459  : i32 {
        %parallel_loop3A_613 = vector.broadcast %parallel_loop3A_612 : i32 to vector<16xi32>
        %parallel_loop3A_614 = tpu.vector_load_idx %arg7[%broadcast_in_dim3A_456, %parallel_loop3A_613] : memref<125x80xf32, #tpu.memory_space<vmem>>[vector<16xi32>, vector<16xi32>], vector<16xf32>,
        %parallel_loop3A_615 = arith.index_cast %parallel_loop3A_612 : i32 to index
        %parallel_loop3A_616 = arith.constant 0 : index
        %parallel_loop3A_617 = tpu.vector_load %arg9[%parallel_loop3A_615, %parallel_loop3A_616] {strides = array<i32>} : memref<80x128xbf16, #tpu.memory_space<vmem>>, vector<32xbf16>,
        %parallel_loop3A_618 = vector.bitcast %parallel_loop3A_617 : vector<32xbf16> to vector<16xi32>
        %parallel_loop3A_619 = arith.constant 16 : i32
        %parallel_loop3A_620 = vector.broadcast %parallel_loop3A_619 : i32 to vector<16xi32>
        %parallel_loop3A_621 = arith.shli %parallel_loop3A_618, %parallel_loop3A_620 : vector<16xi32>
        %parallel_loop3A_622 = vector.bitcast %parallel_loop3A_621 : vector<16xi32> to vector<16xf32>
        %parallel_loop3A_623 = arith.constant -65536 : i32
        %parallel_loop3A_624 = vector.broadcast %parallel_loop3A_623 : i32 to vector<16xi32>
        %parallel_loop3A_625 = arith.andi %parallel_loop3A_618, %parallel_loop3A_624 : vector<16xi32>
        %parallel_loop3A_626 = vector.bitcast %parallel_loop3A_625 : vector<16xi32> to vector<16xf32>
        %parallel_loop3A_627 = arith.mulf %parallel_loop3A_622, %parallel_loop3A_614 : vector<16xf32>
        %parallel_loop3A_628 = arith.index_cast %parallel_loop3A_612 : i32 to index
        %parallel_loop3A_629 = arith.constant 0 : index
        %parallel_loop3A_630 = tpu.vector_load %arg11[%parallel_loop3A_628, %parallel_loop3A_629] {strides = array<i32>} : memref<80x128xf32, #tpu.memory_space<vmem>>, vector<16xf32>,
        tpu.vector_store %arg11[%parallel_loop3A_628, %parallel_loop3A_629], %parallel_loop3A_627 {strides = array<i32>} : memref<80x128xf32, #tpu.memory_space<vmem>>, vector<16xf32>,
        %parallel_loop3A_631 = arith.mulf %parallel_loop3A_626, %parallel_loop3A_614 : vector<16xf32>
        %parallel_loop3A_632 = arith.index_cast %parallel_loop3A_612 : i32 to index
        %parallel_loop3A_633 = arith.constant 16 : index
        %parallel_loop3A_634 = tpu.vector_load %arg11[%parallel_loop3A_632, %parallel_loop3A_633] {strides = array<i32>} : memref<80x128xf32, #tpu.memory_space<vmem>>, vector<16xf32>,
        tpu.vector_store %arg11[%parallel_loop3A_632, %parallel_loop3A_633], %parallel_loop3A_631 {strides = array<i32>} : memref<80x128xf32, #tpu.memory_space<vmem>>, vector<16xf32>,
        %parallel_loop3A_635 = arith.index_cast %parallel_loop3A_612 : i32 to index
        %parallel_loop3A_636 = arith.constant 32 : index
        %parallel_loop3A_637 = tpu.vector_load %arg9[%parallel_loop3A_635, %parallel_loop3A_636] {strides = array<i32>} : memref<80x128xbf16, #tpu.memory_space<vmem>>, vector<32xbf16>,
        %parallel_loop3A_638 = vector.bitcast %parallel_loop3A_637 : vector<32xbf16> to vector<16xi32>
        %parallel_loop3A_639 = arith.constant 16 : i32
        %parallel_loop3A_640 = vector.broadcast %parallel_loop3A_639 : i32 to vector<16xi32>
        %parallel_loop3A_641 = arith.shli %parallel_loop3A_638, %parallel_loop3A_640 : vector<16xi32>
        %parallel_loop3A_642 = vector.bitcast %parallel_loop3A_641 : vector<16xi32> to vector<16xf32>
        %parallel_loop3A_643 = arith.constant -65536 : i32
        %parallel_loop3A_644 = vector.broadcast %parallel_loop3A_643 : i32 to vector<16xi32>
        %parallel_loop3A_645 = arith.andi %parallel_loop3A_638, %parallel_loop3A_644 : vector<16xi32>
        %parallel_loop3A_646 = vector.bitcast %parallel_loop3A_645 : vector<16xi32> to vector<16xf32>
        %parallel_loop3A_647 = arith.mulf %parallel_loop3A_642, %parallel_loop3A_614 : vector<16xf32>
        %parallel_loop3A_648 = arith.index_cast %parallel_loop3A_612 : i32 to index
        %parallel_loop3A_649 = arith.constant 32 : index
        %parallel_loop3A_650 = tpu.vector_load %arg11[%parallel_loop3A_648, %parallel_loop3A_649] {strides = array<i32>} : memref<80x128xf32, #tpu.memory_space<vmem>>, vector<16xf32>,
        tpu.vector_store %arg11[%parallel_loop3A_648, %parallel_loop3A_649], %parallel_loop3A_647 {strides = array<i32>} : memref<80x128xf32, #tpu.memory_space<vmem>>, vector<16xf32>,
        %parallel_loop3A_651 = arith.mulf %parallel_loop3A_646, %parallel_loop3A_614 : vector<16xf32>
        %parallel_loop3A_652 = arith.index_cast %parallel_loop3A_612 : i32 to index
        %parallel_loop3A_653 = arith.constant 48 : index
        %parallel_loop3A_654 = tpu.vector_load %arg11[%parallel_loop3A_652, %parallel_loop3A_653] {strides = array<i32>} : memref<80x128xf32, #tpu.memory_space<vmem>>, vector<16xf32>,
        tpu.vector_store %arg11[%parallel_loop3A_652, %parallel_loop3A_653], %parallel_loop3A_651 {strides = array<i32>} : memref<80x128xf32, #tpu.memory_space<vmem>>, vector<16xf32>,
        %parallel_loop3A_655 = arith.index_cast %parallel_loop3A_612 : i32 to index
        %parallel_loop3A_656 = arith.constant 64 : index
        %parallel_loop3A_657 = tpu.vector_load %arg9[%parallel_loop3A_655, %parallel_loop3A_656] {strides = array<i32>} : memref<80x128xbf16, #tpu.memory_space<vmem>>, vector<32xbf16>,
        %parallel_loop3A_658 = vector.bitcast %parallel_loop3A_657 : vector<32xbf16> to vector<16xi32>
        %parallel_loop3A_659 = arith.constant 16 : i32
        %parallel_loop3A_660 = vector.broadcast %parallel_loop3A_659 : i32 to vector<16xi32>
        %parallel_loop3A_661 = arith.shli %parallel_loop3A_658, %parallel_loop3A_660 : vector<16xi32>
        %parallel_loop3A_662 = vector.bitcast %parallel_loop3A_661 : vector<16xi32> to vector<16xf32>
        %parallel_loop3A_663 = arith.constant -65536 : i32
        %parallel_loop3A_664 = vector.broadcast %parallel_loop3A_663 : i32 to vector<16xi32>
        %parallel_loop3A_665 = arith.andi %parallel_loop3A_658, %parallel_loop3A_664 : vector<16xi32>
        %parallel_loop3A_666 = vector.bitcast %parallel_loop3A_665 : vector<16xi32> to vector<16xf32>
        %parallel_loop3A_667 = arith.mulf %parallel_loop3A_662, %parallel_loop3A_614 : vector<16xf32>
        %parallel_loop3A_668 = arith.index_cast %parallel_loop3A_612 : i32 to index
        %parallel_loop3A_669 = arith.constant 64 : index
        %parallel_loop3A_670 = tpu.vector_load %arg11[%parallel_loop3A_668, %parallel_loop3A_669] {strides = array<i32>} : memref<80x128xf32, #tpu.memory_space<vmem>>, vector<16xf32>,
        tpu.vector_store %arg11[%parallel_loop3A_668, %parallel_loop3A_669], %parallel_loop3A_667 {strides = array<i32>} : memref<80x128xf32, #tpu.memory_space<vmem>>, vector<16xf32>,
        %parallel_loop3A_671 = arith.mulf %parallel_loop3A_666, %parallel_loop3A_614 : vector<16xf32>
        %parallel_loop3A_672 = arith.index_cast %parallel_loop3A_612 : i32 to index
        %parallel_loop3A_673 = arith.constant 80 : index
        %parallel_loop3A_674 = tpu.vector_load %arg11[%parallel_loop3A_672, %parallel_loop3A_673] {strides = array<i32>} : memref<80x128xf32, #tpu.memory_space<vmem>>, vector<16xf32>,
        tpu.vector_store %arg11[%parallel_loop3A_672, %parallel_loop3A_673], %parallel_loop3A_671 {strides = array<i32>} : memref<80x128xf32, #tpu.memory_space<vmem>>, vector<16xf32>,
        %parallel_loop3A_675 = arith.index_cast %parallel_loop3A_612 : i32 to index
        %parallel_loop3A_676 = arith.constant 96 : index
        %parallel_loop3A_677 = tpu.vector_load %arg9[%parallel_loop3A_675, %parallel_loop3A_676] {strides = array<i32>} : memref<80x128xbf16, #tpu.memory_space<vmem>>, vector<32xbf16>,
        %parallel_loop3A_678 = vector.bitcast %parallel_loop3A_677 : vector<32xbf16> to vector<16xi32>
        %parallel_loop3A_679 = arith.constant 16 : i32
        %parallel_loop3A_680 = vector.broadcast %parallel_loop3A_679 : i32 to vector<16xi32>
        %parallel_loop3A_681 = arith.shli %parallel_loop3A_678, %parallel_loop3A_680 : vector<16xi32>
        %parallel_loop3A_682 = vector.bitcast %parallel_loop3A_681 : vector<16xi32> to vector<16xf32>
        %parallel_loop3A_683 = arith.constant -65536 : i32
        %parallel_loop3A_684 = vector.broadcast %parallel_loop3A_683 : i32 to vector<16xi32>
        %parallel_loop3A_685 = arith.andi %parallel_loop3A_678, %parallel_loop3A_684 : vector<16xi32>
        %parallel_loop3A_686 = vector.bitcast %parallel_loop3A_685 : vector<16xi32> to vector<16xf32>
        %parallel_loop3A_687 = arith.mulf %parallel_loop3A_682, %parallel_loop3A_614 : vector<16xf32>
        %parallel_loop3A_688 = arith.index_cast %parallel_loop3A_612 : i32 to index
        %parallel_loop3A_689 = arith.constant 96 : index
        %parallel_loop3A_690 = tpu.vector_load %arg11[%parallel_loop3A_688, %parallel_loop3A_689] {strides = array<i32>} : memref<80x128xf32, #tpu.memory_space<vmem>>, vector<16xf32>,
        tpu.vector_store %arg11[%parallel_loop3A_688, %parallel_loop3A_689], %parallel_loop3A_687 {strides = array<i32>} : memref<80x128xf32, #tpu.memory_space<vmem>>, vector<16xf32>,
        %parallel_loop3A_691 = arith.mulf %parallel_loop3A_686, %parallel_loop3A_614 : vector<16xf32>
        %parallel_loop3A_692 = arith.index_cast %parallel_loop3A_612 : i32 to index
        %parallel_loop3A_693 = arith.constant 112 : index
        %parallel_loop3A_694 = tpu.vector_load %arg11[%parallel_loop3A_692, %parallel_loop3A_693] {strides = array<i32>} : memref<80x128xf32, #tpu.memory_space<vmem>>, vector<16xf32>,
        tpu.vector_store %arg11[%parallel_loop3A_692, %parallel_loop3A_693], %parallel_loop3A_691 {strides = array<i32>} : memref<80x128xf32, #tpu.memory_space<vmem>>, vector<16xf32>,
      } {sc.loop_unroll_factor = 2 : i64, sc.parallel_access}
      %dma_start3A_460 = arith.constant 0 : i32
      %dma_start3A_461 = arith.constant 0 : i32
      %dma_start3A_462 = tpu.memref_slice %arg16[%dma_start3A_460, %dma_start3A_461] : memref<10000x128xf32, #tpu.memory_space<vmem_shared>> -> memref<10000x128xf32, #tpu.memory_space<vmem_shared>>
      tpu.enqueue_indirect_dma source(%arg11 : memref<80x128xf32, #tpu.memory_space<vmem>>) target(%dma_start3A_462 : memref<10000x128xf32, #tpu.memory_space<vmem_shared>>) offsets(%arg15 : memref<80xi32, #tpu.memory_space<vmem>>) semaphore(%arg20 : memref<!tpu.dma_semaphore, #tpu.memory_space<semaphore_mem>>) {add = true}
      %add3A_463 = arith.constant 3 : i32
      %add3A_464 = arith.addi %add3A_409, %add3A_463 : i32
      %min3A_465 = arith.constant 124 : i32
      %min3A_466 = arith.minsi %add3A_464, %min3A_465 : i32
      %get3A_467 = arith.index_cast %min3A_466 : i32 to index
      %get3A_468 = arith.constant 0 : index
      %get3A_469 = tpu.vector_load %arg6[%get3A_467, %get3A_468] {strides = array<i32>} : memref<125x80xi32, #tpu.memory_space<vmem>>, vector<16xi32>,
      %and3A_470 = arith.constant 16383 : i32
      %and3A_471 = vector.broadcast %and3A_470 : i32 to vector<16xi32>
      %and3A_472 = arith.andi %get3A_469, %and3A_471 : vector<16xi32>
      %swap3A_473 = arith.constant 0 : index
      %swap3A_474 = tpu.vector_load %arg13[%swap3A_473] {strides = array<i32>} : memref<80xi32, #tpu.memory_space<vmem>>, vector<16xi32>,
      tpu.vector_store %arg13[%swap3A_473], %and3A_472 {strides = array<i32>} : memref<80xi32, #tpu.memory_space<vmem>>, vector<16xi32>,
      %get3A_475 = arith.index_cast %min3A_466 : i32 to index
      %get3A_476 = arith.constant 16 : index
      %get3A_477 = tpu.vector_load %arg6[%get3A_475, %get3A_476] {strides = array<i32>} : memref<125x80xi32, #tpu.memory_space<vmem>>, vector<16xi32>,
      %and3A_478 = arith.constant 16383 : i32
      %and3A_479 = vector.broadcast %and3A_478 : i32 to vector<16xi32>
      %and3A_480 = arith.andi %get3A_477, %and3A_479 : vector<16xi32>
      %swap3A_481 = arith.constant 16 : index
      %swap3A_482 = tpu.vector_load %arg13[%swap3A_481] {strides = array<i32>} : memref<80xi32, #tpu.memory_space<vmem>>, vector<16xi32>,
      tpu.vector_store %arg13[%swap3A_481], %and3A_480 {strides = array<i32>} : memref<80xi32, #tpu.memory_space<vmem>>, vector<16xi32>,
      %get3A_483 = arith.index_cast %min3A_466 : i32 to index
      %get3A_484 = arith.constant 32 : index
      %get3A_485 = tpu.vector_load %arg6[%get3A_483, %get3A_484] {strides = array<i32>} : memref<125x80xi32, #tpu.memory_space<vmem>>, vector<16xi32>,
      %and3A_486 = arith.constant 16383 : i32
      %and3A_487 = vector.broadcast %and3A_486 : i32 to vector<16xi32>
      %and3A_488 = arith.andi %get3A_485, %and3A_487 : vector<16xi32>
      %swap3A_489 = arith.constant 32 : index
      %swap3A_490 = tpu.vector_load %arg13[%swap3A_489] {strides = array<i32>} : memref<80xi32, #tpu.memory_space<vmem>>, vector<16xi32>,
      tpu.vector_store %arg13[%swap3A_489], %and3A_488 {strides = array<i32>} : memref<80xi32, #tpu.memory_space<vmem>>, vector<16xi32>,
      %get3A_491 = arith.index_cast %min3A_466 : i32 to index
      %get3A_492 = arith.constant 48 : index
      %get3A_493 = tpu.vector_load %arg6[%get3A_491, %get3A_492] {strides = array<i32>} : memref<125x80xi32, #tpu.memory_space<vmem>>, vector<16xi32>,
      %and3A_494 = arith.constant 16383 : i32
      %and3A_495 = vector.broadcast %and3A_494 : i32 to vector<16xi32>
      %and3A_496 = arith.andi %get3A_493, %and3A_495 : vector<16xi32>
      %swap3A_497 = arith.constant 48 : index
      %swap3A_498 = tpu.vector_load %arg13[%swap3A_497] {strides = array<i32>} : memref<80xi32, #tpu.memory_space<vmem>>, vector<16xi32>,
      tpu.vector_store %arg13[%swap3A_497], %and3A_496 {strides = array<i32>} : memref<80xi32, #tpu.memory_space<vmem>>, vector<16xi32>,
      %get3A_499 = arith.index_cast %min3A_466 : i32 to index
      %get3A_500 = arith.constant 64 : index
      %get3A_501 = tpu.vector_load %arg6[%get3A_499, %get3A_500] {strides = array<i32>} : memref<125x80xi32, #tpu.memory_space<vmem>>, vector<16xi32>,
      %and3A_502 = arith.constant 16383 : i32
      %and3A_503 = vector.broadcast %and3A_502 : i32 to vector<16xi32>
      %and3A_504 = arith.andi %get3A_501, %and3A_503 : vector<16xi32>
      %swap3A_505 = arith.constant 64 : index
      %swap3A_506 = tpu.vector_load %arg13[%swap3A_505] {strides = array<i32>} : memref<80xi32, #tpu.memory_space<vmem>>, vector<16xi32>,
      tpu.vector_store %arg13[%swap3A_505], %and3A_504 {strides = array<i32>} : memref<80xi32, #tpu.memory_space<vmem>>, vector<16xi32>,
      %dma_start3A_507 = arith.constant 0 : i32
      %dma_start3A_508 = arith.constant 0 : i32
      %dma_start3A_509 = tpu.memref_slice %arg4[%dma_start3A_507, %dma_start3A_508] : memref<10000x128xbf16, #tpu.memory_space<hbm>> -> memref<10000x128xbf16, #tpu.memory_space<hbm>>
      tpu.enqueue_indirect_dma source(%dma_start3A_509 : memref<10000x128xbf16, #tpu.memory_space<hbm>>) target(%arg9 : memref<80x128xbf16, #tpu.memory_space<vmem>>) offsets(%arg13 : memref<80xi32, #tpu.memory_space<vmem>>) semaphore(%arg18 : memref<!tpu.dma_semaphore, #tpu.memory_space<semaphore_mem>>)
      %add3A_510 = arith.constant 2 : i32
      %add3A_511 = arith.addi %mul3A_308, %add3A_510 : i32
      %dma_wait3A_512 = arith.constant 0 : i32
      %dma_wait3A_513 = arith.constant 0 : i32
      %dma_wait3A_514 = tpu.memref_slice %arg4[%dma_wait3A_512, %dma_wait3A_513] : memref<10000x128xbf16, #tpu.memory_space<hbm>> -> memref<10000x128xbf16, #tpu.memory_space<hbm>>
      tpu.wait_indirect_dma semaphore(%arg19 : memref<!tpu.dma_semaphore, #tpu.memory_space<semaphore_mem>>) src(%dma_wait3A_514 : memref<10000x128xbf16, #tpu.memory_space<hbm>>) dst(%arg10 : memref<80x128xbf16, #tpu.memory_space<vmem>>)
      %dma_wait3A_515 = arith.constant 0 : i32
      %dma_wait3A_516 = arith.constant 0 : i32
      %dma_wait3A_517 = tpu.memref_slice %arg16[%dma_wait3A_515, %dma_wait3A_516] : memref<10000x128xf32, #tpu.memory_space<vmem_shared>> -> memref<10000x128xf32, #tpu.memory_space<vmem_shared>>
      tpu.wait_indirect_dma semaphore(%arg20 : memref<!tpu.dma_semaphore, #tpu.memory_space<semaphore_mem>>) src(%arg11 : memref<80x128xf32, #tpu.memory_space<vmem>>) dst(%dma_wait3A_517 : memref<10000x128xf32, #tpu.memory_space<vmem_shared>>)
      %get3A_518 = arith.index_cast %add3A_511 : i32 to index
      %get3A_519 = arith.constant 0 : index
      %get3A_520 = tpu.vector_load %arg6[%get3A_518, %get3A_519] {strides = array<i32>} : memref<125x80xi32, #tpu.memory_space<vmem>>, vector<16xi32>,
      %shift_right_arithmetic3A_521 = arith.constant 14 : i32
      %shift_right_arithmetic3A_522 = vector.broadcast %shift_right_arithmetic3A_521 : i32 to vector<16xi32>
      %shift_right_arithmetic3A_523 = arith.shrsi %get3A_520, %shift_right_arithmetic3A_522 : vector<16xi32>
      %swap3A_524 = arith.constant 0 : index
      %swap3A_525 = tpu.vector_load %arg15[%swap3A_524] {strides = array<i32>} : memref<80xi32, #tpu.memory_space<vmem>>, vector<16xi32>,
      tpu.vector_store %arg15[%swap3A_524], %shift_right_arithmetic3A_523 {strides = array<i32>} : memref<80xi32, #tpu.memory_space<vmem>>, vector<16xi32>,
      %get3A_526 = arith.index_cast %add3A_511 : i32 to index
      %get3A_527 = arith.constant 16 : index
      %get3A_528 = tpu.vector_load %arg6[%get3A_526, %get3A_527] {strides = array<i32>} : memref<125x80xi32, #tpu.memory_space<vmem>>, vector<16xi32>,
      %shift_right_arithmetic3A_529 = arith.constant 14 : i32
      %shift_right_arithmetic3A_530 = vector.broadcast %shift_right_arithmetic3A_529 : i32 to vector<16xi32>
      %shift_right_arithmetic3A_531 = arith.shrsi %get3A_528, %shift_right_arithmetic3A_530 : vector<16xi32>
      %swap3A_532 = arith.constant 16 : index
      %swap3A_533 = tpu.vector_load %arg15[%swap3A_532] {strides = array<i32>} : memref<80xi32, #tpu.memory_space<vmem>>, vector<16xi32>,
      tpu.vector_store %arg15[%swap3A_532], %shift_right_arithmetic3A_531 {strides = array<i32>} : memref<80xi32, #tpu.memory_space<vmem>>, vector<16xi32>,
      %get3A_534 = arith.index_cast %add3A_511 : i32 to index
      %get3A_535 = arith.constant 32 : index
      %get3A_536 = tpu.vector_load %arg6[%get3A_534, %get3A_535] {strides = array<i32>} : memref<125x80xi32, #tpu.memory_space<vmem>>, vector<16xi32>,
      %shift_right_arithmetic3A_537 = arith.constant 14 : i32
      %shift_right_arithmetic3A_538 = vector.broadcast %shift_right_arithmetic3A_537 : i32 to vector<16xi32>
      %shift_right_arithmetic3A_539 = arith.shrsi %get3A_536, %shift_right_arithmetic3A_538 : vector<16xi32>
      %swap3A_540 = arith.constant 32 : index
      %swap3A_541 = tpu.vector_load %arg15[%swap3A_540] {strides = array<i32>} : memref<80xi32, #tpu.memory_space<vmem>>, vector<16xi32>,
      tpu.vector_store %arg15[%swap3A_540], %shift_right_arithmetic3A_539 {strides = array<i32>} : memref<80xi32, #tpu.memory_space<vmem>>, vector<16xi32>,
      %get3A_542 = arith.index_cast %add3A_511 : i32 to index
      %get3A_543 = arith.constant 48 : index
      %get3A_544 = tpu.vector_load %arg6[%get3A_542, %get3A_543] {strides = array<i32>} : memref<125x80xi32, #tpu.memory_space<vmem>>, vector<16xi32>,
      %shift_right_arithmetic3A_545 = arith.constant 14 : i32
      %shift_right_arithmetic3A_546 = vector.broadcast %shift_right_arithmetic3A_545 : i32 to vector<16xi32>
      %shift_right_arithmetic3A_547 = arith.shrsi %get3A_544, %shift_right_arithmetic3A_546 : vector<16xi32>
      %swap3A_548 = arith.constant 48 : index
      %swap3A_549 = tpu.vector_load %arg15[%swap3A_548] {strides = array<i32>} : memref<80xi32, #tpu.memory_space<vmem>>, vector<16xi32>,
      tpu.vector_store %arg15[%swap3A_548], %shift_right_arithmetic3A_547 {strides = array<i32>} : memref<80xi32, #tpu.memory_space<vmem>>, vector<16xi32>,
      %get3A_550 = arith.index_cast %add3A_511 : i32 to index
      %get3A_551 = arith.constant 64 : index
      %get3A_552 = tpu.vector_load %arg6[%get3A_550, %get3A_551] {strides = array<i32>} : memref<125x80xi32, #tpu.memory_space<vmem>>, vector<16xi32>,
      %shift_right_arithmetic3A_553 = arith.constant 14 : i32
      %shift_right_arithmetic3A_554 = vector.broadcast %shift_right_arithmetic3A_553 : i32 to vector<16xi32>
      %shift_right_arithmetic3A_555 = arith.shrsi %get3A_552, %shift_right_arithmetic3A_554 : vector<16xi32>
      %swap3A_556 = arith.constant 64 : index
      %swap3A_557 = tpu.vector_load %arg15[%swap3A_556] {strides = array<i32>} : memref<80xi32, #tpu.memory_space<vmem>>, vector<16xi32>,
      tpu.vector_store %arg15[%swap3A_556], %shift_right_arithmetic3A_555 {strides = array<i32>} : memref<80xi32, #tpu.memory_space<vmem>>, vector<16xi32>,
      %broadcast_in_dim3A_558 = vector.broadcast %add3A_511 : i32 to vector<16xi32>
      %parallel_loop3A_559 = arith.constant 0 : i32
      %parallel_loop3A_560 = arith.constant 80 : i32
      %parallel_loop3A_561 = arith.constant 1 : i32
      scf.for %parallel_loop3A_612 = %parallel_loop3A_559 to %parallel_loop3A_560 step %parallel_loop3A_561  : i32 {
        %parallel_loop3A_613 = vector.broadcast %parallel_loop3A_612 : i32 to vector<16xi32>
        %parallel_loop3A_614 = tpu.vector_load_idx %arg7[%broadcast_in_dim3A_558, %parallel_loop3A_613] : memref<125x80xf32, #tpu.memory_space<vmem>>[vector<16xi32>, vector<16xi32>], vector<16xf32>,
        %parallel_loop3A_615 = arith.index_cast %parallel_loop3A_612 : i32 to index
        %parallel_loop3A_616 = arith.constant 0 : index
        %parallel_loop3A_617 = tpu.vector_load %arg10[%parallel_loop3A_615, %parallel_loop3A_616] {strides = array<i32>} : memref<80x128xbf16, #tpu.memory_space<vmem>>, vector<32xbf16>,
        %parallel_loop3A_618 = vector.bitcast %parallel_loop3A_617 : vector<32xbf16> to vector<16xi32>
        %parallel_loop3A_619 = arith.constant 16 : i32
        %parallel_loop3A_620 = vector.broadcast %parallel_loop3A_619 : i32 to vector<16xi32>
        %parallel_loop3A_621 = arith.shli %parallel_loop3A_618, %parallel_loop3A_620 : vector<16xi32>
        %parallel_loop3A_622 = vector.bitcast %parallel_loop3A_621 : vector<16xi32> to vector<16xf32>
        %parallel_loop3A_623 = arith.constant -65536 : i32
        %parallel_loop3A_624 = vector.broadcast %parallel_loop3A_623 : i32 to vector<16xi32>
        %parallel_loop3A_625 = arith.andi %parallel_loop3A_618, %parallel_loop3A_624 : vector<16xi32>
        %parallel_loop3A_626 = vector.bitcast %parallel_loop3A_625 : vector<16xi32> to vector<16xf32>
        %parallel_loop3A_627 = arith.mulf %parallel_loop3A_622, %parallel_loop3A_614 : vector<16xf32>
        %parallel_loop3A_628 = arith.index_cast %parallel_loop3A_612 : i32 to index
        %parallel_loop3A_629 = arith.constant 0 : index
        %parallel_loop3A_630 = tpu.vector_load %arg11[%parallel_loop3A_628, %parallel_loop3A_629] {strides = array<i32>} : memref<80x128xf32, #tpu.memory_space<vmem>>, vector<16xf32>,
        tpu.vector_store %arg11[%parallel_loop3A_628, %parallel_loop3A_629], %parallel_loop3A_627 {strides = array<i32>} : memref<80x128xf32, #tpu.memory_space<vmem>>, vector<16xf32>,
        %parallel_loop3A_631 = arith.mulf %parallel_loop3A_626, %parallel_loop3A_614 : vector<16xf32>
        %parallel_loop3A_632 = arith.index_cast %parallel_loop3A_612 : i32 to index
        %parallel_loop3A_633 = arith.constant 16 : index
        %parallel_loop3A_634 = tpu.vector_load %arg11[%parallel_loop3A_632, %parallel_loop3A_633] {strides = array<i32>} : memref<80x128xf32, #tpu.memory_space<vmem>>, vector<16xf32>,
        tpu.vector_store %arg11[%parallel_loop3A_632, %parallel_loop3A_633], %parallel_loop3A_631 {strides = array<i32>} : memref<80x128xf32, #tpu.memory_space<vmem>>, vector<16xf32>,
        %parallel_loop3A_635 = arith.index_cast %parallel_loop3A_612 : i32 to index
        %parallel_loop3A_636 = arith.constant 32 : index
        %parallel_loop3A_637 = tpu.vector_load %arg10[%parallel_loop3A_635, %parallel_loop3A_636] {strides = array<i32>} : memref<80x128xbf16, #tpu.memory_space<vmem>>, vector<32xbf16>,
        %parallel_loop3A_638 = vector.bitcast %parallel_loop3A_637 : vector<32xbf16> to vector<16xi32>
        %parallel_loop3A_639 = arith.constant 16 : i32
        %parallel_loop3A_640 = vector.broadcast %parallel_loop3A_639 : i32 to vector<16xi32>
        %parallel_loop3A_641 = arith.shli %parallel_loop3A_638, %parallel_loop3A_640 : vector<16xi32>
        %parallel_loop3A_642 = vector.bitcast %parallel_loop3A_641 : vector<16xi32> to vector<16xf32>
        %parallel_loop3A_643 = arith.constant -65536 : i32
        %parallel_loop3A_644 = vector.broadcast %parallel_loop3A_643 : i32 to vector<16xi32>
        %parallel_loop3A_645 = arith.andi %parallel_loop3A_638, %parallel_loop3A_644 : vector<16xi32>
        %parallel_loop3A_646 = vector.bitcast %parallel_loop3A_645 : vector<16xi32> to vector<16xf32>
        %parallel_loop3A_647 = arith.mulf %parallel_loop3A_642, %parallel_loop3A_614 : vector<16xf32>
        %parallel_loop3A_648 = arith.index_cast %parallel_loop3A_612 : i32 to index
        %parallel_loop3A_649 = arith.constant 32 : index
        %parallel_loop3A_650 = tpu.vector_load %arg11[%parallel_loop3A_648, %parallel_loop3A_649] {strides = array<i32>} : memref<80x128xf32, #tpu.memory_space<vmem>>, vector<16xf32>,
        tpu.vector_store %arg11[%parallel_loop3A_648, %parallel_loop3A_649], %parallel_loop3A_647 {strides = array<i32>} : memref<80x128xf32, #tpu.memory_space<vmem>>, vector<16xf32>,
        %parallel_loop3A_651 = arith.mulf %parallel_loop3A_646, %parallel_loop3A_614 : vector<16xf32>
        %parallel_loop3A_652 = arith.index_cast %parallel_loop3A_612 : i32 to index
        %parallel_loop3A_653 = arith.constant 48 : index
        %parallel_loop3A_654 = tpu.vector_load %arg11[%parallel_loop3A_652, %parallel_loop3A_653] {strides = array<i32>} : memref<80x128xf32, #tpu.memory_space<vmem>>, vector<16xf32>,
        tpu.vector_store %arg11[%parallel_loop3A_652, %parallel_loop3A_653], %parallel_loop3A_651 {strides = array<i32>} : memref<80x128xf32, #tpu.memory_space<vmem>>, vector<16xf32>,
        %parallel_loop3A_655 = arith.index_cast %parallel_loop3A_612 : i32 to index
        %parallel_loop3A_656 = arith.constant 64 : index
        %parallel_loop3A_657 = tpu.vector_load %arg10[%parallel_loop3A_655, %parallel_loop3A_656] {strides = array<i32>} : memref<80x128xbf16, #tpu.memory_space<vmem>>, vector<32xbf16>,
        %parallel_loop3A_658 = vector.bitcast %parallel_loop3A_657 : vector<32xbf16> to vector<16xi32>
        %parallel_loop3A_659 = arith.constant 16 : i32
        %parallel_loop3A_660 = vector.broadcast %parallel_loop3A_659 : i32 to vector<16xi32>
        %parallel_loop3A_661 = arith.shli %parallel_loop3A_658, %parallel_loop3A_660 : vector<16xi32>
        %parallel_loop3A_662 = vector.bitcast %parallel_loop3A_661 : vector<16xi32> to vector<16xf32>
        %parallel_loop3A_663 = arith.constant -65536 : i32
        %parallel_loop3A_664 = vector.broadcast %parallel_loop3A_663 : i32 to vector<16xi32>
        %parallel_loop3A_665 = arith.andi %parallel_loop3A_658, %parallel_loop3A_664 : vector<16xi32>
        %parallel_loop3A_666 = vector.bitcast %parallel_loop3A_665 : vector<16xi32> to vector<16xf32>
        %parallel_loop3A_667 = arith.mulf %parallel_loop3A_662, %parallel_loop3A_614 : vector<16xf32>
        %parallel_loop3A_668 = arith.index_cast %parallel_loop3A_612 : i32 to index
        %parallel_loop3A_669 = arith.constant 64 : index
        %parallel_loop3A_670 = tpu.vector_load %arg11[%parallel_loop3A_668, %parallel_loop3A_669] {strides = array<i32>} : memref<80x128xf32, #tpu.memory_space<vmem>>, vector<16xf32>,
        tpu.vector_store %arg11[%parallel_loop3A_668, %parallel_loop3A_669], %parallel_loop3A_667 {strides = array<i32>} : memref<80x128xf32, #tpu.memory_space<vmem>>, vector<16xf32>,
        %parallel_loop3A_671 = arith.mulf %parallel_loop3A_666, %parallel_loop3A_614 : vector<16xf32>
        %parallel_loop3A_672 = arith.index_cast %parallel_loop3A_612 : i32 to index
        %parallel_loop3A_673 = arith.constant 80 : index
        %parallel_loop3A_674 = tpu.vector_load %arg11[%parallel_loop3A_672, %parallel_loop3A_673] {strides = array<i32>} : memref<80x128xf32, #tpu.memory_space<vmem>>, vector<16xf32>,
        tpu.vector_store %arg11[%parallel_loop3A_672, %parallel_loop3A_673], %parallel_loop3A_671 {strides = array<i32>} : memref<80x128xf32, #tpu.memory_space<vmem>>, vector<16xf32>,
        %parallel_loop3A_675 = arith.index_cast %parallel_loop3A_612 : i32 to index
        %parallel_loop3A_676 = arith.constant 96 : index
        %parallel_loop3A_677 = tpu.vector_load %arg10[%parallel_loop3A_675, %parallel_loop3A_676] {strides = array<i32>} : memref<80x128xbf16, #tpu.memory_space<vmem>>, vector<32xbf16>,
        %parallel_loop3A_678 = vector.bitcast %parallel_loop3A_677 : vector<32xbf16> to vector<16xi32>
        %parallel_loop3A_679 = arith.constant 16 : i32
        %parallel_loop3A_680 = vector.broadcast %parallel_loop3A_679 : i32 to vector<16xi32>
        %parallel_loop3A_681 = arith.shli %parallel_loop3A_678, %parallel_loop3A_680 : vector<16xi32>
        %parallel_loop3A_682 = vector.bitcast %parallel_loop3A_681 : vector<16xi32> to vector<16xf32>
        %parallel_loop3A_683 = arith.constant -65536 : i32
        %parallel_loop3A_684 = vector.broadcast %parallel_loop3A_683 : i32 to vector<16xi32>
        %parallel_loop3A_685 = arith.andi %parallel_loop3A_678, %parallel_loop3A_684 : vector<16xi32>
        %parallel_loop3A_686 = vector.bitcast %parallel_loop3A_685 : vector<16xi32> to vector<16xf32>
        %parallel_loop3A_687 = arith.mulf %parallel_loop3A_682, %parallel_loop3A_614 : vector<16xf32>
        %parallel_loop3A_688 = arith.index_cast %parallel_loop3A_612 : i32 to index
        %parallel_loop3A_689 = arith.constant 96 : index
        %parallel_loop3A_690 = tpu.vector_load %arg11[%parallel_loop3A_688, %parallel_loop3A_689] {strides = array<i32>} : memref<80x128xf32, #tpu.memory_space<vmem>>, vector<16xf32>,
        tpu.vector_store %arg11[%parallel_loop3A_688, %parallel_loop3A_689], %parallel_loop3A_687 {strides = array<i32>} : memref<80x128xf32, #tpu.memory_space<vmem>>, vector<16xf32>,
        %parallel_loop3A_691 = arith.mulf %parallel_loop3A_686, %parallel_loop3A_614 : vector<16xf32>
        %parallel_loop3A_692 = arith.index_cast %parallel_loop3A_612 : i32 to index
        %parallel_loop3A_693 = arith.constant 112 : index
        %parallel_loop3A_694 = tpu.vector_load %arg11[%parallel_loop3A_692, %parallel_loop3A_693] {strides = array<i32>} : memref<80x128xf32, #tpu.memory_space<vmem>>, vector<16xf32>,
        tpu.vector_store %arg11[%parallel_loop3A_692, %parallel_loop3A_693], %parallel_loop3A_691 {strides = array<i32>} : memref<80x128xf32, #tpu.memory_space<vmem>>, vector<16xf32>,
      } {sc.loop_unroll_factor = 2 : i64, sc.parallel_access}
      %dma_start3A_562 = arith.constant 0 : i32
      %dma_start3A_563 = arith.constant 0 : i32
      %dma_start3A_564 = tpu.memref_slice %arg16[%dma_start3A_562, %dma_start3A_563] : memref<10000x128xf32, #tpu.memory_space<vmem_shared>> -> memref<10000x128xf32, #tpu.memory_space<vmem_shared>>
      tpu.enqueue_indirect_dma source(%arg11 : memref<80x128xf32, #tpu.memory_space<vmem>>) target(%dma_start3A_564 : memref<10000x128xf32, #tpu.memory_space<vmem_shared>>) offsets(%arg15 : memref<80xi32, #tpu.memory_space<vmem>>) semaphore(%arg20 : memref<!tpu.dma_semaphore, #tpu.memory_space<semaphore_mem>>) {add = true}
      %add3A_565 = arith.constant 3 : i32
      %add3A_566 = arith.addi %add3A_511, %add3A_565 : i32
      %min3A_567 = arith.constant 124 : i32
      %min3A_568 = arith.minsi %add3A_566, %min3A_567 : i32
      %get3A_569 = arith.index_cast %min3A_568 : i32 to index
      %get3A_570 = arith.constant 0 : index
      %get3A_571 = tpu.vector_load %arg6[%get3A_569, %get3A_570] {strides = array<i32>} : memref<125x80xi32, #tpu.memory_space<vmem>>, vector<16xi32>,
      %and3A_572 = arith.constant 16383 : i32
      %and3A_573 = vector.broadcast %and3A_572 : i32 to vector<16xi32>
      %and3A_574 = arith.andi %get3A_571, %and3A_573 : vector<16xi32>
      %swap3A_575 = arith.constant 0 : index
      %swap3A_576 = tpu.vector_load %arg14[%swap3A_575] {strides = array<i32>} : memref<80xi32, #tpu.memory_space<vmem>>, vector<16xi32>,
      tpu.vector_store %arg14[%swap3A_575], %and3A_574 {strides = array<i32>} : memref<80xi32, #tpu.memory_space<vmem>>, vector<16xi32>,
      %get3A_577 = arith.index_cast %min3A_568 : i32 to index
      %get3A_578 = arith.constant 16 : index
      %get3A_579 = tpu.vector_load %arg6[%get3A_577, %get3A_578] {strides = array<i32>} : memref<125x80xi32, #tpu.memory_space<vmem>>, vector<16xi32>,
      %and3A_580 = arith.constant 16383 : i32
      %and3A_581 = vector.broadcast %and3A_580 : i32 to vector<16xi32>
      %and3A_582 = arith.andi %get3A_579, %and3A_581 : vector<16xi32>
      %swap3A_583 = arith.constant 16 : index
      %swap3A_584 = tpu.vector_load %arg14[%swap3A_583] {strides = array<i32>} : memref<80xi32, #tpu.memory_space<vmem>>, vector<16xi32>,
      tpu.vector_store %arg14[%swap3A_583], %and3A_582 {strides = array<i32>} : memref<80xi32, #tpu.memory_space<vmem>>, vector<16xi32>,
      %get3A_585 = arith.index_cast %min3A_568 : i32 to index
      %get3A_586 = arith.constant 32 : index
      %get3A_587 = tpu.vector_load %arg6[%get3A_585, %get3A_586] {strides = array<i32>} : memref<125x80xi32, #tpu.memory_space<vmem>>, vector<16xi32>,
      %and3A_588 = arith.constant 16383 : i32
      %and3A_589 = vector.broadcast %and3A_588 : i32 to vector<16xi32>
      %and3A_590 = arith.andi %get3A_587, %and3A_589 : vector<16xi32>
      %swap3A_591 = arith.constant 32 : index
      %swap3A_592 = tpu.vector_load %arg14[%swap3A_591] {strides = array<i32>} : memref<80xi32, #tpu.memory_space<vmem>>, vector<16xi32>,
      tpu.vector_store %arg14[%swap3A_591], %and3A_590 {strides = array<i32>} : memref<80xi32, #tpu.memory_space<vmem>>, vector<16xi32>,
      %get3A_593 = arith.index_cast %min3A_568 : i32 to index
      %get3A_594 = arith.constant 48 : index
      %get3A_595 = tpu.vector_load %arg6[%get3A_593, %get3A_594] {strides = array<i32>} : memref<125x80xi32, #tpu.memory_space<vmem>>, vector<16xi32>,
      %and3A_596 = arith.constant 16383 : i32
      %and3A_597 = vector.broadcast %and3A_596 : i32 to vector<16xi32>
      %and3A_598 = arith.andi %get3A_595, %and3A_597 : vector<16xi32>
      %swap3A_599 = arith.constant 48 : index
      %swap3A_600 = tpu.vector_load %arg14[%swap3A_599] {strides = array<i32>} : memref<80xi32, #tpu.memory_space<vmem>>, vector<16xi32>,
      tpu.vector_store %arg14[%swap3A_599], %and3A_598 {strides = array<i32>} : memref<80xi32, #tpu.memory_space<vmem>>, vector<16xi32>,
      %get3A_601 = arith.index_cast %min3A_568 : i32 to index
      %get3A_602 = arith.constant 64 : index
      %get3A_603 = tpu.vector_load %arg6[%get3A_601, %get3A_602] {strides = array<i32>} : memref<125x80xi32, #tpu.memory_space<vmem>>, vector<16xi32>,
      %and3A_604 = arith.constant 16383 : i32
      %and3A_605 = vector.broadcast %and3A_604 : i32 to vector<16xi32>
      %and3A_606 = arith.andi %get3A_603, %and3A_605 : vector<16xi32>
      %swap3A_607 = arith.constant 64 : index
      %swap3A_608 = tpu.vector_load %arg14[%swap3A_607] {strides = array<i32>} : memref<80xi32, #tpu.memory_space<vmem>>, vector<16xi32>,
      tpu.vector_store %arg14[%swap3A_607], %and3A_606 {strides = array<i32>} : memref<80xi32, #tpu.memory_space<vmem>>, vector<16xi32>,
      %dma_start3A_609 = arith.constant 0 : i32
      %dma_start3A_610 = arith.constant 0 : i32
      %dma_start3A_611 = tpu.memref_slice %arg4[%dma_start3A_609, %dma_start3A_610] : memref<10000x128xbf16, #tpu.memory_space<hbm>> -> memref<10000x128xbf16, #tpu.memory_space<hbm>>
      tpu.enqueue_indirect_dma source(%dma_start3A_611 : memref<10000x128xbf16, #tpu.memory_space<hbm>>) target(%arg10 : memref<80x128xbf16, #tpu.memory_space<vmem>>) offsets(%arg14 : memref<80xi32, #tpu.memory_space<vmem>>) semaphore(%arg19 : memref<!tpu.dma_semaphore, #tpu.memory_space<semaphore_mem>>)
    }
    %scan3A_179 = arith.constant 41 : i32
    %dma_wait3A = arith.constant 0 : i32
    %dma_wait3A_180 = arith.constant 0 : i32
    %dma_wait3A_181 = tpu.memref_slice %arg4[%dma_wait3A, %dma_wait3A_180] : memref<10000x128xbf16, #tpu.memory_space<hbm>> -> memref<10000x128xbf16, #tpu.memory_space<hbm>>
    tpu.wait_indirect_dma semaphore(%arg17 : memref<!tpu.dma_semaphore, #tpu.memory_space<semaphore_mem>>) src(%dma_wait3A_181 : memref<10000x128xbf16, #tpu.memory_space<hbm>>) dst(%arg8 : memref<80x128xbf16, #tpu.memory_space<vmem>>)
    %dma_wait3A_182 = arith.constant 0 : i32
    %dma_wait3A_183 = arith.constant 0 : i32
    %dma_wait3A_184 = tpu.memref_slice %arg16[%dma_wait3A_182, %dma_wait3A_183] : memref<10000x128xf32, #tpu.memory_space<vmem_shared>> -> memref<10000x128xf32, #tpu.memory_space<vmem_shared>>
    tpu.wait_indirect_dma semaphore(%arg20 : memref<!tpu.dma_semaphore, #tpu.memory_space<semaphore_mem>>) src(%arg11 : memref<80x128xf32, #tpu.memory_space<vmem>>) dst(%dma_wait3A_184 : memref<10000x128xf32, #tpu.memory_space<vmem_shared>>)
    %get3A_185 = arith.constant 123 : i32
    %get3A_186 = arith.index_cast %get3A_185 : i32 to index
    %get3A_187 = arith.constant 0 : index
    %get3A_188 = tpu.vector_load %arg6[%get3A_186, %get3A_187] {strides = array<i32>} : memref<125x80xi32, #tpu.memory_space<vmem>>, vector<16xi32>,
    %shift_right_arithmetic3A = arith.constant 14 : i32
    %shift_right_arithmetic3A_189 = vector.broadcast %shift_right_arithmetic3A : i32 to vector<16xi32>
    %shift_right_arithmetic3A_190 = arith.shrsi %get3A_188, %shift_right_arithmetic3A_189 : vector<16xi32>
    %swap3A_191 = arith.constant 0 : index
    %swap3A_192 = tpu.vector_load %arg15[%swap3A_191] {strides = array<i32>} : memref<80xi32, #tpu.memory_space<vmem>>, vector<16xi32>,
    tpu.vector_store %arg15[%swap3A_191], %shift_right_arithmetic3A_190 {strides = array<i32>} : memref<80xi32, #tpu.memory_space<vmem>>, vector<16xi32>,
    %get3A_193 = arith.constant 123 : i32
    %get3A_194 = arith.index_cast %get3A_193 : i32 to index
    %get3A_195 = arith.constant 16 : index
    %get3A_196 = tpu.vector_load %arg6[%get3A_194, %get3A_195] {strides = array<i32>} : memref<125x80xi32, #tpu.memory_space<vmem>>, vector<16xi32>,
    %shift_right_arithmetic3A_197 = arith.constant 14 : i32
    %shift_right_arithmetic3A_198 = vector.broadcast %shift_right_arithmetic3A_197 : i32 to vector<16xi32>
    %shift_right_arithmetic3A_199 = arith.shrsi %get3A_196, %shift_right_arithmetic3A_198 : vector<16xi32>
    %swap3A_200 = arith.constant 16 : index
    %swap3A_201 = tpu.vector_load %arg15[%swap3A_200] {strides = array<i32>} : memref<80xi32, #tpu.memory_space<vmem>>, vector<16xi32>,
    tpu.vector_store %arg15[%swap3A_200], %shift_right_arithmetic3A_199 {strides = array<i32>} : memref<80xi32, #tpu.memory_space<vmem>>, vector<16xi32>,
    %get3A_202 = arith.constant 123 : i32
    %get3A_203 = arith.index_cast %get3A_202 : i32 to index
    %get3A_204 = arith.constant 32 : index
    %get3A_205 = tpu.vector_load %arg6[%get3A_203, %get3A_204] {strides = array<i32>} : memref<125x80xi32, #tpu.memory_space<vmem>>, vector<16xi32>,
    %shift_right_arithmetic3A_206 = arith.constant 14 : i32
    %shift_right_arithmetic3A_207 = vector.broadcast %shift_right_arithmetic3A_206 : i32 to vector<16xi32>
    %shift_right_arithmetic3A_208 = arith.shrsi %get3A_205, %shift_right_arithmetic3A_207 : vector<16xi32>
    %swap3A_209 = arith.constant 32 : index
    %swap3A_210 = tpu.vector_load %arg15[%swap3A_209] {strides = array<i32>} : memref<80xi32, #tpu.memory_space<vmem>>, vector<16xi32>,
    tpu.vector_store %arg15[%swap3A_209], %shift_right_arithmetic3A_208 {strides = array<i32>} : memref<80xi32, #tpu.memory_space<vmem>>, vector<16xi32>,
    %get3A_211 = arith.constant 123 : i32
    %get3A_212 = arith.index_cast %get3A_211 : i32 to index
    %get3A_213 = arith.constant 48 : index
    %get3A_214 = tpu.vector_load %arg6[%get3A_212, %get3A_213] {strides = array<i32>} : memref<125x80xi32, #tpu.memory_space<vmem>>, vector<16xi32>,
    %shift_right_arithmetic3A_215 = arith.constant 14 : i32
    %shift_right_arithmetic3A_216 = vector.broadcast %shift_right_arithmetic3A_215 : i32 to vector<16xi32>
    %shift_right_arithmetic3A_217 = arith.shrsi %get3A_214, %shift_right_arithmetic3A_216 : vector<16xi32>
    %swap3A_218 = arith.constant 48 : index
    %swap3A_219 = tpu.vector_load %arg15[%swap3A_218] {strides = array<i32>} : memref<80xi32, #tpu.memory_space<vmem>>, vector<16xi32>,
    tpu.vector_store %arg15[%swap3A_218], %shift_right_arithmetic3A_217 {strides = array<i32>} : memref<80xi32, #tpu.memory_space<vmem>>, vector<16xi32>,
    %get3A_220 = arith.constant 123 : i32
    %get3A_221 = arith.index_cast %get3A_220 : i32 to index
    %get3A_222 = arith.constant 64 : index
    %get3A_223 = tpu.vector_load %arg6[%get3A_221, %get3A_222] {strides = array<i32>} : memref<125x80xi32, #tpu.memory_space<vmem>>, vector<16xi32>,
    %shift_right_arithmetic3A_224 = arith.constant 14 : i32
    %shift_right_arithmetic3A_225 = vector.broadcast %shift_right_arithmetic3A_224 : i32 to vector<16xi32>
    %shift_right_arithmetic3A_226 = arith.shrsi %get3A_223, %shift_right_arithmetic3A_225 : vector<16xi32>
    %swap3A_227 = arith.constant 64 : index
    %swap3A_228 = tpu.vector_load %arg15[%swap3A_227] {strides = array<i32>} : memref<80xi32, #tpu.memory_space<vmem>>, vector<16xi32>,
    tpu.vector_store %arg15[%swap3A_227], %shift_right_arithmetic3A_226 {strides = array<i32>} : memref<80xi32, #tpu.memory_space<vmem>>, vector<16xi32>,
    %broadcast_in_dim3A_229 = arith.constant 123 : i32
    %broadcast_in_dim3A_230 = vector.broadcast %broadcast_in_dim3A_229 : i32 to vector<16xi32>
    %parallel_loop3A = arith.constant 0 : i32
    %parallel_loop3A_231 = arith.constant 80 : i32
    %parallel_loop3A_232 = arith.constant 1 : i32
    scf.for %parallel_loop3A_306 = %parallel_loop3A to %parallel_loop3A_231 step %parallel_loop3A_232  : i32 {
      %parallel_loop3A_307 = vector.broadcast %parallel_loop3A_306 : i32 to vector<16xi32>
      %parallel_loop3A_308 = tpu.vector_load_idx %arg7[%broadcast_in_dim3A_230, %parallel_loop3A_307] : memref<125x80xf32, #tpu.memory_space<vmem>>[vector<16xi32>, vector<16xi32>], vector<16xf32>,
      %parallel_loop3A_309 = arith.index_cast %parallel_loop3A_306 : i32 to index
      %parallel_loop3A_310 = arith.constant 0 : index
      %parallel_loop3A_311 = tpu.vector_load %arg8[%parallel_loop3A_309, %parallel_loop3A_310] {strides = array<i32>} : memref<80x128xbf16, #tpu.memory_space<vmem>>, vector<32xbf16>,
      %parallel_loop3A_312 = vector.bitcast %parallel_loop3A_311 : vector<32xbf16> to vector<16xi32>
      %parallel_loop3A_313 = arith.constant 16 : i32
      %parallel_loop3A_314 = vector.broadcast %parallel_loop3A_313 : i32 to vector<16xi32>
      %parallel_loop3A_315 = arith.shli %parallel_loop3A_312, %parallel_loop3A_314 : vector<16xi32>
      %parallel_loop3A_316 = vector.bitcast %parallel_loop3A_315 : vector<16xi32> to vector<16xf32>
      %parallel_loop3A_317 = arith.constant -65536 : i32
      %parallel_loop3A_318 = vector.broadcast %parallel_loop3A_317 : i32 to vector<16xi32>
      %parallel_loop3A_319 = arith.andi %parallel_loop3A_312, %parallel_loop3A_318 : vector<16xi32>
      %parallel_loop3A_320 = vector.bitcast %parallel_loop3A_319 : vector<16xi32> to vector<16xf32>
      %parallel_loop3A_321 = arith.mulf %parallel_loop3A_316, %parallel_loop3A_308 : vector<16xf32>
      %parallel_loop3A_322 = arith.index_cast %parallel_loop3A_306 : i32 to index
      %parallel_loop3A_323 = arith.constant 0 : index
      %parallel_loop3A_324 = tpu.vector_load %arg11[%parallel_loop3A_322, %parallel_loop3A_323] {strides = array<i32>} : memref<80x128xf32, #tpu.memory_space<vmem>>, vector<16xf32>,
      tpu.vector_store %arg11[%parallel_loop3A_322, %parallel_loop3A_323], %parallel_loop3A_321 {strides = array<i32>} : memref<80x128xf32, #tpu.memory_space<vmem>>, vector<16xf32>,
      %parallel_loop3A_325 = arith.mulf %parallel_loop3A_320, %parallel_loop3A_308 : vector<16xf32>
      %parallel_loop3A_326 = arith.index_cast %parallel_loop3A_306 : i32 to index
      %parallel_loop3A_327 = arith.constant 16 : index
      %parallel_loop3A_328 = tpu.vector_load %arg11[%parallel_loop3A_326, %parallel_loop3A_327] {strides = array<i32>} : memref<80x128xf32, #tpu.memory_space<vmem>>, vector<16xf32>,
      tpu.vector_store %arg11[%parallel_loop3A_326, %parallel_loop3A_327], %parallel_loop3A_325 {strides = array<i32>} : memref<80x128xf32, #tpu.memory_space<vmem>>, vector<16xf32>,
      %parallel_loop3A_329 = arith.index_cast %parallel_loop3A_306 : i32 to index
      %parallel_loop3A_330 = arith.constant 32 : index
      %parallel_loop3A_331 = tpu.vector_load %arg8[%parallel_loop3A_329, %parallel_loop3A_330] {strides = array<i32>} : memref<80x128xbf16, #tpu.memory_space<vmem>>, vector<32xbf16>,
      %parallel_loop3A_332 = vector.bitcast %parallel_loop3A_331 : vector<32xbf16> to vector<16xi32>
      %parallel_loop3A_333 = arith.constant 16 : i32
      %parallel_loop3A_334 = vector.broadcast %parallel_loop3A_333 : i32 to vector<16xi32>
      %parallel_loop3A_335 = arith.shli %parallel_loop3A_332, %parallel_loop3A_334 : vector<16xi32>
      %parallel_loop3A_336 = vector.bitcast %parallel_loop3A_335 : vector<16xi32> to vector<16xf32>
      %parallel_loop3A_337 = arith.constant -65536 : i32
      %parallel_loop3A_338 = vector.broadcast %parallel_loop3A_337 : i32 to vector<16xi32>
      %parallel_loop3A_339 = arith.andi %parallel_loop3A_332, %parallel_loop3A_338 : vector<16xi32>
      %parallel_loop3A_340 = vector.bitcast %parallel_loop3A_339 : vector<16xi32> to vector<16xf32>
      %parallel_loop3A_341 = arith.mulf %parallel_loop3A_336, %parallel_loop3A_308 : vector<16xf32>
      %parallel_loop3A_342 = arith.index_cast %parallel_loop3A_306 : i32 to index
      %parallel_loop3A_343 = arith.constant 32 : index
      %parallel_loop3A_344 = tpu.vector_load %arg11[%parallel_loop3A_342, %parallel_loop3A_343] {strides = array<i32>} : memref<80x128xf32, #tpu.memory_space<vmem>>, vector<16xf32>,
      tpu.vector_store %arg11[%parallel_loop3A_342, %parallel_loop3A_343], %parallel_loop3A_341 {strides = array<i32>} : memref<80x128xf32, #tpu.memory_space<vmem>>, vector<16xf32>,
      %parallel_loop3A_345 = arith.mulf %parallel_loop3A_340, %parallel_loop3A_308 : vector<16xf32>
      %parallel_loop3A_346 = arith.index_cast %parallel_loop3A_306 : i32 to index
      %parallel_loop3A_347 = arith.constant 48 : index
      %parallel_loop3A_348 = tpu.vector_load %arg11[%parallel_loop3A_346, %parallel_loop3A_347] {strides = array<i32>} : memref<80x128xf32, #tpu.memory_space<vmem>>, vector<16xf32>,
      tpu.vector_store %arg11[%parallel_loop3A_346, %parallel_loop3A_347], %parallel_loop3A_345 {strides = array<i32>} : memref<80x128xf32, #tpu.memory_space<vmem>>, vector<16xf32>,
      %parallel_loop3A_349 = arith.index_cast %parallel_loop3A_306 : i32 to index
      %parallel_loop3A_350 = arith.constant 64 : index
      %parallel_loop3A_351 = tpu.vector_load %arg8[%parallel_loop3A_349, %parallel_loop3A_350] {strides = array<i32>} : memref<80x128xbf16, #tpu.memory_space<vmem>>, vector<32xbf16>,
      %parallel_loop3A_352 = vector.bitcast %parallel_loop3A_351 : vector<32xbf16> to vector<16xi32>
      %parallel_loop3A_353 = arith.constant 16 : i32
      %parallel_loop3A_354 = vector.broadcast %parallel_loop3A_353 : i32 to vector<16xi32>
      %parallel_loop3A_355 = arith.shli %parallel_loop3A_352, %parallel_loop3A_354 : vector<16xi32>
      %parallel_loop3A_356 = vector.bitcast %parallel_loop3A_355 : vector<16xi32> to vector<16xf32>
      %parallel_loop3A_357 = arith.constant -65536 : i32
      %parallel_loop3A_358 = vector.broadcast %parallel_loop3A_357 : i32 to vector<16xi32>
      %parallel_loop3A_359 = arith.andi %parallel_loop3A_352, %parallel_loop3A_358 : vector<16xi32>
      %parallel_loop3A_360 = vector.bitcast %parallel_loop3A_359 : vector<16xi32> to vector<16xf32>
      %parallel_loop3A_361 = arith.mulf %parallel_loop3A_356, %parallel_loop3A_308 : vector<16xf32>
      %parallel_loop3A_362 = arith.index_cast %parallel_loop3A_306 : i32 to index
      %parallel_loop3A_363 = arith.constant 64 : index
      %parallel_loop3A_364 = tpu.vector_load %arg11[%parallel_loop3A_362, %parallel_loop3A_363] {strides = array<i32>} : memref<80x128xf32, #tpu.memory_space<vmem>>, vector<16xf32>,
      tpu.vector_store %arg11[%parallel_loop3A_362, %parallel_loop3A_363], %parallel_loop3A_361 {strides = array<i32>} : memref<80x128xf32, #tpu.memory_space<vmem>>, vector<16xf32>,
      %parallel_loop3A_365 = arith.mulf %parallel_loop3A_360, %parallel_loop3A_308 : vector<16xf32>
      %parallel_loop3A_366 = arith.index_cast %parallel_loop3A_306 : i32 to index
      %parallel_loop3A_367 = arith.constant 80 : index
      %parallel_loop3A_368 = tpu.vector_load %arg11[%parallel_loop3A_366, %parallel_loop3A_367] {strides = array<i32>} : memref<80x128xf32, #tpu.memory_space<vmem>>, vector<16xf32>,
      tpu.vector_store %arg11[%parallel_loop3A_366, %parallel_loop3A_367], %parallel_loop3A_365 {strides = array<i32>} : memref<80x128xf32, #tpu.memory_space<vmem>>, vector<16xf32>,
      %parallel_loop3A_369 = arith.index_cast %parallel_loop3A_306 : i32 to index
      %parallel_loop3A_370 = arith.constant 96 : index
      %parallel_loop3A_371 = tpu.vector_load %arg8[%parallel_loop3A_369, %parallel_loop3A_370] {strides = array<i32>} : memref<80x128xbf16, #tpu.memory_space<vmem>>, vector<32xbf16>,
      %parallel_loop3A_372 = vector.bitcast %parallel_loop3A_371 : vector<32xbf16> to vector<16xi32>
      %parallel_loop3A_373 = arith.constant 16 : i32
      %parallel_loop3A_374 = vector.broadcast %parallel_loop3A_373 : i32 to vector<16xi32>
      %parallel_loop3A_375 = arith.shli %parallel_loop3A_372, %parallel_loop3A_374 : vector<16xi32>
      %parallel_loop3A_376 = vector.bitcast %parallel_loop3A_375 : vector<16xi32> to vector<16xf32>
      %parallel_loop3A_377 = arith.constant -65536 : i32
      %parallel_loop3A_378 = vector.broadcast %parallel_loop3A_377 : i32 to vector<16xi32>
      %parallel_loop3A_379 = arith.andi %parallel_loop3A_372, %parallel_loop3A_378 : vector<16xi32>
      %parallel_loop3A_380 = vector.bitcast %parallel_loop3A_379 : vector<16xi32> to vector<16xf32>
      %parallel_loop3A_381 = arith.mulf %parallel_loop3A_376, %parallel_loop3A_308 : vector<16xf32>
      %parallel_loop3A_382 = arith.index_cast %parallel_loop3A_306 : i32 to index
      %parallel_loop3A_383 = arith.constant 96 : index
      %parallel_loop3A_384 = tpu.vector_load %arg11[%parallel_loop3A_382, %parallel_loop3A_383] {strides = array<i32>} : memref<80x128xf32, #tpu.memory_space<vmem>>, vector<16xf32>,
      tpu.vector_store %arg11[%parallel_loop3A_382, %parallel_loop3A_383], %parallel_loop3A_381 {strides = array<i32>} : memref<80x128xf32, #tpu.memory_space<vmem>>, vector<16xf32>,
      %parallel_loop3A_385 = arith.mulf %parallel_loop3A_380, %parallel_loop3A_308 : vector<16xf32>
      %parallel_loop3A_386 = arith.index_cast %parallel_loop3A_306 : i32 to index
      %parallel_loop3A_387 = arith.constant 112 : index
      %parallel_loop3A_388 = tpu.vector_load %arg11[%parallel_loop3A_386, %parallel_loop3A_387] {strides = array<i32>} : memref<80x128xf32, #tpu.memory_space<vmem>>, vector<16xf32>,
      tpu.vector_store %arg11[%parallel_loop3A_386, %parallel_loop3A_387], %parallel_loop3A_385 {strides = array<i32>} : memref<80x128xf32, #tpu.memory_space<vmem>>, vector<16xf32>,
    } {sc.loop_unroll_factor = 2 : i64, sc.parallel_access}
    %dma_start3A_233 = arith.constant 0 : i32
    %dma_start3A_234 = arith.constant 0 : i32
    %dma_start3A_235 = tpu.memref_slice %arg16[%dma_start3A_233, %dma_start3A_234] : memref<10000x128xf32, #tpu.memory_space<vmem_shared>> -> memref<10000x128xf32, #tpu.memory_space<vmem_shared>>
    tpu.enqueue_indirect_dma source(%arg11 : memref<80x128xf32, #tpu.memory_space<vmem>>) target(%dma_start3A_235 : memref<10000x128xf32, #tpu.memory_space<vmem_shared>>) offsets(%arg15 : memref<80xi32, #tpu.memory_space<vmem>>) semaphore(%arg20 : memref<!tpu.dma_semaphore, #tpu.memory_space<semaphore_mem>>) {add = true}
    %dma_wait3A_236 = arith.constant 0 : i32
    %dma_wait3A_237 = arith.constant 0 : i32
    %dma_wait3A_238 = tpu.memref_slice %arg4[%dma_wait3A_236, %dma_wait3A_237] : memref<10000x128xbf16, #tpu.memory_space<hbm>> -> memref<10000x128xbf16, #tpu.memory_space<hbm>>
    tpu.wait_indirect_dma semaphore(%arg18 : memref<!tpu.dma_semaphore, #tpu.memory_space<semaphore_mem>>) src(%dma_wait3A_238 : memref<10000x128xbf16, #tpu.memory_space<hbm>>) dst(%arg9 : memref<80x128xbf16, #tpu.memory_space<vmem>>)
    %dma_wait3A_239 = arith.constant 0 : i32
    %dma_wait3A_240 = arith.constant 0 : i32
    %dma_wait3A_241 = tpu.memref_slice %arg16[%dma_wait3A_239, %dma_wait3A_240] : memref<10000x128xf32, #tpu.memory_space<vmem_shared>> -> memref<10000x128xf32, #tpu.memory_space<vmem_shared>>
    tpu.wait_indirect_dma semaphore(%arg20 : memref<!tpu.dma_semaphore, #tpu.memory_space<semaphore_mem>>) src(%arg11 : memref<80x128xf32, #tpu.memory_space<vmem>>) dst(%dma_wait3A_241 : memref<10000x128xf32, #tpu.memory_space<vmem_shared>>)
    %get3A_242 = arith.constant 124 : i32
    %get3A_243 = arith.index_cast %get3A_242 : i32 to index
    %get3A_244 = arith.constant 0 : index
    %get3A_245 = tpu.vector_load %arg6[%get3A_243, %get3A_244] {strides = array<i32>} : memref<125x80xi32, #tpu.memory_space<vmem>>, vector<16xi32>,
    %shift_right_arithmetic3A_246 = arith.constant 14 : i32
    %shift_right_arithmetic3A_247 = vector.broadcast %shift_right_arithmetic3A_246 : i32 to vector<16xi32>
    %shift_right_arithmetic3A_248 = arith.shrsi %get3A_245, %shift_right_arithmetic3A_247 : vector<16xi32>
    %swap3A_249 = arith.constant 0 : index
    %swap3A_250 = tpu.vector_load %arg15[%swap3A_249] {strides = array<i32>} : memref<80xi32, #tpu.memory_space<vmem>>, vector<16xi32>,
    tpu.vector_store %arg15[%swap3A_249], %shift_right_arithmetic3A_248 {strides = array<i32>} : memref<80xi32, #tpu.memory_space<vmem>>, vector<16xi32>,
    %get3A_251 = arith.constant 124 : i32
    %get3A_252 = arith.index_cast %get3A_251 : i32 to index
    %get3A_253 = arith.constant 16 : index
    %get3A_254 = tpu.vector_load %arg6[%get3A_252, %get3A_253] {strides = array<i32>} : memref<125x80xi32, #tpu.memory_space<vmem>>, vector<16xi32>,
    %shift_right_arithmetic3A_255 = arith.constant 14 : i32
    %shift_right_arithmetic3A_256 = vector.broadcast %shift_right_arithmetic3A_255 : i32 to vector<16xi32>
    %shift_right_arithmetic3A_257 = arith.shrsi %get3A_254, %shift_right_arithmetic3A_256 : vector<16xi32>
    %swap3A_258 = arith.constant 16 : index
    %swap3A_259 = tpu.vector_load %arg15[%swap3A_258] {strides = array<i32>} : memref<80xi32, #tpu.memory_space<vmem>>, vector<16xi32>,
    tpu.vector_store %arg15[%swap3A_258], %shift_right_arithmetic3A_257 {strides = array<i32>} : memref<80xi32, #tpu.memory_space<vmem>>, vector<16xi32>,
    %get3A_260 = arith.constant 124 : i32
    %get3A_261 = arith.index_cast %get3A_260 : i32 to index
    %get3A_262 = arith.constant 32 : index
    %get3A_263 = tpu.vector_load %arg6[%get3A_261, %get3A_262] {strides = array<i32>} : memref<125x80xi32, #tpu.memory_space<vmem>>, vector<16xi32>,
    %shift_right_arithmetic3A_264 = arith.constant 14 : i32
    %shift_right_arithmetic3A_265 = vector.broadcast %shift_right_arithmetic3A_264 : i32 to vector<16xi32>
    %shift_right_arithmetic3A_266 = arith.shrsi %get3A_263, %shift_right_arithmetic3A_265 : vector<16xi32>
    %swap3A_267 = arith.constant 32 : index
    %swap3A_268 = tpu.vector_load %arg15[%swap3A_267] {strides = array<i32>} : memref<80xi32, #tpu.memory_space<vmem>>, vector<16xi32>,
    tpu.vector_store %arg15[%swap3A_267], %shift_right_arithmetic3A_266 {strides = array<i32>} : memref<80xi32, #tpu.memory_space<vmem>>, vector<16xi32>,
    %get3A_269 = arith.constant 124 : i32
    %get3A_270 = arith.index_cast %get3A_269 : i32 to index
    %get3A_271 = arith.constant 48 : index
    %get3A_272 = tpu.vector_load %arg6[%get3A_270, %get3A_271] {strides = array<i32>} : memref<125x80xi32, #tpu.memory_space<vmem>>, vector<16xi32>,
    %shift_right_arithmetic3A_273 = arith.constant 14 : i32
    %shift_right_arithmetic3A_274 = vector.broadcast %shift_right_arithmetic3A_273 : i32 to vector<16xi32>
    %shift_right_arithmetic3A_275 = arith.shrsi %get3A_272, %shift_right_arithmetic3A_274 : vector<16xi32>
    %swap3A_276 = arith.constant 48 : index
    %swap3A_277 = tpu.vector_load %arg15[%swap3A_276] {strides = array<i32>} : memref<80xi32, #tpu.memory_space<vmem>>, vector<16xi32>,
    tpu.vector_store %arg15[%swap3A_276], %shift_right_arithmetic3A_275 {strides = array<i32>} : memref<80xi32, #tpu.memory_space<vmem>>, vector<16xi32>,
    %get3A_278 = arith.constant 124 : i32
    %get3A_279 = arith.index_cast %get3A_278 : i32 to index
    %get3A_280 = arith.constant 64 : index
    %get3A_281 = tpu.vector_load %arg6[%get3A_279, %get3A_280] {strides = array<i32>} : memref<125x80xi32, #tpu.memory_space<vmem>>, vector<16xi32>,
    %shift_right_arithmetic3A_282 = arith.constant 14 : i32
    %shift_right_arithmetic3A_283 = vector.broadcast %shift_right_arithmetic3A_282 : i32 to vector<16xi32>
    %shift_right_arithmetic3A_284 = arith.shrsi %get3A_281, %shift_right_arithmetic3A_283 : vector<16xi32>
    %swap3A_285 = arith.constant 64 : index
    %swap3A_286 = tpu.vector_load %arg15[%swap3A_285] {strides = array<i32>} : memref<80xi32, #tpu.memory_space<vmem>>, vector<16xi32>,
    tpu.vector_store %arg15[%swap3A_285], %shift_right_arithmetic3A_284 {strides = array<i32>} : memref<80xi32, #tpu.memory_space<vmem>>, vector<16xi32>,
    %broadcast_in_dim3A_287 = arith.constant 124 : i32
    %broadcast_in_dim3A_288 = vector.broadcast %broadcast_in_dim3A_287 : i32 to vector<16xi32>
    %parallel_loop3A_289 = arith.constant 0 : i32
    %parallel_loop3A_290 = arith.constant 80 : i32
    %parallel_loop3A_291 = arith.constant 1 : i32
    scf.for %parallel_loop3A_306 = %parallel_loop3A_289 to %parallel_loop3A_290 step %parallel_loop3A_291  : i32 {
      %parallel_loop3A_307 = vector.broadcast %parallel_loop3A_306 : i32 to vector<16xi32>
      %parallel_loop3A_308 = tpu.vector_load_idx %arg7[%broadcast_in_dim3A_288, %parallel_loop3A_307] : memref<125x80xf32, #tpu.memory_space<vmem>>[vector<16xi32>, vector<16xi32>], vector<16xf32>,
      %parallel_loop3A_309 = arith.index_cast %parallel_loop3A_306 : i32 to index
      %parallel_loop3A_310 = arith.constant 0 : index
      %parallel_loop3A_311 = tpu.vector_load %arg9[%parallel_loop3A_309, %parallel_loop3A_310] {strides = array<i32>} : memref<80x128xbf16, #tpu.memory_space<vmem>>, vector<32xbf16>,
      %parallel_loop3A_312 = vector.bitcast %parallel_loop3A_311 : vector<32xbf16> to vector<16xi32>
      %parallel_loop3A_313 = arith.constant 16 : i32
      %parallel_loop3A_314 = vector.broadcast %parallel_loop3A_313 : i32 to vector<16xi32>
      %parallel_loop3A_315 = arith.shli %parallel_loop3A_312, %parallel_loop3A_314 : vector<16xi32>
      %parallel_loop3A_316 = vector.bitcast %parallel_loop3A_315 : vector<16xi32> to vector<16xf32>
      %parallel_loop3A_317 = arith.constant -65536 : i32
      %parallel_loop3A_318 = vector.broadcast %parallel_loop3A_317 : i32 to vector<16xi32>
      %parallel_loop3A_319 = arith.andi %parallel_loop3A_312, %parallel_loop3A_318 : vector<16xi32>
      %parallel_loop3A_320 = vector.bitcast %parallel_loop3A_319 : vector<16xi32> to vector<16xf32>
      %parallel_loop3A_321 = arith.mulf %parallel_loop3A_316, %parallel_loop3A_308 : vector<16xf32>
      %parallel_loop3A_322 = arith.index_cast %parallel_loop3A_306 : i32 to index
      %parallel_loop3A_323 = arith.constant 0 : index
      %parallel_loop3A_324 = tpu.vector_load %arg11[%parallel_loop3A_322, %parallel_loop3A_323] {strides = array<i32>} : memref<80x128xf32, #tpu.memory_space<vmem>>, vector<16xf32>,
      tpu.vector_store %arg11[%parallel_loop3A_322, %parallel_loop3A_323], %parallel_loop3A_321 {strides = array<i32>} : memref<80x128xf32, #tpu.memory_space<vmem>>, vector<16xf32>,
      %parallel_loop3A_325 = arith.mulf %parallel_loop3A_320, %parallel_loop3A_308 : vector<16xf32>
      %parallel_loop3A_326 = arith.index_cast %parallel_loop3A_306 : i32 to index
      %parallel_loop3A_327 = arith.constant 16 : index
      %parallel_loop3A_328 = tpu.vector_load %arg11[%parallel_loop3A_326, %parallel_loop3A_327] {strides = array<i32>} : memref<80x128xf32, #tpu.memory_space<vmem>>, vector<16xf32>,
      tpu.vector_store %arg11[%parallel_loop3A_326, %parallel_loop3A_327], %parallel_loop3A_325 {strides = array<i32>} : memref<80x128xf32, #tpu.memory_space<vmem>>, vector<16xf32>,
      %parallel_loop3A_329 = arith.index_cast %parallel_loop3A_306 : i32 to index
      %parallel_loop3A_330 = arith.constant 32 : index
      %parallel_loop3A_331 = tpu.vector_load %arg9[%parallel_loop3A_329, %parallel_loop3A_330] {strides = array<i32>} : memref<80x128xbf16, #tpu.memory_space<vmem>>, vector<32xbf16>,
      %parallel_loop3A_332 = vector.bitcast %parallel_loop3A_331 : vector<32xbf16> to vector<16xi32>
      %parallel_loop3A_333 = arith.constant 16 : i32
      %parallel_loop3A_334 = vector.broadcast %parallel_loop3A_333 : i32 to vector<16xi32>
      %parallel_loop3A_335 = arith.shli %parallel_loop3A_332, %parallel_loop3A_334 : vector<16xi32>
      %parallel_loop3A_336 = vector.bitcast %parallel_loop3A_335 : vector<16xi32> to vector<16xf32>
      %parallel_loop3A_337 = arith.constant -65536 : i32
      %parallel_loop3A_338 = vector.broadcast %parallel_loop3A_337 : i32 to vector<16xi32>
      %parallel_loop3A_339 = arith.andi %parallel_loop3A_332, %parallel_loop3A_338 : vector<16xi32>
      %parallel_loop3A_340 = vector.bitcast %parallel_loop3A_339 : vector<16xi32> to vector<16xf32>
      %parallel_loop3A_341 = arith.mulf %parallel_loop3A_336, %parallel_loop3A_308 : vector<16xf32>
      %parallel_loop3A_342 = arith.index_cast %parallel_loop3A_306 : i32 to index
      %parallel_loop3A_343 = arith.constant 32 : index
      %parallel_loop3A_344 = tpu.vector_load %arg11[%parallel_loop3A_342, %parallel_loop3A_343] {strides = array<i32>} : memref<80x128xf32, #tpu.memory_space<vmem>>, vector<16xf32>,
      tpu.vector_store %arg11[%parallel_loop3A_342, %parallel_loop3A_343], %parallel_loop3A_341 {strides = array<i32>} : memref<80x128xf32, #tpu.memory_space<vmem>>, vector<16xf32>,
      %parallel_loop3A_345 = arith.mulf %parallel_loop3A_340, %parallel_loop3A_308 : vector<16xf32>
      %parallel_loop3A_346 = arith.index_cast %parallel_loop3A_306 : i32 to index
      %parallel_loop3A_347 = arith.constant 48 : index
      %parallel_loop3A_348 = tpu.vector_load %arg11[%parallel_loop3A_346, %parallel_loop3A_347] {strides = array<i32>} : memref<80x128xf32, #tpu.memory_space<vmem>>, vector<16xf32>,
      tpu.vector_store %arg11[%parallel_loop3A_346, %parallel_loop3A_347], %parallel_loop3A_345 {strides = array<i32>} : memref<80x128xf32, #tpu.memory_space<vmem>>, vector<16xf32>,
      %parallel_loop3A_349 = arith.index_cast %parallel_loop3A_306 : i32 to index
      %parallel_loop3A_350 = arith.constant 64 : index
      %parallel_loop3A_351 = tpu.vector_load %arg9[%parallel_loop3A_349, %parallel_loop3A_350] {strides = array<i32>} : memref<80x128xbf16, #tpu.memory_space<vmem>>, vector<32xbf16>,
      %parallel_loop3A_352 = vector.bitcast %parallel_loop3A_351 : vector<32xbf16> to vector<16xi32>
      %parallel_loop3A_353 = arith.constant 16 : i32
      %parallel_loop3A_354 = vector.broadcast %parallel_loop3A_353 : i32 to vector<16xi32>
      %parallel_loop3A_355 = arith.shli %parallel_loop3A_352, %parallel_loop3A_354 : vector<16xi32>
      %parallel_loop3A_356 = vector.bitcast %parallel_loop3A_355 : vector<16xi32> to vector<16xf32>
      %parallel_loop3A_357 = arith.constant -65536 : i32
      %parallel_loop3A_358 = vector.broadcast %parallel_loop3A_357 : i32 to vector<16xi32>
      %parallel_loop3A_359 = arith.andi %parallel_loop3A_352, %parallel_loop3A_358 : vector<16xi32>
      %parallel_loop3A_360 = vector.bitcast %parallel_loop3A_359 : vector<16xi32> to vector<16xf32>
      %parallel_loop3A_361 = arith.mulf %parallel_loop3A_356, %parallel_loop3A_308 : vector<16xf32>
      %parallel_loop3A_362 = arith.index_cast %parallel_loop3A_306 : i32 to index
      %parallel_loop3A_363 = arith.constant 64 : index
      %parallel_loop3A_364 = tpu.vector_load %arg11[%parallel_loop3A_362, %parallel_loop3A_363] {strides = array<i32>} : memref<80x128xf32, #tpu.memory_space<vmem>>, vector<16xf32>,
      tpu.vector_store %arg11[%parallel_loop3A_362, %parallel_loop3A_363], %parallel_loop3A_361 {strides = array<i32>} : memref<80x128xf32, #tpu.memory_space<vmem>>, vector<16xf32>,
      %parallel_loop3A_365 = arith.mulf %parallel_loop3A_360, %parallel_loop3A_308 : vector<16xf32>
      %parallel_loop3A_366 = arith.index_cast %parallel_loop3A_306 : i32 to index
      %parallel_loop3A_367 = arith.constant 80 : index
      %parallel_loop3A_368 = tpu.vector_load %arg11[%parallel_loop3A_366, %parallel_loop3A_367] {strides = array<i32>} : memref<80x128xf32, #tpu.memory_space<vmem>>, vector<16xf32>,
      tpu.vector_store %arg11[%parallel_loop3A_366, %parallel_loop3A_367], %parallel_loop3A_365 {strides = array<i32>} : memref<80x128xf32, #tpu.memory_space<vmem>>, vector<16xf32>,
      %parallel_loop3A_369 = arith.index_cast %parallel_loop3A_306 : i32 to index
      %parallel_loop3A_370 = arith.constant 96 : index
      %parallel_loop3A_371 = tpu.vector_load %arg9[%parallel_loop3A_369, %parallel_loop3A_370] {strides = array<i32>} : memref<80x128xbf16, #tpu.memory_space<vmem>>, vector<32xbf16>,
      %parallel_loop3A_372 = vector.bitcast %parallel_loop3A_371 : vector<32xbf16> to vector<16xi32>
      %parallel_loop3A_373 = arith.constant 16 : i32
      %parallel_loop3A_374 = vector.broadcast %parallel_loop3A_373 : i32 to vector<16xi32>
      %parallel_loop3A_375 = arith.shli %parallel_loop3A_372, %parallel_loop3A_374 : vector<16xi32>
      %parallel_loop3A_376 = vector.bitcast %parallel_loop3A_375 : vector<16xi32> to vector<16xf32>
      %parallel_loop3A_377 = arith.constant -65536 : i32
      %parallel_loop3A_378 = vector.broadcast %parallel_loop3A_377 : i32 to vector<16xi32>
      %parallel_loop3A_379 = arith.andi %parallel_loop3A_372, %parallel_loop3A_378 : vector<16xi32>
      %parallel_loop3A_380 = vector.bitcast %parallel_loop3A_379 : vector<16xi32> to vector<16xf32>
      %parallel_loop3A_381 = arith.mulf %parallel_loop3A_376, %parallel_loop3A_308 : vector<16xf32>
      %parallel_loop3A_382 = arith.index_cast %parallel_loop3A_306 : i32 to index
      %parallel_loop3A_383 = arith.constant 96 : index
      %parallel_loop3A_384 = tpu.vector_load %arg11[%parallel_loop3A_382, %parallel_loop3A_383] {strides = array<i32>} : memref<80x128xf32, #tpu.memory_space<vmem>>, vector<16xf32>,
      tpu.vector_store %arg11[%parallel_loop3A_382, %parallel_loop3A_383], %parallel_loop3A_381 {strides = array<i32>} : memref<80x128xf32, #tpu.memory_space<vmem>>, vector<16xf32>,
      %parallel_loop3A_385 = arith.mulf %parallel_loop3A_380, %parallel_loop3A_308 : vector<16xf32>
      %parallel_loop3A_386 = arith.index_cast %parallel_loop3A_306 : i32 to index
      %parallel_loop3A_387 = arith.constant 112 : index
      %parallel_loop3A_388 = tpu.vector_load %arg11[%parallel_loop3A_386, %parallel_loop3A_387] {strides = array<i32>} : memref<80x128xf32, #tpu.memory_space<vmem>>, vector<16xf32>,
      tpu.vector_store %arg11[%parallel_loop3A_386, %parallel_loop3A_387], %parallel_loop3A_385 {strides = array<i32>} : memref<80x128xf32, #tpu.memory_space<vmem>>, vector<16xf32>,
    } {sc.loop_unroll_factor = 2 : i64, sc.parallel_access}
    %dma_start3A_292 = arith.constant 0 : i32
    %dma_start3A_293 = arith.constant 0 : i32
    %dma_start3A_294 = tpu.memref_slice %arg16[%dma_start3A_292, %dma_start3A_293] : memref<10000x128xf32, #tpu.memory_space<vmem_shared>> -> memref<10000x128xf32, #tpu.memory_space<vmem_shared>>
    tpu.enqueue_indirect_dma source(%arg11 : memref<80x128xf32, #tpu.memory_space<vmem>>) target(%dma_start3A_294 : memref<10000x128xf32, #tpu.memory_space<vmem_shared>>) offsets(%arg15 : memref<80xi32, #tpu.memory_space<vmem>>) semaphore(%arg20 : memref<!tpu.dma_semaphore, #tpu.memory_space<semaphore_mem>>) {add = true}
    %dma_wait3A_295 = arith.constant 0 : i32
    %dma_wait3A_296 = arith.constant 0 : i32
    %dma_wait3A_297 = tpu.memref_slice %arg4[%dma_wait3A_295, %dma_wait3A_296] : memref<10000x128xbf16, #tpu.memory_space<hbm>> -> memref<10000x128xbf16, #tpu.memory_space<hbm>>
    tpu.wait_indirect_dma semaphore(%arg19 : memref<!tpu.dma_semaphore, #tpu.memory_space<semaphore_mem>>) src(%dma_wait3A_297 : memref<10000x128xbf16, #tpu.memory_space<hbm>>) dst(%arg10 : memref<80x128xbf16, #tpu.memory_space<vmem>>)
    %dma_wait3A_298 = arith.constant 0 : i32
    %dma_wait3A_299 = arith.constant 0 : i32
    %dma_wait3A_300 = tpu.memref_slice %arg16[%dma_wait3A_298, %dma_wait3A_299] : memref<10000x128xf32, #tpu.memory_space<vmem_shared>> -> memref<10000x128xf32, #tpu.memory_space<vmem_shared>>
    tpu.wait_indirect_dma semaphore(%arg20 : memref<!tpu.dma_semaphore, #tpu.memory_space<semaphore_mem>>) src(%arg11 : memref<80x128xf32, #tpu.memory_space<vmem>>) dst(%dma_wait3A_300 : memref<10000x128xf32, #tpu.memory_space<vmem_shared>>)
    %barrier3A_301 = arith.constant 0 : index
    tpu.barrier barrier_id(%barrier3A_301)
    %mul3A_302 = arith.constant 625 : i32
    %mul3A_303 = arith.muli %arg1, %mul3A_302 : i32
    %mul3A_304 = arith.constant 625 : i32
    %mul3A_305 = arith.muli %arg1, %mul3A_304 : i32
    "tpu.region"() ({
      %run_scoped3A = tpu.sem_alloc : memref<!tpu.dma_semaphore, #tpu.memory_space<semaphore_mem>>
      %dma_start3A_306 = arith.constant 0 : i32
      %dma_start3A_307 = tpu.memref_slice %arg5[%arg0, %mul3A_305, %dma_start3A_306] : memref<2x10000x128xf32, #tpu.memory_space<hbm>> -> memref<1x625x128xf32, #tpu.memory_space<hbm>>
      %dma_start3A_308 = tpu.memref_squeeze %dma_start3A_307 : memref<1x625x128xf32, #tpu.memory_space<hbm>> -> memref<625x128xf32, #tpu.memory_space<hbm>>
      %dma_start3A_309 = arith.constant 0 : i32
      %dma_start3A_310 = tpu.memref_slice %arg16[%mul3A_303, %dma_start3A_309] : memref<10000x128xf32, #tpu.memory_space<vmem_shared>> -> memref<625x128xf32, #tpu.memory_space<vmem_shared>>
      tpu.enqueue_dma source(%dma_start3A_310 : memref<625x128xf32, #tpu.memory_space<vmem_shared>>) target(%dma_start3A_308 : memref<625x128xf32, #tpu.memory_space<hbm>>) target_semaphore(%run_scoped3A : memref<!tpu.dma_semaphore, #tpu.memory_space<semaphore_mem>>)
      %dma_wait3A_311 = arith.constant 0 : i32
      %dma_wait3A_312 = tpu.memref_slice %arg5[%arg0, %mul3A_305, %dma_wait3A_311] : memref<2x10000x128xf32, #tpu.memory_space<hbm>> -> memref<1x625x128xf32, #tpu.memory_space<hbm>>
      %dma_wait3A_313 = tpu.memref_squeeze %dma_wait3A_312 : memref<1x625x128xf32, #tpu.memory_space<hbm>> -> memref<625x128xf32, #tpu.memory_space<hbm>>
      %dma_wait3A_314 = arith.constant 0 : i32
      %dma_wait3A_315 = tpu.memref_slice %arg16[%mul3A_303, %dma_wait3A_314] : memref<10000x128xf32, #tpu.memory_space<vmem_shared>> -> memref<625x128xf32, #tpu.memory_space<vmem_shared>>
      tpu.wait_dma2 semaphore(%run_scoped3A : memref<!tpu.dma_semaphore, #tpu.memory_space<semaphore_mem>>) src(%dma_wait3A_315 : memref<625x128xf32, #tpu.memory_space<vmem_shared>>) dst(%dma_wait3A_313 : memref<625x128xf32, #tpu.memory_space<hbm>>)
      tpu.yield
    }) : () -> ()
    return
  }
}

module attributes {stable_mosaic.version = 14 : i64} {
  func.func @_tc1_body(%arg0: i32, %arg1: memref<2000x128xf32, #tpu.memory_space<vmem>>, %arg2: memref<128x128xf32, #tpu.memory_space<vmem>>, %arg3: memref<2x2000x1xf32, #tpu.memory_space<vmem>>, %arg4: memref<2000x128xf32, #tpu.memory_space<vmem>>, %arg5: memref<2000x1xf32, #tpu.memory_space<vmem>>) attributes {dimension_semantics = [#tpu.dimension_semantics<arbitrary>], iteration_bounds = array<i64: 5>, scalar_prefetch = 0 : i64, scratch_operands = 0 : i64, tpu.core_type = #tpu.core_type<tc>, window_params = [{transform_indices = @transform_0, window_bounds = array<i64: 2000, 128>}, {pipeline_mode = #tpu.pipeline_mode<synchronous>, transform_indices = @transform_1, window_bounds = array<i64: 128, 128>}, {transform_indices = @transform_2, window_bounds = array<i64: 2, 2000, 1>}, {transform_indices = @transform_3, window_bounds = array<i64: 2000, 128>}, {transform_indices = @transform_4, window_bounds = array<i64: 2000, 1>}]} {
    %get3A = arith.constant 0 : index
    %get3A_0 = arith.constant 0 : index
    %get3A_1 = vector.load %arg1[%get3A, %get3A_0] : memref<2000x128xf32, #tpu.memory_space<vmem>>, vector<2000x128xf32>
    %get3A_2 = arith.constant 0 : index
    %get3A_3 = arith.constant 0 : index
    %get3A_4 = vector.load %arg2[%get3A_2, %get3A_3] : memref<128x128xf32, #tpu.memory_space<vmem>>, vector<128x128xf32>
    %dot_general3A = arith.constant dense<0.000000e+00> : vector<2000x128xf32>
    %dot_general3A_5 = tpu.matmul %get3A_1, %get3A_4, %dot_general3A {dimension_numbers = #tpu.dot_dimension_numbers<[1], [0], [0], [1], [0, 0, 1, 1], [], []>, transpose_lhs_hint = false} : vector<2000x128xf32>, vector<128x128xf32>, vector<2000x128xf32> -> vector<2000x128xf32>
    %get3A_6 = arith.constant 0 : index
    %get3A_7 = arith.constant 0 : index
    %get3A_8 = arith.constant 0 : index
    %get3A_9 = vector.load %arg3[%get3A_6, %get3A_7, %get3A_8] : memref<2x2000x1xf32, #tpu.memory_space<vmem>>, vector<1x2000x1xf32>
    %get3A_10 = vector.shape_cast %get3A_9 : vector<1x2000x1xf32> to vector<2000x1xf32>
    %get3A_11 = arith.constant 1 : index
    %get3A_12 = arith.constant 0 : index
    %get3A_13 = arith.constant 0 : index
    %get3A_14 = vector.load %arg3[%get3A_11, %get3A_12, %get3A_13] : memref<2x2000x1xf32, #tpu.memory_space<vmem>>, vector<1x2000x1xf32>
    %get3A_15 = vector.shape_cast %get3A_14 : vector<1x2000x1xf32> to vector<2000x1xf32>
    %add3A = arith.addf %get3A_10, %get3A_15 : vector<2000x1xf32>
    %add3A_16 = arith.constant 1.000000e+00 : f32
    %add3A_17 = vector.broadcast %add3A_16 : f32 to vector<2000x1xf32>
    %add3A_18 = arith.addf %add3A, %add3A_17 : vector<2000x1xf32>
    %gt3A = arith.constant 0.000000e+00 : f32
    %gt3A_19 = vector.broadcast %gt3A : f32 to vector<2000x1xf32>
    %gt3A_20 = arith.cmpf ogt, %add3A_18, %gt3A_19 : vector<2000x1xf32>
    %rsqrt3A = math.rsqrt %add3A_18 : vector<2000x1xf32>
    %jit3A = arith.constant 0.000000e+00 : f32
    %broadcast_in_dim3A = vector.broadcast %jit3A : f32 to vector<2000x1xf32>
    %select_n3A = arith.select %gt3A_20, %rsqrt3A, %broadcast_in_dim3A : vector<2000x1xi1>, vector<2000x1xf32>
    %swap3A = arith.constant 0 : index
    %swap3A_21 = arith.constant 0 : index
    %swap3A_22 = vector.load %arg5[%swap3A, %swap3A_21] : memref<2000x1xf32, #tpu.memory_space<vmem>>, vector<2000x1xf32>
    tpu.vector_store %arg5[%swap3A, %swap3A_21], %select_n3A {strides = array<i32>} : memref<2000x1xf32, #tpu.memory_space<vmem>>, vector<2000x1xf32>,
    %mul3A = vector.broadcast %select_n3A : vector<2000x1xf32> to vector<2000x128xf32>
    %mul3A_23 = arith.mulf %dot_general3A_5, %mul3A : vector<2000x128xf32>
    %swap3A_24 = arith.constant 0 : index
    %swap3A_25 = arith.constant 0 : index
    %swap3A_26 = vector.load %arg4[%swap3A_24, %swap3A_25] : memref<2000x128xf32, #tpu.memory_space<vmem>>, vector<2000x128xf32>
    tpu.vector_store %arg4[%swap3A_24, %swap3A_25], %mul3A_23 {strides = array<i32>} : memref<2000x128xf32, #tpu.memory_space<vmem>>, vector<2000x128xf32>,
    return
  }
  func.func @transform_0(%arg0: i32) -> (i32, i32) {
    %c0_i32 = arith.constant 0 : i32
    %c0_i32_0 = arith.constant 0 : i32
    return %arg0, %c0_i32 : i32, i32
  }
  func.func @transform_1(%arg0: i32) -> (i32, i32) {
    %c0_i32 = arith.constant 0 : i32
    %c0_i32_0 = arith.constant 0 : i32
    %c0_i32_1 = arith.constant 0 : i32
    return %c0_i32, %c0_i32_0 : i32, i32
  }
  func.func @transform_2(%arg0: i32) -> (i32, i32, i32) {
    %c0_i32 = arith.constant 0 : i32
    %c0_i32_0 = arith.constant 0 : i32
    %c0_i32_1 = arith.constant 0 : i32
    return %c0_i32, %arg0, %c0_i32_0 : i32, i32, i32
  }
  func.func @transform_3(%arg0: i32) -> (i32, i32) {
    %c0_i32 = arith.constant 0 : i32
    %c0_i32_0 = arith.constant 0 : i32
    return %arg0, %c0_i32 : i32, i32
  }
  func.func @transform_4(%arg0: i32) -> (i32, i32) {
    %c0_i32 = arith.constant 0 : i32
    %c0_i32_0 = arith.constant 0 : i32
    return %arg0, %c0_i32 : i32, i32
  }
}

module attributes {stable_mosaic.version = 14 : i64} {
  func.func @_tc2_body(%arg0: i32, %arg1: memref<2x2000x128xf32, #tpu.memory_space<vmem>>, %arg2: memref<2000x128xf32, #tpu.memory_space<vmem>>, %arg3: memref<2000x1xf32, #tpu.memory_space<vmem>>, %arg4: memref<128xf32, #tpu.memory_space<vmem>>, %arg5: memref<128x1xf32, #tpu.memory_space<vmem>>, %arg6: memref<2000x128xf32, #tpu.memory_space<vmem>>, %arg7: memref<2000x1xf32, #tpu.memory_space<vmem>>) attributes {dimension_semantics = [#tpu.dimension_semantics<arbitrary>], iteration_bounds = array<i64: 5>, scalar_prefetch = 0 : i64, scratch_operands = 0 : i64, tpu.core_type = #tpu.core_type<tc>, window_params = [{transform_indices = @transform_0, window_bounds = array<i64: 2, 2000, 128>}, {transform_indices = @transform_1, window_bounds = array<i64: 2000, 128>}, {transform_indices = @transform_2, window_bounds = array<i64: 2000, 1>}, {pipeline_mode = #tpu.pipeline_mode<synchronous>, transform_indices = @transform_3, window_bounds = array<i64: 128>}, {pipeline_mode = #tpu.pipeline_mode<synchronous>, transform_indices = @transform_4, window_bounds = array<i64: 128, 1>}, {transform_indices = @transform_5, window_bounds = array<i64: 2000, 128>}, {transform_indices = @transform_6, window_bounds = array<i64: 2000, 1>}]} {
    %get3A = arith.constant 0 : index
    %get3A_0 = arith.constant 0 : index
    %get3A_1 = vector.load %arg3[%get3A, %get3A_0] : memref<2000x1xf32, #tpu.memory_space<vmem>>, vector<2000x1xf32>
    %get3A_2 = arith.constant 0 : index
    %get3A_3 = arith.constant 0 : index
    %get3A_4 = arith.constant 0 : index
    %get3A_5 = vector.load %arg1[%get3A_2, %get3A_3, %get3A_4] : memref<2x2000x128xf32, #tpu.memory_space<vmem>>, vector<1x2000x128xf32>
    %get3A_6 = vector.shape_cast %get3A_5 : vector<1x2000x128xf32> to vector<2000x128xf32>
    %get3A_7 = arith.constant 1 : index
    %get3A_8 = arith.constant 0 : index
    %get3A_9 = arith.constant 0 : index
    %get3A_10 = vector.load %arg1[%get3A_7, %get3A_8, %get3A_9] : memref<2x2000x128xf32, #tpu.memory_space<vmem>>, vector<1x2000x128xf32>
    %get3A_11 = vector.shape_cast %get3A_10 : vector<1x2000x128xf32> to vector<2000x128xf32>
    %add3A = arith.addf %get3A_6, %get3A_11 : vector<2000x128xf32>
    %get3A_12 = arith.constant 0 : index
    %get3A_13 = arith.constant 0 : index
    %get3A_14 = vector.load %arg2[%get3A_12, %get3A_13] : memref<2000x128xf32, #tpu.memory_space<vmem>>, vector<2000x128xf32>
    %add3A_15 = arith.addf %add3A, %get3A_14 : vector<2000x128xf32>
    %mul3A = vector.broadcast %get3A_1 : vector<2000x1xf32> to vector<2000x128xf32>
    %mul3A_16 = arith.mulf %mul3A, %add3A_15 : vector<2000x128xf32>
    %get3A_17 = arith.constant 0 : index
    %get3A_18 = vector.load %arg4[%get3A_17] : memref<128xf32, #tpu.memory_space<vmem>>, vector<128xf32>
    %broadcast_in_dim3A = vector.shape_cast %get3A_18 : vector<128xf32> to vector<1x128xf32>
    %add3A_19 = vector.broadcast %broadcast_in_dim3A : vector<1x128xf32> to vector<2000x128xf32>
    %add3A_20 = arith.addf %mul3A_16, %add3A_19 : vector<2000x128xf32>
    %gt3A = arith.constant 0.000000e+00 : f32
    %gt3A_21 = vector.broadcast %gt3A : f32 to vector<2000x128xf32>
    %gt3A_22 = arith.cmpf ogt, %add3A_20, %gt3A_21 : vector<2000x128xf32>
    %exp3A = math.exp %add3A_20 : vector<2000x128xf32>
    %sub3A = arith.constant 1.000000e+00 : f32
    %sub3A_23 = vector.broadcast %sub3A : f32 to vector<2000x128xf32>
    %sub3A_24 = arith.subf %exp3A, %sub3A_23 : vector<2000x128xf32>
    %select_n3A = arith.select %gt3A_22, %add3A_20, %sub3A_24 : vector<2000x128xi1>, vector<2000x128xf32>
    %swap3A = arith.constant 0 : index
    %swap3A_25 = arith.constant 0 : index
    %swap3A_26 = vector.load %arg6[%swap3A, %swap3A_25] : memref<2000x128xf32, #tpu.memory_space<vmem>>, vector<2000x128xf32>
    tpu.vector_store %arg6[%swap3A, %swap3A_25], %select_n3A {strides = array<i32>} : memref<2000x128xf32, #tpu.memory_space<vmem>>, vector<2000x128xf32>,
    %get3A_27 = arith.constant 0 : index
    %get3A_28 = arith.constant 0 : index
    %get3A_29 = vector.load %arg5[%get3A_27, %get3A_28] : memref<128x1xf32, #tpu.memory_space<vmem>>, vector<128x1xf32>
    %dot_general3A = arith.constant dense<0.000000e+00> : vector<2000x1xf32>
    %dot_general3A_30 = tpu.matmul %select_n3A, %get3A_29, %dot_general3A {dimension_numbers = #tpu.dot_dimension_numbers<[1], [0], [0], [1], [0, 0, 1, 1], [], []>, transpose_lhs_hint = false} : vector<2000x128xf32>, vector<128x1xf32>, vector<2000x1xf32> -> vector<2000x1xf32>
    %mul3A_31 = arith.mulf %get3A_1, %dot_general3A_30 : vector<2000x1xf32>
    %swap3A_32 = arith.constant 0 : index
    %swap3A_33 = arith.constant 0 : index
    %swap3A_34 = vector.load %arg7[%swap3A_32, %swap3A_33] : memref<2000x1xf32, #tpu.memory_space<vmem>>, vector<2000x1xf32>
    tpu.vector_store %arg7[%swap3A_32, %swap3A_33], %mul3A_31 {strides = array<i32>} : memref<2000x1xf32, #tpu.memory_space<vmem>>, vector<2000x1xf32>,
    return
  }
  func.func @transform_0(%arg0: i32) -> (i32, i32, i32) {
    %c0_i32 = arith.constant 0 : i32
    %c0_i32_0 = arith.constant 0 : i32
    %c0_i32_1 = arith.constant 0 : i32
    return %c0_i32, %arg0, %c0_i32_0 : i32, i32, i32
  }
  func.func @transform_1(%arg0: i32) -> (i32, i32) {
    %c0_i32 = arith.constant 0 : i32
    %c0_i32_0 = arith.constant 0 : i32
    return %arg0, %c0_i32 : i32, i32
  }
  func.func @transform_2(%arg0: i32) -> (i32, i32) {
    %c0_i32 = arith.constant 0 : i32
    %c0_i32_0 = arith.constant 0 : i32
    return %arg0, %c0_i32 : i32, i32
  }
  func.func @transform_3(%arg0: i32) -> i32 {
    %c0_i32 = arith.constant 0 : i32
    %c0_i32_0 = arith.constant 0 : i32
    return %c0_i32 : i32
  }
  func.func @transform_4(%arg0: i32) -> (i32, i32) {
    %c0_i32 = arith.constant 0 : i32
    %c0_i32_0 = arith.constant 0 : i32
    %c0_i32_1 = arith.constant 0 : i32
    return %c0_i32, %c0_i32_0 : i32, i32
  }
  func.func @transform_5(%arg0: i32) -> (i32, i32) {
    %c0_i32 = arith.constant 0 : i32
    %c0_i32_0 = arith.constant 0 : i32
    return %arg0, %c0_i32 : i32, i32
  }
  func.func @transform_6(%arg0: i32) -> (i32, i32) {
    %c0_i32 = arith.constant 0 : i32
    %c0_i32_0 = arith.constant 0 : i32
    return %arg0, %c0_i32 : i32, i32
  }
}

module attributes {stable_mosaic.version = 14 : i64} {
  func.func @_tc3_body(%arg0: memref<2x10240xf32, #tpu.memory_space<vmem>>, %arg1: memref<10000xf32, #tpu.memory_space<vmem>>, %arg2: memref<10000xf32, #tpu.memory_space<vmem>>, %arg3: memref<1xf32, #tpu.memory_space<vmem>>, %arg4: memref<10000xf32, #tpu.memory_space<vmem>>) attributes {dimension_semantics = [], scalar_prefetch = 0 : i64, scratch_operands = 0 : i64, tpu.core_type = #tpu.core_type<tc>} {
    %get3A = arith.constant 0 : index
    %get3A_0 = vector.load %arg2[%get3A] : memref<10000xf32, #tpu.memory_space<vmem>>, vector<10000xf32>
    %get3A_1 = arith.constant 0 : index
    %get3A_2 = arith.constant 0 : index
    %get3A_3 = vector.load %arg0[%get3A_1, %get3A_2] : memref<2x10240xf32, #tpu.memory_space<vmem>>, vector<1x10000xf32>
    %get3A_4 = vector.shape_cast %get3A_3 : vector<1x10000xf32> to vector<10000xf32>
    %get3A_5 = arith.constant 1 : index
    %get3A_6 = arith.constant 0 : index
    %get3A_7 = vector.load %arg0[%get3A_5, %get3A_6] : memref<2x10240xf32, #tpu.memory_space<vmem>>, vector<1x10000xf32>
    %get3A_8 = vector.shape_cast %get3A_7 : vector<1x10000xf32> to vector<10000xf32>
    %add3A = arith.addf %get3A_4, %get3A_8 : vector<10000xf32>
    %get3A_9 = arith.constant 0 : index
    %get3A_10 = vector.load %arg1[%get3A_9] : memref<10000xf32, #tpu.memory_space<vmem>>, vector<10000xf32>
    %add3A_11 = arith.addf %add3A, %get3A_10 : vector<10000xf32>
    %mul3A = arith.mulf %get3A_0, %add3A_11 : vector<10000xf32>
    %get3A_12 = arith.constant 0 : index
    %get3A_13 = vector.load %arg3[%get3A_12] : memref<1xf32, #tpu.memory_space<vmem>>, vector<1xf32>
    %add3A_14 = vector.broadcast %get3A_13 : vector<1xf32> to vector<10000xf32>
    %add3A_15 = arith.addf %mul3A, %add3A_14 : vector<10000xf32>
    %neg3A = arith.constant 0.000000e+00 : f32
    %neg3A_16 = vector.broadcast %neg3A : f32 to vector<10000xf32>
    %neg3A_17 = arith.subf %neg3A_16, %add3A_15 : vector<10000xf32>
    %exp3A = math.exp %neg3A_17 : vector<10000xf32>
    %add3A_18 = arith.constant 1.000000e+00 : f32
    %add3A_19 = vector.broadcast %add3A_18 : f32 to vector<10000xf32>
    %add3A_20 = arith.addf %add3A_19, %exp3A : vector<10000xf32>
    %div3A = arith.constant 1.000000e+00 : f32
    %div3A_21 = vector.broadcast %div3A : f32 to vector<10000xf32>
    %div3A_22 = arith.divf %div3A_21, %add3A_20 : vector<10000xf32>
    %swap3A = arith.constant 0 : index
    %swap3A_23 = vector.load %arg4[%swap3A] : memref<10000xf32, #tpu.memory_space<vmem>>, vector<10000xf32>
    tpu.vector_store %arg4[%swap3A], %div3A_22 {strides = array<i32>} : memref<10000xf32, #tpu.memory_space<vmem>>, vector<10000xf32>,
    return
  }
}

</mosaic_0001>

<sc_bundles>
// kernel: kernel.11.cloned.1.call-start
scs
__scs_entry_jumppad:
0x0: {  	(pc) =	sbr.rel $0x88, $3  }
0x1: {  	(tag) =	ssettag $0x0;
	lr =	simm.s32 $0x1  }
0x2: {  	[smem:$0x3F9A] =	sst lr;
	_ =	strace $0xD0000000  }
0x3: {  	_ = 	snop  }
0x4: {  	_ = 	snop  }
0x5: {  	_ = 	snop  }
0x6: {  	_ = 	snop  }
0x7: {  	_ = 	snop  }
__scs_overlays_trampoline_lowered:
0x8: {  	[smem:$0x3FA9] =	sst s0  }
0x9: {  	[smem:$0x3FAA] =	sst s1  }
0xa: {  	[smem:$0x3FAB] =	sst s2  }
0xb: {  	[smem:$0x3FAC] =	sst s3  }
0xc: {  	[smem:$0x3FAD] =	sst s4  }
0xd: {  	[smem:$0x3FAE] =	sst s5  }
0xe: {  	[smem:$0x3FAF] =	sst s6  }
0xf: {  	[smem:$0x3FB0] =	sst s7  }
0x10: {  	[smem:$0x3FB1] =	sst s8  }
0x11: {  	[smem:$0x3FB2] =	sst s9;
	s0 =	simm.s32 @!p0 $0x0  }
0x12: {  	s1 =	sld [smem:$0x3F98];
	s0 =	simm.s32 @p0 $0x1  }
0x13: {  	[smem:$0x3FB3] =	sst s0;
	s0 =	simm.s32 @!p1 $0x0  }
0x14: {  	s2 =	sld [smem:$0x3F97];
	s0 =	simm.s32 @p1 $0x1  }
0x15: {  	[smem:$0x3FB4] =	sst s0;
	s0 =	simm.s32 @!p2 $0x0  }
0x16: {  	s3 =	sld [smem:$0x3FDB];
	s0 =	simm.s32 @p2 $0x1  }
0x17: {  	s4 =	simm.s32 $0x1BF5;
	[smem:$0x3FB6] =	sst s0  }
0x18: {  	s0 =	sld [smem:$0x3F99];
	_ =	swait.ge [sflag:s4], $0x0  }
0x19: {  	s7 =	sld [smem:$0x3F9A]  }
0x1a: {  	s8 =	sadd.s32 $0xFFFFE003, lr  }
0x1b: {  	s9 =	sadd.s32 $0xFFFFFEF7, lr;
	s5 =	simm.s32 $0xFFFFFFFF;
	p2 =	slt.u32 s8, $0xFFFFF086  }
0x1c: {  	p1 =	slt.u32 s9, $0xF7A;
	s5 =	simm.s32 @!p2 $0x0  }
0x1d: {  	s5 =	simm.s32 @p1 $0x1;
	p0 =	seq.s32 s7, s2  }
0x1e: {  	s7 =	smul.u32 @!p0 $0xF7A, s2;
	p2 =	seq.s32 @!p0 s5, $0x0  }
0x1f: {  	s9 =	smul.u32 $0xF7A, s1;
	s8 =	simm.s32 @!p0 $0x1BF5;
	p2 =	por !p2, p0  }
0x20: {  	[sflag:s8] =	ssyncset.s32 @!p0 $0xFFFFF086;
	s6 =	sadd.s32 @!p0 s3, s7;
	s7 =	simm.s32 @!p0 $0x108  }
0x21: {  	s3 =	sadd.s32 s3, s9;
	s6 =	sadd.s32 @!p0 $0x88, s6;
	s7 =	simm.s32 @p2 $0x1082  }
0x22: {  	[simem:s7], [sflag:s8] =	dma.local @!p0 [hbm:s6], $0xF7A  }
0x23: {  	s9 =	sor.u32 $0xD0000000, s2;
	s6 =	simm.s32 $0x108;
	_ =	swait.ge @!p0 [sflag:s8], $0x0  }
0x24: {  	s3 =	sadd.s32 $0x88, s3;
	s6 =	simm.s32 @!p1 $0x1082;
	[sflag:s4] =	ssyncset.s32 $0xFFFFF086  }
0x25: {  	[simem:s6], [sflag:s4] =	dma.local [hbm:s3], $0xF7A  }
0x26: {  	[smem:$0x3F9A] =	sst s1;
	(tag) =	ssettag s2;
	_ =	strace s9  }
0x27: {  	s1 =	sld [smem:$0x3FAA]  }
0x28: {  	s2 =	sld [smem:$0x3FAB]  }
0x29: {  	s4 =	sld [smem:$0x3FAD]  }
0x2a: {  	p0 =	seq.s32 s5, $0x0;
	s5 =	sld [smem:$0x3FAE]  }
0x2b: {  	s6 =	sld [smem:$0x3FAF]  }
0x2c: {  	s7 =	sld [smem:$0x3FB0]  }
0x2d: {  	s3 =	simm.s32 $0x108;
	s8 =	sld [smem:$0x3FB1]  }
0x2e: {  	s3 =	simm.s32 @!p0 $0x1082;
	s9 =	sld [smem:$0x3FB2]  }
0x2f: {  	lr =	sadd.s32 s0, s3;
	s0 =	sld [smem:$0x3FA9]  }
0x30: {  	s3 =	sld [smem:$0x3FAC]  }
0x31: {  	[smem:$0x3FB5] =	sst s10  }
0x32: {  	s10 =	sld [smem:$0x3FB3];
	_ =	sdelay $0x3  }
0x33: {  	p0 =	seq.s32 s10, $0x1;
	s10 =	sld [smem:$0x3FB5];
	_ =	sdelay $0x3  }
0x34: {  	[smem:$0x3FB5] =	sst s10  }
0x35: {  	s10 =	sld [smem:$0x3FB4];
	_ =	sdelay $0x3  }
0x36: {  	p1 =	seq.s32 s10, $0x1;
	s10 =	sld [smem:$0x3FB5];
	_ =	sdelay $0x3  }
0x37: {  	[smem:$0x3FB5] =	sst s10  }
0x38: {  	s10 =	sld [smem:$0x3FB6]  }
0x39: {  	_ = 	snop;
	(pc) =	sbr.ind lr, $3  }
0x3a: {  	_ = 	snop  }
0x3b: {  	_ = 	snop  }
0x3c: {  	p2 =	seq.s32 s10, $0x1;
	s10 =	sld [smem:$0x3FB5]  }
0x3d: {  	_ =	shalt  }
0x3e: {  	_ =	shalt  }
0x3f: {  	_ =	shalt  }
0x40: {  	_ =	shalt  }
0x41: {  	_ =	shalt  }
0x42: {  	_ =	shalt  }
0x43: {  	_ =	shalt  }
0x44: {  	_ =	shalt  }
0x45: {  	_ =	shalt  }
0x46: {  	_ =	shalt  }
0x47: {  	_ =	shalt  }
0x48: {  	_ =	shalt  }
0x49: {  	_ =	shalt  }
0x4a: {  	_ =	shalt  }
0x4b: {  	_ =	shalt  }
0x4c: {  	_ =	shalt  }
0x4d: {  	_ =	shalt  }
0x4e: {  	_ =	shalt  }
0x4f: {  	_ =	shalt  }
0x50: {  	_ =	shalt  }
0x51: {  	_ =	shalt  }
0x52: {  	_ =	shalt  }
0x53: {  	_ =	shalt  }
0x54: {  	_ =	shalt  }
0x55: {  	_ =	shalt  }
0x56: {  	_ =	shalt  }
0x57: {  	_ =	shalt  }
0x58: {  	_ =	shalt  }
0x59: {  	_ =	shalt  }
0x5a: {  	_ =	shalt  }
0x5b: {  	_ =	shalt  }
0x5c: {  	_ =	shalt  }
0x5d: {  	_ =	shalt  }
0x5e: {  	_ =	shalt  }
0x5f: {  	_ =	shalt  }
0x60: {  	_ =	shalt  }
0x61: {  	_ =	shalt  }
0x62: {  	_ =	shalt  }
0x63: {  	_ =	shalt  }
0x64: {  	_ =	shalt  }
0x65: {  	_ =	shalt  }
0x66: {  	_ =	shalt  }
0x67: {  	_ =	shalt  }
0x68: {  	_ =	shalt  }
0x69: {  	_ =	shalt  }
0x6a: {  	_ =	shalt  }
0x6b: {  	_ =	shalt  }
0x6c: {  	_ =	shalt  }
0x6d: {  	_ =	shalt  }
0x6e: {  	_ =	shalt  }
0x6f: {  	_ =	shalt  }
0x70: {  	_ =	shalt  }
0x71: {  	_ =	shalt  }
0x72: {  	_ =	shalt  }
0x73: {  	_ =	shalt  }
0x74: {  	_ =	shalt  }
0x75: {  	_ =	shalt  }
0x76: {  	_ =	shalt  }
0x77: {  	_ =	shalt  }
0x78: {  	_ =	shalt  }
0x79: {  	_ =	shalt  }
0x7a: {  	_ =	shalt  }
0x7b: {  	_ =	shalt  }
0x7c: {  	_ =	shalt  }
0x7d: {  	_ =	shalt  }
0x7e: {  	_ =	shalt  }
0x7f: {  	_ =	shalt  }
0x80: {  	_ =	shalt  }
0x81: {  	_ =	shalt  }
0x82: {  	_ =	shalt  }
0x83: {  	_ =	shalt  }
0x84: {  	_ =	shalt  }
0x85: {  	_ =	shalt  }
0x86: {  	_ =	shalt  }
0x87: {  	_ =	shalt  }
.Lfunc_end0:
.L_simem_size_0:
called_computation.1_lowered:
.L_overlay_start_0:
0x88: {  	s2 =	sld [smem:$0x3FD9]  }
0x89: {  	s3 =	sld [smem:$0x3FFE];
	_ =	sdelay $0x1  }
0x8a: {  	s1 =	srdreg.scid  }
0x8b: {  	s0 =	sand.u32 $0x1, s1  }
0x8c: {  	s14 =	sshll.u32 s0, $0xA;
	s2 =	sadd.s32 s3, s2  }
0x8d: {  	s2 =	sadd.s32 s2, s14  }
0x8e: {  	[smem:$0x3FC1] =	sst s2  }
0x8f: {  	_ = 	snop  }
0x90: {  	s2 =	sld [smem:$0x3FD0];
	_ =	sdelay $0x2  }
0x91: {  	s4 =	simm.s32 $0xA;
	s5 =	simm.s32 $0x10;
	s15 =	sld [smem:$0x3FC7]  }
0x92: {  	[smem:s5], [sflag:s4] =	dma.local [hbm:s2], $0x1  }
0x93: {  	_ =	swait.eq [sflag:s4], $0x1  }
0x94: {  	[sflag:s4] =	ssyncset.done $0x0  }
0x95: {  	[sflag:s4] =	ssyncadd.s32 $0xFFFFFFFF  }
0x96: {  	s16 =	sld [smem:$0x11];
	(tm) =	ssettm $0x1  }
0x97: {  	s17 =	sld [smem:$0x3FFB];
	_ =	sdelay $0x3  }
0x98: {  	_ =	strace s17  }
0x99: {  	s4 =	sld [smem:$0x3FFC];
	_ =	sdelay $0x3  }
0x9a: {  	_ =	strace s4  }
0x9b: {  	s4 =	sld [smem:$0x3FFD];
	_ =	sdelay $0x3  }
0x9c: {  	_ =	strace s4  }
0x9d: {  	_ =	strace $0x8FFFFFFF  }
0x9e: {  	s18 =	sld [smem:$0x3FDB];
	_ =	sdelay $0x1  }
0x9f: {  	s19 =	simm.s32 $_scs_section_size  }
0xa0: {  	s6 =	simm.s32 $_size__tile_overlayer_lowered;
	s7 =	simm.s32 $_tile_overlayer_lowered  }
0xa1: {  	s22 =	simm.s32 $0x1BFF;
	s21 =	sshll.u32 s7, $0x1;
	s4 =	sadd.s32 s19, s18  }
0xa2: {  	s8 =	simm.s32 $0x0;
	s20 =	sshll.u32 s6, $0x1;
	s6 =	sadd.s32 s21, s4  }
0xa3: {  	[timem:s8], [sflag:s22] =	dma.local [hbm:s6], s20  }
0xa4: {  	_ =	swait.ge [sflag:s22], s20  }
0xa5: {  	s5 =	ssub.s32 $0x0, s20;
	[sflag:s22] =	ssyncset.done $0x0  }
0xa6: {  	[sflag:s22] =	ssyncadd.s32 s5;
	_ =	sdelay $0x1  }
0xa7: {  	s23 =	simm.s32 $0x1B8B  }
0xa8: {  	_ =	swait.ge [sflag:s23], $0x1  }
0xa9: {  	[sflag:s23] =	ssyncset.done $0x0  }
0xaa: {  	s25 =	simm.s32 $0x1B8E;
	s24 =	sld [smem:$0x3FFE];
	[sflag:s23] =	ssyncadd.s32 $0xFFFFFFFF  }
0xab: {  	s26 =	simm.s32 $execute0_lowered;
	[smem:$0x3FD2] =	sst s25  }
0xac: {  	s6 =	sshll.u32 s26, $0x1;
	_ =	strace $0x80000049;
	[dreg:$0x1] =	wrdreg $0xFFFFFFFF  }
0xad: {  	s28 =	simm.s32 $_size_execute0_lowered;
	s4 =	sadd.s32 s4, s6;
	[dreg:$0x0] =	wrdreg $0x0  }
0xae: {  	s6 =	sshll.u32 s28, $0x1;
	[dreg:$0x2] =	wrdreg s4  }
0xaf: {  	[dreg:$0x3] =	wrdreg s6  }
0xb0: {  	[dreg:$0x4] =	wrdreg $0xC0  }
0xb1: {  	_ =	task [dreg:s8], $0x5FFFF  }
0xb2: {  	[dreg:$0x1] =	wrdreg $0xFFFFFFFF  }
0xb3: {  	[dreg:$0x0] =	wrdreg $0x60  }
0xb4: {  	[dreg:$0x2] =	wrdreg s24  }
0xb5: {  	[dreg:$0x3] =	wrdreg s15  }
0xb6: {  	[dreg:$0x4] =	wrdreg s16  }
0xb7: {  	[dreg:$0x5] =	wrdreg $0xB3600  }
0xb8: {  	[dreg:$0x6] =	wrdreg $0x9  }
0xb9: {  	_ =	task.clear_ibuf [dreg:s8], $0x7FFFF;
	_ =	strace $0x90000049  }
0xba: {  	s29 =	simm.s32 $0x9;
	_ =	strace $0x8000004B  }
0xbb: {  	_ =	swait.ge [sflag:s29], $0x1  }
0xbc: {  	[sflag:s29] =	ssyncadd.s32 $0xFFFFFFFF  }
0xbd: {  	_ =	strace $0x9000004B  }
0xbe: {  	_ =	sfence  }
0xbf: {  	s30 =	sld [smem:$0x0];
	_ =	sdelay $0x2  }
0xc0: {  	s31 =	sshll.u32 s1, $0xD;
	s1 =	sshrl.u32 s1, $0x2  }
0xc1: {  	s3 =	sand.u32 $0x4000, s31;
	s1 =	sadd.s32 s1, s30  }
0xc2: {  	s0 =	sor.u32 s3, s0;
	s1 =	sshll.u32 s1, $0x11  }
0xc3: {  	s0 =	sor.u32 s1, s0  }
0xc4: {  	s0 =	sadd.s32 $0x8F2B, s0  }
0xc5: {  	[sflag:s0] =	ssyncadd.remote.s32 $0x1  }
0xc6: {  	_ =	sfence.sel $0xFFFF  }
0xc7: {  	[dreg:$0x0] =	wrdreg $0xFFFFFFFF;
	(pc) =	sbr.abs _section_cstart, $3  }
0xc8: {  	[dreg:$0x1] =	wrdreg $0xFFFFFFFF  }
0xc9: {  	_ =	task.clear_ibuf [dreg:s8], $0x2FFFF;
	_ =	strace $0x9FFFFFFF  }
0xca: {  	(tm) =	ssettm $0x7FFFFFFF  }
0xcb: {  	_ =	shalt  }
tec
execute0_lowered:
.L_overlay_start_1:
0x0: {  	(tag) =	ssettag $0x1  }
0x1: {  	s0 =	srdreg.scid;
	s1 =	rddreg [dreg:$0x0]  }
0x2: {  	s9 =	stileid.u32;
	s6 =	rddreg [dreg:$0x1];
	s4 =	simm.s32 $0x0  }
0x3: {  	s0 =	sand.u32 $0x1, s0;
	s8 =	smul.u32 $0x13880, s9;
	[smem:$0x7FF] =	sst s4  }
0x4: {  	s2 =	sshll.u32 s0, $0x4;
	s5 =	smul.u32 $0x138800, s0;
	s0 =	ssub.s32 $0x2, s0  }
0x5: {  	s3 =	sor.u32 s9, s2;
	s2 =	rddreg [dreg:$0x2];
	s9 =	smul.u32 $0x4E200, s9  }
0x6: {  	s12 =	sshrl.u32 s0, $0x1;
	s7 =	smul.u32 $0x4E2, s3;
	s3 =	rddreg [dreg:$0x3]  }
0x7: {  	_ =	strace $0x8000004A;
	s5 =	sadd.s32 s8, s5;
	s0 =	ssub.s32 s0, s12  }
0x8: {  	s9 =	sshrl.u32 s9, $0x2;
	s11 =	sshrl.u32 s5, $0x3;
	s0 =	smax.u32 s0, $0x1  }
0x9: {  	s16 =	sadd.s32 s8, s3;
	s6 =	sadd.s32 s6, s7;
	[dreg:$0x9] =	wrdreg s0  }
0xa: {  	s5 =	sadd.s32 s9, s3;
	s26 =	sshrl.u32 s16, $0x3;
	[dreg:$0x7] =	wrdreg s6  }
0xb: {  	s10 =	sadd.s32 s7, s1;
	s9 =	sadd.s32 $0x11800, s5;
	[dreg:$0x10] =	wrdreg s26  }
0xc: {  	s1 =	sadd.s32 s11, s1;
	s15 =	sadd.s32 $0x14E00, s10;
	[dreg:$0x5] =	wrdreg s9  }
0xd: {  	s17 =	simm.s32 $0x8A20;
	s1 =	sadd.s32 $0x1EC00, s1;
	[dreg:$0x6] =	wrdreg s15  }
0xe: {  	s18 =	simm.s32 $0x5;
	s20 =	sadd.s32 $0x2800, s5;
	[dreg:$0x8] =	wrdreg s1  }
0xf: {  	s19 =	simm.s32 $0x2710;
	s21 =	sadd.s32 $0x5000, s5;
	[dreg:$0xa] =	wrdreg s20  }
0x10: {  	s28 =	simm.s32 $0xB2C0;
	s22 =	sadd.s32 $0x7800, s5;
	[dreg:$0xb] =	wrdreg s21  }
0x11: {  	s29 =	simm.s32 $0x7620;
	s23 =	sadd.s32 $0xA000, s5;
	[dreg:$0xc] =	wrdreg s22  }
0x12: {  	s30 =	simm.s32 $0x1;
	s24 =	sadd.s32 $0xC800, s5;
	[dreg:$0xd] =	wrdreg s23  }
0x13: {  	s31 =	simm.s32 $0x4;
	s25 =	sadd.s32 $0xF000, s5;
	[dreg:$0xe] =	wrdreg s24  }
0x14: {  	s0 =	simm.s32 $0x3;
	s26 =	simm.s32 $0x6220;
	[dreg:$0xf] =	wrdreg s25  }
0x15: {  	s20 =	simm.s32 $0x50;
	s21 =	simm.s32 $0xB310;
	s22 =	simm.s32 $0xB220  }
0x16: {  	v0 =	vimm.f32 $0.0e+00;
	v1 =	vimm.s32 $0x0;
	s23 =	simm.s32 $0x4E20;
	s24 =	simm.s32 $0xB270;
	s1 =	simm.s32 $0x2  }
.LBB2_1:
0x17: {  	s6 =	simm.s32 $0x0;
	s7 =	simm.s32 $0x200  }
.LBB2_2:
0x18: {  	p0 =	sne.s32 s7, $0x9E00;
	[tilespmem:s6+$0x8A90] =	vst v0  }
0x19: {  	[tilespmem:s6+$0x8A20] =	vst v0  }
0x1a: {  	[tilespmem:s6+$0x8A30] =	vst v0  }
.Ltmp0:
0x1b: {  	[tilespmem:s6+$0x8A40] =	vst v0;
	(pc) =	sbr.rel @p0 .LBB2_2-.Ltmp0, $4  }
0x1c: {  	[tilespmem:s6+$0x8A50] =	vst v0  }
0x1d: {  	[tilespmem:s6+$0x8A60] =	vst v0  }
0x1e: {  	[tilespmem:s6+$0x8A70] =	vst v0  }
0x1f: {  	[tilespmem:s6+$0x8A80] =	vst v0;
	s6 =	sshra.s32 s7, $0x2;
	s7 =	sadd.s32 $0x200, s7  }
0x20: {  	[tilespmem:s6+$0x8A90] =	vst v0  }
0x21: {  	[tilespmem:s6+$0x8A20] =	vst v0  }
0x22: {  	[tilespmem:s6+$0x8A30] =	vst v0  }
0x23: {  	[tilespmem:s6+$0x8A40] =	vst v0  }
0x24: {  	[tilespmem:s6+$0x8A50] =	vst v0  }
0x25: {  	[tilespmem:s6+$0x8A60] =	vst v0  }
0x26: {  	[tilespmem:s6+$0x8A70] =	vst v0  }
0x27: {  	[tilespmem:s6+$0x8A80] =	vst v0  }
0x28: {  	[spmem:s5] =	stream.linear.scatter [tilespmem:s17], [sflag:$0x5], $0x2800, $0x38;
	[tilespmem:$0x1EBE0] =	vst v63  }
0x29: {  	_ =	swait.ge [sflag:s18], $0x2800  }
0x2a: {  	[sflag:s18] =	ssyncset.done $0x0  }
0x2b: {  	s10 =	rddreg [dreg:$0xa];
	[sflag:s18] =	ssyncadd.s32 $0xFFFFD800  }
0x2c: {  	[spmem:s10] =	stream.linear.scatter [tilespmem:s17], [sflag:$0x5], $0x2800, $0x38;
	[tilespmem:$0x1EBE0] =	vst v63  }
0x2d: {  	_ =	swait.ge [sflag:s18], $0x2800  }
0x2e: {  	[sflag:s18] =	ssyncset.done $0x0  }
0x2f: {  	s11 =	rddreg [dreg:$0xb];
	[sflag:s18] =	ssyncadd.s32 $0xFFFFD800  }
0x30: {  	[spmem:s11] =	stream.linear.scatter [tilespmem:s17], [sflag:$0x5], $0x2800, $0x38;
	[tilespmem:$0x1EBE0] =	vst v63  }
0x31: {  	_ =	swait.ge [sflag:s18], $0x2800  }
0x32: {  	[sflag:s18] =	ssyncset.done $0x0  }
0x33: {  	s12 =	rddreg [dreg:$0xc];
	[sflag:s18] =	ssyncadd.s32 $0xFFFFD800  }
0x34: {  	[spmem:s12] =	stream.linear.scatter [tilespmem:s17], [sflag:$0x5], $0x2800, $0x38;
	[tilespmem:$0x1EBE0] =	vst v63  }
0x35: {  	_ =	swait.ge [sflag:s18], $0x2800  }
0x36: {  	[sflag:s18] =	ssyncset.done $0x0  }
0x37: {  	s13 =	rddreg [dreg:$0xd];
	[sflag:s18] =	ssyncadd.s32 $0xFFFFD800  }
0x38: {  	[spmem:s13] =	stream.linear.scatter [tilespmem:s17], [sflag:$0x5], $0x2800, $0x38;
	[tilespmem:$0x1EBE0] =	vst v63  }
0x39: {  	_ =	swait.ge [sflag:s18], $0x2800  }
0x3a: {  	[sflag:s18] =	ssyncset.done $0x0  }
0x3b: {  	s14 =	rddreg [dreg:$0xe];
	[sflag:s18] =	ssyncadd.s32 $0xFFFFD800  }
0x3c: {  	[spmem:s14] =	stream.linear.scatter [tilespmem:s17], [sflag:$0x5], $0x2800, $0x38;
	[tilespmem:$0x1EBE0] =	vst v63  }
0x3d: {  	_ =	swait.ge [sflag:s18], $0x2800  }
0x3e: {  	[sflag:s18] =	ssyncset.done $0x0  }
0x3f: {  	s15 =	rddreg [dreg:$0xf];
	[sflag:s18] =	ssyncadd.s32 $0xFFFFD800  }
0x40: {  	[spmem:s15] =	stream.linear.scatter [tilespmem:s17], [sflag:$0x5], $0x2800, $0x38;
	[tilespmem:$0x1EBE0] =	vst v63  }
0x41: {  	_ =	swait.ge [sflag:s18], $0x2800  }
0x42: {  	[sflag:s18] =	ssyncset.done $0x0  }
0x43: {  	s16 =	rddreg [dreg:$0x5];
	[sflag:s18] =	ssyncadd.s32 $0xFFFFD800  }
0x44: {  	[spmem:s16] =	stream.linear.scatter [tilespmem:s17], [sflag:$0x5], $0x2080, $0x38;
	[tilespmem:$0x1EBE0] =	vst v63  }
0x45: {  	_ =	swait.ge [sflag:s18], $0x2080  }
0x46: {  	[sflag:s18] =	ssyncset.done $0x0  }
0x47: {  	[sflag:s18] =	ssyncadd.s32 $0xFFFFDF80  }
0x48: {  	[bflag:$0x0] =	sbarrier.arrive $0xFFFF  }
0x49: {  	s6 =	simm.s32 $0x0;
	s7 =	rddreg [dreg:$0x6]  }
0x4a: {  	[tilespmem:s6], [sflag:$0x5] =	stream.linear.gather [hbm4b:s7+s6], $0x2710, $0x38;
	[tilespmem:$0x1EBE0] =	vst v63  }
0x4b: {  	_ =	swait.ge [sflag:s18], $0x2710  }
0x4c: {  	[sflag:s18] =	ssyncset.done $0x0  }
0x4d: {  	s25 =	rddreg [dreg:$0x7];
	[sflag:s18] =	ssyncadd.s32 $0xFFFFD8F0  }
0x4e: {  	[tilespmem:s19], [sflag:$0x5] =	stream.linear.gather [hbm4b:s25+s6], $0x2710, $0x38;
	[tilespmem:$0x1EBE0] =	vst v63  }
0x4f: {  	_ =	swait.ge [sflag:s18], $0x2710  }
0x50: {  	[sflag:s18] =	ssyncset.done $0x0  }
0x51: {  	[sflag:s18] =	ssyncadd.s32 $0xFFFFD8F0  }
0x52: {  	[tilespmem:$0xB310] =	vst v1  }
0x53: {  	[tilespmem:$0xB320] =	vst v1  }
0x54: {  	[tilespmem:$0xB330] =	vst v1  }
0x55: {  	[tilespmem:$0xB340] =	vst v1  }
0x56: {  	[tilespmem:$0xB350] =	vst v1  }
0x57: {  	[spmem:s3] =	stream.indirect.scatter.add.f32 [tilespmem:s17], [sflag:$0x4], $0x80, s21, s20, $0xb8;
	[tilespmem:$0x1EBE0] =	vst v63  }
0x58: {  	v2 =	vld [tilespmem:$0x0]  }
0x59: {  	v3 =	vld [tilespmem:$0x10]  }
0x5a: {  	v4 =	vld [tilespmem:$0x20]  }
0x5b: {  	v5 =	vld [tilespmem:$0x30]  }
0x5c: {  	v6 =	vld [tilespmem:$0x40]  }
0x5d: {  	v2 =	vand.u32 $0x3FFF, v2  }
0x5e: {  	[tilespmem:$0xB220] =	vst v2;
	v2 =	vand.u32 $0x3FFF, v3  }
0x5f: {  	[tilespmem:$0xB230] =	vst v2;
	v2 =	vand.u32 $0x3FFF, v4  }
0x60: {  	[tilespmem:$0xB240] =	vst v2;
	v2 =	vand.u32 $0x3FFF, v5  }
0x61: {  	[tilespmem:$0xB250] =	vst v2;
	v2 =	vand.u32 $0x3FFF, v6  }
0x62: {  	[tilespmem:$0xB260] =	vst v2  }
0x63: {  	[tilespmem:s23], [sflag:$0x1] =	stream.indirect.gather [hbm4b:s2+s20], $0x40, s22, s20, $0xb8;
	[tilespmem:$0x1EBE0] =	vst v63  }
0x64: {  	v2 =	vld [tilespmem:$0x50]  }
0x65: {  	v3 =	vld [tilespmem:$0x60]  }
0x66: {  	v58 =	vld [tilespmem:$0x70]  }
0x67: {  	v59 =	vld [tilespmem:$0x80]  }
0x68: {  	v60 =	vld [tilespmem:$0x90]  }
0x69: {  	v2 =	vand.u32 $0x3FFF, v2  }
0x6a: {  	[tilespmem:$0xB270] =	vst v2;
	v2 =	vand.u32 $0x3FFF, v3  }
0x6b: {  	[tilespmem:$0xB280] =	vst v2;
	v2 =	vand.u32 $0x3FFF, v58  }
0x6c: {  	[tilespmem:$0xB290] =	vst v2;
	v2 =	vand.u32 $0x3FFF, v59  }
0x6d: {  	[tilespmem:$0xB2A0] =	vst v2;
	v2 =	vand.u32 $0x3FFF, v60  }
0x6e: {  	[tilespmem:$0xB2B0] =	vst v2  }
0x6f: {  	[tilespmem:s26], [sflag:$0x2] =	stream.indirect.gather [hbm4b:s2+s20], $0x40, s24, s20, $0xb8;
	[tilespmem:$0x1EBE0] =	vst v63  }
0x70: {  	v2 =	vld [tilespmem:$0xA0]  }
0x71: {  	v3 =	vld [tilespmem:$0xB0]  }
0x72: {  	v61 =	vld [tilespmem:$0xC0]  }
0x73: {  	v62 =	vld [tilespmem:$0xD0]  }
0x74: {  	v63 =	vld [tilespmem:$0xE0]  }
0x75: {  	v2 =	vand.u32 $0x3FFF, v2  }
0x76: {  	[tilespmem:$0xB2C0] =	vst v2;
	v2 =	vand.u32 $0x3FFF, v3  }
0x77: {  	[tilespmem:$0xB2D0] =	vst v2;
	v2 =	vand.u32 $0x3FFF, v61  }
0x78: {  	[tilespmem:$0xB2E0] =	vst v2;
	v2 =	vand.u32 $0x3FFF, v62  }
0x79: {  	[tilespmem:$0xB2F0] =	vst v2;
	v2 =	vand.u32 $0x3FFF, v63  }
0x7a: {  	s7 =	simm.s32 $0x0;
	[tilespmem:$0xB300] =	vst v2  }
0x7b: {  	[tilespmem:s29], [sflag:$0x3] =	stream.indirect.gather [hbm4b:s2+s20], $0x40, s28, s20, $0xb8;
	[tilespmem:$0x1EBE0] =	vst v63  }
.LBB2_4:
0x7c: {  	_ =	swait.ge [sflag:s30], $0x1400  }
0x7d: {  	[sflag:s30] =	ssyncset.done $0x0  }
0x7e: {  	[sflag:s30] =	ssyncadd.s32 $0xFFFFEC00  }
0x7f: {  	s8 =	smul.u32 $0x3C0, s7;
	_ =	swait.ge [sflag:s31], $0x2800  }
0x80: {  	[sflag:s31] =	ssyncset.done $0x0  }
0x81: {  	s9 =	sshra.s32 s8, $0x2;
	[sflag:s31] =	ssyncadd.s32 $0xFFFFD800  }
0x82: {  	v2 =	vld [tilespmem:s9+$0x0];
	_ =	sdelay $0x4  }
0x83: {  	v2 =	vshra.s32 v2, $0xE  }
0x84: {  	[tilespmem:$0xB310] =	vst v2  }
0x85: {  	v2 =	vld [tilespmem:s9+$0x10];
	_ =	sdelay $0x4  }
0x86: {  	v2 =	vshra.s32 v2, $0xE  }
0x87: {  	[tilespmem:$0xB320] =	vst v2  }
0x88: {  	v2 =	vld [tilespmem:s9+$0x20];
	_ =	sdelay $0x4  }
0x89: {  	v2 =	vshra.s32 v2, $0xE  }
0x8a: {  	[tilespmem:$0xB330] =	vst v2  }
0x8b: {  	v2 =	vld [tilespmem:s9+$0x30];
	_ =	sdelay $0x1  }
0x8c: {  	s8 =	smul.u32 $0x3, s7;
	_ =	sdelay $0x1  }
0x8d: {  	v3 =	vmov s8  }
0x8e: {  	v3 =	vmul.u32 $0x50, v3;
	v2 =	vshra.s32 v2, $0xE  }
0x8f: {  	s10 =	simm.s32 $0x1;
	[tilespmem:$0xB340] =	vst v2  }
0x90: {  	v5 =	vbroadcast v3, $0x0;
	v3 =	vmov s10;
	v2 =	vld [tilespmem:s9+$0x40]  }
0x91: {  	v4 =	vand.u32 $0x78, v3  }
0x92: {  	v3 =	vand.u32 $0x7, v3;
	v4 =	vadd.s32 v5, v4  }
0x93: {  	v3 =	vor.u32 v3, v4  }
0x94: {  	v4 =	vmov s6  }
0x95: {  	v6 =	vand.u32 $0x78, v4;
	v2 =	vshra.s32 v2, $0xE  }
0x96: {  	s13 =	simm.s32 $0x4E60;
	[tilespmem:$0xB350] =	vst v2;
	v2 =	vand.u32 $0x6, v4;
	v4 =	vadd.s32 v5, v6  }
0x97: {  	v2 =	vor.u32 v2, v4;
	v4 =	vld [tilespmem:s13+$0x0]  }
0x98: {  	v9 =	vld.idx.msk [tilespmem:v3+s19+$0x0], $0xffff;
	_ =	sdelay $0x2  }
0x99: {  	v6 =	vld [tilespmem:s13+$0xFFFFFFC0]  }
0x9a: {  	v3 =	vld.idx.msk [tilespmem:v2+s19+$0x0], $0xffff;
	v2 =	vshll.u32 v4, $0x10  }
0x9b: {  	v4 =	vand.u32 $0xFFFF0000, v4;
	v2 =	vmul.f32 v2, v9  }
0x9c: {  	s12 =	simm.s32 $0x8AA0;
	v4 =	vmul.f32 v4, v9  }
0x9d: {  	s14 =	simm.s32 $0x2;
	s11 =	simm.s32 $0x3;
	[tilespmem:s12+$0x0] =	vst v2  }
0x9e: {  	v8 =	vmov s11;
	v7 =	vshll.u32 v6, $0x10;
	v2 =	vmov s14;
	[tilespmem:s12+$0x10] =	vst v4  }
0x9f: {  	v4 =	vand.u32 $0xFFFF0000, v6;
	v10 =	vld [tilespmem:s13+$0x10];
	v6 =	vmul.f32 v7, v3;
	v7 =	vand.u32 $0x78, v8  }
0xa0: {  	v4 =	vmul.f32 v4, v3;
	v8 =	vand.u32 $0x7, v8;
	v7 =	vadd.s32 v5, v7  }
0xa1: {  	v11 =	vand.u32 $0x78, v2;
	[tilespmem:s12+$0xFFFFFF80] =	vst v6;
	v6 =	vor.u32 v8, v7  }
0xa2: {  	v2 =	vand.u32 $0x6, v2;
	v7 =	vadd.s32 v5, v11;
	[tilespmem:s12+$0xFFFFFF90] =	vst v4  }
0xa3: {  	v2 =	vor.u32 v2, v7;
	v7 =	vld [tilespmem:s13+$0xFFFFFFD0]  }
0xa4: {  	s11 =	simm.s32 $0x4EE0;
	v4 =	vshll.u32 v10, $0x10  }
0xa5: {  	v8 =	vld [tilespmem:s11+$0x0];
	v10 =	vand.u32 $0xFFFF0000, v10;
	v11 =	vmul.f32 v4, v9  }
0xa6: {  	v4 =	vld.idx.msk [tilespmem:v6+s19+$0x0], $0xffff;
	v6 =	vmul.f32 v10, v9  }
0xa7: {  	v10 =	vld [tilespmem:s11+$0xFFFFFFC0];
	[tilespmem:s12+$0x20] =	vst v11  }
0xa8: {  	v2 =	vld.idx.msk [tilespmem:v2+s19+$0x0], $0xffff;
	v11 =	vshll.u32 v7, $0x10;
	[tilespmem:s12+$0x30] =	vst v6  }
0xa9: {  	v6 =	vand.u32 $0xFFFF0000, v7;
	v7 =	vmul.f32 v11, v3;
	v11 =	vld [tilespmem:s13+$0x20]  }
0xaa: {  	s15 =	simm.s32 $0x4;
	v12 =	vshll.u32 v8, $0x10;
	v6 =	vmul.f32 v6, v3  }
0xab: {  	v13 =	vmov s15;
	[tilespmem:s12+$0xFFFFFFA0] =	vst v7;
	v7 =	vand.u32 $0xFFFF0000, v8;
	v8 =	vmul.f32 v12, v4  }
0xac: {  	s10 =	simm.s32 $0x8BA0;
	s14 =	simm.s32 $0x5;
	[tilespmem:s12+$0xFFFFFFB0] =	vst v6;
	v6 =	vshll.u32 v10, $0x10;
	v10 =	vand.u32 $0xFFFF0000, v10;
	v7 =	vmul.f32 v7, v4  }
0xad: {  	v14 =	vmov s14;
	v12 =	vld [tilespmem:s13+$0xFFFFFFE0];
	v6 =	vmul.f32 v6, v2;
	v10 =	vmul.f32 v10, v2;
	[tilespmem:s10+$0x0] =	vst v8  }
0xae: {  	v8 =	vand.u32 $0x78, v14;
	v14 =	vand.u32 $0x7, v14;
	[tilespmem:s10+$0x10] =	vst v7;
	v7 =	vshll.u32 v11, $0x10  }
0xaf: {  	v8 =	vadd.s32 v5, v8;
	[tilespmem:s10+$0xFFFFFF80] =	vst v6;
	v15 =	vld [tilespmem:s11+$0x10];
	v6 =	vand.u32 $0xFFFF0000, v11;
	v7 =	vmul.f32 v7, v9  }
0xb0: {  	v11 =	vand.u32 $0x78, v13;
	[tilespmem:s10+$0xFFFFFF90] =	vst v10;
	v8 =	vor.u32 v14, v8;
	v6 =	vmul.f32 v6, v9  }
0xb1: {  	v10 =	vand.u32 $0x6, v13;
	v11 =	vadd.s32 v5, v11;
	v13 =	vld [tilespmem:s11+$0xFFFFFFD0];
	[tilespmem:s12+$0x40] =	vst v7  }
0xb2: {  	v7 =	vor.u32 v10, v11;
	v10 =	vshll.u32 v12, $0x10;
	[tilespmem:s12+$0x50] =	vst v6  }
0xb3: {  	s15 =	simm.s32 $0x4F60;
	v6 =	vand.u32 $0xFFFF0000, v12;
	v10 =	vmul.f32 v10, v3;
	v11 =	vld [tilespmem:s13+$0x30]  }
0xb4: {  	v14 =	vld [tilespmem:s15+$0x0];
	v12 =	vmul.f32 v6, v3;
	v16 =	vshll.u32 v15, $0x10  }
0xb5: {  	s16 =	simm.s32 $0x6;
	[tilespmem:s12+$0xFFFFFFC0] =	vst v10;
	v6 =	vld.idx.msk [tilespmem:v8+s19+$0x0], $0xffff;
	v8 =	vand.u32 $0xFFFF0000, v15;
	v10 =	vmul.f32 v16, v4  }
0xb6: {  	[tilespmem:s12+$0xFFFFFFD0] =	vst v12;
	v12 =	vmov s16;
	v16 =	vshll.u32 v13, $0x10;
	v17 =	vmul.f32 v8, v4  }
0xb7: {  	v8 =	vand.u32 $0xFFFF0000, v13;
	v13 =	vand.u32 $0x6, v12;
	v16 =	vmul.f32 v16, v2;
	[tilespmem:s10+$0x20] =	vst v10  }
0xb8: {  	v15 =	vld [tilespmem:s15+$0xFFFFFFC0];
	v12 =	vand.u32 $0x78, v12;
	v10 =	vmul.f32 v8, v2;
	[tilespmem:s10+$0x30] =	vst v17;
	v17 =	vand.u32 $0xFFFF0000, v11  }
0xb9: {  	v7 =	vld.idx.msk [tilespmem:v7+s19+$0x0], $0xffff;
	v12 =	vadd.s32 v5, v12;
	v11 =	vshll.u32 v11, $0x10;
	v17 =	vmul.f32 v17, v9  }
0xba: {  	v8 =	vld [tilespmem:s13+$0xFFFFFFF0];
	v11 =	vmul.f32 v11, v9;
	v9 =	vor.u32 v13, v12;
	v12 =	vshll.u32 v14, $0x10  }
0xbb: {  	[tilespmem:s10+$0xFFFFFFA0] =	vst v16;
	v16 =	vld [tilespmem:s11+$0x20];
	v12 =	vmul.f32 v12, v6  }
0xbc: {  	s13 =	simm.s32 $0x8CA0;
	[tilespmem:s10+$0xFFFFFFB0] =	vst v10  }
0xbd: {  	s25 =	simm.s32 $0x7;
	v13 =	vand.u32 $0xFFFF0000, v14;
	v10 =	vshll.u32 v15, $0x10;
	[tilespmem:s13+$0x0] =	vst v12;
	v12 =	vld [tilespmem:s11+$0xFFFFFFE0]  }
0xbe: {  	v14 =	vand.u32 $0xFFFF0000, v15;
	v15 =	vmov s25;
	[tilespmem:s12+$0x70] =	vst v17;
	v17 =	vmul.f32 v13, v6  }
0xbf: {  	[tilespmem:s12+$0x60] =	vst v11;
	v10 =	vmul.f32 v10, v7;
	v13 =	vmul.f32 v14, v7;
	v11 =	vshll.u32 v8, $0x10  }
0xc0: {  	v14 =	vand.u32 $0x78, v15;
	v15 =	vand.u32 $0x7, v15;
	[tilespmem:s13+$0x10] =	vst v17;
	v18 =	vshll.u32 v16, $0x10  }
0xc1: {  	s14 =	simm.s32 $0x4F60;
	s16 =	simm.s32 $0x8;
	v17 =	vadd.s32 v5, v14;
	[tilespmem:s13+$0xFFFFFF80] =	vst v10;
	v10 =	vld [tilespmem:s15+$0x10];
	v16 =	vand.u32 $0xFFFF0000, v16;
	v14 =	vmul.f32 v18, v4  }
.LBB2_5:
0xc2: {  	p0 =	slt.u32 s16, $0x4E;
	v15 =	vor.u32 v15, v17;
	[tilespmem:s13+$0xFFFFFF90] =	vst v13;
	v13 =	vshll.u32 v12, $0x10;
	v16 =	vmul.f32 v16, v4  }
0xc3: {  	v12 =	vand.u32 $0xFFFF0000, v12;
	v8 =	vand.u32 $0xFFFF0000, v8;
	v17 =	vld [tilespmem:s15+$0xFFFFFFD0];
	v13 =	vmul.f32 v13, v2;
	[tilespmem:s10+$0x40] =	vst v14  }
0xc4: {  	v11 =	vmul.f32 v11, v3;
	v12 =	vmul.f32 v12, v2;
	v9 =	vld.idx.msk [tilespmem:v9+s19+$0x0], $0xffff;
	[tilespmem:s10+$0x50] =	vst v16  }
0xc5: {  	s15 =	sadd.s32 $0x80, s15;
	v8 =	vmul.f32 v8, v3;
	v3 =	vmov v2;
	v2 =	vmov v7;
	[tilespmem:s10+$0xFFFFFFC0] =	vst v13;
	v13 =	vld [tilespmem:s11+$0x30]  }
0xc6: {  	v14 =	vld [tilespmem:s15+$0x0];
	v7 =	vshll.u32 v10, $0x10;
	[tilespmem:s10+$0xFFFFFFD0] =	vst v12  }
0xc7: {  	v12 =	vmov s16;
	v10 =	vand.u32 $0xFFFF0000, v10;
	v15 =	vld.idx.msk [tilespmem:v15+s19+$0x0], $0xffff;
	v19 =	vmul.f32 v7, v6;
	[tilespmem:s12+$0xFFFFFFE0] =	vst v11  }
0xc8: {  	v10 =	vmul.f32 v10, v6;
	v11 =	vld [tilespmem:s15+$0xFFFFFFC0];
	v16 =	vshll.u32 v17, $0x10;
	v17 =	vand.u32 $0xFFFF0000, v17;
	[tilespmem:s12+$0xFFFFFFF0] =	vst v8;
	s12 =	smov.u32 s10;
	s10 =	smov.u32 s13  }
0xc9: {  	v18 =	vand.u32 $0x6, v12;
	v16 =	vmul.f32 v16, v2;
	v17 =	vmul.f32 v17, v2;
	[tilespmem:s13+$0x20] =	vst v19;
	v8 =	vld [tilespmem:s11+$0xFFFFFFF0];
	s11 =	smov.u32 s14;
	s14 =	smov.u32 s15  }
0xca: {  	v12 =	vand.u32 $0x78, v12;
	v7 =	vmovc v9;
	[tilespmem:s13+$0x30] =	vst v10;
	v10 =	vshll.u32 v13, $0x10;
	v13 =	vand.u32 $0xFFFF0000, v13  }
0xcb: {  	v9 =	vadd.s32 v5, v12;
	[tilespmem:s13+$0xFFFFFFA0] =	vst v16;
	v16 =	vld [tilespmem:s11+$0x20];
	v10 =	vmul.f32 v10, v4;
	v13 =	vmul.f32 v13, v4  }
0xcc: {  	v9 =	vor.u32 v18, v9;
	v12 =	vshll.u32 v14, $0x10;
	v4 =	vmov v6;
	[tilespmem:s13+$0xFFFFFFB0] =	vst v17  }
.Ltmp1:
0xcd: {  	v14 =	vand.u32 $0xFFFF0000, v14;
	v18 =	vmul.f32 v12, v15;
	v6 =	vmovc v15;
	v17 =	vshll.u32 v11, $0x10;
	v12 =	vld [tilespmem:s11+$0xFFFFFFE0];
	[tilespmem:s12+$0x70] =	vst v13;
	(pc) =	sbr.rel @p0 .LBB2_5-.Ltmp1, $4  }
0xce: {  	s25 =	sadd.s32 $0x1, s16;
	s13 =	sadd.s32 $0x100, s13;
	v11 =	vand.u32 $0xFFFF0000, v11;
	v14 =	vmul.f32 v14, v6;
	v19 =	vmul.f32 v17, v7;
	[tilespmem:s12+$0x60] =	vst v10  }
0xcf: {  	v10 =	vmov s25;
	v13 =	vmul.f32 v11, v7;
	v11 =	vshll.u32 v8, $0x10;
	[tilespmem:s13+$0x0] =	vst v18  }
0xd0: {  	v17 =	vand.u32 $0x78, v10;
	v15 =	vand.u32 $0x7, v10;
	[tilespmem:s13+$0x10] =	vst v14;
	v14 =	vshll.u32 v16, $0x10  }
0xd1: {  	s16 =	sadd.s32 $0x2, s16;
	v17 =	vadd.s32 v5, v17;
	v16 =	vand.u32 $0xFFFF0000, v16;
	[tilespmem:s13+$0xFFFFFF80] =	vst v19;
	v10 =	vld [tilespmem:s15+$0x10];
	v14 =	vmul.f32 v14, v4  }
0xd2: {  	v5 =	vor.u32 v15, v17;
	_ =	sdelay $0x2  }
0xd3: {  	s25 =	sadd.s32 $0x80, s15  }
0xd4: {  	v15 =	vld [tilespmem:s25+$0x0]  }
0xd5: {  	v5 =	vld.idx.msk [tilespmem:v5+s19+$0x0], $0xffff  }
0xd6: {  	v17 =	vld [tilespmem:s25+$0xFFFFFFC0]  }
0xd7: {  	[tilespmem:s13+$0xFFFFFF90] =	vst v13;
	v13 =	vshll.u32 v12, $0x10;
	v16 =	vmul.f32 v16, v4;
	v9 =	vld.idx.msk [tilespmem:v9+s19+$0x0], $0xffff  }
0xd8: {  	v12 =	vand.u32 $0xFFFF0000, v12;
	v13 =	vmul.f32 v13, v2;
	[tilespmem:s10+$0x40] =	vst v14  }
0xd9: {  	v12 =	vmul.f32 v12, v2;
	[tilespmem:s10+$0x50] =	vst v16;
	v14 =	vshll.u32 v15, $0x10  }
0xda: {  	[tilespmem:s10+$0xFFFFFFC0] =	vst v13;
	v13 =	vand.u32 $0xFFFF0000, v15;
	v14 =	vmul.f32 v14, v5  }
0xdb: {  	s16 =	sadd.s32 $0x100, s13;
	[tilespmem:s10+$0xFFFFFFD0] =	vst v12;
	v12 =	vshll.u32 v17, $0x10;
	v13 =	vmul.f32 v13, v5  }
0xdc: {  	v15 =	vld [tilespmem:s15+$0xFFFFFFD0];
	v16 =	vand.u32 $0xFFFF0000, v17;
	v12 =	vmul.f32 v12, v9;
	[tilespmem:s16+$0x0] =	vst v14  }
0xdd: {  	v14 =	vmul.f32 v16, v9;
	[tilespmem:s16+$0x10] =	vst v13  }
0xde: {  	v8 =	vand.u32 $0xFFFF0000, v8;
	v11 =	vmul.f32 v11, v3;
	[tilespmem:s16+$0xFFFFFF80] =	vst v12;
	v12 =	vld [tilespmem:s25+$0x10]  }
0xdf: {  	v3 =	vmul.f32 v8, v3;
	v8 =	vshll.u32 v10, $0x10;
	[tilespmem:s16+$0xFFFFFF90] =	vst v14  }
0xe0: {  	[tilespmem:s12+$0xFFFFFFE0] =	vst v11;
	v10 =	vand.u32 $0xFFFF0000, v10;
	v8 =	vmul.f32 v8, v6;
	v11 =	vld [tilespmem:s25+$0xFFFFFFD0]  }
0xe1: {  	[tilespmem:s12+$0xFFFFFFF0] =	vst v3;
	v10 =	vmul.f32 v10, v6;
	v13 =	vshll.u32 v15, $0x10  }
0xe2: {  	v3 =	vld [tilespmem:s11+$0x30];
	[tilespmem:s13+$0x20] =	vst v8;
	v13 =	vmul.f32 v13, v7;
	v14 =	vand.u32 $0xFFFF0000, v15  }
0xe3: {  	[tilespmem:s13+$0x30] =	vst v10;
	v8 =	vmul.f32 v14, v7;
	v10 =	vshll.u32 v12, $0x10  }
0xe4: {  	[tilespmem:s13+$0xFFFFFFA0] =	vst v13;
	v13 =	vld [tilespmem:s14+$0x20];
	v12 =	vand.u32 $0xFFFF0000, v12;
	v10 =	vmul.f32 v10, v5  }
0xe5: {  	[tilespmem:s13+$0xFFFFFFB0] =	vst v8;
	v12 =	vmul.f32 v12, v5;
	v8 =	vshll.u32 v11, $0x10  }
0xe6: {  	v14 =	vld [tilespmem:s14+$0xFFFFFFE0];
	v11 =	vand.u32 $0xFFFF0000, v11;
	v8 =	vmul.f32 v8, v9;
	[tilespmem:s16+$0x20] =	vst v10  }
0xe7: {  	v10 =	vand.u32 $0xFFFF0000, v3;
	v11 =	vmul.f32 v11, v9;
	[tilespmem:s16+$0x30] =	vst v12  }
0xe8: {  	v3 =	vshll.u32 v3, $0x10;
	v10 =	vmul.f32 v10, v4;
	[tilespmem:s16+$0xFFFFFFA0] =	vst v8;
	v8 =	vld [tilespmem:s25+$0x20]  }
0xe9: {  	v3 =	vmul.f32 v3, v4;
	v4 =	vshll.u32 v13, $0x10;
	[tilespmem:s16+$0xFFFFFFB0] =	vst v11  }
0xea: {  	v4 =	vmul.f32 v4, v6;
	[tilespmem:s10+$0x70] =	vst v10;
	v10 =	vand.u32 $0xFFFF0000, v13;
	v11 =	vld [tilespmem:s25+$0xFFFFFFE0]  }
0xeb: {  	[tilespmem:s10+$0x60] =	vst v3;
	v3 =	vshll.u32 v14, $0x10;
	v10 =	vmul.f32 v10, v6  }
0xec: {  	v12 =	vld [tilespmem:s11+$0xFFFFFFF0];
	v13 =	vand.u32 $0xFFFF0000, v14;
	v3 =	vmul.f32 v3, v7;
	[tilespmem:s13+$0x40] =	vst v4  }
0xed: {  	v4 =	vmul.f32 v13, v7;
	[tilespmem:s13+$0x50] =	vst v10;
	v10 =	vshll.u32 v8, $0x10  }
0xee: {  	[tilespmem:s13+$0xFFFFFFC0] =	vst v3;
	v3 =	vld [tilespmem:s14+$0x30];
	v8 =	vand.u32 $0xFFFF0000, v8;
	v10 =	vmul.f32 v10, v5  }
0xef: {  	[tilespmem:s13+$0xFFFFFFD0] =	vst v4;
	v4 =	vshll.u32 v11, $0x10;
	v8 =	vmul.f32 v8, v5  }
0xf0: {  	v13 =	vld [tilespmem:s14+$0xFFFFFFF0];
	v11 =	vand.u32 $0xFFFF0000, v11;
	v4 =	vmul.f32 v4, v9;
	[tilespmem:s16+$0x40] =	vst v10  }
0xf1: {  	v11 =	vmul.f32 v11, v9;
	v10 =	vshll.u32 v12, $0x10;
	[tilespmem:s16+$0x50] =	vst v8  }
0xf2: {  	v8 =	vand.u32 $0xFFFF0000, v12;
	v10 =	vmul.f32 v10, v2;
	[tilespmem:s16+$0xFFFFFFC0] =	vst v4;
	v4 =	vld [tilespmem:s25+$0x30]  }
0xf3: {  	v2 =	vmul.f32 v8, v2;
	[tilespmem:s16+$0xFFFFFFD0] =	vst v11;
	v8 =	vand.u32 $0xFFFF0000, v3  }
0xf4: {  	v3 =	vshll.u32 v3, $0x10;
	[tilespmem:s10+$0xFFFFFFE0] =	vst v10;
	v8 =	vmul.f32 v8, v6;
	v10 =	vld [tilespmem:s25+$0xFFFFFFF0]  }
0xf5: {  	[tilespmem:s10+$0xFFFFFFF0] =	vst v2;
	v2 =	vmul.f32 v3, v6;
	v3 =	vshll.u32 v13, $0x10  }
0xf6: {  	v6 =	vand.u32 $0xFFFF0000, v13;
	v3 =	vmul.f32 v3, v7;
	[tilespmem:s13+$0x70] =	vst v8  }
0xf7: {  	[tilespmem:s13+$0x60] =	vst v2;
	v2 =	vmul.f32 v6, v7;
	v6 =	vand.u32 $0xFFFF0000, v4  }
0xf8: {  	[tilespmem:s13+$0xFFFFFFE0] =	vst v3;
	v3 =	vshll.u32 v4, $0x10;
	v4 =	vmul.f32 v6, v5  }
0xf9: {  	[tilespmem:s13+$0xFFFFFFF0] =	vst v2;
	v2 =	vmul.f32 v3, v5;
	v3 =	vshll.u32 v10, $0x10  }
0xfa: {  	[tilespmem:s16+$0x70] =	vst v4;
	v4 =	vand.u32 $0xFFFF0000, v10;
	v3 =	vmul.f32 v3, v9  }
0xfb: {  	[tilespmem:s16+$0x60] =	vst v2;
	v2 =	vmul.f32 v4, v9  }
0xfc: {  	[tilespmem:s16+$0xFFFFFFE0] =	vst v3  }
0xfd: {  	[tilespmem:s16+$0xFFFFFFF0] =	vst v2  }
0xfe: {  	[spmem:s3] =	stream.indirect.scatter.add.f32 [tilespmem:s17], [sflag:$0x4], $0x80, s21, s20, $0xb8;
	[tilespmem:$0x1EBE0] =	vst v63  }
0xff: {  	v2 =	vld [tilespmem:s9+$0xF0];
	_ =	sdelay $0x4  }
0x100: {  	v2 =	vand.u32 $0x3FFF, v2  }
0x101: {  	[tilespmem:$0xB220] =	vst v2  }
0x102: {  	v2 =	vld [tilespmem:s9+$0x100];
	_ =	sdelay $0x4  }
0x103: {  	v2 =	vand.u32 $0x3FFF, v2  }
0x104: {  	[tilespmem:$0xB230] =	vst v2  }
0x105: {  	v2 =	vld [tilespmem:s9+$0x110];
	_ =	sdelay $0x4  }
0x106: {  	v2 =	vand.u32 $0x3FFF, v2  }
0x107: {  	[tilespmem:$0xB240] =	vst v2  }
0x108: {  	v2 =	vld [tilespmem:s9+$0x120];
	_ =	sdelay $0x4  }
0x109: {  	v2 =	vand.u32 $0x3FFF, v2  }
0x10a: {  	[tilespmem:$0xB250] =	vst v2  }
0x10b: {  	v2 =	vld [tilespmem:s9+$0x130];
	_ =	sdelay $0x4  }
0x10c: {  	v2 =	vand.u32 $0x3FFF, v2  }
0x10d: {  	[tilespmem:$0xB260] =	vst v2  }
0x10e: {  	[tilespmem:s23], [sflag:$0x1] =	stream.indirect.gather [hbm4b:s2+s20], $0x40, s22, s20, $0xb8;
	[tilespmem:$0x1EBE0] =	vst v63  }
0x10f: {  	_ =	swait.ge [sflag:s1], $0x1400  }
0x110: {  	[sflag:s1] =	ssyncset.done $0x0  }
0x111: {  	s12 =	sadd.s32 $0x1, s8;
	[sflag:s1] =	ssyncadd.s32 $0xFFFFEC00  }
0x112: {  	s13 =	smul.u32 $0x140, s12;
	_ =	swait.ge [sflag:s31], $0x2800  }
0x113: {  	[sflag:s31] =	ssyncset.done $0x0  }
0x114: {  	s11 =	sshra.s32 s13, $0x2;
	[sflag:s31] =	ssyncadd.s32 $0xFFFFD800  }
0x115: {  	v2 =	vld [tilespmem:s11+$0x0];
	_ =	sdelay $0x4  }
0x116: {  	v2 =	vshra.s32 v2, $0xE  }
0x117: {  	[tilespmem:$0xB310] =	vst v2  }
0x118: {  	v2 =	vld [tilespmem:s11+$0x10];
	_ =	sdelay $0x4  }
0x119: {  	v2 =	vshra.s32 v2, $0xE  }
0x11a: {  	[tilespmem:$0xB320] =	vst v2  }
0x11b: {  	v2 =	vld [tilespmem:s11+$0x20];
	_ =	sdelay $0x4  }
0x11c: {  	v2 =	vshra.s32 v2, $0xE  }
0x11d: {  	[tilespmem:$0xB330] =	vst v2  }
0x11e: {  	v2 =	vld [tilespmem:s11+$0x30];
	_ =	sdelay $0x4  }
0x11f: {  	v3 =	vmov s12;
	v2 =	vshra.s32 v2, $0xE  }
0x120: {  	v3 =	vmul.u32 $0x50, v3;
	[tilespmem:$0xB340] =	vst v2  }
0x121: {  	s14 =	simm.s32 $0x1;
	v2 =	vld [tilespmem:s11+$0x40]  }
0x122: {  	v4 =	vbroadcast v3, $0x0;
	v3 =	vmov s14  }
0x123: {  	v5 =	vand.u32 $0x78, v3  }
0x124: {  	s15 =	simm.s32 $0x0;
	v3 =	vand.u32 $0x7, v3;
	v5 =	vadd.s32 v4, v5  }
0x125: {  	v3 =	vor.u32 v3, v5;
	v5 =	vmov s15  }
0x126: {  	v6 =	vand.u32 $0x78, v5;
	v2 =	vshra.s32 v2, $0xE  }
0x127: {  	[tilespmem:$0xB350] =	vst v2;
	v2 =	vand.u32 $0x6, v5;
	v5 =	vadd.s32 v4, v6  }
0x128: {  	s13 =	simm.s32 $0x6260;
	v2 =	vor.u32 v2, v5  }
0x129: {  	v5 =	vld [tilespmem:s13+$0x0]  }
0x12a: {  	v9 =	vld.idx.msk [tilespmem:v3+s19+$0x0], $0xffff;
	_ =	sdelay $0x1  }
0x12b: {  	v3 =	vld [tilespmem:s13+$0xFFFFFFC0]  }
0x12c: {  	v6 =	vld.idx.msk [tilespmem:v2+s19+$0x0], $0xffff  }
0x12d: {  	v2 =	vshll.u32 v5, $0x10  }
0x12e: {  	v5 =	vand.u32 $0xFFFF0000, v5;
	v2 =	vmul.f32 v2, v9  }
0x12f: {  	s25 =	simm.s32 $0x3;
	s12 =	simm.s32 $0x8AA0;
	v5 =	vmul.f32 v5, v9  }
0x130: {  	v8 =	vmov s25;
	s16 =	simm.s32 $0x2;
	v7 =	vshll.u32 v3, $0x10;
	v3 =	vand.u32 $0xFFFF0000, v3;
	[tilespmem:s12+$0x0] =	vst v2  }
0x131: {  	v2 =	vmov s16;
	[tilespmem:s12+$0x10] =	vst v5;
	v5 =	vmul.f32 v7, v6;
	v7 =	vand.u32 $0x78, v8  }
0x132: {  	v10 =	vld [tilespmem:s13+$0x10];
	v3 =	vmul.f32 v3, v6;
	v8 =	vand.u32 $0x7, v8;
	v7 =	vadd.s32 v4, v7  }
0x133: {  	v11 =	vand.u32 $0x78, v2;
	[tilespmem:s12+$0xFFFFFF80] =	vst v5;
	v5 =	vor.u32 v8, v7  }
0x134: {  	v2 =	vand.u32 $0x6, v2;
	v7 =	vadd.s32 v4, v11;
	[tilespmem:s12+$0xFFFFFF90] =	vst v3  }
0x135: {  	v2 =	vor.u32 v2, v7;
	v7 =	vld [tilespmem:s13+$0xFFFFFFD0]  }
0x136: {  	s11 =	simm.s32 $0x62E0  }
0x137: {  	v8 =	vld [tilespmem:s11+$0x0];
	v3 =	vshll.u32 v10, $0x10  }
0x138: {  	v10 =	vand.u32 $0xFFFF0000, v10;
	v11 =	vmul.f32 v3, v9;
	v3 =	vld.idx.msk [tilespmem:v5+s19+$0x0], $0xffff  }
0x139: {  	v5 =	vmul.f32 v10, v9;
	v10 =	vld [tilespmem:s11+$0xFFFFFFC0]  }
0x13a: {  	[tilespmem:s12+$0x20] =	vst v11;
	v2 =	vld.idx.msk [tilespmem:v2+s19+$0x0], $0xffff;
	v11 =	vshll.u32 v7, $0x10  }
0x13b: {  	[tilespmem:s12+$0x30] =	vst v5;
	v5 =	vand.u32 $0xFFFF0000, v7;
	v7 =	vmul.f32 v11, v6  }
0x13c: {  	v12 =	vshll.u32 v8, $0x10;
	v11 =	vld [tilespmem:s13+$0x20];
	v5 =	vmul.f32 v5, v6  }
0x13d: {  	s14 =	simm.s32 $0x4;
	[tilespmem:s12+$0xFFFFFFA0] =	vst v7;
	v7 =	vand.u32 $0xFFFF0000, v8;
	v8 =	vmul.f32 v12, v3  }
0x13e: {  	s10 =	simm.s32 $0x8BA0;
	v13 =	vmov s14;
	s15 =	simm.s32 $0x5;
	[tilespmem:s12+$0xFFFFFFB0] =	vst v5;
	v5 =	vshll.u32 v10, $0x10;
	v7 =	vmul.f32 v7, v3  }
0x13f: {  	v14 =	vmov s15;
	v10 =	vand.u32 $0xFFFF0000, v10;
	v12 =	vld [tilespmem:s13+$0xFFFFFFE0];
	v5 =	vmul.f32 v5, v2;
	[tilespmem:s10+$0x0] =	vst v8  }
0x140: {  	v10 =	vmul.f32 v10, v2;
	v8 =	vand.u32 $0x78, v14;
	v14 =	vand.u32 $0x7, v14;
	[tilespmem:s10+$0x10] =	vst v7  }
0x141: {  	v7 =	vshll.u32 v11, $0x10;
	v8 =	vadd.s32 v4, v8;
	[tilespmem:s10+$0xFFFFFF80] =	vst v5;
	v5 =	vand.u32 $0xFFFF0000, v11  }
0x142: {  	v15 =	vld [tilespmem:s11+$0x10];
	v11 =	vand.u32 $0x78, v13;
	[tilespmem:s10+$0xFFFFFF90] =	vst v10;
	v7 =	vmul.f32 v7, v9;
	v8 =	vor.u32 v14, v8  }
0x143: {  	v10 =	vand.u32 $0x6, v13;
	v5 =	vmul.f32 v5, v9;
	v11 =	vadd.s32 v4, v11;
	v13 =	vld [tilespmem:s11+$0xFFFFFFD0]  }
0x144: {  	s15 =	simm.s32 $0x6360;
	[tilespmem:s12+$0x40] =	vst v7;
	v7 =	vor.u32 v10, v11;
	v10 =	vshll.u32 v12, $0x10  }
0x145: {  	v14 =	vld [tilespmem:s15+$0x0];
	[tilespmem:s12+$0x50] =	vst v5;
	v5 =	vand.u32 $0xFFFF0000, v12;
	v10 =	vmul.f32 v10, v6  }
0x146: {  	v11 =	vld [tilespmem:s13+$0x30];
	v12 =	vmul.f32 v5, v6  }
0x147: {  	s16 =	simm.s32 $0x6;
	v16 =	vshll.u32 v15, $0x10;
	[tilespmem:s12+$0xFFFFFFC0] =	vst v10;
	v5 =	vld.idx.msk [tilespmem:v8+s19+$0x0], $0xffff;
	v8 =	vand.u32 $0xFFFF0000, v15  }
0x148: {  	v10 =	vmul.f32 v16, v3;
	[tilespmem:s12+$0xFFFFFFD0] =	vst v12;
	v12 =	vmov s16;
	v15 =	vld [tilespmem:s15+$0xFFFFFFC0];
	v16 =	vshll.u32 v13, $0x10  }
0x149: {  	v17 =	vmul.f32 v8, v3;
	v8 =	vand.u32 $0xFFFF0000, v13;
	v13 =	vand.u32 $0x6, v12;
	v7 =	vld.idx.msk [tilespmem:v7+s19+$0x0], $0xffff  }
0x14a: {  	v16 =	vmul.f32 v16, v2;
	v12 =	vand.u32 $0x78, v12;
	[tilespmem:s10+$0x20] =	vst v10;
	v10 =	vmul.f32 v8, v2  }
0x14b: {  	v8 =	vld [tilespmem:s13+$0xFFFFFFF0];
	v12 =	vadd.s32 v4, v12;
	[tilespmem:s10+$0x30] =	vst v17;
	v17 =	vand.u32 $0xFFFF0000, v11;
	v11 =	vshll.u32 v11, $0x10  }
0x14c: {  	[tilespmem:s10+$0xFFFFFFA0] =	vst v16;
	v16 =	vld [tilespmem:s11+$0x20];
	v17 =	vmul.f32 v17, v9;
	v11 =	vmul.f32 v11, v9;
	v9 =	vor.u32 v13, v12  }
0x14d: {  	v12 =	vshll.u32 v14, $0x10;
	[tilespmem:s10+$0xFFFFFFB0] =	vst v10;
	v13 =	vand.u32 $0xFFFF0000, v14;
	v10 =	vshll.u32 v15, $0x10  }
0x14e: {  	v12 =	vmul.f32 v12, v5;
	v14 =	vand.u32 $0xFFFF0000, v15;
	[tilespmem:s12+$0x70] =	vst v17;
	v15 =	vmul.f32 v10, v7;
	v10 =	vld [tilespmem:s11+$0xFFFFFFE0]  }
0x14f: {  	s25 =	simm.s32 $0x7;
	s13 =	simm.s32 $0x8CA0;
	v17 =	vmul.f32 v13, v5;
	[tilespmem:s12+$0x60] =	vst v11  }
0x150: {  	v11 =	vmov s25;
	v13 =	vmul.f32 v14, v7;
	[tilespmem:s13+$0x0] =	vst v12;
	v12 =	vshll.u32 v8, $0x10  }
0x151: {  	v18 =	vand.u32 $0x78, v11;
	v14 =	vand.u32 $0x7, v11;
	[tilespmem:s13+$0x10] =	vst v17;
	v19 =	vshll.u32 v16, $0x10  }
0x152: {  	s14 =	simm.s32 $0x6360;
	s16 =	simm.s32 $0x8;
	v17 =	vadd.s32 v4, v18;
	[tilespmem:s13+$0xFFFFFF80] =	vst v15;
	v11 =	vld [tilespmem:s15+$0x10];
	v16 =	vand.u32 $0xFFFF0000, v16;
	v15 =	vmul.f32 v19, v3  }
.LBB2_7:
0x153: {  	p0 =	slt.u32 s16, $0x4E;
	v14 =	vor.u32 v14, v17;
	[tilespmem:s13+$0xFFFFFF90] =	vst v13;
	v13 =	vshll.u32 v10, $0x10;
	v16 =	vmul.f32 v16, v3  }
0x154: {  	v10 =	vand.u32 $0xFFFF0000, v10;
	v8 =	vand.u32 $0xFFFF0000, v8;
	v17 =	vld [tilespmem:s15+$0xFFFFFFD0];
	v13 =	vmul.f32 v13, v2;
	[tilespmem:s10+$0x40] =	vst v15  }
0x155: {  	v12 =	vmul.f32 v12, v6;
	v10 =	vmul.f32 v10, v2;
	v9 =	vld.idx.msk [tilespmem:v9+s19+$0x0], $0xffff;
	[tilespmem:s10+$0x50] =	vst v16  }
0x156: {  	s15 =	sadd.s32 $0x80, s15;
	v8 =	vmul.f32 v8, v6;
	v6 =	vmov v2;
	v2 =	vmov v7;
	[tilespmem:s10+$0xFFFFFFC0] =	vst v13;
	v13 =	vld [tilespmem:s11+$0x30]  }
0x157: {  	v15 =	vld [tilespmem:s15+$0x0];
	v7 =	vshll.u32 v11, $0x10;
	[tilespmem:s10+$0xFFFFFFD0] =	vst v10  }
0x158: {  	v10 =	vmov s16;
	v11 =	vand.u32 $0xFFFF0000, v11;
	v14 =	vld.idx.msk [tilespmem:v14+s19+$0x0], $0xffff;
	v19 =	vmul.f32 v7, v5;
	[tilespmem:s12+$0xFFFFFFE0] =	vst v12  }
0x159: {  	v11 =	vmul.f32 v11, v5;
	v12 =	vld [tilespmem:s15+$0xFFFFFFC0];
	v16 =	vshll.u32 v17, $0x10;
	v17 =	vand.u32 $0xFFFF0000, v17;
	[tilespmem:s12+$0xFFFFFFF0] =	vst v8;
	s12 =	smov.u32 s10;
	s10 =	smov.u32 s13  }
0x15a: {  	v18 =	vand.u32 $0x6, v10;
	v16 =	vmul.f32 v16, v2;
	v17 =	vmul.f32 v17, v2;
	[tilespmem:s13+$0x20] =	vst v19;
	v8 =	vld [tilespmem:s11+$0xFFFFFFF0];
	s11 =	smov.u32 s14;
	s14 =	smov.u32 s15  }
0x15b: {  	v10 =	vand.u32 $0x78, v10;
	v7 =	vmovc v9;
	[tilespmem:s13+$0x30] =	vst v11;
	v11 =	vshll.u32 v13, $0x10;
	v13 =	vand.u32 $0xFFFF0000, v13  }
0x15c: {  	v9 =	vadd.s32 v4, v10;
	[tilespmem:s13+$0xFFFFFFA0] =	vst v16;
	v16 =	vld [tilespmem:s11+$0x20];
	v11 =	vmul.f32 v11, v3;
	v13 =	vmul.f32 v13, v3  }
0x15d: {  	v9 =	vor.u32 v18, v9;
	v10 =	vshll.u32 v15, $0x10;
	v3 =	vmov v5;
	[tilespmem:s13+$0xFFFFFFB0] =	vst v17  }
.Ltmp2:
0x15e: {  	v15 =	vand.u32 $0xFFFF0000, v15;
	v18 =	vmul.f32 v10, v14;
	v5 =	vmovc v14;
	v17 =	vshll.u32 v12, $0x10;
	v10 =	vld [tilespmem:s11+$0xFFFFFFE0];
	[tilespmem:s12+$0x70] =	vst v13;
	(pc) =	sbr.rel @p0 .LBB2_7-.Ltmp2, $4  }
0x15f: {  	s25 =	sadd.s32 $0x1, s16;
	s13 =	sadd.s32 $0x100, s13;
	v12 =	vand.u32 $0xFFFF0000, v12;
	v15 =	vmul.f32 v15, v5;
	v19 =	vmul.f32 v17, v7;
	[tilespmem:s12+$0x60] =	vst v11  }
0x160: {  	v11 =	vmov s25;
	v13 =	vmul.f32 v12, v7;
	v12 =	vshll.u32 v8, $0x10;
	[tilespmem:s13+$0x0] =	vst v18  }
0x161: {  	v17 =	vand.u32 $0x78, v11;
	v14 =	vand.u32 $0x7, v11;
	[tilespmem:s13+$0x10] =	vst v15;
	v15 =	vshll.u32 v16, $0x10  }
0x162: {  	s16 =	sadd.s32 $0x2, s16;
	v17 =	vadd.s32 v4, v17;
	v16 =	vand.u32 $0xFFFF0000, v16;
	[tilespmem:s13+$0xFFFFFF80] =	vst v19;
	v11 =	vld [tilespmem:s15+$0x10];
	v15 =	vmul.f32 v15, v3  }
0x163: {  	v4 =	vor.u32 v14, v17;
	_ =	sdelay $0x2  }
0x164: {  	s16 =	sadd.s32 $0x80, s15  }
0x165: {  	v14 =	vld [tilespmem:s16+$0x0]  }
0x166: {  	v4 =	vld.idx.msk [tilespmem:v4+s19+$0x0], $0xffff  }
0x167: {  	v17 =	vld [tilespmem:s16+$0xFFFFFFC0]  }
0x168: {  	[tilespmem:s13+$0xFFFFFF90] =	vst v13;
	v13 =	vmul.f32 v16, v3;
	v9 =	vld.idx.msk [tilespmem:v9+s19+$0x0], $0xffff  }
0x169: {  	v8 =	vand.u32 $0xFFFF0000, v8;
	v12 =	vmul.f32 v12, v6;
	[tilespmem:s10+$0x40] =	vst v15  }
0x16a: {  	v6 =	vmul.f32 v8, v6;
	[tilespmem:s10+$0x50] =	vst v13;
	v8 =	vshll.u32 v14, $0x10  }
0x16b: {  	[tilespmem:s12+$0xFFFFFFE0] =	vst v12;
	v12 =	vand.u32 $0xFFFF0000, v14;
	v8 =	vmul.f32 v8, v4  }
0x16c: {  	s25 =	sadd.s32 $0x100, s13;
	[tilespmem:s12+$0xFFFFFFF0] =	vst v6;
	v6 =	vshll.u32 v17, $0x10;
	v12 =	vmul.f32 v12, v4  }
0x16d: {  	v13 =	vld [tilespmem:s15+$0xFFFFFFD0];
	v14 =	vand.u32 $0xFFFF0000, v17;
	v6 =	vmul.f32 v6, v9;
	[tilespmem:s25+$0x0] =	vst v8  }
0x16e: {  	v14 =	vmul.f32 v14, v9;
	v8 =	vshll.u32 v10, $0x10;
	[tilespmem:s25+$0x10] =	vst v12  }
0x16f: {  	[tilespmem:s25+$0xFFFFFF80] =	vst v6;
	v10 =	vand.u32 $0xFFFF0000, v10;
	v8 =	vmul.f32 v8, v2;
	v6 =	vld [tilespmem:s16+$0x10]  }
0x170: {  	[tilespmem:s25+$0xFFFFFF90] =	vst v14;
	v12 =	vshll.u32 v11, $0x10;
	v10 =	vmul.f32 v10, v2  }
0x171: {  	[tilespmem:s10+$0xFFFFFFC0] =	vst v8;
	v8 =	vand.u32 $0xFFFF0000, v11;
	v11 =	vmul.f32 v12, v5;
	v12 =	vld [tilespmem:s16+$0xFFFFFFD0]  }
0x172: {  	[tilespmem:s10+$0xFFFFFFD0] =	vst v10;
	v10 =	vshll.u32 v13, $0x10;
	v8 =	vmul.f32 v8, v5  }
0x173: {  	v14 =	vld [tilespmem:s11+$0x30];
	v13 =	vand.u32 $0xFFFF0000, v13;
	v10 =	vmul.f32 v10, v7;
	[tilespmem:s13+$0x20] =	vst v11  }
0x174: {  	v11 =	vmul.f32 v13, v7;
	[tilespmem:s13+$0x30] =	vst v8;
	v8 =	vshll.u32 v6, $0x10  }
0x175: {  	[tilespmem:s13+$0xFFFFFFA0] =	vst v10;
	v6 =	vand.u32 $0xFFFF0000, v6;
	v10 =	vld [tilespmem:s14+$0x20];
	v8 =	vmul.f32 v8, v4  }
0x176: {  	[tilespmem:s13+$0xFFFFFFB0] =	vst v11;
	v6 =	vmul.f32 v6, v4;
	v11 =	vshll.u32 v12, $0x10  }
0x177: {  	v13 =	vld [tilespmem:s14+$0xFFFFFFE0];
	v12 =	vand.u32 $0xFFFF0000, v12;
	v11 =	vmul.f32 v11, v9;
	[tilespmem:s25+$0x20] =	vst v8  }
0x178: {  	v8 =	vand.u32 $0xFFFF0000, v14;
	v12 =	vmul.f32 v12, v9;
	[tilespmem:s25+$0x30] =	vst v6  }
0x179: {  	v6 =	vshll.u32 v14, $0x10;
	v8 =	vmul.f32 v8, v3;
	[tilespmem:s25+$0xFFFFFFA0] =	vst v11;
	v11 =	vld [tilespmem:s16+$0x20]  }
0x17a: {  	v3 =	vmul.f32 v6, v3;
	[tilespmem:s25+$0xFFFFFFB0] =	vst v12;
	v6 =	vshll.u32 v10, $0x10  }
0x17b: {  	[tilespmem:s10+$0x70] =	vst v8;
	v8 =	vand.u32 $0xFFFF0000, v10;
	v10 =	vld [tilespmem:s16+$0xFFFFFFE0];
	v6 =	vmul.f32 v6, v5  }
0x17c: {  	[tilespmem:s10+$0x60] =	vst v3;
	v3 =	vshll.u32 v13, $0x10;
	v8 =	vmul.f32 v8, v5  }
0x17d: {  	v12 =	vld [tilespmem:s11+$0xFFFFFFF0];
	v13 =	vand.u32 $0xFFFF0000, v13;
	v3 =	vmul.f32 v3, v7;
	[tilespmem:s13+$0x40] =	vst v6  }
0x17e: {  	v6 =	vmul.f32 v13, v7;
	[tilespmem:s13+$0x50] =	vst v8;
	v8 =	vshll.u32 v11, $0x10  }
0x17f: {  	[tilespmem:s13+$0xFFFFFFC0] =	vst v3;
	v3 =	vld [tilespmem:s14+$0x30];
	v11 =	vand.u32 $0xFFFF0000, v11;
	v8 =	vmul.f32 v8, v4  }
0x180: {  	[tilespmem:s13+$0xFFFFFFD0] =	vst v6;
	v6 =	vshll.u32 v10, $0x10;
	v11 =	vmul.f32 v11, v4  }
0x181: {  	v10 =	vand.u32 $0xFFFF0000, v10;
	v13 =	vld [tilespmem:s14+$0xFFFFFFF0];
	v6 =	vmul.f32 v6, v9;
	[tilespmem:s25+$0x40] =	vst v8  }
0x182: {  	v10 =	vmul.f32 v10, v9;
	v8 =	vshll.u32 v12, $0x10;
	[tilespmem:s25+$0x50] =	vst v11  }
0x183: {  	v11 =	vand.u32 $0xFFFF0000, v12;
	v8 =	vmul.f32 v8, v2;
	[tilespmem:s25+$0xFFFFFFC0] =	vst v6;
	v6 =	vld [tilespmem:s16+$0x30]  }
0x184: {  	v2 =	vmul.f32 v11, v2;
	[tilespmem:s25+$0xFFFFFFD0] =	vst v10;
	v11 =	vand.u32 $0xFFFF0000, v3  }
0x185: {  	v3 =	vshll.u32 v3, $0x10;
	v10 =	vld [tilespmem:s16+$0xFFFFFFF0];
	[tilespmem:s10+$0xFFFFFFE0] =	vst v8;
	v8 =	vmul.f32 v11, v5  }
0x186: {  	[tilespmem:s10+$0xFFFFFFF0] =	vst v2;
	v2 =	vmul.f32 v3, v5;
	v3 =	vshll.u32 v13, $0x10  }
0x187: {  	v5 =	vand.u32 $0xFFFF0000, v13;
	[tilespmem:s13+$0x70] =	vst v8;
	v3 =	vmul.f32 v3, v7  }
0x188: {  	[tilespmem:s13+$0x60] =	vst v2;
	v2 =	vmul.f32 v5, v7;
	v5 =	vand.u32 $0xFFFF0000, v6  }
0x189: {  	[tilespmem:s13+$0xFFFFFFE0] =	vst v3;
	v3 =	vshll.u32 v6, $0x10;
	v5 =	vmul.f32 v5, v4  }
0x18a: {  	[tilespmem:s13+$0xFFFFFFF0] =	vst v2;
	v2 =	vmul.f32 v3, v4;
	v3 =	vshll.u32 v10, $0x10  }
0x18b: {  	v4 =	vand.u32 $0xFFFF0000, v10;
	[tilespmem:s25+$0x70] =	vst v5;
	v3 =	vmul.f32 v3, v9  }
0x18c: {  	[tilespmem:s25+$0x60] =	vst v2;
	v2 =	vmul.f32 v4, v9  }
0x18d: {  	[tilespmem:s25+$0xFFFFFFE0] =	vst v3  }
0x18e: {  	[tilespmem:s25+$0xFFFFFFF0] =	vst v2  }
0x18f: {  	[spmem:s3] =	stream.indirect.scatter.add.f32 [tilespmem:s17], [sflag:$0x4], $0x80, s21, s20, $0xb8;
	[tilespmem:$0x1EBE0] =	vst v63  }
0x190: {  	v2 =	vld [tilespmem:s9+$0x140];
	_ =	sdelay $0x4  }
0x191: {  	v2 =	vand.u32 $0x3FFF, v2  }
0x192: {  	[tilespmem:$0xB270] =	vst v2  }
0x193: {  	v2 =	vld [tilespmem:s9+$0x150];
	_ =	sdelay $0x4  }
0x194: {  	v2 =	vand.u32 $0x3FFF, v2  }
0x195: {  	[tilespmem:$0xB280] =	vst v2  }
0x196: {  	v2 =	vld [tilespmem:s9+$0x160];
	_ =	sdelay $0x4  }
0x197: {  	v2 =	vand.u32 $0x3FFF, v2  }
0x198: {  	[tilespmem:$0xB290] =	vst v2  }
0x199: {  	v2 =	vld [tilespmem:s9+$0x170];
	_ =	sdelay $0x4  }
0x19a: {  	v2 =	vand.u32 $0x3FFF, v2  }
0x19b: {  	[tilespmem:$0xB2A0] =	vst v2  }
0x19c: {  	v2 =	vld [tilespmem:s9+$0x180];
	_ =	sdelay $0x4  }
0x19d: {  	v2 =	vand.u32 $0x3FFF, v2  }
0x19e: {  	[tilespmem:$0xB2B0] =	vst v2  }
0x19f: {  	[tilespmem:s26], [sflag:$0x2] =	stream.indirect.gather [hbm4b:s2+s20], $0x40, s24, s20, $0xb8;
	[tilespmem:$0x1EBE0] =	vst v63  }
0x1a0: {  	_ =	swait.ge [sflag:s0], $0x1400  }
0x1a1: {  	[sflag:s0] =	ssyncset.done $0x0  }
0x1a2: {  	s13 =	sadd.s32 $0x2, s8;
	[sflag:s0] =	ssyncadd.s32 $0xFFFFEC00  }
0x1a3: {  	s14 =	smul.u32 $0x140, s13;
	_ =	swait.ge [sflag:s31], $0x2800  }
0x1a4: {  	[sflag:s31] =	ssyncset.done $0x0  }
0x1a5: {  	s10 =	sshra.s32 s14, $0x2;
	[sflag:s31] =	ssyncadd.s32 $0xFFFFD800  }
0x1a6: {  	v2 =	vld [tilespmem:s10+$0x0];
	_ =	sdelay $0x4  }
0x1a7: {  	v2 =	vshra.s32 v2, $0xE  }
0x1a8: {  	[tilespmem:$0xB310] =	vst v2  }
0x1a9: {  	v2 =	vld [tilespmem:s10+$0x10];
	_ =	sdelay $0x4  }
0x1aa: {  	v2 =	vshra.s32 v2, $0xE  }
0x1ab: {  	[tilespmem:$0xB320] =	vst v2  }
0x1ac: {  	v2 =	vld [tilespmem:s10+$0x20];
	_ =	sdelay $0x4  }
0x1ad: {  	v2 =	vshra.s32 v2, $0xE  }
0x1ae: {  	[tilespmem:$0xB330] =	vst v2  }
0x1af: {  	v2 =	vld [tilespmem:s10+$0x30];
	_ =	sdelay $0x4  }
0x1b0: {  	v3 =	vmov s13;
	v2 =	vshra.s32 v2, $0xE  }
0x1b1: {  	v3 =	vmul.u32 $0x50, v3;
	[tilespmem:$0xB340] =	vst v2  }
0x1b2: {  	s15 =	simm.s32 $0x1;
	v2 =	vld [tilespmem:s10+$0x40]  }
0x1b3: {  	v4 =	vbroadcast v3, $0x0;
	v3 =	vmov s15  }
0x1b4: {  	v5 =	vand.u32 $0x78, v3  }
0x1b5: {  	s16 =	simm.s32 $0x0;
	v3 =	vand.u32 $0x7, v3;
	v5 =	vadd.s32 v4, v5  }
0x1b6: {  	v3 =	vor.u32 v3, v5;
	v5 =	vmov s16  }
0x1b7: {  	v6 =	vand.u32 $0x78, v5;
	v2 =	vshra.s32 v2, $0xE  }
0x1b8: {  	[tilespmem:$0xB350] =	vst v2;
	v2 =	vand.u32 $0x6, v5;
	v5 =	vadd.s32 v4, v6  }
0x1b9: {  	s25 =	simm.s32 $0x7660;
	v2 =	vor.u32 v2, v5  }
0x1ba: {  	v5 =	vld [tilespmem:s25+$0x0]  }
0x1bb: {  	v9 =	vld.idx.msk [tilespmem:v3+s19+$0x0], $0xffff;
	_ =	sdelay $0x1  }
0x1bc: {  	v3 =	vld [tilespmem:s25+$0xFFFFFFC0]  }
0x1bd: {  	v6 =	vld.idx.msk [tilespmem:v2+s19+$0x0], $0xffff  }
0x1be: {  	v2 =	vshll.u32 v5, $0x10  }
0x1bf: {  	v5 =	vand.u32 $0xFFFF0000, v5;
	v2 =	vmul.f32 v2, v9  }
0x1c0: {  	s11 =	simm.s32 $0x8AA0;
	s13 =	simm.s32 $0x3;
	v5 =	vmul.f32 v5, v9  }
0x1c1: {  	v8 =	vmov s13;
	s10 =	simm.s32 $0x2;
	v7 =	vshll.u32 v3, $0x10;
	v3 =	vand.u32 $0xFFFF0000, v3;
	[tilespmem:s11+$0x0] =	vst v2  }
0x1c2: {  	v2 =	vmov s10;
	[tilespmem:s11+$0x10] =	vst v5;
	v5 =	vmul.f32 v7, v6;
	v7 =	vand.u32 $0x78, v8  }
0x1c3: {  	v10 =	vld [tilespmem:s25+$0x10];
	v3 =	vmul.f32 v3, v6;
	v8 =	vand.u32 $0x7, v8;
	v7 =	vadd.s32 v4, v7  }
0x1c4: {  	v11 =	vand.u32 $0x78, v2;
	[tilespmem:s11+$0xFFFFFF80] =	vst v5;
	v5 =	vor.u32 v8, v7  }
0x1c5: {  	v2 =	vand.u32 $0x6, v2;
	v7 =	vadd.s32 v4, v11;
	[tilespmem:s11+$0xFFFFFF90] =	vst v3  }
0x1c6: {  	v2 =	vor.u32 v2, v7;
	v7 =	vld [tilespmem:s25+$0xFFFFFFD0]  }
0x1c7: {  	s10 =	simm.s32 $0x76E0  }
0x1c8: {  	v8 =	vld [tilespmem:s10+$0x0];
	v3 =	vshll.u32 v10, $0x10  }
0x1c9: {  	v10 =	vand.u32 $0xFFFF0000, v10;
	v11 =	vmul.f32 v3, v9;
	v3 =	vld.idx.msk [tilespmem:v5+s19+$0x0], $0xffff  }
0x1ca: {  	v5 =	vmul.f32 v10, v9;
	v10 =	vld [tilespmem:s10+$0xFFFFFFC0]  }
0x1cb: {  	[tilespmem:s11+$0x20] =	vst v11;
	v2 =	vld.idx.msk [tilespmem:v2+s19+$0x0], $0xffff;
	v11 =	vshll.u32 v7, $0x10  }
0x1cc: {  	[tilespmem:s11+$0x30] =	vst v5;
	v5 =	vand.u32 $0xFFFF0000, v7;
	v7 =	vmul.f32 v11, v6  }
0x1cd: {  	v12 =	vshll.u32 v8, $0x10;
	v11 =	vld [tilespmem:s25+$0x20];
	v5 =	vmul.f32 v5, v6  }
0x1ce: {  	s14 =	simm.s32 $0x4;
	[tilespmem:s11+$0xFFFFFFA0] =	vst v7;
	v7 =	vand.u32 $0xFFFF0000, v8;
	v8 =	vmul.f32 v12, v3  }
0x1cf: {  	v13 =	vmov s14;
	s15 =	simm.s32 $0x5;
	s9 =	simm.s32 $0x8BA0;
	[tilespmem:s11+$0xFFFFFFB0] =	vst v5;
	v5 =	vshll.u32 v10, $0x10;
	v7 =	vmul.f32 v7, v3  }
0x1d0: {  	v14 =	vmov s15;
	v10 =	vand.u32 $0xFFFF0000, v10;
	v12 =	vld [tilespmem:s25+$0xFFFFFFE0];
	v5 =	vmul.f32 v5, v2;
	[tilespmem:s9+$0x0] =	vst v8  }
0x1d1: {  	v10 =	vmul.f32 v10, v2;
	v8 =	vand.u32 $0x78, v14;
	v14 =	vand.u32 $0x7, v14;
	[tilespmem:s9+$0x10] =	vst v7  }
0x1d2: {  	v7 =	vshll.u32 v11, $0x10;
	v8 =	vadd.s32 v4, v8;
	[tilespmem:s9+$0xFFFFFF80] =	vst v5;
	v5 =	vand.u32 $0xFFFF0000, v11  }
0x1d3: {  	v15 =	vld [tilespmem:s10+$0x10];
	v11 =	vand.u32 $0x78, v13;
	[tilespmem:s9+$0xFFFFFF90] =	vst v10;
	v7 =	vmul.f32 v7, v9;
	v8 =	vor.u32 v14, v8  }
0x1d4: {  	v10 =	vand.u32 $0x6, v13;
	v5 =	vmul.f32 v5, v9;
	v11 =	vadd.s32 v4, v11;
	v13 =	vld [tilespmem:s10+$0xFFFFFFD0]  }
0x1d5: {  	s14 =	simm.s32 $0x7760;
	[tilespmem:s11+$0x40] =	vst v7;
	v7 =	vor.u32 v10, v11;
	v10 =	vshll.u32 v12, $0x10  }
0x1d6: {  	v14 =	vld [tilespmem:s14+$0x0];
	[tilespmem:s11+$0x50] =	vst v5;
	v5 =	vand.u32 $0xFFFF0000, v12;
	v10 =	vmul.f32 v10, v6  }
0x1d7: {  	v11 =	vld [tilespmem:s25+$0x30];
	v12 =	vmul.f32 v5, v6  }
0x1d8: {  	s16 =	simm.s32 $0x6;
	v16 =	vshll.u32 v15, $0x10;
	[tilespmem:s11+$0xFFFFFFC0] =	vst v10;
	v5 =	vld.idx.msk [tilespmem:v8+s19+$0x0], $0xffff;
	v8 =	vand.u32 $0xFFFF0000, v15  }
0x1d9: {  	v10 =	vmul.f32 v16, v3;
	[tilespmem:s11+$0xFFFFFFD0] =	vst v12;
	v12 =	vmov s16;
	v15 =	vld [tilespmem:s14+$0xFFFFFFC0];
	v16 =	vshll.u32 v13, $0x10  }
0x1da: {  	v17 =	vmul.f32 v8, v3;
	v8 =	vand.u32 $0xFFFF0000, v13;
	v13 =	vand.u32 $0x6, v12;
	v7 =	vld.idx.msk [tilespmem:v7+s19+$0x0], $0xffff  }
0x1db: {  	v16 =	vmul.f32 v16, v2;
	v12 =	vand.u32 $0x78, v12;
	[tilespmem:s9+$0x20] =	vst v10;
	v10 =	vmul.f32 v8, v2  }
0x1dc: {  	v8 =	vld [tilespmem:s25+$0xFFFFFFF0];
	v12 =	vadd.s32 v4, v12;
	[tilespmem:s9+$0x30] =	vst v17;
	v17 =	vand.u32 $0xFFFF0000, v11;
	v11 =	vshll.u32 v11, $0x10  }
0x1dd: {  	[tilespmem:s9+$0xFFFFFFA0] =	vst v16;
	v16 =	vld [tilespmem:s10+$0x20];
	v17 =	vmul.f32 v17, v9;
	v11 =	vmul.f32 v11, v9;
	v9 =	vor.u32 v13, v12  }
0x1de: {  	v12 =	vshll.u32 v14, $0x10;
	[tilespmem:s9+$0xFFFFFFB0] =	vst v10;
	v13 =	vand.u32 $0xFFFF0000, v14;
	v10 =	vshll.u32 v15, $0x10  }
0x1df: {  	v12 =	vmul.f32 v12, v5;
	v14 =	vand.u32 $0xFFFF0000, v15;
	[tilespmem:s11+$0x70] =	vst v17;
	v15 =	vmul.f32 v10, v7;
	v10 =	vld [tilespmem:s10+$0xFFFFFFE0]  }
0x1e0: {  	s12 =	simm.s32 $0x8CA0;
	s25 =	simm.s32 $0x7;
	v17 =	vmul.f32 v13, v5;
	[tilespmem:s11+$0x60] =	vst v11  }
0x1e1: {  	v11 =	vmov s25;
	v13 =	vmul.f32 v14, v7;
	[tilespmem:s12+$0x0] =	vst v12;
	v12 =	vshll.u32 v8, $0x10  }
0x1e2: {  	v18 =	vand.u32 $0x78, v11;
	v14 =	vand.u32 $0x7, v11;
	[tilespmem:s12+$0x10] =	vst v17;
	v19 =	vshll.u32 v16, $0x10  }
0x1e3: {  	s13 =	simm.s32 $0x7760;
	s15 =	simm.s32 $0x8;
	v17 =	vadd.s32 v4, v18;
	[tilespmem:s12+$0xFFFFFF80] =	vst v15;
	v11 =	vld [tilespmem:s14+$0x10];
	v16 =	vand.u32 $0xFFFF0000, v16;
	v15 =	vmul.f32 v19, v3  }
.LBB2_9:
0x1e4: {  	p0 =	slt.u32 s15, $0x4E;
	v14 =	vor.u32 v14, v17;
	[tilespmem:s12+$0xFFFFFF90] =	vst v13;
	v13 =	vshll.u32 v10, $0x10;
	v16 =	vmul.f32 v16, v3  }
0x1e5: {  	v10 =	vand.u32 $0xFFFF0000, v10;
	v8 =	vand.u32 $0xFFFF0000, v8;
	v17 =	vld [tilespmem:s14+$0xFFFFFFD0];
	v13 =	vmul.f32 v13, v2;
	[tilespmem:s9+$0x40] =	vst v15  }
0x1e6: {  	v12 =	vmul.f32 v12, v6;
	v10 =	vmul.f32 v10, v2;
	v9 =	vld.idx.msk [tilespmem:v9+s19+$0x0], $0xffff;
	[tilespmem:s9+$0x50] =	vst v16  }
0x1e7: {  	s14 =	sadd.s32 $0x80, s14;
	v8 =	vmul.f32 v8, v6;
	v6 =	vmov v2;
	v2 =	vmov v7;
	[tilespmem:s9+$0xFFFFFFC0] =	vst v13;
	v13 =	vld [tilespmem:s10+$0x30]  }
0x1e8: {  	v15 =	vld [tilespmem:s14+$0x0];
	v7 =	vshll.u32 v11, $0x10;
	[tilespmem:s9+$0xFFFFFFD0] =	vst v10  }
0x1e9: {  	v10 =	vmov s15;
	v11 =	vand.u32 $0xFFFF0000, v11;
	v14 =	vld.idx.msk [tilespmem:v14+s19+$0x0], $0xffff;
	v19 =	vmul.f32 v7, v5;
	[tilespmem:s11+$0xFFFFFFE0] =	vst v12  }
0x1ea: {  	v11 =	vmul.f32 v11, v5;
	v12 =	vld [tilespmem:s14+$0xFFFFFFC0];
	v16 =	vshll.u32 v17, $0x10;
	v17 =	vand.u32 $0xFFFF0000, v17;
	[tilespmem:s11+$0xFFFFFFF0] =	vst v8;
	s11 =	smov.u32 s9;
	s9 =	smov.u32 s12  }
0x1eb: {  	v18 =	vand.u32 $0x6, v10;
	v16 =	vmul.f32 v16, v2;
	v17 =	vmul.f32 v17, v2;
	[tilespmem:s12+$0x20] =	vst v19;
	v8 =	vld [tilespmem:s10+$0xFFFFFFF0];
	s10 =	smov.u32 s13;
	s13 =	smov.u32 s14  }
0x1ec: {  	v10 =	vand.u32 $0x78, v10;
	v7 =	vmovc v9;
	[tilespmem:s12+$0x30] =	vst v11;
	v11 =	vshll.u32 v13, $0x10;
	v13 =	vand.u32 $0xFFFF0000, v13  }
0x1ed: {  	v9 =	vadd.s32 v4, v10;
	[tilespmem:s12+$0xFFFFFFA0] =	vst v16;
	v16 =	vld [tilespmem:s10+$0x20];
	v11 =	vmul.f32 v11, v3;
	v13 =	vmul.f32 v13, v3  }
0x1ee: {  	v9 =	vor.u32 v18, v9;
	v10 =	vshll.u32 v15, $0x10;
	v3 =	vmov v5;
	[tilespmem:s12+$0xFFFFFFB0] =	vst v17  }
.Ltmp3:
0x1ef: {  	v15 =	vand.u32 $0xFFFF0000, v15;
	v18 =	vmul.f32 v10, v14;
	v5 =	vmovc v14;
	v17 =	vshll.u32 v12, $0x10;
	v10 =	vld [tilespmem:s10+$0xFFFFFFE0];
	[tilespmem:s11+$0x70] =	vst v13;
	(pc) =	sbr.rel @p0 .LBB2_9-.Ltmp3, $4  }
0x1f0: {  	s16 =	sadd.s32 $0x1, s15;
	s12 =	sadd.s32 $0x100, s12;
	v12 =	vand.u32 $0xFFFF0000, v12;
	v15 =	vmul.f32 v15, v5;
	v19 =	vmul.f32 v17, v7;
	[tilespmem:s11+$0x60] =	vst v11  }
0x1f1: {  	v11 =	vmov s16;
	v13 =	vmul.f32 v12, v7;
	v12 =	vshll.u32 v8, $0x10;
	[tilespmem:s12+$0x0] =	vst v18  }
0x1f2: {  	v17 =	vand.u32 $0x78, v11;
	v14 =	vand.u32 $0x7, v11;
	[tilespmem:s12+$0x10] =	vst v15;
	v15 =	vshll.u32 v16, $0x10  }
0x1f3: {  	s15 =	sadd.s32 $0x2, s15;
	v17 =	vadd.s32 v4, v17;
	v16 =	vand.u32 $0xFFFF0000, v16;
	[tilespmem:s12+$0xFFFFFF80] =	vst v19;
	v11 =	vld [tilespmem:s14+$0x10];
	v15 =	vmul.f32 v15, v3  }
0x1f4: {  	v4 =	vor.u32 v14, v17;
	_ =	sdelay $0x2  }
0x1f5: {  	s15 =	sadd.s32 $0x80, s14  }
0x1f6: {  	v22 =	vld [tilespmem:s15+$0x0]  }
0x1f7: {  	v4 =	vld.idx.msk [tilespmem:v4+s19+$0x0], $0xffff  }
0x1f8: {  	v23 =	vld [tilespmem:s15+$0xFFFFFFC0]  }
0x1f9: {  	[tilespmem:s12+$0xFFFFFF90] =	vst v13;
	v24 =	vmul.f32 v16, v3;
	v9 =	vld.idx.msk [tilespmem:v9+s19+$0x0], $0xffff  }
0x1fa: {  	v8 =	vand.u32 $0xFFFF0000, v8;
	v12 =	vmul.f32 v12, v6;
	[tilespmem:s9+$0x40] =	vst v15  }
0x1fb: {  	v25 =	vmul.f32 v8, v6;
	[tilespmem:s9+$0x50] =	vst v24;
	v26 =	vshll.u32 v22, $0x10  }
0x1fc: {  	[tilespmem:s11+$0xFFFFFFE0] =	vst v12;
	v27 =	vand.u32 $0xFFFF0000, v22;
	v8 =	vmul.f32 v26, v4  }
0x1fd: {  	s25 =	sadd.s32 $0x100, s12;
	[tilespmem:s11+$0xFFFFFFF0] =	vst v25;
	v28 =	vshll.u32 v23, $0x10;
	v12 =	vmul.f32 v27, v4  }
0x1fe: {  	v29 =	vld [tilespmem:s14+$0xFFFFFFD0];
	v30 =	vand.u32 $0xFFFF0000, v23;
	v6 =	vmul.f32 v28, v9;
	[tilespmem:s25+$0x0] =	vst v8  }
0x1ff: {  	v32 =	vand.u32 $0xFFFF0000, v10;
	v14 =	vmul.f32 v30, v9;
	[tilespmem:s25+$0x10] =	vst v12  }
0x200: {  	v31 =	vshll.u32 v10, $0x10;
	v10 =	vmul.f32 v32, v2;
	[tilespmem:s25+$0xFFFFFF80] =	vst v6;
	v33 =	vld [tilespmem:s15+$0x10]  }
0x201: {  	v34 =	vshll.u32 v11, $0x10;
	[tilespmem:s25+$0xFFFFFF90] =	vst v14;
	v8 =	vmul.f32 v31, v2  }
0x202: {  	[tilespmem:s9+$0xFFFFFFD0] =	vst v10;
	v35 =	vand.u32 $0xFFFF0000, v11;
	v36 =	vmul.f32 v34, v5;
	v37 =	vld [tilespmem:s15+$0xFFFFFFD0]  }
0x203: {  	v38 =	vshll.u32 v29, $0x10;
	[tilespmem:s9+$0xFFFFFFC0] =	vst v8;
	v8 =	vmul.f32 v35, v5  }
0x204: {  	v39 =	vld [tilespmem:s10+$0x30];
	v13 =	vand.u32 $0xFFFF0000, v29;
	v10 =	vmul.f32 v38, v7;
	[tilespmem:s12+$0x20] =	vst v36  }
0x205: {  	v40 =	vmul.f32 v13, v7;
	[tilespmem:s12+$0x30] =	vst v8;
	v41 =	vshll.u32 v33, $0x10  }
0x206: {  	[tilespmem:s12+$0xFFFFFFA0] =	vst v10;
	v42 =	vld [tilespmem:s13+$0x20];
	v6 =	vand.u32 $0xFFFF0000, v33;
	v8 =	vmul.f32 v41, v4  }
0x207: {  	[tilespmem:s12+$0xFFFFFFB0] =	vst v40;
	v43 =	vshll.u32 v37, $0x10;
	v6 =	vmul.f32 v6, v4  }
0x208: {  	v44 =	vld [tilespmem:s13+$0xFFFFFFE0];
	v12 =	vand.u32 $0xFFFF0000, v37;
	v11 =	vmul.f32 v43, v9;
	[tilespmem:s25+$0x20] =	vst v8  }
0x209: {  	v45 =	vand.u32 $0xFFFF0000, v39;
	v12 =	vmul.f32 v12, v9;
	[tilespmem:s25+$0x30] =	vst v6  }
0x20a: {  	v46 =	vshll.u32 v39, $0x10;
	[tilespmem:s25+$0xFFFFFFA0] =	vst v11;
	v8 =	vmul.f32 v45, v3;
	v47 =	vld [tilespmem:s15+$0x20]  }
0x20b: {  	[tilespmem:s25+$0xFFFFFFB0] =	vst v12;
	v3 =	vmul.f32 v46, v3;
	v48 =	vshll.u32 v42, $0x10  }
0x20c: {  	v50 =	vld [tilespmem:s15+$0xFFFFFFE0];
	v49 =	vand.u32 $0xFFFF0000, v42;
	[tilespmem:s9+$0x70] =	vst v8;
	v6 =	vmul.f32 v48, v5  }
0x20d: {  	[tilespmem:s9+$0x60] =	vst v3;
	v3 =	vshll.u32 v44, $0x10;
	v8 =	vmul.f32 v49, v5  }
0x20e: {  	v51 =	vld [tilespmem:s10+$0xFFFFFFF0];
	v13 =	vand.u32 $0xFFFF0000, v44;
	v3 =	vmul.f32 v3, v7;
	[tilespmem:s12+$0x40] =	vst v6  }
0x20f: {  	v52 =	vmul.f32 v13, v7;
	[tilespmem:s12+$0x50] =	vst v8;
	v53 =	vshll.u32 v47, $0x10  }
0x210: {  	[tilespmem:s12+$0xFFFFFFC0] =	vst v3;
	v3 =	vld [tilespmem:s13+$0x30];
	v11 =	vand.u32 $0xFFFF0000, v47;
	v8 =	vmul.f32 v53, v4  }
0x211: {  	[tilespmem:s12+$0xFFFFFFD0] =	vst v52;
	v54 =	vshll.u32 v50, $0x10;
	v11 =	vmul.f32 v11, v4  }
0x212: {  	v10 =	vand.u32 $0xFFFF0000, v50;
	v6 =	vmul.f32 v54, v9;
	v55 =	vld [tilespmem:s13+$0xFFFFFFF0];
	[tilespmem:s25+$0x40] =	vst v8  }
0x213: {  	v56 =	vshll.u32 v51, $0x10;
	v10 =	vmul.f32 v10, v9;
	[tilespmem:s25+$0x50] =	vst v11  }
0x214: {  	v57 =	vand.u32 $0xFFFF0000, v51;
	[tilespmem:s25+$0xFFFFFFC0] =	vst v6;
	v8 =	vmul.f32 v56, v2;
	v58 =	vld [tilespmem:s15+$0x30]  }
0x215: {  	[tilespmem:s25+$0xFFFFFFD0] =	vst v10;
	v2 =	vmul.f32 v57, v2;
	v59 =	vand.u32 $0xFFFF0000, v3  }
0x216: {  	v10 =	vld [tilespmem:s15+$0xFFFFFFF0];
	v3 =	vshll.u32 v3, $0x10;
	[tilespmem:s9+$0xFFFFFFE0] =	vst v8;
	v60 =	vmul.f32 v59, v5  }
0x217: {  	[tilespmem:s9+$0xFFFFFFF0] =	vst v2;
	v2 =	vmul.f32 v3, v5;
	v3 =	vshll.u32 v55, $0x10  }
0x218: {  	v61 =	vand.u32 $0xFFFF0000, v55;
	v3 =	vmul.f32 v3, v7;
	[tilespmem:s12+$0x70] =	vst v60  }
0x219: {  	[tilespmem:s12+$0x60] =	vst v2;
	v2 =	vmul.f32 v61, v7;
	v62 =	vand.u32 $0xFFFF0000, v58  }
0x21a: {  	[tilespmem:s12+$0xFFFFFFE0] =	vst v3;
	v3 =	vshll.u32 v58, $0x10;
	v5 =	vmul.f32 v62, v4  }
0x21b: {  	[tilespmem:s12+$0xFFFFFFF0] =	vst v2;
	v2 =	vmul.f32 v3, v4;
	v3 =	vshll.u32 v10, $0x10  }
0x21c: {  	s8 =	smin.u32 s8, $0x77;
	v63 =	vand.u32 $0xFFFF0000, v10;
	v3 =	vmul.f32 v3, v9;
	[tilespmem:s25+$0x70] =	vst v5  }
0x21d: {  	s8 =	smul.u32 $0x140, s8;
	[tilespmem:s25+$0x60] =	vst v2;
	v2 =	vmul.f32 v63, v9  }
0x21e: {  	[tilespmem:s25+$0xFFFFFFE0] =	vst v3  }
0x21f: {  	s8 =	sshrl.u32 s8, $0x2;
	[tilespmem:s25+$0xFFFFFFF0] =	vst v2  }
0x220: {  	[spmem:s3] =	stream.indirect.scatter.add.f32 [tilespmem:s17], [sflag:$0x4], $0x80, s21, s20, $0xb8;
	[tilespmem:$0x1EBE0] =	vst v63  }
0x221: {  	v2 =	vld [tilespmem:s8+$0x190];
	_ =	sdelay $0x4  }
0x222: {  	v2 =	vand.u32 $0x3FFF, v2  }
0x223: {  	[tilespmem:$0xB2C0] =	vst v2  }
0x224: {  	v2 =	vld [tilespmem:s8+$0x1A0];
	_ =	sdelay $0x4  }
0x225: {  	v2 =	vand.u32 $0x3FFF, v2  }
0x226: {  	[tilespmem:$0xB2D0] =	vst v2  }
0x227: {  	v2 =	vld [tilespmem:s8+$0x1B0];
	_ =	sdelay $0x4  }
0x228: {  	v2 =	vand.u32 $0x3FFF, v2  }
0x229: {  	[tilespmem:$0xB2E0] =	vst v2  }
0x22a: {  	v2 =	vld [tilespmem:s8+$0x1C0];
	_ =	sdelay $0x4  }
0x22b: {  	v2 =	vand.u32 $0x3FFF, v2  }
0x22c: {  	[tilespmem:$0xB2F0] =	vst v2  }
0x22d: {  	v2 =	vld [tilespmem:s8+$0x1D0]  }
0x22e: {  	s7 =	sadd.s32 $0x1, s7  }
0x22f: {  	p0 =	sne.s32 s7, $0x29  }
.Ltmp4:
0x230: {  	_ = 	snop;
	(pc) =	sbr.rel @p0 .LBB2_4-.Ltmp4, $4  }
0x231: {  	_ = 	snop  }
0x232: {  	v2 =	vand.u32 $0x3FFF, v2  }
0x233: {  	[tilespmem:$0xB300] =	vst v2  }
0x234: {  	[tilespmem:s29], [sflag:$0x3] =	stream.indirect.gather [hbm4b:s2+s20], $0x40, s28, s20, $0xb8;
	[tilespmem:$0x1EBE0] =	vst v63  }
0x235: {  	_ =	swait.ge [sflag:s30], $0x1400  }
0x236: {  	[sflag:s30] =	ssyncset.done $0x0  }
0x237: {  	[sflag:s30] =	ssyncadd.s32 $0xFFFFEC00  }
0x238: {  	_ =	swait.ge [sflag:s31], $0x2800  }
0x239: {  	[sflag:s31] =	ssyncset.done $0x0  }
0x23a: {  	[sflag:s31] =	ssyncadd.s32 $0xFFFFD800  }
0x23b: {  	v2 =	vld [tilespmem:$0x2670]  }
0x23c: {  	v3 =	vld [tilespmem:$0x2680]  }
0x23d: {  	v4 =	vld [tilespmem:$0x2690]  }
0x23e: {  	v5 =	vld [tilespmem:$0x26A0]  }
0x23f: {  	s6 =	simm.s32 $0x1;
	v6 =	vld [tilespmem:$0x26B0]  }
0x240: {  	v7 =	vmov s6;
	v2 =	vshra.s32 v2, $0xE  }
0x241: {  	[tilespmem:$0xB310] =	vst v2;
	v2 =	vshra.s32 v3, $0xE;
	v3 =	vand.u32 $0x7F, v7  }
0x242: {  	[tilespmem:$0xB320] =	vst v2;
	v2 =	vshra.s32 v4, $0xE;
	v3 =	vadd.s32 $0x2670, v3  }
0x243: {  	s12 =	simm.s32 $0x0;
	[tilespmem:$0xB330] =	vst v2;
	v2 =	vshra.s32 v5, $0xE  }
0x244: {  	v4 =	vmov s12;
	[tilespmem:$0xB340] =	vst v2;
	v2 =	vshra.s32 v6, $0xE  }
0x245: {  	s9 =	simm.s32 $0x4E60;
	[tilespmem:$0xB350] =	vst v2;
	v2 =	vand.u32 $0x7E, v4  }
0x246: {  	v2 =	vadd.s32 $0x2670, v2;
	v5 =	vld [tilespmem:s9+$0x0]  }
0x247: {  	v7 =	vld.idx.msk [tilespmem:v3+s19+$0x0], $0xffff;
	_ =	sdelay $0x2  }
0x248: {  	v3 =	vld [tilespmem:s9+$0xFFFFFFC0]  }
0x249: {  	v4 =	vld.idx.msk [tilespmem:v2+s19+$0x0], $0xffff;
	v2 =	vshll.u32 v5, $0x10  }
0x24a: {  	v5 =	vand.u32 $0xFFFF0000, v5;
	v2 =	vmul.f32 v2, v7  }
0x24b: {  	s8 =	simm.s32 $0x8AA0;
	v5 =	vmul.f32 v5, v7  }
0x24c: {  	[tilespmem:s8+$0x0] =	vst v2  }
0x24d: {  	s13 =	simm.s32 $0x3;
	v2 =	vshll.u32 v3, $0x10;
	[tilespmem:s8+$0x10] =	vst v5  }
0x24e: {  	v3 =	vand.u32 $0xFFFF0000, v3;
	v5 =	vmov s13;
	v6 =	vld [tilespmem:s9+$0x10];
	v2 =	vmul.f32 v2, v4  }
0x24f: {  	s14 =	simm.s32 $0x2;
	v5 =	vand.u32 $0x7F, v5;
	v3 =	vmul.f32 v3, v4  }
0x250: {  	v8 =	vmov s14;
	[tilespmem:s8+$0xFFFFFF80] =	vst v2;
	v2 =	vadd.s32 $0x2670, v5  }
0x251: {  	v5 =	vand.u32 $0x7E, v8;
	[tilespmem:s8+$0xFFFFFF90] =	vst v3  }
0x252: {  	v5 =	vadd.s32 $0x2670, v5;
	v8 =	vld [tilespmem:s9+$0xFFFFFFD0]  }
0x253: {  	s7 =	simm.s32 $0x4EE0;
	v3 =	vshll.u32 v6, $0x10  }
0x254: {  	v9 =	vld [tilespmem:s7+$0x0];
	v6 =	vand.u32 $0xFFFF0000, v6;
	v10 =	vmul.f32 v3, v7  }
0x255: {  	v6 =	vmul.f32 v6, v7;
	v3 =	vld.idx.msk [tilespmem:v2+s19+$0x0], $0xffff  }
0x256: {  	v11 =	vld [tilespmem:s7+$0xFFFFFFC0];
	[tilespmem:s8+$0x20] =	vst v10  }
0x257: {  	[tilespmem:s8+$0x30] =	vst v6;
	v2 =	vld.idx.msk [tilespmem:v5+s19+$0x0], $0xffff;
	v5 =	vshll.u32 v8, $0x10  }
0x258: {  	v6 =	vand.u32 $0xFFFF0000, v8;
	v8 =	vld [tilespmem:s9+$0x20];
	v5 =	vmul.f32 v5, v4  }
0x259: {  	v10 =	vshll.u32 v9, $0x10;
	v6 =	vmul.f32 v6, v4  }
0x25a: {  	[tilespmem:s8+$0xFFFFFFA0] =	vst v5;
	v5 =	vand.u32 $0xFFFF0000, v9;
	v9 =	vmul.f32 v10, v3  }
0x25b: {  	s6 =	simm.s32 $0x8BA0;
	[tilespmem:s8+$0xFFFFFFB0] =	vst v6;
	v6 =	vshll.u32 v11, $0x10;
	v5 =	vmul.f32 v5, v3  }
0x25c: {  	s10 =	simm.s32 $0x5;
	v11 =	vand.u32 $0xFFFF0000, v11;
	v10 =	vld [tilespmem:s9+$0xFFFFFFE0];
	v6 =	vmul.f32 v6, v2;
	[tilespmem:s6+$0x0] =	vst v9  }
0x25d: {  	v9 =	vmul.f32 v11, v2;
	v11 =	vmov s10;
	[tilespmem:s6+$0x10] =	vst v5;
	v5 =	vshll.u32 v8, $0x10  }
0x25e: {  	s15 =	simm.s32 $0x4;
	v11 =	vand.u32 $0x7F, v11;
	[tilespmem:s6+$0xFFFFFF80] =	vst v6;
	v12 =	vld [tilespmem:s7+$0x10];
	v6 =	vand.u32 $0xFFFF0000, v8;
	v5 =	vmul.f32 v5, v7  }
0x25f: {  	v8 =	vmov s15;
	v11 =	vadd.s32 $0x2670, v11;
	[tilespmem:s6+$0xFFFFFF90] =	vst v9;
	v6 =	vmul.f32 v6, v7  }
0x260: {  	v8 =	vand.u32 $0x7E, v8;
	v9 =	vld [tilespmem:s7+$0xFFFFFFD0];
	[tilespmem:s8+$0x40] =	vst v5  }
0x261: {  	v5 =	vadd.s32 $0x2670, v8;
	v8 =	vshll.u32 v10, $0x10;
	[tilespmem:s8+$0x50] =	vst v6  }
0x262: {  	s11 =	simm.s32 $0x4F60;
	v6 =	vand.u32 $0xFFFF0000, v10;
	v8 =	vmul.f32 v8, v4;
	v10 =	vld [tilespmem:s9+$0x30]  }
0x263: {  	v14 =	vld [tilespmem:s11+$0x0];
	v13 =	vmul.f32 v6, v4;
	v15 =	vshll.u32 v12, $0x10  }
0x264: {  	[tilespmem:s8+$0xFFFFFFC0] =	vst v8;
	v8 =	vand.u32 $0xFFFF0000, v12;
	v6 =	vld.idx.msk [tilespmem:v11+s19+$0x0], $0xffff;
	v11 =	vmul.f32 v15, v3  }
0x265: {  	v12 =	vld [tilespmem:s11+$0xFFFFFFC0];
	[tilespmem:s8+$0xFFFFFFD0] =	vst v13;
	v8 =	vmul.f32 v8, v3;
	v13 =	vshll.u32 v9, $0x10  }
0x266: {  	s16 =	simm.s32 $0x6;
	v5 =	vld.idx.msk [tilespmem:v5+s19+$0x0], $0xffff;
	v9 =	vand.u32 $0xFFFF0000, v9;
	v13 =	vmul.f32 v13, v2;
	[tilespmem:s6+$0x20] =	vst v11  }
0x267: {  	v15 =	vmov s16;
	v9 =	vmul.f32 v9, v2;
	v11 =	vld [tilespmem:s9+$0xFFFFFFF0];
	[tilespmem:s6+$0x30] =	vst v8;
	v8 =	vand.u32 $0xFFFF0000, v10  }
0x268: {  	v15 =	vand.u32 $0x7E, v15;
	v10 =	vshll.u32 v10, $0x10;
	[tilespmem:s6+$0xFFFFFFA0] =	vst v13;
	v13 =	vld [tilespmem:s7+$0x20];
	v8 =	vmul.f32 v8, v7  }
0x269: {  	v10 =	vmul.f32 v10, v7;
	v7 =	vadd.s32 $0x2670, v15;
	v15 =	vshll.u32 v14, $0x10;
	[tilespmem:s6+$0xFFFFFFB0] =	vst v9  }
0x26a: {  	v16 =	vshll.u32 v12, $0x10;
	v14 =	vand.u32 $0xFFFF0000, v14;
	v15 =	vmul.f32 v15, v6;
	v9 =	vld [tilespmem:s7+$0xFFFFFFE0];
	[tilespmem:s8+$0x70] =	vst v8  }
0x26b: {  	s25 =	simm.s32 $0x7;
	s9 =	simm.s32 $0x8CA0;
	v14 =	vmul.f32 v14, v6;
	v8 =	vand.u32 $0xFFFF0000, v12;
	v12 =	vmul.f32 v16, v5;
	[tilespmem:s8+$0x60] =	vst v10  }
0x26c: {  	v10 =	vmov s25;
	v16 =	vmul.f32 v8, v5;
	[tilespmem:s9+$0x0] =	vst v15;
	v8 =	vshll.u32 v11, $0x10  }
0x26d: {  	v11 =	vand.u32 $0xFFFF0000, v11;
	[tilespmem:s9+$0x10] =	vst v14;
	v15 =	vand.u32 $0x7F, v10;
	v14 =	vshll.u32 v13, $0x10  }
0x26e: {  	v8 =	vmul.f32 v8, v4;
	[tilespmem:s9+$0xFFFFFF80] =	vst v12;
	v10 =	vld [tilespmem:s11+$0x10];
	v17 =	vand.u32 $0xFFFF0000, v13;
	v13 =	vmul.f32 v14, v3  }
0x26f: {  	s12 =	simm.s32 $0x8;
	s10 =	simm.s32 $0x4F60;
	v12 =	vadd.s32 $0x2670, v15;
	[tilespmem:s9+$0xFFFFFF90] =	vst v16;
	v15 =	vshll.u32 v9, $0x10;
	v14 =	vmul.f32 v17, v3  }
.LBB2_12:
0x270: {  	p0 =	slt.u32 s12, $0x4E;
	v16 =	vld [tilespmem:s11+$0xFFFFFFD0];
	v9 =	vand.u32 $0xFFFF0000, v9;
	v15 =	vmul.f32 v15, v2;
	[tilespmem:s6+$0x40] =	vst v13;
	v11 =	vmul.f32 v11, v4;
	v4 =	vmovc v2  }
0x271: {  	v2 =	vmov v5;
	v9 =	vmul.f32 v9, v4;
	[tilespmem:s6+$0x50] =	vst v14;
	v5 =	vld.idx.msk [tilespmem:v7+s19+$0x0], $0xffff  }
0x272: {  	s11 =	sadd.s32 $0x80, s11;
	[tilespmem:s6+$0xFFFFFFC0] =	vst v15;
	v7 =	vld [tilespmem:s7+$0x30]  }
0x273: {  	v13 =	vld [tilespmem:s11+$0x0];
	v14 =	vshll.u32 v10, $0x10;
	[tilespmem:s6+$0xFFFFFFD0] =	vst v9  }
0x274: {  	v9 =	vand.u32 $0xFFFF0000, v10;
	v12 =	vld.idx.msk [tilespmem:v12+s19+$0x0], $0xffff;
	v10 =	vmul.f32 v14, v6;
	[tilespmem:s8+$0xFFFFFFE0] =	vst v8  }
0x275: {  	v9 =	vmul.f32 v9, v6;
	v8 =	vld [tilespmem:s11+$0xFFFFFFC0];
	v14 =	vshll.u32 v16, $0x10;
	v15 =	vand.u32 $0xFFFF0000, v16;
	[tilespmem:s8+$0xFFFFFFF0] =	vst v11;
	s8 =	smov.u32 s6;
	s6 =	smov.u32 s9  }
0x276: {  	v11 =	vmul.f32 v14, v2;
	v14 =	vmul.f32 v15, v2;
	[tilespmem:s9+$0x20] =	vst v10;
	v10 =	vld [tilespmem:s7+$0xFFFFFFF0];
	s7 =	smov.u32 s10;
	s10 =	smov.u32 s11  }
0x277: {  	v15 =	vmov s12;
	[tilespmem:s9+$0x30] =	vst v9;
	v9 =	vshll.u32 v7, $0x10;
	v7 =	vand.u32 $0xFFFF0000, v7  }
0x278: {  	v15 =	vand.u32 $0x7E, v15;
	[tilespmem:s9+$0xFFFFFFA0] =	vst v11;
	v16 =	vld [tilespmem:s7+$0x20];
	v11 =	vmul.f32 v9, v3;
	v17 =	vmul.f32 v7, v3;
	v3 =	vmovc v6  }
0x279: {  	v7 =	vadd.s32 $0x2670, v15;
	v18 =	vshll.u32 v13, $0x10;
	[tilespmem:s9+$0xFFFFFFB0] =	vst v14  }
0x27a: {  	v13 =	vand.u32 $0xFFFF0000, v13;
	v15 =	vmul.f32 v18, v12;
	v6 =	vmovc v12;
	v14 =	vshll.u32 v8, $0x10;
	v9 =	vld [tilespmem:s7+$0xFFFFFFE0];
	[tilespmem:s8+$0x70] =	vst v17  }
.Ltmp5:
0x27b: {  	s9 =	sadd.s32 $0x100, s9;
	v8 =	vand.u32 $0xFFFF0000, v8;
	v13 =	vmul.f32 v13, v6;
	v12 =	vmul.f32 v14, v5;
	[tilespmem:s8+$0x60] =	vst v11;
	(pc) =	sbr.rel @p0 .LBB2_12-.Ltmp5, $4  }
0x27c: {  	s13 =	sadd.s32 $0x1, s12;
	v14 =	vmul.f32 v8, v5;
	v8 =	vshll.u32 v10, $0x10;
	v11 =	vand.u32 $0xFFFF0000, v10;
	[tilespmem:s9+$0x0] =	vst v15  }
0x27d: {  	v10 =	vmov s13;
	v8 =	vmul.f32 v8, v4;
	[tilespmem:s9+$0x10] =	vst v13;
	v13 =	vshll.u32 v16, $0x10  }
0x27e: {  	v15 =	vand.u32 $0x7F, v10;
	v16 =	vand.u32 $0xFFFF0000, v16;
	[tilespmem:s9+$0xFFFFFF80] =	vst v12;
	v10 =	vld [tilespmem:s11+$0x10];
	v13 =	vmul.f32 v13, v3  }
0x27f: {  	s12 =	sadd.s32 $0x2, s12;
	v12 =	vadd.s32 $0x2670, v15;
	[tilespmem:s9+$0xFFFFFF90] =	vst v14;
	v15 =	vshll.u32 v9, $0x10;
	v14 =	vmul.f32 v16, v3  }
0x280: {  	_ =	sdelay $0x1  }
0x281: {  	s13 =	sadd.s32 $0x80, s11  }
0x282: {  	v16 =	vld [tilespmem:s13+$0x0]  }
0x283: {  	v12 =	vld.idx.msk [tilespmem:v12+s19+$0x0], $0xffff  }
0x284: {  	v17 =	vld [tilespmem:s13+$0xFFFFFFC0]  }
0x285: {  	v7 =	vld.idx.msk [tilespmem:v7+s19+$0x0], $0xffff  }
0x286: {  	[tilespmem:s6+$0x40] =	vst v13;
	v9 =	vand.u32 $0xFFFF0000, v9;
	v13 =	vmul.f32 v15, v2  }
0x287: {  	v9 =	vmul.f32 v9, v2;
	[tilespmem:s6+$0x50] =	vst v14;
	v14 =	vshll.u32 v16, $0x10  }
0x288: {  	[tilespmem:s6+$0xFFFFFFC0] =	vst v13;
	v13 =	vand.u32 $0xFFFF0000, v16;
	v14 =	vmul.f32 v14, v12  }
0x289: {  	s12 =	sadd.s32 $0x100, s9;
	[tilespmem:s6+$0xFFFFFFD0] =	vst v9;
	v9 =	vshll.u32 v17, $0x10;
	v13 =	vmul.f32 v13, v12  }
0x28a: {  	v15 =	vld [tilespmem:s11+$0xFFFFFFD0];
	v16 =	vand.u32 $0xFFFF0000, v17;
	v9 =	vmul.f32 v9, v7;
	[tilespmem:s12+$0x0] =	vst v14  }
0x28b: {  	v14 =	vmul.f32 v16, v7;
	[tilespmem:s12+$0x10] =	vst v13  }
0x28c: {  	[tilespmem:s12+$0xFFFFFF80] =	vst v9;
	v9 =	vld [tilespmem:s13+$0x10]  }
0x28d: {  	v4 =	vmul.f32 v11, v4;
	v11 =	vshll.u32 v10, $0x10;
	[tilespmem:s12+$0xFFFFFF90] =	vst v14  }
0x28e: {  	[tilespmem:s8+$0xFFFFFFE0] =	vst v8;
	v10 =	vand.u32 $0xFFFF0000, v10;
	v11 =	vmul.f32 v11, v6;
	v8 =	vld [tilespmem:s13+$0xFFFFFFD0]  }
0x28f: {  	[tilespmem:s8+$0xFFFFFFF0] =	vst v4;
	v10 =	vmul.f32 v10, v6;
	v13 =	vshll.u32 v15, $0x10  }
0x290: {  	v4 =	vld [tilespmem:s7+$0x30];
	[tilespmem:s9+$0x20] =	vst v11;
	v13 =	vmul.f32 v13, v5;
	v14 =	vand.u32 $0xFFFF0000, v15  }
0x291: {  	[tilespmem:s9+$0x30] =	vst v10;
	v11 =	vmul.f32 v14, v5;
	v10 =	vshll.u32 v9, $0x10  }
0x292: {  	[tilespmem:s9+$0xFFFFFFA0] =	vst v13;
	v13 =	vld [tilespmem:s10+$0x20];
	v9 =	vand.u32 $0xFFFF0000, v9;
	v10 =	vmul.f32 v10, v12  }
0x293: {  	[tilespmem:s9+$0xFFFFFFB0] =	vst v11;
	v9 =	vmul.f32 v9, v12;
	v11 =	vshll.u32 v8, $0x10  }
0x294: {  	v14 =	vld [tilespmem:s10+$0xFFFFFFE0];
	v8 =	vand.u32 $0xFFFF0000, v8;
	v11 =	vmul.f32 v11, v7;
	[tilespmem:s12+$0x20] =	vst v10  }
0x295: {  	v10 =	vand.u32 $0xFFFF0000, v4;
	v8 =	vmul.f32 v8, v7;
	[tilespmem:s12+$0x30] =	vst v9  }
0x296: {  	v4 =	vshll.u32 v4, $0x10;
	v9 =	vmul.f32 v10, v3;
	v10 =	vld [tilespmem:s13+$0x20];
	[tilespmem:s12+$0xFFFFFFA0] =	vst v11  }
0x297: {  	v3 =	vmul.f32 v4, v3;
	v4 =	vshll.u32 v13, $0x10;
	[tilespmem:s12+$0xFFFFFFB0] =	vst v8  }
0x298: {  	v8 =	vand.u32 $0xFFFF0000, v13;
	v4 =	vmul.f32 v4, v6;
	[tilespmem:s6+$0x70] =	vst v9;
	v9 =	vld [tilespmem:s13+$0xFFFFFFE0]  }
0x299: {  	[tilespmem:s6+$0x60] =	vst v3;
	v3 =	vshll.u32 v14, $0x10;
	v8 =	vmul.f32 v8, v6  }
0x29a: {  	v11 =	vld [tilespmem:s7+$0xFFFFFFF0];
	v13 =	vand.u32 $0xFFFF0000, v14;
	v3 =	vmul.f32 v3, v5;
	[tilespmem:s9+$0x40] =	vst v4  }
0x29b: {  	v4 =	vmul.f32 v13, v5;
	[tilespmem:s9+$0x50] =	vst v8;
	v8 =	vshll.u32 v10, $0x10  }
0x29c: {  	[tilespmem:s9+$0xFFFFFFC0] =	vst v3;
	v3 =	vld [tilespmem:s10+$0x30];
	v10 =	vand.u32 $0xFFFF0000, v10;
	v8 =	vmul.f32 v8, v12  }
0x29d: {  	[tilespmem:s9+$0xFFFFFFD0] =	vst v4;
	v10 =	vmul.f32 v10, v12;
	v4 =	vshll.u32 v9, $0x10  }
0x29e: {  	v13 =	vld [tilespmem:s10+$0xFFFFFFF0];
	v9 =	vand.u32 $0xFFFF0000, v9;
	v4 =	vmul.f32 v4, v7;
	[tilespmem:s12+$0x40] =	vst v8  }
0x29f: {  	v8 =	vshll.u32 v11, $0x10;
	v9 =	vmul.f32 v9, v7;
	[tilespmem:s12+$0x50] =	vst v10  }
0x2a0: {  	v10 =	vand.u32 $0xFFFF0000, v11;
	v8 =	vmul.f32 v8, v2;
	[tilespmem:s12+$0xFFFFFFC0] =	vst v4;
	v4 =	vld [tilespmem:s13+$0x30]  }
0x2a1: {  	v2 =	vmul.f32 v10, v2;
	v10 =	vand.u32 $0xFFFF0000, v3;
	[tilespmem:s12+$0xFFFFFFD0] =	vst v9  }
0x2a2: {  	v3 =	vshll.u32 v3, $0x10;
	[tilespmem:s6+$0xFFFFFFE0] =	vst v8;
	v8 =	vmul.f32 v10, v6;
	v9 =	vld [tilespmem:s13+$0xFFFFFFF0]  }
0x2a3: {  	[tilespmem:s6+$0xFFFFFFF0] =	vst v2;
	v2 =	vmul.f32 v3, v6;
	v3 =	vshll.u32 v13, $0x10  }
0x2a4: {  	v6 =	vand.u32 $0xFFFF0000, v13;
	v3 =	vmul.f32 v3, v5;
	[tilespmem:s9+$0x70] =	vst v8  }
0x2a5: {  	[tilespmem:s9+$0x60] =	vst v2;
	v2 =	vmul.f32 v6, v5;
	v5 =	vand.u32 $0xFFFF0000, v4  }
0x2a6: {  	[tilespmem:s9+$0xFFFFFFE0] =	vst v3;
	v3 =	vshll.u32 v4, $0x10;
	v4 =	vmul.f32 v5, v12  }
0x2a7: {  	[tilespmem:s9+$0xFFFFFFF0] =	vst v2;
	v2 =	vmul.f32 v3, v12;
	v3 =	vshll.u32 v9, $0x10  }
0x2a8: {  	v3 =	vmul.f32 v3, v7;
	[tilespmem:s12+$0x70] =	vst v4;
	v4 =	vand.u32 $0xFFFF0000, v9  }
0x2a9: {  	[tilespmem:s12+$0x60] =	vst v2;
	v2 =	vmul.f32 v4, v7  }
0x2aa: {  	[tilespmem:s12+$0xFFFFFFE0] =	vst v3  }
0x2ab: {  	[tilespmem:s12+$0xFFFFFFF0] =	vst v2  }
0x2ac: {  	[spmem:s3] =	stream.indirect.scatter.add.f32 [tilespmem:s17], [sflag:$0x4], $0x80, s21, s20, $0xb8;
	[tilespmem:$0x1EBE0] =	vst v63  }
0x2ad: {  	_ =	swait.ge [sflag:s1], $0x1400  }
0x2ae: {  	[sflag:s1] =	ssyncset.done $0x0  }
0x2af: {  	[sflag:s1] =	ssyncadd.s32 $0xFFFFEC00  }
0x2b0: {  	_ =	swait.ge [sflag:s31], $0x2800  }
0x2b1: {  	[sflag:s31] =	ssyncset.done $0x0  }
0x2b2: {  	[sflag:s31] =	ssyncadd.s32 $0xFFFFD800  }
0x2b3: {  	v2 =	vld [tilespmem:$0x26C0]  }
0x2b4: {  	v3 =	vld [tilespmem:$0x26D0]  }
0x2b5: {  	v4 =	vld [tilespmem:$0x26E0]  }
0x2b6: {  	v5 =	vld [tilespmem:$0x26F0]  }
0x2b7: {  	s15 =	simm.s32 $0x1;
	v6 =	vld [tilespmem:$0x2700]  }
0x2b8: {  	v7 =	vmov s15;
	v2 =	vshra.s32 v2, $0xE  }
0x2b9: {  	[tilespmem:$0xB310] =	vst v2;
	v2 =	vshra.s32 v3, $0xE;
	v3 =	vand.u32 $0x7F, v7  }
0x2ba: {  	[tilespmem:$0xB320] =	vst v2;
	v2 =	vshra.s32 v4, $0xE;
	v3 =	vadd.s32 $0x26C0, v3  }
0x2bb: {  	s16 =	simm.s32 $0x0;
	[tilespmem:$0xB330] =	vst v2;
	v2 =	vshra.s32 v5, $0xE  }
0x2bc: {  	v4 =	vmov s16;
	[tilespmem:$0xB340] =	vst v2;
	v2 =	vshra.s32 v6, $0xE  }
0x2bd: {  	s25 =	simm.s32 $0x6260;
	[tilespmem:$0xB350] =	vst v2;
	v2 =	vand.u32 $0x7E, v4  }
0x2be: {  	v2 =	vadd.s32 $0x26C0, v2;
	v4 =	vld [tilespmem:s25+$0x0]  }
0x2bf: {  	v7 =	vld.idx.msk [tilespmem:v3+s19+$0x0], $0xffff;
	_ =	sdelay $0x2  }
0x2c0: {  	v3 =	vld [tilespmem:s25+$0xFFFFFFC0]  }
0x2c1: {  	v6 =	vld.idx.msk [tilespmem:v2+s19+$0x0], $0xffff;
	v2 =	vshll.u32 v4, $0x10  }
0x2c2: {  	v4 =	vand.u32 $0xFFFF0000, v4;
	v2 =	vmul.f32 v2, v7  }
0x2c3: {  	s8 =	simm.s32 $0x8AA0;
	v4 =	vmul.f32 v4, v7  }
0x2c4: {  	[tilespmem:s8+$0x0] =	vst v2  }
0x2c5: {  	s12 =	simm.s32 $0x3;
	v2 =	vshll.u32 v3, $0x10;
	[tilespmem:s8+$0x10] =	vst v4  }
0x2c6: {  	v3 =	vand.u32 $0xFFFF0000, v3;
	v4 =	vmov s12;
	v5 =	vld [tilespmem:s25+$0x10];
	v2 =	vmul.f32 v2, v6  }
0x2c7: {  	s13 =	simm.s32 $0x2;
	v4 =	vand.u32 $0x7F, v4;
	v3 =	vmul.f32 v3, v6  }
0x2c8: {  	v8 =	vmov s13;
	[tilespmem:s8+$0xFFFFFF80] =	vst v2;
	v2 =	vadd.s32 $0x26C0, v4  }
0x2c9: {  	v4 =	vand.u32 $0x7E, v8;
	[tilespmem:s8+$0xFFFFFF90] =	vst v3  }
0x2ca: {  	v4 =	vadd.s32 $0x26C0, v4;
	v8 =	vld [tilespmem:s25+$0xFFFFFFD0]  }
0x2cb: {  	s7 =	simm.s32 $0x62E0;
	v3 =	vshll.u32 v5, $0x10  }
0x2cc: {  	v9 =	vld [tilespmem:s7+$0x0];
	v5 =	vand.u32 $0xFFFF0000, v5;
	v10 =	vmul.f32 v3, v7  }
0x2cd: {  	v5 =	vmul.f32 v5, v7;
	v3 =	vld.idx.msk [tilespmem:v2+s19+$0x0], $0xffff  }
0x2ce: {  	v11 =	vld [tilespmem:s7+$0xFFFFFFC0];
	[tilespmem:s8+$0x20] =	vst v10  }
0x2cf: {  	[tilespmem:s8+$0x30] =	vst v5;
	v2 =	vld.idx.msk [tilespmem:v4+s19+$0x0], $0xffff;
	v4 =	vshll.u32 v8, $0x10  }
0x2d0: {  	v5 =	vand.u32 $0xFFFF0000, v8;
	v8 =	vld [tilespmem:s25+$0x20];
	v4 =	vmul.f32 v4, v6  }
0x2d1: {  	v10 =	vshll.u32 v9, $0x10;
	v5 =	vmul.f32 v5, v6  }
0x2d2: {  	[tilespmem:s8+$0xFFFFFFA0] =	vst v4;
	v4 =	vand.u32 $0xFFFF0000, v9;
	v9 =	vmul.f32 v10, v3  }
0x2d3: {  	s6 =	simm.s32 $0x8BA0;
	[tilespmem:s8+$0xFFFFFFB0] =	vst v5;
	v5 =	vshll.u32 v11, $0x10;
	v4 =	vmul.f32 v4, v3  }
0x2d4: {  	s14 =	simm.s32 $0x5;
	v11 =	vand.u32 $0xFFFF0000, v11;
	v10 =	vld [tilespmem:s25+$0xFFFFFFE0];
	v5 =	vmul.f32 v5, v2;
	[tilespmem:s6+$0x0] =	vst v9  }
0x2d5: {  	v9 =	vmul.f32 v11, v2;
	v11 =	vmov s14;
	[tilespmem:s6+$0x10] =	vst v4;
	v4 =	vshll.u32 v8, $0x10  }
0x2d6: {  	s15 =	simm.s32 $0x4;
	v11 =	vand.u32 $0x7F, v11;
	[tilespmem:s6+$0xFFFFFF80] =	vst v5;
	v12 =	vld [tilespmem:s7+$0x10];
	v5 =	vand.u32 $0xFFFF0000, v8;
	v4 =	vmul.f32 v4, v7  }
0x2d7: {  	v8 =	vmov s15;
	v11 =	vadd.s32 $0x26C0, v11;
	[tilespmem:s6+$0xFFFFFF90] =	vst v9;
	v5 =	vmul.f32 v5, v7  }
0x2d8: {  	v8 =	vand.u32 $0x7E, v8;
	v9 =	vld [tilespmem:s7+$0xFFFFFFD0];
	[tilespmem:s8+$0x40] =	vst v4  }
0x2d9: {  	v4 =	vadd.s32 $0x26C0, v8;
	v8 =	vshll.u32 v10, $0x10;
	[tilespmem:s8+$0x50] =	vst v5  }
0x2da: {  	s11 =	simm.s32 $0x6360;
	v5 =	vand.u32 $0xFFFF0000, v10;
	v8 =	vmul.f32 v8, v6;
	v10 =	vld [tilespmem:s25+$0x30]  }
0x2db: {  	v14 =	vld [tilespmem:s11+$0x0];
	v13 =	vmul.f32 v5, v6;
	v15 =	vshll.u32 v12, $0x10  }
0x2dc: {  	[tilespmem:s8+$0xFFFFFFC0] =	vst v8;
	v8 =	vand.u32 $0xFFFF0000, v12;
	v5 =	vld.idx.msk [tilespmem:v11+s19+$0x0], $0xffff;
	v11 =	vmul.f32 v15, v3  }
0x2dd: {  	v12 =	vld [tilespmem:s11+$0xFFFFFFC0];
	[tilespmem:s8+$0xFFFFFFD0] =	vst v13;
	v8 =	vmul.f32 v8, v3;
	v13 =	vshll.u32 v9, $0x10  }
0x2de: {  	s16 =	simm.s32 $0x6;
	v4 =	vld.idx.msk [tilespmem:v4+s19+$0x0], $0xffff;
	v9 =	vand.u32 $0xFFFF0000, v9;
	v13 =	vmul.f32 v13, v2;
	[tilespmem:s6+$0x20] =	vst v11  }
0x2df: {  	v15 =	vmov s16;
	v9 =	vmul.f32 v9, v2;
	v11 =	vld [tilespmem:s25+$0xFFFFFFF0];
	[tilespmem:s6+$0x30] =	vst v8;
	v8 =	vand.u32 $0xFFFF0000, v10  }
0x2e0: {  	v15 =	vand.u32 $0x7E, v15;
	v10 =	vshll.u32 v10, $0x10;
	[tilespmem:s6+$0xFFFFFFA0] =	vst v13;
	v13 =	vld [tilespmem:s7+$0x20];
	v16 =	vmul.f32 v8, v7  }
0x2e1: {  	v10 =	vmul.f32 v10, v7;
	v7 =	vadd.s32 $0x26C0, v15;
	v8 =	vshll.u32 v14, $0x10;
	[tilespmem:s6+$0xFFFFFFB0] =	vst v9  }
0x2e2: {  	v9 =	vshll.u32 v12, $0x10;
	v14 =	vand.u32 $0xFFFF0000, v14;
	v15 =	vmul.f32 v8, v5;
	v8 =	vld [tilespmem:s7+$0xFFFFFFE0];
	[tilespmem:s8+$0x70] =	vst v16  }
0x2e3: {  	s9 =	simm.s32 $0x8CA0;
	s25 =	simm.s32 $0x7;
	v12 =	vand.u32 $0xFFFF0000, v12;
	v14 =	vmul.f32 v14, v5;
	v9 =	vmul.f32 v9, v4;
	[tilespmem:s8+$0x60] =	vst v10  }
0x2e4: {  	v16 =	vmul.f32 v12, v4;
	v12 =	vmov s25;
	[tilespmem:s9+$0x0] =	vst v15;
	v10 =	vshll.u32 v11, $0x10  }
0x2e5: {  	v11 =	vand.u32 $0xFFFF0000, v11;
	[tilespmem:s9+$0x10] =	vst v14;
	v12 =	vand.u32 $0x7F, v12;
	v14 =	vshll.u32 v13, $0x10  }
0x2e6: {  	v10 =	vmul.f32 v10, v6;
	[tilespmem:s9+$0xFFFFFF80] =	vst v9;
	v9 =	vld [tilespmem:s11+$0x10];
	v15 =	vand.u32 $0xFFFF0000, v13;
	v14 =	vmul.f32 v14, v3  }
0x2e7: {  	s10 =	simm.s32 $0x6360;
	s12 =	simm.s32 $0x8;
	v12 =	vadd.s32 $0x26C0, v12;
	[tilespmem:s9+$0xFFFFFF90] =	vst v16;
	v13 =	vshll.u32 v8, $0x10;
	v15 =	vmul.f32 v15, v3  }
.LBB2_14:
0x2e8: {  	p0 =	slt.u32 s12, $0x4E;
	v16 =	vld [tilespmem:s11+$0xFFFFFFD0];
	v8 =	vand.u32 $0xFFFF0000, v8;
	v13 =	vmul.f32 v13, v2;
	[tilespmem:s6+$0x40] =	vst v14;
	v11 =	vmul.f32 v11, v6;
	v6 =	vmovc v2  }
0x2e9: {  	v2 =	vmov v4;
	v8 =	vmul.f32 v8, v6;
	[tilespmem:s6+$0x50] =	vst v15;
	v4 =	vld.idx.msk [tilespmem:v7+s19+$0x0], $0xffff  }
0x2ea: {  	s11 =	sadd.s32 $0x80, s11;
	[tilespmem:s6+$0xFFFFFFC0] =	vst v13;
	v7 =	vld [tilespmem:s7+$0x30]  }
0x2eb: {  	v13 =	vld [tilespmem:s11+$0x0];
	v14 =	vshll.u32 v9, $0x10;
	[tilespmem:s6+$0xFFFFFFD0] =	vst v8  }
0x2ec: {  	v8 =	vand.u32 $0xFFFF0000, v9;
	v12 =	vld.idx.msk [tilespmem:v12+s19+$0x0], $0xffff;
	v9 =	vmul.f32 v14, v5;
	[tilespmem:s8+$0xFFFFFFE0] =	vst v10  }
0x2ed: {  	v8 =	vmul.f32 v8, v5;
	v10 =	vld [tilespmem:s11+$0xFFFFFFC0];
	v14 =	vshll.u32 v16, $0x10;
	v15 =	vand.u32 $0xFFFF0000, v16;
	[tilespmem:s8+$0xFFFFFFF0] =	vst v11;
	s8 =	smov.u32 s6;
	s6 =	smov.u32 s9  }
0x2ee: {  	v11 =	vmul.f32 v14, v2;
	v14 =	vmul.f32 v15, v2;
	[tilespmem:s9+$0x20] =	vst v9;
	v9 =	vld [tilespmem:s7+$0xFFFFFFF0];
	s7 =	smov.u32 s10;
	s10 =	smov.u32 s11  }
0x2ef: {  	v15 =	vmov s12;
	[tilespmem:s9+$0x30] =	vst v8;
	v8 =	vshll.u32 v7, $0x10;
	v7 =	vand.u32 $0xFFFF0000, v7  }
0x2f0: {  	v15 =	vand.u32 $0x7E, v15;
	[tilespmem:s9+$0xFFFFFFA0] =	vst v11;
	v16 =	vld [tilespmem:s7+$0x20];
	v11 =	vmul.f32 v8, v3;
	v17 =	vmul.f32 v7, v3;
	v3 =	vmovc v5  }
0x2f1: {  	v7 =	vadd.s32 $0x26C0, v15;
	v18 =	vshll.u32 v13, $0x10;
	[tilespmem:s9+$0xFFFFFFB0] =	vst v14  }
0x2f2: {  	v13 =	vand.u32 $0xFFFF0000, v13;
	v15 =	vmul.f32 v18, v12;
	v5 =	vmovc v12;
	v14 =	vshll.u32 v10, $0x10;
	v8 =	vld [tilespmem:s7+$0xFFFFFFE0];
	[tilespmem:s8+$0x70] =	vst v17  }
.Ltmp6:
0x2f3: {  	s9 =	sadd.s32 $0x100, s9;
	v10 =	vand.u32 $0xFFFF0000, v10;
	v13 =	vmul.f32 v13, v5;
	v12 =	vmul.f32 v14, v4;
	[tilespmem:s8+$0x60] =	vst v11;
	(pc) =	sbr.rel @p0 .LBB2_14-.Ltmp6, $4  }
0x2f4: {  	s13 =	sadd.s32 $0x1, s12;
	v17 =	vmul.f32 v10, v4;
	v10 =	vshll.u32 v9, $0x10;
	v11 =	vand.u32 $0xFFFF0000, v9;
	[tilespmem:s9+$0x0] =	vst v15  }
0x2f5: {  	v9 =	vmov s13;
	v10 =	vmul.f32 v10, v6;
	[tilespmem:s9+$0x10] =	vst v13;
	v13 =	vshll.u32 v16, $0x10  }
0x2f6: {  	v15 =	vand.u32 $0x7F, v9;
	v16 =	vand.u32 $0xFFFF0000, v16;
	[tilespmem:s9+$0xFFFFFF80] =	vst v12;
	v9 =	vld [tilespmem:s11+$0x10];
	v14 =	vmul.f32 v13, v3  }
0x2f7: {  	s12 =	sadd.s32 $0x2, s12;
	v12 =	vadd.s32 $0x26C0, v15;
	v15 =	vmul.f32 v16, v3;
	[tilespmem:s9+$0xFFFFFF90] =	vst v17;
	v13 =	vshll.u32 v8, $0x10  }
0x2f8: {  	_ =	sdelay $0x1  }
0x2f9: {  	s12 =	sadd.s32 $0x80, s11  }
0x2fa: {  	v16 =	vld [tilespmem:s12+$0x0]  }
0x2fb: {  	v12 =	vld.idx.msk [tilespmem:v12+s19+$0x0], $0xffff  }
0x2fc: {  	v17 =	vld [tilespmem:s12+$0xFFFFFFC0]  }
0x2fd: {  	v7 =	vld.idx.msk [tilespmem:v7+s19+$0x0], $0xffff;
	[tilespmem:s6+$0x40] =	vst v14  }
0x2fe: {  	v6 =	vmul.f32 v11, v6;
	[tilespmem:s8+$0xFFFFFFE0] =	vst v10;
	v8 =	vand.u32 $0xFFFF0000, v8  }
0x2ff: {  	[tilespmem:s6+$0x50] =	vst v15;
	v8 =	vmul.f32 v8, v2;
	v27 =	vshll.u32 v16, $0x10  }
0x300: {  	v30 =	vld [tilespmem:s11+$0xFFFFFFD0];
	[tilespmem:s8+$0xFFFFFFF0] =	vst v6;
	v28 =	vand.u32 $0xFFFF0000, v16;
	v11 =	vmul.f32 v27, v12  }
0x301: {  	s13 =	sadd.s32 $0x100, s9;
	[tilespmem:s6+$0xFFFFFFD0] =	vst v8;
	v29 =	vshll.u32 v17, $0x10;
	v10 =	vmul.f32 v28, v12  }
0x302: {  	v31 =	vand.u32 $0xFFFF0000, v17;
	v6 =	vmul.f32 v29, v7;
	[tilespmem:s13+$0x0] =	vst v11  }
0x303: {  	v35 =	vshll.u32 v9, $0x10;
	v32 =	vmul.f32 v31, v7;
	[tilespmem:s13+$0x10] =	vst v10  }
0x304: {  	v36 =	vand.u32 $0xFFFF0000, v9;
	v37 =	vmul.f32 v35, v5;
	[tilespmem:s13+$0xFFFFFF80] =	vst v6;
	v34 =	vld [tilespmem:s12+$0x10]  }
0x305: {  	v9 =	vmul.f32 v36, v5;
	v38 =	vshll.u32 v30, $0x10;
	[tilespmem:s13+$0xFFFFFF90] =	vst v32  }
0x306: {  	v14 =	vand.u32 $0xFFFF0000, v30;
	v8 =	vmul.f32 v38, v4;
	[tilespmem:s9+$0x20] =	vst v37;
	v11 =	vld [tilespmem:s12+$0xFFFFFFD0]  }
0x307: {  	v40 =	vmul.f32 v14, v4;
	[tilespmem:s9+$0x30] =	vst v9  }
0x308: {  	v42 =	vld [tilespmem:s10+$0x20];
	[tilespmem:s9+$0xFFFFFFA0] =	vst v8  }
0x309: {  	v33 =	vmul.f32 v13, v2;
	v39 =	vld [tilespmem:s7+$0x30];
	[tilespmem:s9+$0xFFFFFFB0] =	vst v40;
	v41 =	vshll.u32 v34, $0x10  }
0x30a: {  	v44 =	vld [tilespmem:s10+$0xFFFFFFE0];
	v6 =	vand.u32 $0xFFFF0000, v34;
	v9 =	vmul.f32 v41, v12  }
0x30b: {  	[tilespmem:s6+$0xFFFFFFC0] =	vst v33;
	v43 =	vshll.u32 v11, $0x10;
	v6 =	vmul.f32 v6, v12  }
0x30c: {  	v11 =	vand.u32 $0xFFFF0000, v11;
	v10 =	vmul.f32 v43, v7;
	[tilespmem:s13+$0x20] =	vst v9  }
0x30d: {  	v8 =	vand.u32 $0xFFFF0000, v42;
	v11 =	vmul.f32 v11, v7;
	[tilespmem:s13+$0x30] =	vst v6  }
0x30e: {  	v45 =	vand.u32 $0xFFFF0000, v39;
	v46 =	vshll.u32 v39, $0x10;
	v8 =	vmul.f32 v8, v5;
	[tilespmem:s13+$0xFFFFFFA0] =	vst v10;
	v47 =	vld [tilespmem:s12+$0x20]  }
0x30f: {  	v51 =	vand.u32 $0xFFFF0000, v44;
	v9 =	vmul.f32 v45, v3;
	v3 =	vmul.f32 v46, v3;
	[tilespmem:s13+$0xFFFFFFB0] =	vst v11  }
0x310: {  	v48 =	vshll.u32 v42, $0x10;
	v52 =	vmul.f32 v51, v4;
	[tilespmem:s9+$0x50] =	vst v8;
	v49 =	vld [tilespmem:s12+$0xFFFFFFE0]  }
0x311: {  	v6 =	vmul.f32 v48, v5;
	[tilespmem:s6+$0x60] =	vst v3;
	v3 =	vshll.u32 v44, $0x10  }
0x312: {  	v50 =	vld [tilespmem:s7+$0xFFFFFFF0];
	[tilespmem:s9+$0xFFFFFFD0] =	vst v52;
	v3 =	vmul.f32 v3, v4  }
0x313: {  	[tilespmem:s9+$0x40] =	vst v6;
	v53 =	vshll.u32 v47, $0x10  }
0x314: {  	[tilespmem:s9+$0xFFFFFFC0] =	vst v3;
	v3 =	vld [tilespmem:s10+$0x30];
	v10 =	vand.u32 $0xFFFF0000, v47;
	v8 =	vmul.f32 v53, v12  }
0x315: {  	[tilespmem:s6+$0x70] =	vst v9;
	v54 =	vshll.u32 v49, $0x10;
	v10 =	vmul.f32 v10, v12  }
0x316: {  	v55 =	vld [tilespmem:s10+$0xFFFFFFF0];
	v9 =	vand.u32 $0xFFFF0000, v49;
	v6 =	vmul.f32 v54, v7;
	[tilespmem:s13+$0x40] =	vst v8  }
0x317: {  	v56 =	vshll.u32 v50, $0x10;
	v9 =	vmul.f32 v9, v7;
	[tilespmem:s13+$0x50] =	vst v10  }
0x318: {  	v57 =	vand.u32 $0xFFFF0000, v50;
	v8 =	vmul.f32 v56, v2;
	[tilespmem:s13+$0xFFFFFFC0] =	vst v6;
	v58 =	vld [tilespmem:s12+$0x30]  }
0x319: {  	v2 =	vmul.f32 v57, v2;
	[tilespmem:s13+$0xFFFFFFD0] =	vst v9;
	v59 =	vand.u32 $0xFFFF0000, v3  }
0x31a: {  	v3 =	vshll.u32 v3, $0x10;
	v9 =	vld [tilespmem:s12+$0xFFFFFFF0];
	[tilespmem:s6+$0xFFFFFFE0] =	vst v8;
	v60 =	vmul.f32 v59, v5  }
0x31b: {  	[tilespmem:s6+$0xFFFFFFF0] =	vst v2;
	v2 =	vmul.f32 v3, v5;
	v3 =	vshll.u32 v55, $0x10  }
0x31c: {  	v61 =	vand.u32 $0xFFFF0000, v55;
	v3 =	vmul.f32 v3, v4;
	[tilespmem:s9+$0x70] =	vst v60  }
0x31d: {  	[tilespmem:s9+$0x60] =	vst v2;
	v2 =	vmul.f32 v61, v4;
	v62 =	vand.u32 $0xFFFF0000, v58  }
0x31e: {  	[tilespmem:s9+$0xFFFFFFE0] =	vst v3;
	v3 =	vshll.u32 v58, $0x10;
	v4 =	vmul.f32 v62, v12  }
0x31f: {  	[tilespmem:s9+$0xFFFFFFF0] =	vst v2;
	v2 =	vmul.f32 v3, v12;
	v3 =	vshll.u32 v9, $0x10  }
0x320: {  	v63 =	vand.u32 $0xFFFF0000, v9;
	v3 =	vmul.f32 v3, v7;
	[tilespmem:s13+$0x70] =	vst v4  }
0x321: {  	[tilespmem:s13+$0x60] =	vst v2;
	v2 =	vmul.f32 v63, v7  }
0x322: {  	[tilespmem:s13+$0xFFFFFFE0] =	vst v3  }
0x323: {  	[tilespmem:s13+$0xFFFFFFF0] =	vst v2  }
0x324: {  	[spmem:s3] =	stream.indirect.scatter.add.f32 [tilespmem:s17], [sflag:$0x4], $0x80, s21, s20, $0xb8;
	[tilespmem:$0x1EBE0] =	vst v63  }
0x325: {  	_ =	swait.ge [sflag:s0], $0x1400  }
0x326: {  	[sflag:s0] =	ssyncset.done $0x0  }
0x327: {  	[sflag:s0] =	ssyncadd.s32 $0xFFFFEC00  }
0x328: {  	_ =	swait.ge [sflag:s31], $0x2800  }
0x329: {  	[sflag:s31] =	ssyncset.done $0x0  }
0x32a: {  	[sflag:s31] =	ssyncadd.s32 $0xFFFFD800  }
0x32b: {  	s14 =	stileid.u32;
	[bflag:$0x0] =	sbarrier.arrive $0xFFFF  }
0x32c: {  	s6 =	sshll.u32 s14, $0x6;
	s15 =	rddreg [dreg:$0x8]  }
0x32d: {  	s6 =	sor.u32 $0x1C05, s6;
	s16 =	rddreg [dreg:$0x10]  }
0x32e: {  	[hbm:s15], [sflag:s6] =	dma.local [spmem:s16], $0x2710  }
0x32f: {  	_ =	swait.ge [sflag:s18], $0x2710  }
0x330: {  	s4 =	sadd.s32 $0x1, s4;
	s25 =	rddreg [dreg:$0x9]  }
0x331: {  	p0 =	sne.s32 s4, s25  }
.Ltmp7:
0x332: {  	_ = 	snop;
	(pc) =	sbr.rel @p0 .LBB2_1-.Ltmp7, $3  }
0x333: {  	_ =	sdelay $0x1  }
0x334: {  	[sflag:s18] =	ssyncset.done $0x0  }
0x335: {  	[sflag:s18] =	ssyncadd.s32 $0xFFFFD8F0  }
0x336: {  	_ =	sfence.sel $0x180000  }
0x337: {  	[bflag:$0x0] =	sbarrier.arrive $0xFFFF  }
0x338: {  	_ =	strace $0x9000004A  }
0x339: {  	s0 =	stileid.u32;
	[bflag:$0x2] =	sbarrier.arrive $0xFFFF  }
0x33a: {  	p0 =	sne.s32 s0, $0x0;
	s0 =	rddreg [dreg:$0x4]  }
0x33b: {  	s0 =	sadd.s32 @!p0 $0x100000, s0  }
0x33c: {  	[sflag:s0] =	ssyncadd.tile.s32 @!p0 $0x1;
	_ =	shalt  }
.Lfunc_end2:
_tile_overlayer_lowered:
.L_overlay_start_2:
0x33d: {  	(tag) =	ssettag $0x2  }
0x33e: {  	s0 =	rddreg [dreg:$0x0];
	s2 =	stileid.u32  }
0x33f: {  	s1 =	rddreg [dreg:$0x1];
	p0 =	sne.s32 s2, $0x0  }
0x340: {  	s3 =	rddreg [dreg:$0x2];
	[bflag:$0x3] =	sbarrier.arrive $0xFFFF;
	s2 =	simm.s32 @!p0 $0x1C05  }
0x341: {  	[timem:s3], [sflag:s2] =	dma.local @!p0 [hbm:s0], s1  }
0x342: {  	s0 =	simm.s32 @!p0 $0x5  }
0x343: {  	_ =	swait.ge @!p0 [sflag:s0], s1  }
0x344: {  	s1 =	ssub.s32 @!p0 $0x0, s1;
	[sflag:s0] =	ssyncset.done @!p0 $0x0  }
0x345: {  	[sflag:s0] =	ssyncadd.s32 @!p0 s1  }
0x346: {  	[bflag:$0x3] =	sbarrier.arrive $0xFFFF  }
0x347: {  	_ =	shalt  }

// kernel: kernel.14.cloned.1.call-start
scs
__scs_entry_jumppad:
0x0: {  	(pc) =	sbr.rel $0x88, $3  }
0x1: {  	(tag) =	ssettag $0x0;
	lr =	simm.s32 $0x1  }
0x2: {  	[smem:$0x3F9A] =	sst lr;
	_ =	strace $0xD0000000  }
0x3: {  	_ = 	snop  }
0x4: {  	_ = 	snop  }
0x5: {  	_ = 	snop  }
0x6: {  	_ = 	snop  }
0x7: {  	_ = 	snop  }
__scs_overlays_trampoline_lowered:
0x8: {  	[smem:$0x3FA9] =	sst s0  }
0x9: {  	[smem:$0x3FAA] =	sst s1  }
0xa: {  	[smem:$0x3FAB] =	sst s2  }
0xb: {  	[smem:$0x3FAC] =	sst s3  }
0xc: {  	[smem:$0x3FAD] =	sst s4  }
0xd: {  	[smem:$0x3FAE] =	sst s5  }
0xe: {  	[smem:$0x3FAF] =	sst s6  }
0xf: {  	[smem:$0x3FB0] =	sst s7  }
0x10: {  	[smem:$0x3FB1] =	sst s8  }
0x11: {  	[smem:$0x3FB2] =	sst s9;
	s0 =	simm.s32 @!p0 $0x0  }
0x12: {  	s1 =	sld [smem:$0x3F98];
	s0 =	simm.s32 @p0 $0x1  }
0x13: {  	[smem:$0x3FB3] =	sst s0;
	s0 =	simm.s32 @!p1 $0x0  }
0x14: {  	s2 =	sld [smem:$0x3F97];
	s0 =	simm.s32 @p1 $0x1  }
0x15: {  	[smem:$0x3FB4] =	sst s0;
	s0 =	simm.s32 @!p2 $0x0  }
0x16: {  	s3 =	sld [smem:$0x3FDB];
	s0 =	simm.s32 @p2 $0x1  }
0x17: {  	s4 =	simm.s32 $0x1BF5;
	[smem:$0x3FB6] =	sst s0  }
0x18: {  	s0 =	sld [smem:$0x3F99];
	_ =	swait.ge [sflag:s4], $0x0  }
0x19: {  	s7 =	sld [smem:$0x3F9A]  }
0x1a: {  	s8 =	sadd.s32 $0xFFFFE003, lr  }
0x1b: {  	s9 =	sadd.s32 $0xFFFFFEF7, lr;
	s5 =	simm.s32 $0xFFFFFFFF;
	p2 =	slt.u32 s8, $0xFFFFF086  }
0x1c: {  	p1 =	slt.u32 s9, $0xF7A;
	s5 =	simm.s32 @!p2 $0x0  }
0x1d: {  	s5 =	simm.s32 @p1 $0x1;
	p0 =	seq.s32 s7, s2  }
0x1e: {  	s7 =	smul.u32 @!p0 $0xF7A, s2;
	p2 =	seq.s32 @!p0 s5, $0x0  }
0x1f: {  	s9 =	smul.u32 $0xF7A, s1;
	s8 =	simm.s32 @!p0 $0x1BF5;
	p2 =	por !p2, p0  }
0x20: {  	[sflag:s8] =	ssyncset.s32 @!p0 $0xFFFFF086;
	s6 =	sadd.s32 @!p0 s3, s7;
	s7 =	simm.s32 @!p0 $0x108  }
0x21: {  	s3 =	sadd.s32 s3, s9;
	s6 =	sadd.s32 @!p0 $0x88, s6;
	s7 =	simm.s32 @p2 $0x1082  }
0x22: {  	[simem:s7], [sflag:s8] =	dma.local @!p0 [hbm:s6], $0xF7A  }
0x23: {  	s9 =	sor.u32 $0xD0000000, s2;
	s6 =	simm.s32 $0x108;
	_ =	swait.ge @!p0 [sflag:s8], $0x0  }
0x24: {  	s3 =	sadd.s32 $0x88, s3;
	s6 =	simm.s32 @!p1 $0x1082;
	[sflag:s4] =	ssyncset.s32 $0xFFFFF086  }
0x25: {  	[simem:s6], [sflag:s4] =	dma.local [hbm:s3], $0xF7A  }
0x26: {  	[smem:$0x3F9A] =	sst s1;
	(tag) =	ssettag s2;
	_ =	strace s9  }
0x27: {  	s1 =	sld [smem:$0x3FAA]  }
0x28: {  	s2 =	sld [smem:$0x3FAB]  }
0x29: {  	s4 =	sld [smem:$0x3FAD]  }
0x2a: {  	p0 =	seq.s32 s5, $0x0;
	s5 =	sld [smem:$0x3FAE]  }
0x2b: {  	s6 =	sld [smem:$0x3FAF]  }
0x2c: {  	s7 =	sld [smem:$0x3FB0]  }
0x2d: {  	s3 =	simm.s32 $0x108;
	s8 =	sld [smem:$0x3FB1]  }
0x2e: {  	s3 =	simm.s32 @!p0 $0x1082;
	s9 =	sld [smem:$0x3FB2]  }
0x2f: {  	lr =	sadd.s32 s0, s3;
	s0 =	sld [smem:$0x3FA9]  }
0x30: {  	s3 =	sld [smem:$0x3FAC]  }
0x31: {  	[smem:$0x3FB5] =	sst s10  }
0x32: {  	s10 =	sld [smem:$0x3FB3];
	_ =	sdelay $0x3  }
0x33: {  	p0 =	seq.s32 s10, $0x1;
	s10 =	sld [smem:$0x3FB5];
	_ =	sdelay $0x3  }
0x34: {  	[smem:$0x3FB5] =	sst s10  }
0x35: {  	s10 =	sld [smem:$0x3FB4];
	_ =	sdelay $0x3  }
0x36: {  	p1 =	seq.s32 s10, $0x1;
	s10 =	sld [smem:$0x3FB5];
	_ =	sdelay $0x3  }
0x37: {  	[smem:$0x3FB5] =	sst s10  }
0x38: {  	s10 =	sld [smem:$0x3FB6]  }
0x39: {  	_ = 	snop;
	(pc) =	sbr.ind lr, $3  }
0x3a: {  	_ = 	snop  }
0x3b: {  	_ = 	snop  }
0x3c: {  	p2 =	seq.s32 s10, $0x1;
	s10 =	sld [smem:$0x3FB5]  }
0x3d: {  	_ =	shalt  }
0x3e: {  	_ =	shalt  }
0x3f: {  	_ =	shalt  }
0x40: {  	_ =	shalt  }
0x41: {  	_ =	shalt  }
0x42: {  	_ =	shalt  }
0x43: {  	_ =	shalt  }
0x44: {  	_ =	shalt  }
0x45: {  	_ =	shalt  }
0x46: {  	_ =	shalt  }
0x47: {  	_ =	shalt  }
0x48: {  	_ =	shalt  }
0x49: {  	_ =	shalt  }
0x4a: {  	_ =	shalt  }
0x4b: {  	_ =	shalt  }
0x4c: {  	_ =	shalt  }
0x4d: {  	_ =	shalt  }
0x4e: {  	_ =	shalt  }
0x4f: {  	_ =	shalt  }
0x50: {  	_ =	shalt  }
0x51: {  	_ =	shalt  }
0x52: {  	_ =	shalt  }
0x53: {  	_ =	shalt  }
0x54: {  	_ =	shalt  }
0x55: {  	_ =	shalt  }
0x56: {  	_ =	shalt  }
0x57: {  	_ =	shalt  }
0x58: {  	_ =	shalt  }
0x59: {  	_ =	shalt  }
0x5a: {  	_ =	shalt  }
0x5b: {  	_ =	shalt  }
0x5c: {  	_ =	shalt  }
0x5d: {  	_ =	shalt  }
0x5e: {  	_ =	shalt  }
0x5f: {  	_ =	shalt  }
0x60: {  	_ =	shalt  }
0x61: {  	_ =	shalt  }
0x62: {  	_ =	shalt  }
0x63: {  	_ =	shalt  }
0x64: {  	_ =	shalt  }
0x65: {  	_ =	shalt  }
0x66: {  	_ =	shalt  }
0x67: {  	_ =	shalt  }
0x68: {  	_ =	shalt  }
0x69: {  	_ =	shalt  }
0x6a: {  	_ =	shalt  }
0x6b: {  	_ =	shalt  }
0x6c: {  	_ =	shalt  }
0x6d: {  	_ =	shalt  }
0x6e: {  	_ =	shalt  }
0x6f: {  	_ =	shalt  }
0x70: {  	_ =	shalt  }
0x71: {  	_ =	shalt  }
0x72: {  	_ =	shalt  }
0x73: {  	_ =	shalt  }
0x74: {  	_ =	shalt  }
0x75: {  	_ =	shalt  }
0x76: {  	_ =	shalt  }
0x77: {  	_ =	shalt  }
0x78: {  	_ =	shalt  }
0x79: {  	_ =	shalt  }
0x7a: {  	_ =	shalt  }
0x7b: {  	_ =	shalt  }
0x7c: {  	_ =	shalt  }
0x7d: {  	_ =	shalt  }
0x7e: {  	_ =	shalt  }
0x7f: {  	_ =	shalt  }
0x80: {  	_ =	shalt  }
0x81: {  	_ =	shalt  }
0x82: {  	_ =	shalt  }
0x83: {  	_ =	shalt  }
0x84: {  	_ =	shalt  }
0x85: {  	_ =	shalt  }
0x86: {  	_ =	shalt  }
0x87: {  	_ =	shalt  }
.Lfunc_end0:
.L_simem_size_0:
called_computation.2_lowered:
.L_overlay_start_0:
0x88: {  	s2 =	sld [smem:$0x3FD9]  }
0x89: {  	s3 =	sld [smem:$0x3FFE];
	_ =	sdelay $0x1  }
0x8a: {  	s1 =	srdreg.scid  }
0x8b: {  	s0 =	sand.u32 $0x1, s1  }
0x8c: {  	s17 =	sshll.u32 s0, $0xA;
	s2 =	sadd.s32 s3, s2  }
0x8d: {  	s2 =	sadd.s32 s2, s17  }
0x8e: {  	[smem:$0x3FC1] =	sst s2  }
0x8f: {  	_ = 	snop  }
0x90: {  	s2 =	sld [smem:$0x3FC7];
	(tm) =	ssettm $0x1  }
0x91: {  	s18 =	sld [smem:$0x3FFB];
	_ =	sdelay $0x3  }
0x92: {  	_ =	strace s18  }
0x93: {  	s3 =	sld [smem:$0x3FFC];
	_ =	sdelay $0x3  }
0x94: {  	_ =	strace s3  }
0x95: {  	s3 =	sld [smem:$0x3FFD];
	_ =	sdelay $0x3  }
0x96: {  	_ =	strace s3  }
0x97: {  	_ =	strace $0x8FFFFFFF  }
0x98: {  	s19 =	sld [smem:$0x3FDB];
	_ =	sdelay $0x1  }
0x99: {  	s4 =	simm.s32 $_scs_section_size  }
0x9a: {  	s5 =	simm.s32 $_size__tile_overlayer_lowered;
	s6 =	simm.s32 $_tile_overlayer_lowered  }
0x9b: {  	s22 =	simm.s32 $0x1BFF;
	s21 =	sshll.u32 s6, $0x1;
	s3 =	sadd.s32 s4, s19  }
0x9c: {  	s7 =	simm.s32 $0x0;
	s20 =	sshll.u32 s5, $0x1;
	s5 =	sadd.s32 s21, s3  }
0x9d: {  	[timem:s7], [sflag:s22] =	dma.local [hbm:s5], s20  }
0x9e: {  	_ =	swait.ge [sflag:s22], s20  }
0x9f: {  	s4 =	ssub.s32 $0x0, s20;
	[sflag:s22] =	ssyncset.done $0x0  }
0xa0: {  	[sflag:s22] =	ssyncadd.s32 s4;
	_ =	sdelay $0x1  }
0xa1: {  	s23 =	simm.s32 $0x1B8B  }
0xa2: {  	_ =	swait.ge [sflag:s23], $0x1  }
0xa3: {  	[sflag:s23] =	ssyncset.done $0x0  }
0xa4: {  	s25 =	simm.s32 $0x1B8E;
	s24 =	sld [smem:$0x3FFE];
	[sflag:s23] =	ssyncadd.s32 $0xFFFFFFFF  }
0xa5: {  	s26 =	simm.s32 $execute0_lowered;
	[smem:$0x3FD2] =	sst s25  }
0xa6: {  	s5 =	sshll.u32 s26, $0x1;
	_ =	strace $0x8000004C;
	[dreg:$0x1] =	wrdreg $0xFFFFFFFF  }
0xa7: {  	s28 =	simm.s32 $_size_execute0_lowered;
	s3 =	sadd.s32 s3, s5;
	[dreg:$0x0] =	wrdreg $0x0  }
0xa8: {  	s5 =	sshll.u32 s28, $0x1;
	[dreg:$0x2] =	wrdreg s3  }
0xa9: {  	[dreg:$0x3] =	wrdreg s5  }
0xaa: {  	[dreg:$0x4] =	wrdreg $0xC0  }
0xab: {  	_ =	task [dreg:s7], $0x5FFFF  }
0xac: {  	[dreg:$0x1] =	wrdreg $0xFFFFFFFF  }
0xad: {  	[dreg:$0x0] =	wrdreg $0x60  }
0xae: {  	[dreg:$0x2] =	wrdreg s24  }
0xaf: {  	[dreg:$0x3] =	wrdreg s2  }
0xb0: {  	[dreg:$0x4] =	wrdreg $0x9F600  }
0xb1: {  	[dreg:$0x5] =	wrdreg $0x9  }
0xb2: {  	_ =	task.clear_ibuf [dreg:s7], $0x6FFFF;
	_ =	strace $0x9000004C  }
0xb3: {  	s29 =	simm.s32 $0x9;
	_ =	strace $0x8000004E  }
0xb4: {  	_ =	swait.ge [sflag:s29], $0x1  }
0xb5: {  	[sflag:s29] =	ssyncadd.s32 $0xFFFFFFFF  }
0xb6: {  	_ =	strace $0x9000004E  }
0xb7: {  	_ =	sfence  }
0xb8: {  	s30 =	sld [smem:$0x0];
	_ =	sdelay $0x2  }
0xb9: {  	s31 =	sshll.u32 s1, $0xD;
	s1 =	sshrl.u32 s1, $0x2  }
0xba: {  	s3 =	sand.u32 $0x4000, s31;
	s1 =	sadd.s32 s1, s30  }
0xbb: {  	s0 =	sor.u32 s3, s0;
	s1 =	sshll.u32 s1, $0x11  }
0xbc: {  	s0 =	sor.u32 s1, s0  }
0xbd: {  	s0 =	sadd.s32 $0x8F2B, s0  }
0xbe: {  	[sflag:s0] =	ssyncadd.remote.s32 $0x1  }
0xbf: {  	_ =	sfence.sel $0xFFFF  }
0xc0: {  	[dreg:$0x0] =	wrdreg $0xFFFFFFFF;
	(pc) =	sbr.abs _section_cstart, $3  }
0xc1: {  	[dreg:$0x1] =	wrdreg $0xFFFFFFFF  }
0xc2: {  	_ =	task.clear_ibuf [dreg:s7], $0x2FFFF;
	_ =	strace $0x9FFFFFFF  }
0xc3: {  	(tm) =	ssettm $0x7FFFFFFF  }
tec
execute0_lowered:
.L_overlay_start_1:
0x0: {  	(tag) =	ssettag $0x1  }
0x1: {  	s5 =	rddreg [dreg:$0x0]  }
0x2: {  	s0 =	srdreg.scid;
	s8 =	rddreg [dreg:$0x1]  }
0x3: {  	s2 =	rddreg [dreg:$0x2];
	s3 =	simm.s32 $0x0;
	s14 =	simm.s32 $0x4E20  }
0x4: {  	s15 =	simm.s32 $0x7530;
	s16 =	simm.s32 $0x50;
	s17 =	simm.s32 $0x9C40  }
0x5: {  	s18 =	simm.s32 $0x2760;
	s19 =	simm.s32 $0x9C90;
	s20 =	simm.s32 $0x1  }
0x6: {  	s21 =	simm.s32 $0x2;
	s4 =	sand.u32 $0x1, s0;
	s0 =	stileid.u32  }
0x7: {  	s22 =	simm.s32 $0x4DD0;
	s25 =	simm.s32 $0x0;
	s6 =	smul.u32 $0x280, s0  }
0x8: {  	[smem:$0x7FF] =	sst s3;
	s1 =	sshll.u32 s4, $0x4;
	s7 =	smul.u32 $0x2800, s4  }
0x9: {  	s11 =	ssub.s32 $0x2, s4;
	s4 =	sadd.s32 $0x14E00, s5;
	s23 =	sshll.u32 s0, $0x6  }
0xa: {  	s1 =	sor.u32 s0, s1;
	s12 =	sshrl.u32 s11, $0x1;
	s23 =	sor.u32 $0x1C03, s23  }
0xb: {  	s9 =	smul.u32 $0x4E2, s1;
	s1 =	rddreg [dreg:$0x3];
	s7 =	sadd.s32 s6, s7  }
0xc: {  	_ =	strace $0x8000004D;
	s11 =	ssub.s32 s11, s12;
	s7 =	sshrl.u32 s7, $0x3  }
0xd: {  	s12 =	simm.s32 $0x3;
	s10 =	sadd.s32 s9, s5;
	s13 =	sadd.s32 s7, s5  }
0xe: {  	s5 =	sadd.s32 s6, s2;
	s8 =	sadd.s32 s8, s9;
	s6 =	sadd.s32 $0xB000, s10  }
0xf: {  	s7 =	sadd.s32 $0x1200, s10;
	s9 =	sadd.s32 $0x15400, s13;
	s10 =	smax.u32 s11, $0x1  }
0x10: {  	v0 =	vimm.f32 $0.0e+00;
	s11 =	simm.s32 $0x9CE0;
	s13 =	simm.s32 $0x2710;
	s24 =	sshrl.u32 s5, $0x3  }
.LBB2_1:
0x11: {  	[tilespmem:$0x9CE0] =	vst v0  }
0x12: {  	[tilespmem:$0x9CF0] =	vst v0  }
0x13: {  	[tilespmem:$0x9D00] =	vst v0  }
0x14: {  	[tilespmem:$0x9D10] =	vst v0  }
0x15: {  	[tilespmem:$0x9D20] =	vst v0  }
0x16: {  	[tilespmem:$0x9D30] =	vst v0  }
0x17: {  	[tilespmem:$0x9D40] =	vst v0  }
0x18: {  	[tilespmem:$0x9D50] =	vst v0  }
0x19: {  	[tilespmem:$0x9D60] =	vst v0  }
0x1a: {  	[tilespmem:$0x9D70] =	vst v0  }
0x1b: {  	[tilespmem:$0x9D80] =	vst v0  }
0x1c: {  	[tilespmem:$0x9D90] =	vst v0  }
0x1d: {  	[tilespmem:$0x9DA0] =	vst v0  }
0x1e: {  	[tilespmem:$0x9DB0] =	vst v0  }
0x1f: {  	[tilespmem:$0x9DC0] =	vst v0  }
0x20: {  	[tilespmem:$0x9DD0] =	vst v0  }
0x21: {  	[tilespmem:$0x9DE0] =	vst v0  }
0x22: {  	[tilespmem:$0x9DF0] =	vst v0  }
0x23: {  	[tilespmem:$0x9E00] =	vst v0  }
0x24: {  	[tilespmem:$0x9E10] =	vst v0  }
0x25: {  	[tilespmem:$0x9E20] =	vst v0  }
0x26: {  	[tilespmem:$0x9E30] =	vst v0  }
0x27: {  	[tilespmem:$0x9E40] =	vst v0  }
0x28: {  	[tilespmem:$0x9E50] =	vst v0  }
0x29: {  	[tilespmem:$0x9E60] =	vst v0  }
0x2a: {  	[tilespmem:$0x9E70] =	vst v0  }
0x2b: {  	[tilespmem:$0x9E80] =	vst v0  }
0x2c: {  	[tilespmem:$0x9E90] =	vst v0  }
0x2d: {  	[tilespmem:$0x9EA0] =	vst v0  }
0x2e: {  	[tilespmem:$0x9EB0] =	vst v0  }
0x2f: {  	[tilespmem:$0x9EC0] =	vst v0  }
0x30: {  	[tilespmem:$0x9ED0] =	vst v0  }
0x31: {  	[tilespmem:$0x9EE0] =	vst v0  }
0x32: {  	[tilespmem:$0x9EF0] =	vst v0  }
0x33: {  	[tilespmem:$0x9F00] =	vst v0  }
0x34: {  	[tilespmem:$0x9F10] =	vst v0  }
0x35: {  	[tilespmem:$0x9F20] =	vst v0  }
0x36: {  	[tilespmem:$0x9F30] =	vst v0  }
0x37: {  	[tilespmem:$0x9F40] =	vst v0  }
0x38: {  	[tilespmem:$0x9F50] =	vst v0  }
0x39: {  	[spmem:s5] =	stream.linear.scatter [tilespmem:s11], [sflag:$0x3], $0x280, $0x38;
	[tilespmem:$0xA1E0] =	vst v63  }
0x3a: {  	_ =	swait.ge [sflag:s12], $0x280  }
0x3b: {  	[sflag:s12] =	ssyncset.done $0x0  }
0x3c: {  	[sflag:s12] =	ssyncadd.s32 $0xFFFFFD80  }
0x3d: {  	[bflag:$0x0] =	sbarrier.arrive $0xFFFF  }
0x3e: {  	[tilespmem:s3], [sflag:$0x3] =	stream.linear.gather [hbm4b:s6+s3], $0x2710, $0x38;
	[tilespmem:$0xA1E0] =	vst v63  }
0x3f: {  	_ =	swait.ge [sflag:s12], $0x2710  }
0x40: {  	[sflag:s12] =	ssyncset.done $0x0  }
0x41: {  	[sflag:s12] =	ssyncadd.s32 $0xFFFFD8F0  }
0x42: {  	[tilespmem:s13], [sflag:$0x3] =	stream.linear.gather [hbm4b:s7+s3], $0x2710, $0x38;
	[tilespmem:$0xA1E0] =	vst v63  }
0x43: {  	_ =	swait.ge [sflag:s12], $0x2710  }
0x44: {  	[sflag:s12] =	ssyncset.done $0x0  }
0x45: {  	[sflag:s12] =	ssyncadd.s32 $0xFFFFD8F0  }
0x46: {  	[tilespmem:s14], [sflag:$0x3] =	stream.linear.gather [hbm4b:s8+s3], $0x2710, $0x38;
	[tilespmem:$0xA1E0] =	vst v63  }
0x47: {  	_ =	swait.ge [sflag:s12], $0x2710  }
0x48: {  	[sflag:s12] =	ssyncset.done $0x0  }
0x49: {  	[sflag:s12] =	ssyncadd.s32 $0xFFFFD8F0  }
0x4a: {  	[tilespmem:s15], [sflag:$0x3] =	stream.linear.gather [hbm4b:s4+s3], $0x2710, $0x38;
	[tilespmem:$0xA1E0] =	vst v63  }
0x4b: {  	_ =	swait.ge [sflag:s12], $0x2710  }
0x4c: {  	[sflag:s12] =	ssyncset.done $0x0  }
0x4d: {  	[sflag:s12] =	ssyncadd.s32 $0xFFFFD8F0  }
0x4e: {  	v1 =	vld [tilespmem:$0x0];
	_ =	sdelay $0x5  }
0x4f: {  	v2 =	vld [tilespmem:$0x4E20]  }
0x50: {  	v3 =	vld [tilespmem:$0x10]  }
0x51: {  	v1 =	vld.idx.msk [tilespmem:v1+s15+$0x0], $0xffff;
	_ =	sdelay $0x4  }
0x52: {  	v1 =	vmul.f32 v2, v1;
	_ =	sdelay $0x1  }
0x53: {  	v2 =	vld [tilespmem:$0x4E30];
	[tilespmem:$0x9C40] =	vst v1  }
0x54: {  	v1 =	vld.idx.msk [tilespmem:v3+s15+$0x0], $0xffff  }
0x55: {  	v3 =	vld [tilespmem:$0x20];
	_ =	sdelay $0x4  }
0x56: {  	v1 =	vmul.f32 v2, v1;
	_ =	sdelay $0x1  }
0x57: {  	v2 =	vld [tilespmem:$0x4E40];
	[tilespmem:$0x9C50] =	vst v1  }
0x58: {  	v1 =	vld.idx.msk [tilespmem:v3+s15+$0x0], $0xffff  }
0x59: {  	v3 =	vld [tilespmem:$0x30];
	_ =	sdelay $0x4  }
0x5a: {  	v1 =	vmul.f32 v2, v1;
	_ =	sdelay $0x1  }
0x5b: {  	v2 =	vld [tilespmem:$0x4E50];
	[tilespmem:$0x9C60] =	vst v1  }
0x5c: {  	v1 =	vld.idx.msk [tilespmem:v3+s15+$0x0], $0xffff  }
0x5d: {  	v3 =	vld [tilespmem:$0x40];
	_ =	sdelay $0x4  }
0x5e: {  	v1 =	vmul.f32 v2, v1;
	_ =	sdelay $0x1  }
0x5f: {  	v2 =	vld [tilespmem:$0x4E60];
	[tilespmem:$0x9C70] =	vst v1  }
0x60: {  	v1 =	vld.idx.msk [tilespmem:v3+s15+$0x0], $0xffff;
	_ =	sdelay $0x4  }
0x61: {  	v1 =	vmul.f32 v2, v1;
	_ =	sdelay $0x1  }
0x62: {  	[tilespmem:$0x9C80] =	vst v1  }
0x63: {  	[spmem:s2] =	stream.indirect.scatter.add.f32 [tilespmem:s17], [sflag:$0x1], $0x1, s13, s16, $0xb8;
	[tilespmem:$0xA1E0] =	vst v63  }
0x64: {  	v1 =	vld [tilespmem:$0x50];
	_ =	sdelay $0x5  }
0x65: {  	v2 =	vld [tilespmem:$0x4E70]  }
0x66: {  	v3 =	vld [tilespmem:$0x60]  }
0x67: {  	v1 =	vld.idx.msk [tilespmem:v1+s15+$0x0], $0xffff;
	_ =	sdelay $0x4  }
0x68: {  	v1 =	vmul.f32 v2, v1;
	_ =	sdelay $0x1  }
0x69: {  	v2 =	vld [tilespmem:$0x4E80];
	[tilespmem:$0x9C90] =	vst v1  }
0x6a: {  	v1 =	vld.idx.msk [tilespmem:v3+s15+$0x0], $0xffff  }
0x6b: {  	v3 =	vld [tilespmem:$0x70];
	_ =	sdelay $0x4  }
0x6c: {  	v1 =	vmul.f32 v2, v1;
	_ =	sdelay $0x1  }
0x6d: {  	v2 =	vld [tilespmem:$0x4E90];
	[tilespmem:$0x9CA0] =	vst v1  }
0x6e: {  	v1 =	vld.idx.msk [tilespmem:v3+s15+$0x0], $0xffff  }
0x6f: {  	v3 =	vld [tilespmem:$0x80];
	_ =	sdelay $0x4  }
0x70: {  	v1 =	vmul.f32 v2, v1;
	_ =	sdelay $0x1  }
0x71: {  	v2 =	vld [tilespmem:$0x4EA0];
	[tilespmem:$0x9CB0] =	vst v1  }
0x72: {  	v1 =	vld.idx.msk [tilespmem:v3+s15+$0x0], $0xffff  }
0x73: {  	v3 =	vld [tilespmem:$0x90];
	_ =	sdelay $0x4  }
0x74: {  	v1 =	vmul.f32 v2, v1;
	_ =	sdelay $0x1  }
0x75: {  	v2 =	vld [tilespmem:$0x4EB0];
	[tilespmem:$0x9CC0] =	vst v1  }
0x76: {  	v1 =	vld.idx.msk [tilespmem:v3+s15+$0x0], $0xffff;
	_ =	sdelay $0x4  }
0x77: {  	v1 =	vmul.f32 v2, v1;
	_ =	sdelay $0x1  }
0x78: {  	s26 =	simm.s32 $0x4C0;
	[tilespmem:$0x9CD0] =	vst v1  }
0x79: {  	[spmem:s2] =	stream.indirect.scatter.add.f32 [tilespmem:s19], [sflag:$0x2], $0x1, s18, s16, $0xb8;
	[tilespmem:$0xA1E0] =	vst v63  }
.LBB2_2:
0x7a: {  	_ =	swait.ge [sflag:s20], $0x50  }
0x7b: {  	[sflag:s20] =	ssyncset.done $0x0  }
0x7c: {  	s28 =	sshra.s32 s26, $0x2;
	[sflag:s20] =	ssyncadd.s32 $0xFFFFFFB0  }
0x7d: {  	v1 =	vld [tilespmem:s28+$0xFFFFFF70];
	_ =	sdelay $0x6  }
0x7e: {  	v2 =	vld [tilespmem:s28+$0x4D90]  }
0x7f: {  	v1 =	vld.idx.msk [tilespmem:v1+s15+$0x0], $0xffff;
	_ =	sdelay $0x4  }
0x80: {  	v1 =	vmul.f32 v2, v1;
	_ =	sdelay $0x1  }
0x81: {  	[tilespmem:$0x9C40] =	vst v1  }
0x82: {  	v1 =	vld [tilespmem:s28+$0xFFFFFF80];
	_ =	sdelay $0x6  }
0x83: {  	v2 =	vld [tilespmem:s28+$0x4DA0]  }
0x84: {  	v1 =	vld.idx.msk [tilespmem:v1+s15+$0x0], $0xffff;
	_ =	sdelay $0x4  }
0x85: {  	v1 =	vmul.f32 v2, v1;
	_ =	sdelay $0x1  }
0x86: {  	[tilespmem:$0x9C50] =	vst v1  }
0x87: {  	v1 =	vld [tilespmem:s28+$0xFFFFFF90];
	_ =	sdelay $0x6  }
0x88: {  	v2 =	vld [tilespmem:s28+$0x4DB0]  }
0x89: {  	v1 =	vld.idx.msk [tilespmem:v1+s15+$0x0], $0xffff;
	_ =	sdelay $0x4  }
0x8a: {  	v1 =	vmul.f32 v2, v1;
	_ =	sdelay $0x1  }
0x8b: {  	[tilespmem:$0x9C60] =	vst v1  }
0x8c: {  	v1 =	vld [tilespmem:s28+$0xFFFFFFA0];
	_ =	sdelay $0x6  }
0x8d: {  	v2 =	vld [tilespmem:s28+$0x4DC0]  }
0x8e: {  	v1 =	vld.idx.msk [tilespmem:v1+s15+$0x0], $0xffff;
	_ =	sdelay $0x4  }
0x8f: {  	v1 =	vmul.f32 v2, v1;
	_ =	sdelay $0x1  }
0x90: {  	[tilespmem:$0x9C70] =	vst v1  }
0x91: {  	v1 =	vld [tilespmem:s28+$0xFFFFFFB0];
	_ =	sdelay $0x6  }
0x92: {  	v2 =	vld [tilespmem:s28+$0x4DD0]  }
0x93: {  	v1 =	vld.idx.msk [tilespmem:v1+s15+$0x0], $0xffff;
	_ =	sdelay $0x4  }
0x94: {  	v1 =	vmul.f32 v2, v1;
	_ =	sdelay $0x1  }
0x95: {  	s29 =	sadd.s32 $0x2680, s28;
	[tilespmem:$0x9C80] =	vst v1  }
0x96: {  	[spmem:s2] =	stream.indirect.scatter.add.f32 [tilespmem:s17], [sflag:$0x1], $0x1, s29, s16, $0xb8;
	[tilespmem:$0xA1E0] =	vst v63  }
0x97: {  	_ =	swait.ge [sflag:s21], $0x50  }
0x98: {  	[sflag:s21] =	ssyncset.done $0x0  }
0x99: {  	[sflag:s21] =	ssyncadd.s32 $0xFFFFFFB0  }
0x9a: {  	v1 =	vld [tilespmem:s28+$0xFFFFFFC0];
	_ =	sdelay $0x6  }
0x9b: {  	v2 =	vld [tilespmem:s28+$0x4DE0]  }
0x9c: {  	v1 =	vld.idx.msk [tilespmem:v1+s15+$0x0], $0xffff;
	_ =	sdelay $0x4  }
0x9d: {  	v1 =	vmul.f32 v2, v1;
	_ =	sdelay $0x1  }
0x9e: {  	[tilespmem:$0x9C90] =	vst v1  }
0x9f: {  	v1 =	vld [tilespmem:s28+$0xFFFFFFD0];
	_ =	sdelay $0x6  }
0xa0: {  	v2 =	vld [tilespmem:s28+$0x4DF0]  }
0xa1: {  	v1 =	vld.idx.msk [tilespmem:v1+s15+$0x0], $0xffff;
	_ =	sdelay $0x4  }
0xa2: {  	v1 =	vmul.f32 v2, v1;
	_ =	sdelay $0x1  }
0xa3: {  	[tilespmem:$0x9CA0] =	vst v1  }
0xa4: {  	v1 =	vld [tilespmem:s28+$0xFFFFFFE0];
	_ =	sdelay $0x6  }
0xa5: {  	v2 =	vld [tilespmem:s28+$0x4E00]  }
0xa6: {  	v1 =	vld.idx.msk [tilespmem:v1+s15+$0x0], $0xffff;
	_ =	sdelay $0x4  }
0xa7: {  	v1 =	vmul.f32 v2, v1;
	_ =	sdelay $0x1  }
0xa8: {  	[tilespmem:$0x9CB0] =	vst v1  }
0xa9: {  	v1 =	vld [tilespmem:s28+$0xFFFFFFF0];
	_ =	sdelay $0x6  }
0xaa: {  	v2 =	vld [tilespmem:s28+$0x4E10]  }
0xab: {  	v1 =	vld.idx.msk [tilespmem:v1+s15+$0x0], $0xffff;
	_ =	sdelay $0x4  }
0xac: {  	v1 =	vmul.f32 v2, v1;
	_ =	sdelay $0x1  }
0xad: {  	[tilespmem:$0x9CC0] =	vst v1  }
0xae: {  	v1 =	vld [tilespmem:s28+$0x0];
	_ =	sdelay $0x6  }
0xaf: {  	v2 =	vld [tilespmem:s28+$0x4E20]  }
0xb0: {  	v1 =	vld.idx.msk [tilespmem:v1+s15+$0x0], $0xffff;
	_ =	sdelay $0x2  }
0xb1: {  	p0 =	sne.s32 s26, $0x9AC0  }
.Ltmp0:
0xb2: {  	_ = 	snop;
	(pc) =	sbr.rel @p0 .LBB2_2-.Ltmp0, $3  }
0xb3: {  	v1 =	vmul.f32 v2, v1;
	_ =	sdelay $0x1  }
0xb4: {  	s26 =	sadd.s32 $0x280, s26;
	s28 =	sadd.s32 $0x26D0, s28;
	[tilespmem:$0x9CD0] =	vst v1  }
0xb5: {  	[spmem:s2] =	stream.indirect.scatter.add.f32 [tilespmem:s19], [sflag:$0x2], $0x1, s28, s16, $0xb8;
	[tilespmem:$0xA1E0] =	vst v63  }
0xb6: {  	_ =	swait.ge [sflag:s20], $0x50  }
0xb7: {  	[sflag:s20] =	ssyncset.done $0x0  }
0xb8: {  	[sflag:s20] =	ssyncadd.s32 $0xFFFFFFB0  }
0xb9: {  	v1 =	vld [tilespmem:$0x26C0];
	_ =	sdelay $0x5  }
0xba: {  	v2 =	vld [tilespmem:$0x74E0]  }
0xbb: {  	v3 =	vld [tilespmem:$0x26D0]  }
0xbc: {  	v1 =	vld.idx.msk [tilespmem:v1+s15+$0x0], $0xffff;
	_ =	sdelay $0x4  }
0xbd: {  	v1 =	vmul.f32 v2, v1;
	_ =	sdelay $0x1  }
0xbe: {  	v2 =	vld [tilespmem:$0x74F0];
	[tilespmem:$0x9C40] =	vst v1  }
0xbf: {  	v1 =	vld.idx.msk [tilespmem:v3+s15+$0x0], $0xffff  }
0xc0: {  	v3 =	vld [tilespmem:$0x26E0];
	_ =	sdelay $0x4  }
0xc1: {  	v1 =	vmul.f32 v2, v1;
	_ =	sdelay $0x1  }
0xc2: {  	v2 =	vld [tilespmem:$0x7500];
	[tilespmem:$0x9C50] =	vst v1  }
0xc3: {  	v1 =	vld.idx.msk [tilespmem:v3+s15+$0x0], $0xffff  }
0xc4: {  	v3 =	vld [tilespmem:$0x26F0];
	_ =	sdelay $0x4  }
0xc5: {  	v1 =	vmul.f32 v2, v1;
	_ =	sdelay $0x1  }
0xc6: {  	v2 =	vld [tilespmem:$0x7510];
	[tilespmem:$0x9C60] =	vst v1  }
0xc7: {  	v1 =	vld.idx.msk [tilespmem:v3+s15+$0x0], $0xffff  }
0xc8: {  	v3 =	vld [tilespmem:$0x2700];
	_ =	sdelay $0x4  }
0xc9: {  	v1 =	vmul.f32 v2, v1;
	_ =	sdelay $0x1  }
0xca: {  	v2 =	vld [tilespmem:$0x7520];
	[tilespmem:$0x9C70] =	vst v1  }
0xcb: {  	v1 =	vld.idx.msk [tilespmem:v3+s15+$0x0], $0xffff;
	_ =	sdelay $0x4  }
0xcc: {  	v1 =	vmul.f32 v2, v1;
	_ =	sdelay $0x1  }
0xcd: {  	[tilespmem:$0x9C80] =	vst v1  }
0xce: {  	[spmem:s2] =	stream.indirect.scatter.add.f32 [tilespmem:s17], [sflag:$0x1], $0x1, s22, s16, $0xb8;
	[tilespmem:$0xA1E0] =	vst v63  }
0xcf: {  	_ =	swait.ge [sflag:s20], $0x50  }
0xd0: {  	[sflag:s20] =	ssyncset.done $0x0  }
0xd1: {  	[sflag:s20] =	ssyncadd.s32 $0xFFFFFFB0  }
0xd2: {  	_ =	swait.ge [sflag:s21], $0x50  }
0xd3: {  	s25 =	sadd.s32 $0x1, s25;
	[sflag:s21] =	ssyncset.done $0x0  }
0xd4: {  	p0 =	sne.s32 s25, s10;
	[sflag:s21] =	ssyncadd.s32 $0xFFFFFFB0  }
.Ltmp1:
0xd5: {  	[bflag:$0x0] =	sbarrier.arrive $0xFFFF;
	(pc) =	sbr.rel @p0 .LBB2_1-.Ltmp1, $4  }
0xd6: {  	[hbm:s9], [sflag:s23] =	dma.local [spmem:s24], $0x50  }
0xd7: {  	_ =	swait.ge [sflag:s12], $0x50  }
0xd8: {  	[sflag:s12] =	ssyncset.done $0x0  }
0xd9: {  	[sflag:s12] =	ssyncadd.s32 $0xFFFFFFB0  }
0xda: {  	_ =	sfence.sel $0x180000  }
0xdb: {  	[bflag:$0x0] =	sbarrier.arrive $0xFFFF  }
0xdc: {  	p0 =	sne.s32 s0, $0x0;
	_ =	strace $0x9000004D  }
0xdd: {  	s0 =	sadd.s32 @!p0 $0x100000, s1;
	[bflag:$0x2] =	sbarrier.arrive $0xFFFF  }
0xde: {  	[sflag:s0] =	ssyncadd.tile.s32 @!p0 $0x1;
	_ =	shalt  }
.Lfunc_end2:
_tile_overlayer_lowered:
.L_overlay_start_2:
0xdf: {  	(tag) =	ssettag $0x2  }
0xe0: {  	s0 =	rddreg [dreg:$0x0];
	s2 =	stileid.u32  }
0xe1: {  	s1 =	rddreg [dreg:$0x1];
	p0 =	sne.s32 s2, $0x0  }
0xe2: {  	s3 =	rddreg [dreg:$0x2];
	[bflag:$0x3] =	sbarrier.arrive $0xFFFF;
	s2 =	simm.s32 @!p0 $0x1C03  }
0xe3: {  	[timem:s3], [sflag:s2] =	dma.local @!p0 [hbm:s0], s1  }
0xe4: {  	s0 =	simm.s32 @!p0 $0x3  }
0xe5: {  	_ =	swait.ge @!p0 [sflag:s0], s1  }
0xe6: {  	s1 =	ssub.s32 @!p0 $0x0, s1;
	[sflag:s0] =	ssyncset.done @!p0 $0x0  }
0xe7: {  	[sflag:s0] =	ssyncadd.s32 @!p0 s1  }
0xe8: {  	[bflag:$0x3] =	sbarrier.arrive $0xFFFF  }
0xe9: {  	_ =	shalt  }

// kernel: kernel.8.cloned.1.call-start
scs
__scs_entry_jumppad:
0x0: {  	(pc) =	sbr.rel $0x88, $3  }
0x1: {  	(tag) =	ssettag $0x0;
	lr =	simm.s32 $0x1  }
0x2: {  	[smem:$0x3F9A] =	sst lr;
	_ =	strace $0xD0000000  }
0x3: {  	_ = 	snop  }
0x4: {  	_ = 	snop  }
0x5: {  	_ = 	snop  }
0x6: {  	_ = 	snop  }
0x7: {  	_ = 	snop  }
__scs_overlays_trampoline_lowered:
0x8: {  	[smem:$0x3FA9] =	sst s0  }
0x9: {  	[smem:$0x3FAA] =	sst s1  }
0xa: {  	[smem:$0x3FAB] =	sst s2  }
0xb: {  	[smem:$0x3FAC] =	sst s3  }
0xc: {  	[smem:$0x3FAD] =	sst s4  }
0xd: {  	[smem:$0x3FAE] =	sst s5  }
0xe: {  	[smem:$0x3FAF] =	sst s6  }
0xf: {  	[smem:$0x3FB0] =	sst s7  }
0x10: {  	[smem:$0x3FB1] =	sst s8  }
0x11: {  	[smem:$0x3FB2] =	sst s9;
	s0 =	simm.s32 @!p0 $0x0  }
0x12: {  	s1 =	sld [smem:$0x3F98];
	s0 =	simm.s32 @p0 $0x1  }
0x13: {  	[smem:$0x3FB3] =	sst s0;
	s0 =	simm.s32 @!p1 $0x0  }
0x14: {  	s2 =	sld [smem:$0x3F97];
	s0 =	simm.s32 @p1 $0x1  }
0x15: {  	[smem:$0x3FB4] =	sst s0;
	s0 =	simm.s32 @!p2 $0x0  }
0x16: {  	s3 =	sld [smem:$0x3FDB];
	s0 =	simm.s32 @p2 $0x1  }
0x17: {  	s4 =	simm.s32 $0x1BF5;
	[smem:$0x3FB6] =	sst s0  }
0x18: {  	s0 =	sld [smem:$0x3F99];
	_ =	swait.ge [sflag:s4], $0x0  }
0x19: {  	s7 =	sld [smem:$0x3F9A]  }
0x1a: {  	s8 =	sadd.s32 $0xFFFFE003, lr  }
0x1b: {  	s9 =	sadd.s32 $0xFFFFFEF7, lr;
	s5 =	simm.s32 $0xFFFFFFFF;
	p2 =	slt.u32 s8, $0xFFFFF086  }
0x1c: {  	p1 =	slt.u32 s9, $0xF7A;
	s5 =	simm.s32 @!p2 $0x0  }
0x1d: {  	s5 =	simm.s32 @p1 $0x1;
	p0 =	seq.s32 s7, s2  }
0x1e: {  	s7 =	smul.u32 @!p0 $0xF7A, s2;
	p2 =	seq.s32 @!p0 s5, $0x0  }
0x1f: {  	s9 =	smul.u32 $0xF7A, s1;
	s8 =	simm.s32 @!p0 $0x1BF5;
	p2 =	por !p2, p0  }
0x20: {  	[sflag:s8] =	ssyncset.s32 @!p0 $0xFFFFF086;
	s6 =	sadd.s32 @!p0 s3, s7;
	s7 =	simm.s32 @!p0 $0x108  }
0x21: {  	s3 =	sadd.s32 s3, s9;
	s6 =	sadd.s32 @!p0 $0x88, s6;
	s7 =	simm.s32 @p2 $0x1082  }
0x22: {  	[simem:s7], [sflag:s8] =	dma.local @!p0 [hbm:s6], $0xF7A  }
0x23: {  	s9 =	sor.u32 $0xD0000000, s2;
	s6 =	simm.s32 $0x108;
	_ =	swait.ge @!p0 [sflag:s8], $0x0  }
0x24: {  	s3 =	sadd.s32 $0x88, s3;
	s6 =	simm.s32 @!p1 $0x1082;
	[sflag:s4] =	ssyncset.s32 $0xFFFFF086  }
0x25: {  	[simem:s6], [sflag:s4] =	dma.local [hbm:s3], $0xF7A  }
0x26: {  	[smem:$0x3F9A] =	sst s1;
	(tag) =	ssettag s2;
	_ =	strace s9  }
0x27: {  	s1 =	sld [smem:$0x3FAA]  }
0x28: {  	s2 =	sld [smem:$0x3FAB]  }
0x29: {  	s4 =	sld [smem:$0x3FAD]  }
0x2a: {  	p0 =	seq.s32 s5, $0x0;
	s5 =	sld [smem:$0x3FAE]  }
0x2b: {  	s6 =	sld [smem:$0x3FAF]  }
0x2c: {  	s7 =	sld [smem:$0x3FB0]  }
0x2d: {  	s3 =	simm.s32 $0x108;
	s8 =	sld [smem:$0x3FB1]  }
0x2e: {  	s3 =	simm.s32 @!p0 $0x1082;
	s9 =	sld [smem:$0x3FB2]  }
0x2f: {  	lr =	sadd.s32 s0, s3;
	s0 =	sld [smem:$0x3FA9]  }
0x30: {  	s3 =	sld [smem:$0x3FAC]  }
0x31: {  	[smem:$0x3FB5] =	sst s10  }
0x32: {  	s10 =	sld [smem:$0x3FB3];
	_ =	sdelay $0x3  }
0x33: {  	p0 =	seq.s32 s10, $0x1;
	s10 =	sld [smem:$0x3FB5];
	_ =	sdelay $0x3  }
0x34: {  	[smem:$0x3FB5] =	sst s10  }
0x35: {  	s10 =	sld [smem:$0x3FB4];
	_ =	sdelay $0x3  }
0x36: {  	p1 =	seq.s32 s10, $0x1;
	s10 =	sld [smem:$0x3FB5];
	_ =	sdelay $0x3  }
0x37: {  	[smem:$0x3FB5] =	sst s10  }
0x38: {  	s10 =	sld [smem:$0x3FB6]  }
0x39: {  	_ = 	snop;
	(pc) =	sbr.ind lr, $3  }
0x3a: {  	_ = 	snop  }
0x3b: {  	_ = 	snop  }
0x3c: {  	p2 =	seq.s32 s10, $0x1;
	s10 =	sld [smem:$0x3FB5]  }
0x3d: {  	_ =	shalt  }
0x3e: {  	_ =	shalt  }
0x3f: {  	_ =	shalt  }
0x40: {  	_ =	shalt  }
0x41: {  	_ =	shalt  }
0x42: {  	_ =	shalt  }
0x43: {  	_ =	shalt  }
0x44: {  	_ =	shalt  }
0x45: {  	_ =	shalt  }
0x46: {  	_ =	shalt  }
0x47: {  	_ =	shalt  }
0x48: {  	_ =	shalt  }
0x49: {  	_ =	shalt  }
0x4a: {  	_ =	shalt  }
0x4b: {  	_ =	shalt  }
0x4c: {  	_ =	shalt  }
0x4d: {  	_ =	shalt  }
0x4e: {  	_ =	shalt  }
0x4f: {  	_ =	shalt  }
0x50: {  	_ =	shalt  }
0x51: {  	_ =	shalt  }
0x52: {  	_ =	shalt  }
0x53: {  	_ =	shalt  }
0x54: {  	_ =	shalt  }
0x55: {  	_ =	shalt  }
0x56: {  	_ =	shalt  }
0x57: {  	_ =	shalt  }
0x58: {  	_ =	shalt  }
0x59: {  	_ =	shalt  }
0x5a: {  	_ =	shalt  }
0x5b: {  	_ =	shalt  }
0x5c: {  	_ =	shalt  }
0x5d: {  	_ =	shalt  }
0x5e: {  	_ =	shalt  }
0x5f: {  	_ =	shalt  }
0x60: {  	_ =	shalt  }
0x61: {  	_ =	shalt  }
0x62: {  	_ =	shalt  }
0x63: {  	_ =	shalt  }
0x64: {  	_ =	shalt  }
0x65: {  	_ =	shalt  }
0x66: {  	_ =	shalt  }
0x67: {  	_ =	shalt  }
0x68: {  	_ =	shalt  }
0x69: {  	_ =	shalt  }
0x6a: {  	_ =	shalt  }
0x6b: {  	_ =	shalt  }
0x6c: {  	_ =	shalt  }
0x6d: {  	_ =	shalt  }
0x6e: {  	_ =	shalt  }
0x6f: {  	_ =	shalt  }
0x70: {  	_ =	shalt  }
0x71: {  	_ =	shalt  }
0x72: {  	_ =	shalt  }
0x73: {  	_ =	shalt  }
0x74: {  	_ =	shalt  }
0x75: {  	_ =	shalt  }
0x76: {  	_ =	shalt  }
0x77: {  	_ =	shalt  }
0x78: {  	_ =	shalt  }
0x79: {  	_ =	shalt  }
0x7a: {  	_ =	shalt  }
0x7b: {  	_ =	shalt  }
0x7c: {  	_ =	shalt  }
0x7d: {  	_ =	shalt  }
0x7e: {  	_ =	shalt  }
0x7f: {  	_ =	shalt  }
0x80: {  	_ =	shalt  }
0x81: {  	_ =	shalt  }
0x82: {  	_ =	shalt  }
0x83: {  	_ =	shalt  }
0x84: {  	_ =	shalt  }
0x85: {  	_ =	shalt  }
0x86: {  	_ =	shalt  }
0x87: {  	_ =	shalt  }
.Lfunc_end0:
.L_simem_size_0:
called_computation_lowered:
.L_overlay_start_0:
0x88: {  	s2 =	sld [smem:$0x3FD9]  }
0x89: {  	s3 =	sld [smem:$0x3FFE];
	_ =	sdelay $0x1  }
0x8a: {  	s1 =	srdreg.scid  }
0x8b: {  	s0 =	sand.u32 $0x1, s1  }
0x8c: {  	s14 =	sshll.u32 s0, $0xA;
	s2 =	sadd.s32 s3, s2  }
0x8d: {  	s2 =	sadd.s32 s2, s14  }
0x8e: {  	[smem:$0x3FC1] =	sst s2  }
0x8f: {  	_ = 	snop  }
0x90: {  	s2 =	sld [smem:$0x3FD0];
	_ =	sdelay $0x2  }
0x91: {  	s4 =	simm.s32 $0xA;
	s5 =	simm.s32 $0x10;
	s15 =	sld [smem:$0x3FC7]  }
0x92: {  	[smem:s5], [sflag:s4] =	dma.local [hbm:s2], $0x1  }
0x93: {  	_ =	swait.eq [sflag:s4], $0x1  }
0x94: {  	[sflag:s4] =	ssyncset.done $0x0  }
0x95: {  	[sflag:s4] =	ssyncadd.s32 $0xFFFFFFFF  }
0x96: {  	s16 =	sld [smem:$0x11];
	(tm) =	ssettm $0x1  }
0x97: {  	s17 =	sld [smem:$0x3FFB];
	_ =	sdelay $0x3  }
0x98: {  	_ =	strace s17  }
0x99: {  	s4 =	sld [smem:$0x3FFC];
	_ =	sdelay $0x3  }
0x9a: {  	_ =	strace s4  }
0x9b: {  	s4 =	sld [smem:$0x3FFD];
	_ =	sdelay $0x3  }
0x9c: {  	_ =	strace s4  }
0x9d: {  	_ =	strace $0x8FFFFFFF  }
0x9e: {  	s18 =	sld [smem:$0x3FDB];
	_ =	sdelay $0x1  }
0x9f: {  	s19 =	simm.s32 $_scs_section_size  }
0xa0: {  	s6 =	simm.s32 $_size__tile_overlayer_lowered;
	s7 =	simm.s32 $_tile_overlayer_lowered  }
0xa1: {  	s22 =	simm.s32 $0x1BFF;
	s21 =	sshll.u32 s7, $0x1;
	s4 =	sadd.s32 s19, s18  }
0xa2: {  	s8 =	simm.s32 $0x0;
	s20 =	sshll.u32 s6, $0x1;
	s6 =	sadd.s32 s21, s4  }
0xa3: {  	[timem:s8], [sflag:s22] =	dma.local [hbm:s6], s20  }
0xa4: {  	_ =	swait.ge [sflag:s22], s20  }
0xa5: {  	s5 =	ssub.s32 $0x0, s20;
	[sflag:s22] =	ssyncset.done $0x0  }
0xa6: {  	[sflag:s22] =	ssyncadd.s32 s5;
	_ =	sdelay $0x1  }
0xa7: {  	s23 =	simm.s32 $0x1B8B  }
0xa8: {  	_ =	swait.ge [sflag:s23], $0x1  }
0xa9: {  	[sflag:s23] =	ssyncset.done $0x0  }
0xaa: {  	s25 =	simm.s32 $0x1B8E;
	s24 =	sld [smem:$0x3FFE];
	[sflag:s23] =	ssyncadd.s32 $0xFFFFFFFF  }
0xab: {  	s26 =	simm.s32 $execute0_lowered;
	[smem:$0x3FD2] =	sst s25  }
0xac: {  	s6 =	sshll.u32 s26, $0x1;
	_ =	strace $0x80000046;
	[dreg:$0x1] =	wrdreg $0xFFFFFFFF  }
0xad: {  	s28 =	simm.s32 $_size_execute0_lowered;
	s4 =	sadd.s32 s4, s6;
	[dreg:$0x0] =	wrdreg $0x0  }
0xae: {  	s6 =	sshll.u32 s28, $0x1;
	[dreg:$0x2] =	wrdreg s4  }
0xaf: {  	[dreg:$0x3] =	wrdreg s6  }
0xb0: {  	[dreg:$0x4] =	wrdreg $0xC0  }
0xb1: {  	_ =	task [dreg:s8], $0x5FFFF  }
0xb2: {  	[dreg:$0x1] =	wrdreg $0xFFFFFFFF  }
0xb3: {  	[dreg:$0x0] =	wrdreg $0x60  }
0xb4: {  	[dreg:$0x2] =	wrdreg s24  }
0xb5: {  	[dreg:$0x3] =	wrdreg s15  }
0xb6: {  	[dreg:$0x4] =	wrdreg s16  }
0xb7: {  	[dreg:$0x5] =	wrdreg $0x50A00  }
0xb8: {  	[dreg:$0x6] =	wrdreg $0x9  }
0xb9: {  	_ =	task.clear_ibuf [dreg:s8], $0x7FFFF;
	_ =	strace $0x90000046  }
0xba: {  	s29 =	simm.s32 $0x9;
	_ =	strace $0x80000048  }
0xbb: {  	_ =	swait.ge [sflag:s29], $0x1  }
0xbc: {  	[sflag:s29] =	ssyncadd.s32 $0xFFFFFFFF  }
0xbd: {  	_ =	strace $0x90000048  }
0xbe: {  	_ =	sfence  }
0xbf: {  	s30 =	sld [smem:$0x0];
	_ =	sdelay $0x2  }
0xc0: {  	s31 =	sshll.u32 s1, $0xD;
	s1 =	sshrl.u32 s1, $0x2  }
0xc1: {  	s3 =	sand.u32 $0x4000, s31;
	s1 =	sadd.s32 s1, s30  }
0xc2: {  	s0 =	sor.u32 s3, s0;
	s1 =	sshll.u32 s1, $0x11  }
0xc3: {  	s0 =	sor.u32 s1, s0  }
0xc4: {  	s0 =	sadd.s32 $0x8F2B, s0  }
0xc5: {  	[sflag:s0] =	ssyncadd.remote.s32 $0x1  }
0xc6: {  	_ =	sfence.sel $0xFFFF  }
0xc7: {  	[dreg:$0x0] =	wrdreg $0xFFFFFFFF;
	(pc) =	sbr.abs _section_cstart, $3  }
0xc8: {  	[dreg:$0x1] =	wrdreg $0xFFFFFFFF  }
0xc9: {  	_ =	task.clear_ibuf [dreg:s8], $0x2FFFF;
	_ =	strace $0x9FFFFFFF  }
0xca: {  	(tm) =	ssettm $0x7FFFFFFF  }
0xcb: {  	_ =	shalt  }
tec
execute0_lowered:
.L_overlay_start_1:
0x0: {  	(tag) =	ssettag $0x1  }
0x1: {  	s4 =	rddreg [dreg:$0x0]  }
0x2: {  	s6 =	rddreg [dreg:$0x1]  }
0x3: {  	s7 =	rddreg [dreg:$0x2]  }
0x4: {  	s0 =	srdreg.scid;
	s2 =	rddreg [dreg:$0x3]  }
0x5: {  	s3 =	simm.s32 $0x0;
	s5 =	sand.u32 $0x1, s0;
	s0 =	stileid.u32  }
0x6: {  	s15 =	simm.s32 $0x0;
	[smem:$0x7FF] =	sst s3;
	s9 =	smul.u32 $0x280, s0  }
0x7: {  	s1 =	sshll.u32 s5, $0x4;
	s10 =	smul.u32 $0x2800, s5;
	s5 =	ssub.s32 $0x2, s5  }
0x8: {  	s13 =	sshll.u32 s0, $0x6;
	s1 =	sor.u32 s0, s1;
	s30 =	sshrl.u32 s5, $0x1  }
0x9: {  	s13 =	sor.u32 $0x1C01, s13;
	s8 =	smul.u32 $0x4E2, s1;
	s1 =	rddreg [dreg:$0x4]  }
0xa: {  	_ =	strace $0x80000047;
	s10 =	sadd.s32 s9, s10;
	s12 =	ssub.s32 s5, s30  }
0xb: {  	s31 =	sshrl.u32 s10, $0x3;
	s10 =	simm.s32 $0x1;
	s11 =	sadd.s32 s8, s4  }
0xc: {  	s4 =	sadd.s32 s9, s2;
	s6 =	sadd.s32 s6, s8;
	s7 =	sadd.s32 s7, s31  }
0xd: {  	s8 =	smax.u32 s12, $0x1;
	s9 =	simm.s32 $0x4E20;
	s12 =	simm.s32 $0x50  }
0xe: {  	v0 =	vimm.f32 $0.0e+00;
	s5 =	sadd.s32 $0x1200, s11;
	s11 =	simm.s32 $0x2710;
	s14 =	sshrl.u32 s4, $0x3  }
.LBB2_1:
0xf: {  	[tilespmem:$0x4E20] =	vst v0  }
0x10: {  	[tilespmem:$0x4E30] =	vst v0  }
0x11: {  	[tilespmem:$0x4E40] =	vst v0  }
0x12: {  	[tilespmem:$0x4E50] =	vst v0  }
0x13: {  	[tilespmem:$0x4E60] =	vst v0  }
0x14: {  	[tilespmem:$0x4E70] =	vst v0  }
0x15: {  	[tilespmem:$0x4E80] =	vst v0  }
0x16: {  	[tilespmem:$0x4E90] =	vst v0  }
0x17: {  	[tilespmem:$0x4EA0] =	vst v0  }
0x18: {  	[tilespmem:$0x4EB0] =	vst v0  }
0x19: {  	[tilespmem:$0x4EC0] =	vst v0  }
0x1a: {  	[tilespmem:$0x4ED0] =	vst v0  }
0x1b: {  	[tilespmem:$0x4EE0] =	vst v0  }
0x1c: {  	[tilespmem:$0x4EF0] =	vst v0  }
0x1d: {  	[tilespmem:$0x4F00] =	vst v0  }
0x1e: {  	[tilespmem:$0x4F10] =	vst v0  }
0x1f: {  	[tilespmem:$0x4F20] =	vst v0  }
0x20: {  	[tilespmem:$0x4F30] =	vst v0  }
0x21: {  	[tilespmem:$0x4F40] =	vst v0  }
0x22: {  	[tilespmem:$0x4F50] =	vst v0  }
0x23: {  	[tilespmem:$0x4F60] =	vst v0  }
0x24: {  	[tilespmem:$0x4F70] =	vst v0  }
0x25: {  	[tilespmem:$0x4F80] =	vst v0  }
0x26: {  	[tilespmem:$0x4F90] =	vst v0  }
0x27: {  	[tilespmem:$0x4FA0] =	vst v0  }
0x28: {  	[tilespmem:$0x4FB0] =	vst v0  }
0x29: {  	[tilespmem:$0x4FC0] =	vst v0  }
0x2a: {  	[tilespmem:$0x4FD0] =	vst v0  }
0x2b: {  	[tilespmem:$0x4FE0] =	vst v0  }
0x2c: {  	[tilespmem:$0x4FF0] =	vst v0  }
0x2d: {  	[tilespmem:$0x5000] =	vst v0  }
0x2e: {  	[tilespmem:$0x5010] =	vst v0  }
0x2f: {  	[tilespmem:$0x5020] =	vst v0  }
0x30: {  	[tilespmem:$0x5030] =	vst v0  }
0x31: {  	[tilespmem:$0x5040] =	vst v0  }
0x32: {  	[tilespmem:$0x5050] =	vst v0  }
0x33: {  	[tilespmem:$0x5060] =	vst v0  }
0x34: {  	[tilespmem:$0x5070] =	vst v0  }
0x35: {  	[tilespmem:$0x5080] =	vst v0  }
0x36: {  	[tilespmem:$0x5090] =	vst v0  }
0x37: {  	[spmem:s4] =	stream.linear.scatter [tilespmem:s9], [sflag:$0x1], $0x280, $0x38;
	[tilespmem:$0x5320] =	vst v63  }
0x38: {  	_ =	swait.ge [sflag:s10], $0x280  }
0x39: {  	[sflag:s10] =	ssyncset.done $0x0  }
0x3a: {  	[sflag:s10] =	ssyncadd.s32 $0xFFFFFD80  }
0x3b: {  	[bflag:$0x0] =	sbarrier.arrive $0xFFFF  }
0x3c: {  	[tilespmem:s3], [sflag:$0x1] =	stream.linear.gather [hbm4b:s5+s3], $0x2710, $0x38;
	[tilespmem:$0x5320] =	vst v63  }
0x3d: {  	_ =	swait.ge [sflag:s10], $0x2710  }
0x3e: {  	[sflag:s10] =	ssyncset.done $0x0  }
0x3f: {  	[sflag:s10] =	ssyncadd.s32 $0xFFFFD8F0  }
0x40: {  	[tilespmem:s11], [sflag:$0x1] =	stream.linear.gather [hbm4b:s6+s3], $0x2710, $0x38;
	[tilespmem:$0x5320] =	vst v63  }
0x41: {  	_ =	swait.ge [sflag:s10], $0x2710  }
0x42: {  	[sflag:s10] =	ssyncset.done $0x0  }
0x43: {  	s16 =	simm.s32 $0x0;
	s17 =	simm.s32 $0x2710;
	[sflag:s10] =	ssyncadd.s32 $0xFFFFD8F0  }
0x44: {  	[spmem:s2] =	stream.indirect.scatter.add.f32 [tilespmem:s17], [sflag:$0x1], $0x1, s16, s12, $0xb8;
	[tilespmem:$0x5320] =	vst v63  }
0x45: {  	s16 =	simm.s32 $0x140;
	_ =	swait.ge [sflag:s10], $0x50  }
.LBB2_2:
0x46: {  	s17 =	sshra.s32 s16, $0x2;
	[sflag:s10] =	ssyncset.done $0x0;
	p0 =	sne.s32 s16, $0x9B00  }
.Ltmp0:
0x47: {  	s18 =	sadd.s32 $0x2710, s17;
	[sflag:s10] =	ssyncadd.s32 $0xFFFFFFB0;
	(pc) =	sbr.rel @p0 .LBB2_2-.Ltmp0, $3  }
0x48: {  	[spmem:s2] =	stream.indirect.scatter.add.f32 [tilespmem:s18], [sflag:$0x1], $0x1, s17, s12, $0xb8;
	[tilespmem:$0x5320] =	vst v63  }
0x49: {  	s16 =	sadd.s32 $0x140, s16;
	_ =	sdelay $0x1  }
0x4a: {  	_ =	swait.ge [sflag:s10], $0x50  }
0x4b: {  	[sflag:s10] =	ssyncset.done $0x0;
	s15 =	sadd.s32 $0x1, s15  }
0x4c: {  	[sflag:s10] =	ssyncadd.s32 $0xFFFFFFB0;
	p0 =	sne.s32 s15, s8  }
.Ltmp1:
0x4d: {  	[bflag:$0x0] =	sbarrier.arrive $0xFFFF;
	(pc) =	sbr.rel @p0 .LBB2_1-.Ltmp1, $4  }
0x4e: {  	[hbm:s7], [sflag:s13] =	dma.local [spmem:s14], $0x50  }
0x4f: {  	_ =	swait.ge [sflag:s10], $0x50  }
0x50: {  	[sflag:s10] =	ssyncset.done $0x0  }
0x51: {  	[sflag:s10] =	ssyncadd.s32 $0xFFFFFFB0  }
0x52: {  	_ =	sfence.sel $0x180000  }
0x53: {  	[bflag:$0x0] =	sbarrier.arrive $0xFFFF  }
0x54: {  	p0 =	sne.s32 s0, $0x0;
	_ =	strace $0x90000047  }
0x55: {  	s0 =	sadd.s32 @!p0 $0x100000, s1;
	[bflag:$0x2] =	sbarrier.arrive $0xFFFF  }
0x56: {  	[sflag:s0] =	ssyncadd.tile.s32 @!p0 $0x1;
	_ =	shalt  }
.Lfunc_end2:
_tile_overlayer_lowered:
.L_overlay_start_2:
0x57: {  	(tag) =	ssettag $0x2  }
0x58: {  	s0 =	rddreg [dreg:$0x0];
	s2 =	stileid.u32  }
0x59: {  	s1 =	rddreg [dreg:$0x1];
	p0 =	sne.s32 s2, $0x0  }
0x5a: {  	s3 =	rddreg [dreg:$0x2];
	[bflag:$0x3] =	sbarrier.arrive $0xFFFF;
	s2 =	simm.s32 @!p0 $0x1C01  }
0x5b: {  	[timem:s3], [sflag:s2] =	dma.local @!p0 [hbm:s0], s1  }
0x5c: {  	s0 =	simm.s32 @!p0 $0x1  }
0x5d: {  	_ =	swait.ge @!p0 [sflag:s0], s1  }
0x5e: {  	s1 =	ssub.s32 @!p0 $0x0, s1;
	[sflag:s0] =	ssyncset.done @!p0 $0x0  }
0x5f: {  	[sflag:s0] =	ssyncadd.s32 @!p0 s1  }
0x60: {  	[bflag:$0x3] =	sbarrier.arrive $0xFFFF  }
0x61: {  	_ =	shalt  }

</sc_bundles>
